<compile_context>
chip_gen: v7x
topology: tpu7x:2x2x1
jax: 0.10.2.dev20260603
libtpu: 0.0.44.dev20260713+nightly
codegen_flags: <defaults>
</compile_context>

<pallas_src>
import functools
import jax
import jax.numpy as jnp
from jax import lax
from jax.experimental import pallas as pl
from jax.experimental.pallas import tpu as pltpu
from jax.experimental.pallas import tpu_sc as plsc

N = 10000
E = 320000
IN = 128
OUT = 128
K = 8
DIM = 2
NEG = -3.4028235e38

L = 16
NTILES = 32
NRANGE = 8
NDS = 4
NPR = N // NRANGE
EPT = E // NTILES
CH1 = 2000
CH2 = 8000
GB = 128
SB = 256
MBUF = CH2 + 2 * SB

_mesh = plsc.VectorSubcoreMesh(core_axis_name="c", subcore_axis_name="s")


def _iota():
    return lax.iota(jnp.int32, L)


def _splat_i32(v):
    return jnp.full((L,), v, dtype=jnp.int32)


def _bf16r(x):
    r = plsc.bitcast(x, jnp.int32)
    r2 = (r + 0x7FFF + (lax.shift_right_logical(r, 16) & 1)) & jnp.int32(-65536)
    return plsc.bitcast(r2, jnp.float32)


def _bcast_lane(vec, j):
    return vec.at[_splat_i32(j)].get(mode="promise_in_bounds")


@functools.partial(
    pl.kernel,
    out_type=(jax.ShapeDtypeStruct((E,), jnp.int32),
              jax.ShapeDtypeStruct((E,), jnp.int32),
              jax.ShapeDtypeStruct((E,), jnp.int32)),
    mesh=_mesh,
    compiler_params=pltpu.CompilerParams(needs_layout_passes=False),
    scratch_types=[
        pltpu.VMEM((N * DIM,), jnp.float32),
        pltpu.VMEM((128,), jnp.float32),
        pltpu.VMEM((CH1 * 2,), jnp.int32),
        pltpu.VMEM((CH1,), jnp.int32),
        pltpu.VMEM((CH1,), jnp.int32),
        pltpu.VMEM((CH1,), jnp.int32),
    ],
)
def _route(pos_hbm, ei_hbm, gp_hbm, src_out, id1_out, id2_out,
           pos_v, gp_v, ei_v, so_v, i1_v, i2_v):
    wid = lax.axis_index("s") * 2 + lax.axis_index("c")
    base = wid * EPT
    pltpu.sync_copy(pos_hbm, pos_v)
    pltpu.sync_copy(gp_hbm, gp_v)
    iota = _iota()
    g0 = gp_v[pl.ds(0, L)]
    g1 = gp_v[pl.ds(L, L)]
    gwx = [_bcast_lane(g0, 2 * k) for k in range(K)]
    gwy = [_bcast_lane(g0, 2 * k + 1) for k in range(K)]
    gb = [_bcast_lane(g1, k) for k in range(K)]

    def chunk_body(ch, _):
        off = base + ch * CH1
        pltpu.sync_copy(ei_hbm.at[pl.ds(off * 2, CH1 * 2)], ei_v)

        def vec_body(i, _):
            b2 = i * (2 * L)
            src = plsc.load_gather(ei_v, [iota * 2 + b2])
            dst = plsc.load_gather(ei_v, [iota * 2 + b2 + 1])
            pxs = plsc.load_gather(pos_v, [src * 2])
            pys = plsc.load_gather(pos_v, [src * 2 + 1])
            pxd = plsc.load_gather(pos_v, [dst * 2])
            pyd = plsc.load_gather(pos_v, [dst * 2 + 1])
            dx = _bf16r(pxd - pxs)
            dy = _bf16r(pyd - pys)
            lg = [dx * gwx[k] + dy * gwy[k] + gb[k] for k in range(K)]
            m1 = lg[0]
            for k in range(1, K):
                m1 = jnp.maximum(m1, lg[k])
            a1 = _splat_i32(K)
            for k in range(K):
                a1 = jnp.minimum(a1, jnp.where(lg[k] == m1, _splat_i32(k), K))
            m2 = jnp.full((L,), NEG, jnp.float32)
            for k in range(K):
                lgk = jnp.where(a1 == k, NEG, lg[k])
                m2 = jnp.maximum(m2, lgk)
            a2 = _splat_i32(K)
            for k in range(K):
                hit = (lg[k] == m2) & (a1 != k)
                a2 = jnp.minimum(a2, jnp.where(hit, _splat_i32(k), K))
            so_v[pl.ds(i * L, L)] = src
            i1_v[pl.ds(i * L, L)] = dst * (K * NDS) + a1 * NDS
            i2_v[pl.ds(i * L, L)] = dst * (K * NDS) + a2 * NDS
            return 0

        lax.fori_loop(0, CH1 // L, vec_body, 0)
        pltpu.sync_copy(so_v, src_out.at[pl.ds(off, CH1)])
        pltpu.sync_copy(i1_v, id1_out.at[pl.ds(off, CH1)])
        pltpu.sync_copy(i2_v, id2_out.at[pl.ds(off, CH1)])
        return 0

    lax.fori_loop(0, EPT // CH1, chunk_body, 0)


@functools.partial(
    pl.kernel,
    out_type=jax.ShapeDtypeStruct((NDS * 2 * N * L,), jnp.float32),
    mesh=_mesh,
    compiler_params=pltpu.CompilerParams(needs_layout_passes=False, use_tc_tiling_on_sc=False),
    scratch_types=[
        pltpu.VMEM(((NPR + 8) * L,), jnp.float32),
        pltpu.VMEM(((NPR + 8) * L,), jnp.float32),
        pltpu.VMEM((CH2,), jnp.int32),
        pltpu.VMEM((CH2,), jnp.int32),
        pltpu.VMEM((CH2,), jnp.int32),
        pltpu.VMEM((MBUF,), jnp.int32),
        pltpu.VMEM((MBUF,), jnp.int32),
        pltpu.VMEM((MBUF,), jnp.int32),
        pltpu.VMEM((SB, 2 * L), jnp.float32),
        pltpu.VMEM((SB, 2 * L), jnp.float32),
        pltpu.VMEM((SB, 2 * L), jnp.float32),
        pltpu.VMEM((SB, 2 * L), jnp.float32),
        pltpu.SemaphoreType.DMA,
        pltpu.SemaphoreType.DMA,
        pltpu.SemaphoreType.DMA,
        pltpu.SemaphoreType.DMA,
        pltpu.SemaphoreType.DMA,
    ],
)
def _segmax(src_hbm, id1_hbm, id2_hbm, y_hbm, out_hbm,
            acc1_v, acc2_v, src_v, id1_v, id2_v, ms_v, m1_v, m2_v,
            r1a_v, r2a_v, r1b_v, r2b_v, semA, semB, semc1, semc2, semc3):
    wid = lax.axis_index("s") * 2 + lax.axis_index("c")
    r = wid // NDS
    sl = wid % NDS
    lo = r * NPR
    iota = _iota()
    iota16 = iota + L
    negv = jnp.full((L,), NEG, jnp.float32)

    def init_body(i, _):
        acc1_v[pl.ds(i * L, L)] = negv
        acc2_v[pl.ds(i * L, L)] = negv
        return 0

    lax.fori_loop(0, NPR + 8, init_body, 0)

    def zero_body(i, _):
        m1_v[pl.ds(i * L, L)] = _splat_i32(0)
        m2_v[pl.ds(i * L, L)] = _splat_i32(0)
        return 0

    lax.fori_loop(0, MBUF // L, zero_body, 0)

    NCH = E // CH2

    def issue_chunk(ch):
        off = ch * CH2
        pltpu.async_copy(src_hbm.at[pl.ds(off, CH2)], src_v, semc1)
        pltpu.async_copy(id1_hbm.at[pl.ds(off, CH2)], id1_v, semc2)
        pltpu.async_copy(id2_hbm.at[pl.ds(off, CH2)], id2_v, semc3)

    def wait_chunk():
        pltpu.make_async_copy(src_hbm.at[pl.ds(0, CH2)], src_v, semc1).wait()
        pltpu.make_async_copy(id1_hbm.at[pl.ds(0, CH2)], id1_v, semc2).wait()
        pltpu.make_async_copy(id2_hbm.at[pl.ds(0, CH2)], id2_v, semc3).wait()

    def issue_sb(t, r1buf, r2buf, sem):
        for q in range(SB // GB):
            toff = t * SB + q * GB
            pltpu.async_copy(y_hbm.at[m1_v.at[pl.ds(toff, GB)]],
                             r1buf.at[pl.ds(q * GB, GB)], sem)
            pltpu.async_copy(y_hbm.at[m2_v.at[pl.ds(toff, GB)]],
                             r2buf.at[pl.ds(q * GB, GB)], sem)

    def wait_sb(r1buf, r2buf, sem):
        for q in range(SB // GB):
            pltpu.make_async_copy(y_hbm.at[m1_v.at[pl.ds(0, GB)]],
                                  r1buf.at[pl.ds(q * GB, GB)], sem).wait()
            pltpu.make_async_copy(y_hbm.at[m2_v.at[pl.ds(0, GB)]],
                                  r2buf.at[pl.ds(q * GB, GB)], sem).wait()

    def rmw_sb(t, r1buf, r2buf):
        def grp_body(g, _):
            iab = ms_v[pl.ds(t * SB + g * L, L)]
            for j in range(0, L, 4):
                b = [_bcast_lane(iab, j + u) for u in range(4)]
                rown = [_splat_i32(g * L + j + u) for u in range(4)]
                msga = [plsc.load_gather(r1buf, [rown[u], iota])
                        + plsc.load_gather(r2buf, [rown[u], iota])
                        for u in range(4)]
                msgb = [plsc.load_gather(r1buf, [rown[u], iota16])
                        + plsc.load_gather(r2buf, [rown[u], iota16])
                        for u in range(4)]
                alive = [None] * 4
                for i in range(3):
                    dead = None
                    for k2 in range(i + 1, 4):
                        eq = b[i] == b[k2]
                        msga[k2] = jnp.where(eq, jnp.maximum(msga[k2], msga[i]),
                                             msga[k2])
                        msgb[k2] = jnp.where(eq, jnp.maximum(msgb[k2], msgb[i]),
                                             msgb[k2])
                        dead = eq if dead is None else (dead | eq)
                    alive[i] = jnp.logical_not(dead)
                ia = [b[u] + iota for u in range(4)]
                mxa = [jnp.maximum(plsc.load_gather(acc1_v, [ia[u]]), msga[u])
                       for u in range(4)]
                mxb = [jnp.maximum(plsc.load_gather(acc2_v, [ia[u]]), msgb[u])
                       for u in range(4)]
                for u in range(4):
                    if alive[u] is None:
                        plsc.store_scatter(acc1_v, [ia[u]], mxa[u])
                        plsc.store_scatter(acc2_v, [ia[u]], mxb[u])
                    else:
                        plsc.store_scatter(acc1_v, [ia[u]], mxa[u], mask=alive[u])
                        plsc.store_scatter(acc2_v, [ia[u]], mxb[u], mask=alive[u])
            return 0

        lax.fori_loop(0, SB // L, grp_body, 0)

    issue_chunk(0)

    def chunk_body(ch, _):
        wait_chunk()

        def scan_body(i, p):
            sv = src_v[pl.ds(i * L, L)]
            m = (sv >= lo) & (sv < lo + NPR)
            iab = (sv - lo) * L
            i1 = id1_v[pl.ds(i * L, L)] + sl
            i2 = id2_v[pl.ds(i * L, L)] + sl
            plsc.store_compressed(ms_v.at[pl.ds(p, L)], iab, mask=m)
            plsc.store_compressed(m1_v.at[pl.ds(p, L)], i1, mask=m)
            plsc.store_compressed(m2_v.at[pl.ds(p, L)], i2, mask=m)
            return p + jnp.sum(m.astype(jnp.int32))

        p = lax.fori_loop(0, CH2 // L, scan_body, 0)

        @pl.when(ch + 1 < NCH)
        def _():
            issue_chunk(ch + 1)

        for t in range(SB // L):
            ms_v[pl.ds(p + t * L, L)] = _splat_i32(NPR * L)
            m1_v[pl.ds(p + t * L, L)] = _splat_i32(0)
            m2_v[pl.ds(p + t * L, L)] = _splat_i32(0)

        nsb = (p + SB - 1) // SB

        @pl.when(nsb > 0)
        def _():
            issue_sb(0, r1a_v, r2a_v, semA)

        def pair_body(tt, _):
            t0 = tt * 2

            @pl.when(t0 < nsb)
            def _():
                @pl.when(t0 + 1 < nsb)
                def _():
                    issue_sb(t0 + 1, r1b_v, r2b_v, semB)

                wait_sb(r1a_v, r2a_v, semA)
                rmw_sb(t0, r1a_v, r2a_v)

            @pl.when(t0 + 1 < nsb)
            def _():
                @pl.when(t0 + 2 < nsb)
                def _():
                    issue_sb(t0 + 2, r1a_v, r2a_v, semA)

                wait_sb(r1b_v, r2b_v, semB)
                rmw_sb(t0 + 1, r1b_v, r2b_v)

            return 0

        lax.fori_loop(0, (nsb + 1) // 2, pair_body, 0)
        return 0

    lax.fori_loop(0, NCH, chunk_body, 0)
    pltpu.sync_copy(acc1_v.at[pl.ds(0, NPR * L)],
                    out_hbm.at[pl.ds((sl * 2 * N + lo) * L, NPR * L)])
    pltpu.sync_copy(acc2_v.at[pl.ds(0, NPR * L)],
                    out_hbm.at[pl.ds(((sl * 2 + 1) * N + lo) * L, NPR * L)])


def _mm_kernel(x_ref, w_ref, o_ref):
    o_ref[...] = jnp.dot(x_ref[...], w_ref[...],
                         preferred_element_type=jnp.float32)


def _matmul(x, w, bn):
    n = x.shape[0]
    return pl.pallas_call(
        _mm_kernel,
        grid=(n // bn,),
        in_specs=[pl.BlockSpec((bn, x.shape[1]), lambda i: (i, 0)),
                  pl.BlockSpec((x.shape[1], w.shape[1]), lambda i: (0, 0))],
        out_specs=pl.BlockSpec((bn, w.shape[1]), lambda i: (i, 0)),
        out_shape=jax.ShapeDtypeStruct((n, w.shape[1]), jnp.float32),
    )(x, w)


def _mlp_kernel(p_ref, w1_ref, w2_ref, o_ref):
    p = p_ref[...]
    h = jnp.maximum(jnp.dot(p, w1_ref[...], preferred_element_type=jnp.float32), 0.0)
    o_ref[...] = jnp.dot(h, w2_ref[...], preferred_element_type=jnp.float32) + p


def _mlp(pooled, w1t, w2t, bn):
    n = pooled.shape[0]
    return pl.pallas_call(
        _mlp_kernel,
        grid=(n // bn,),
        in_specs=[pl.BlockSpec((bn, OUT), lambda i: (i, 0)),
                  pl.BlockSpec((OUT, 2 * OUT), lambda i: (0, 0)),
                  pl.BlockSpec((2 * OUT, OUT), lambda i: (0, 0))],
        out_specs=pl.BlockSpec((bn, OUT), lambda i: (i, 0)),
        out_shape=jax.ShapeDtypeStruct((n, OUT), jnp.float32),
    )(pooled, w1t, w2t)


def kernel(x, pos, edge_index, expert_weights, gate_w, gate_b, w1, w2):
    gwi = lax.bitcast_convert_type(gate_w, jnp.int32)
    gwi = (gwi + 0x7FFF + (lax.shift_right_logical(gwi, 16) & 1)) & jnp.int32(-65536)
    gwr = lax.bitcast_convert_type(gwi, jnp.float32)
    gp = jnp.concatenate([gwr.reshape(-1), gate_b,
                          jnp.zeros((104,), jnp.float32)])
    src_a, id1_a, id2_a = _route(pos[:, :DIM].reshape(-1),
                                 edge_index.reshape(-1), gp)

    w_fused = jnp.transpose(expert_weights, (1, 0, 2)).reshape(IN, K * OUT)
    y = _matmul(x, w_fused, 1000)

    pooled_t = _segmax(src_a, id1_a, id2_a, y.reshape(N * K * NDS, 2 * L))
    pooled = jnp.transpose(pooled_t.reshape(NDS, 2, N, L),
                           (2, 0, 1, 3)).reshape(N, OUT)
    return _mlp(pooled, w1.T, w2.T, 1000)

# --- scband reference (transcript-rebuilt; emitter-appended) ---
"""Pipeline reference for scband-mo-econv-88390426952362 (READ-ONLY COPY).

The authoritative reference and input builder live on the scoring server;
editing this copy changes nothing except your own understanding.
"""

import jax, jax.numpy as jnp
import numpy as np

N = 10000
E = 320000
IN = 128
OUT = 128
K = 8
TOPK = 2
DIM = 2


def setup_inputs(seed: int = 0) -> dict:
    key = jax.random.key(seed)
    ks = jax.random.split(key, 8)
    x = jax.random.normal(ks[0], (N, IN), dtype=jnp.float32)
    pos = jax.random.normal(ks[1], (N, DIM), dtype=jnp.float32)
    edge_index = jax.random.randint(ks[2], (E, 2), 0, N, dtype=jnp.int32)
    # expert_weights: kaiming_uniform(a=0.01) over fan_in=IN -> bound = sqrt(6/((1+a^2)*IN))
    bound_e = float(np.sqrt(6.0 / ((1.0 + 0.01 ** 2) * IN)))
    expert_weights = jax.random.uniform(ks[3], (K, IN, OUT), jnp.float32, -bound_e, bound_e)
    bg = 1.0 / float(np.sqrt(DIM))
    gate_w = jax.random.uniform(ks[4], (K, DIM), jnp.float32, -bg, bg)
    gate_b = jax.random.uniform(ks[5], (K,), jnp.float32, -bg, bg)
    b1 = 1.0 / float(np.sqrt(OUT))
    w1 = jax.random.uniform(ks[6], (2 * OUT, OUT), jnp.float32, -b1, b1)
    b2 = 1.0 / float(np.sqrt(2 * OUT))
    w2 = jax.random.uniform(ks[7], (OUT, 2 * OUT), jnp.float32, -b2, b2)
    return {"x": x, "pos": pos, "edge_index": edge_index,
            "expert_weights": expert_weights, "gate_w": gate_w, "gate_b": gate_b,
            "w1": w1, "w2": w2}


def reference(x, pos, edge_index, expert_weights, gate_w, gate_b, w1, w2):
    p = pos[:, :DIM]
    src = edge_index[:, 0]
    dst = edge_index[:, 1]
    pos_i = jnp.take(p, src, axis=0)
    pos_j = jnp.take(p, dst, axis=0)
    diff_pos = pos_j - pos_i
    x_j = jnp.take(x, dst, axis=0)
    gate_logits = diff_pos @ gate_w.T + gate_b
    _, topk_idx = jax.lax.top_k(gate_logits, TOPK)
    w_fused = jnp.transpose(expert_weights, (1, 0, 2)).reshape(IN, K * OUT)
    all_out = (x_j @ w_fused).reshape(E, K, OUT)
    msg = jnp.take_along_axis(all_out, topk_idx[:, :, None], axis=1).sum(axis=1)
    # scatter-amax into per-node features (only nodes that appear as src)
    num_nodes = x.shape[0]
    unique_nodes, inverse = jnp.unique(src, return_inverse=True, size=num_nodes, fill_value=0)
    inverse = inverse.reshape(-1)
    pooled = jax.ops.segment_max(msg, inverse, num_segments=num_nodes)
    h = jnp.maximum(pooled @ w1.T, 0.0)
    h = h @ w2.T
    return h + pooled

if __name__ == "__main__":
    import jax
    _d = setup_inputs()
    print(jax.jit(kernel)(*tuple(_d.values())))

</pallas_src>

<mosaic_0001>
#map = affine_map<(d0, d1) -> (0)>
module attributes {stable_mosaic.version = 14 : i64} {
  func.func @_route(%arg0: i32, %arg1: i32, %arg2: memref<20000xf32, #tpu.memory_space<hbm>>, %arg3: memref<640000xi32, #tpu.memory_space<hbm>>, %arg4: memref<128xf32, #tpu.memory_space<hbm>>, %arg5: memref<320000xi32, #tpu.memory_space<hbm>>, %arg6: memref<320000xi32, #tpu.memory_space<hbm>>, %arg7: memref<320000xi32, #tpu.memory_space<hbm>>, %arg8: memref<20000xf32, #tpu.memory_space<vmem>>, %arg9: memref<128xf32, #tpu.memory_space<vmem>>, %arg10: memref<4000xi32, #tpu.memory_space<vmem>>, %arg11: memref<2000xi32, #tpu.memory_space<vmem>>, %arg12: memref<2000xi32, #tpu.memory_space<vmem>>, %arg13: memref<2000xi32, #tpu.memory_space<vmem>>) attributes {dimension_semantics = [#tpu.dimension_semantics<core_parallel>, #tpu.dimension_semantics<subcore_parallel>], iteration_bounds = array<i64: 2, 16>, scalar_prefetch = 0 : i64, scratch_operands = 6 : i64, tpu.core_type = #tpu.core_type<sc_vector_subcore>, window_params = [{transform_indices = #map}, {transform_indices = #map}, {transform_indices = #map}, {transform_indices = #map}, {transform_indices = #map}, {transform_indices = #map}]} {
    %mul3A = arith.constant 2 : i32
    %mul3A_0 = arith.muli %arg1, %mul3A : i32
    %add3A = arith.addi %mul3A_0, %arg0 : i32
    %mul3A_1 = arith.constant 10000 : i32
    %mul3A_2 = arith.muli %add3A, %mul3A_1 : i32
    "tpu.region"() ({
      %run_scoped3A = tpu.sem_alloc : memref<!tpu.dma_semaphore, #tpu.memory_space<semaphore_mem>>
      tpu.enqueue_dma source(%arg2 : memref<20000xf32, #tpu.memory_space<hbm>>) target(%arg8 : memref<20000xf32, #tpu.memory_space<vmem>>) target_semaphore(%run_scoped3A : memref<!tpu.dma_semaphore, #tpu.memory_space<semaphore_mem>>)
      tpu.wait_dma2 semaphore(%run_scoped3A : memref<!tpu.dma_semaphore, #tpu.memory_space<semaphore_mem>>) src(%arg2 : memref<20000xf32, #tpu.memory_space<hbm>>) dst(%arg8 : memref<20000xf32, #tpu.memory_space<vmem>>)
      tpu.yield
    }) : () -> ()
    "tpu.region"() ({
      %run_scoped3A = tpu.sem_alloc : memref<!tpu.dma_semaphore, #tpu.memory_space<semaphore_mem>>
      tpu.enqueue_dma source(%arg4 : memref<128xf32, #tpu.memory_space<hbm>>) target(%arg9 : memref<128xf32, #tpu.memory_space<vmem>>) target_semaphore(%run_scoped3A : memref<!tpu.dma_semaphore, #tpu.memory_space<semaphore_mem>>)
      tpu.wait_dma2 semaphore(%run_scoped3A : memref<!tpu.dma_semaphore, #tpu.memory_space<semaphore_mem>>) src(%arg4 : memref<128xf32, #tpu.memory_space<hbm>>) dst(%arg9 : memref<128xf32, #tpu.memory_space<vmem>>)
      tpu.yield
    }) : () -> ()
    %iota3A = tpu.iota {dimensions = array<i32: 0>} : vector<16xi32>
    %get3A = arith.constant 0 : index
    %get3A_3 = tpu.vector_load %arg9[%get3A] {strides = array<i32>} : memref<128xf32, #tpu.memory_space<vmem>>, vector<16xf32>,
    %get3A_4 = arith.constant 16 : index
    %get3A_5 = tpu.vector_load %arg9[%get3A_4] {strides = array<i32>} : memref<128xf32, #tpu.memory_space<vmem>>, vector<16xf32>,
    %broadcast_in_dim3A = arith.constant 0 : i32
    %broadcast_in_dim3A_6 = vector.broadcast %broadcast_in_dim3A : i32 to vector<16xi32>
    %lt3A = arith.constant 0 : i32
    %lt3A_7 = vector.broadcast %lt3A : i32 to vector<16xi32>
    %lt3A_8 = arith.cmpi slt, %broadcast_in_dim3A_6, %lt3A_7 : vector<16xi32>
    %add3A_9 = arith.constant 16 : i32
    %add3A_10 = vector.broadcast %add3A_9 : i32 to vector<16xi32>
    %add3A_11 = arith.addi %broadcast_in_dim3A_6, %add3A_10 : vector<16xi32>
    %select_n3A = arith.select %lt3A_8, %add3A_11, %broadcast_in_dim3A_6 : vector<16xi1>, vector<16xi32>
    %broadcast_in_dim3A_12 = vector.shape_cast %select_n3A : vector<16xi32> to vector<16x1xi32>
    %gather3A = vector.shape_cast %broadcast_in_dim3A_12 : vector<16x1xi32> to vector<16xi32>
    %gather3A_13 = tpu.dynamic_gather %get3A_3[%gather3A] in [0] : vector<16xf32>, vector<16xi32> -> vector<16xf32>
    %broadcast_in_dim3A_14 = arith.constant 2 : i32
    %broadcast_in_dim3A_15 = vector.broadcast %broadcast_in_dim3A_14 : i32 to vector<16xi32>
    %lt3A_16 = arith.constant 0 : i32
    %lt3A_17 = vector.broadcast %lt3A_16 : i32 to vector<16xi32>
    %lt3A_18 = arith.cmpi slt, %broadcast_in_dim3A_15, %lt3A_17 : vector<16xi32>
    %add3A_19 = arith.constant 16 : i32
    %add3A_20 = vector.broadcast %add3A_19 : i32 to vector<16xi32>
    %add3A_21 = arith.addi %broadcast_in_dim3A_15, %add3A_20 : vector<16xi32>
    %select_n3A_22 = arith.select %lt3A_18, %add3A_21, %broadcast_in_dim3A_15 : vector<16xi1>, vector<16xi32>
    %broadcast_in_dim3A_23 = vector.shape_cast %select_n3A_22 : vector<16xi32> to vector<16x1xi32>
    %gather3A_24 = vector.shape_cast %broadcast_in_dim3A_23 : vector<16x1xi32> to vector<16xi32>
    %gather3A_25 = tpu.dynamic_gather %get3A_3[%gather3A_24] in [0] : vector<16xf32>, vector<16xi32> -> vector<16xf32>
    %broadcast_in_dim3A_26 = arith.constant 4 : i32
    %broadcast_in_dim3A_27 = vector.broadcast %broadcast_in_dim3A_26 : i32 to vector<16xi32>
    %lt3A_28 = arith.constant 0 : i32
    %lt3A_29 = vector.broadcast %lt3A_28 : i32 to vector<16xi32>
    %lt3A_30 = arith.cmpi slt, %broadcast_in_dim3A_27, %lt3A_29 : vector<16xi32>
    %add3A_31 = arith.constant 16 : i32
    %add3A_32 = vector.broadcast %add3A_31 : i32 to vector<16xi32>
    %add3A_33 = arith.addi %broadcast_in_dim3A_27, %add3A_32 : vector<16xi32>
    %select_n3A_34 = arith.select %lt3A_30, %add3A_33, %broadcast_in_dim3A_27 : vector<16xi1>, vector<16xi32>
    %broadcast_in_dim3A_35 = vector.shape_cast %select_n3A_34 : vector<16xi32> to vector<16x1xi32>
    %gather3A_36 = vector.shape_cast %broadcast_in_dim3A_35 : vector<16x1xi32> to vector<16xi32>
    %gather3A_37 = tpu.dynamic_gather %get3A_3[%gather3A_36] in [0] : vector<16xf32>, vector<16xi32> -> vector<16xf32>
    %broadcast_in_dim3A_38 = arith.constant 6 : i32
    %broadcast_in_dim3A_39 = vector.broadcast %broadcast_in_dim3A_38 : i32 to vector<16xi32>
    %lt3A_40 = arith.constant 0 : i32
    %lt3A_41 = vector.broadcast %lt3A_40 : i32 to vector<16xi32>
    %lt3A_42 = arith.cmpi slt, %broadcast_in_dim3A_39, %lt3A_41 : vector<16xi32>
    %add3A_43 = arith.constant 16 : i32
    %add3A_44 = vector.broadcast %add3A_43 : i32 to vector<16xi32>
    %add3A_45 = arith.addi %broadcast_in_dim3A_39, %add3A_44 : vector<16xi32>
    %select_n3A_46 = arith.select %lt3A_42, %add3A_45, %broadcast_in_dim3A_39 : vector<16xi1>, vector<16xi32>
    %broadcast_in_dim3A_47 = vector.shape_cast %select_n3A_46 : vector<16xi32> to vector<16x1xi32>
    %gather3A_48 = vector.shape_cast %broadcast_in_dim3A_47 : vector<16x1xi32> to vector<16xi32>
    %gather3A_49 = tpu.dynamic_gather %get3A_3[%gather3A_48] in [0] : vector<16xf32>, vector<16xi32> -> vector<16xf32>
    %broadcast_in_dim3A_50 = arith.constant 8 : i32
    %broadcast_in_dim3A_51 = vector.broadcast %broadcast_in_dim3A_50 : i32 to vector<16xi32>
    %lt3A_52 = arith.constant 0 : i32
    %lt3A_53 = vector.broadcast %lt3A_52 : i32 to vector<16xi32>
    %lt3A_54 = arith.cmpi slt, %broadcast_in_dim3A_51, %lt3A_53 : vector<16xi32>
    %add3A_55 = arith.constant 16 : i32
    %add3A_56 = vector.broadcast %add3A_55 : i32 to vector<16xi32>
    %add3A_57 = arith.addi %broadcast_in_dim3A_51, %add3A_56 : vector<16xi32>
    %select_n3A_58 = arith.select %lt3A_54, %add3A_57, %broadcast_in_dim3A_51 : vector<16xi1>, vector<16xi32>
    %broadcast_in_dim3A_59 = vector.shape_cast %select_n3A_58 : vector<16xi32> to vector<16x1xi32>
    %gather3A_60 = vector.shape_cast %broadcast_in_dim3A_59 : vector<16x1xi32> to vector<16xi32>
    %gather3A_61 = tpu.dynamic_gather %get3A_3[%gather3A_60] in [0] : vector<16xf32>, vector<16xi32> -> vector<16xf32>
    %broadcast_in_dim3A_62 = arith.constant 10 : i32
    %broadcast_in_dim3A_63 = vector.broadcast %broadcast_in_dim3A_62 : i32 to vector<16xi32>
    %lt3A_64 = arith.constant 0 : i32
    %lt3A_65 = vector.broadcast %lt3A_64 : i32 to vector<16xi32>
    %lt3A_66 = arith.cmpi slt, %broadcast_in_dim3A_63, %lt3A_65 : vector<16xi32>
    %add3A_67 = arith.constant 16 : i32
    %add3A_68 = vector.broadcast %add3A_67 : i32 to vector<16xi32>
    %add3A_69 = arith.addi %broadcast_in_dim3A_63, %add3A_68 : vector<16xi32>
    %select_n3A_70 = arith.select %lt3A_66, %add3A_69, %broadcast_in_dim3A_63 : vector<16xi1>, vector<16xi32>
    %broadcast_in_dim3A_71 = vector.shape_cast %select_n3A_70 : vector<16xi32> to vector<16x1xi32>
    %gather3A_72 = vector.shape_cast %broadcast_in_dim3A_71 : vector<16x1xi32> to vector<16xi32>
    %gather3A_73 = tpu.dynamic_gather %get3A_3[%gather3A_72] in [0] : vector<16xf32>, vector<16xi32> -> vector<16xf32>
    %broadcast_in_dim3A_74 = arith.constant 12 : i32
    %broadcast_in_dim3A_75 = vector.broadcast %broadcast_in_dim3A_74 : i32 to vector<16xi32>
    %lt3A_76 = arith.constant 0 : i32
    %lt3A_77 = vector.broadcast %lt3A_76 : i32 to vector<16xi32>
    %lt3A_78 = arith.cmpi slt, %broadcast_in_dim3A_75, %lt3A_77 : vector<16xi32>
    %add3A_79 = arith.constant 16 : i32
    %add3A_80 = vector.broadcast %add3A_79 : i32 to vector<16xi32>
    %add3A_81 = arith.addi %broadcast_in_dim3A_75, %add3A_80 : vector<16xi32>
    %select_n3A_82 = arith.select %lt3A_78, %add3A_81, %broadcast_in_dim3A_75 : vector<16xi1>, vector<16xi32>
    %broadcast_in_dim3A_83 = vector.shape_cast %select_n3A_82 : vector<16xi32> to vector<16x1xi32>
    %gather3A_84 = vector.shape_cast %broadcast_in_dim3A_83 : vector<16x1xi32> to vector<16xi32>
    %gather3A_85 = tpu.dynamic_gather %get3A_3[%gather3A_84] in [0] : vector<16xf32>, vector<16xi32> -> vector<16xf32>
    %broadcast_in_dim3A_86 = arith.constant 14 : i32
    %broadcast_in_dim3A_87 = vector.broadcast %broadcast_in_dim3A_86 : i32 to vector<16xi32>
    %lt3A_88 = arith.constant 0 : i32
    %lt3A_89 = vector.broadcast %lt3A_88 : i32 to vector<16xi32>
    %lt3A_90 = arith.cmpi slt, %broadcast_in_dim3A_87, %lt3A_89 : vector<16xi32>
    %add3A_91 = arith.constant 16 : i32
    %add3A_92 = vector.broadcast %add3A_91 : i32 to vector<16xi32>
    %add3A_93 = arith.addi %broadcast_in_dim3A_87, %add3A_92 : vector<16xi32>
    %select_n3A_94 = arith.select %lt3A_90, %add3A_93, %broadcast_in_dim3A_87 : vector<16xi1>, vector<16xi32>
    %broadcast_in_dim3A_95 = vector.shape_cast %select_n3A_94 : vector<16xi32> to vector<16x1xi32>
    %gather3A_96 = vector.shape_cast %broadcast_in_dim3A_95 : vector<16x1xi32> to vector<16xi32>
    %gather3A_97 = tpu.dynamic_gather %get3A_3[%gather3A_96] in [0] : vector<16xf32>, vector<16xi32> -> vector<16xf32>
    %broadcast_in_dim3A_98 = arith.constant 1 : i32
    %broadcast_in_dim3A_99 = vector.broadcast %broadcast_in_dim3A_98 : i32 to vector<16xi32>
    %lt3A_100 = arith.constant 0 : i32
    %lt3A_101 = vector.broadcast %lt3A_100 : i32 to vector<16xi32>
    %lt3A_102 = arith.cmpi slt, %broadcast_in_dim3A_99, %lt3A_101 : vector<16xi32>
    %add3A_103 = arith.constant 16 : i32
    %add3A_104 = vector.broadcast %add3A_103 : i32 to vector<16xi32>
    %add3A_105 = arith.addi %broadcast_in_dim3A_99, %add3A_104 : vector<16xi32>
    %select_n3A_106 = arith.select %lt3A_102, %add3A_105, %broadcast_in_dim3A_99 : vector<16xi1>, vector<16xi32>
    %broadcast_in_dim3A_107 = vector.shape_cast %select_n3A_106 : vector<16xi32> to vector<16x1xi32>
    %gather3A_108 = vector.shape_cast %broadcast_in_dim3A_107 : vector<16x1xi32> to vector<16xi32>
    %gather3A_109 = tpu.dynamic_gather %get3A_3[%gather3A_108] in [0] : vector<16xf32>, vector<16xi32> -> vector<16xf32>
    %broadcast_in_dim3A_110 = arith.constant 3 : i32
    %broadcast_in_dim3A_111 = vector.broadcast %broadcast_in_dim3A_110 : i32 to vector<16xi32>
    %lt3A_112 = arith.constant 0 : i32
    %lt3A_113 = vector.broadcast %lt3A_112 : i32 to vector<16xi32>
    %lt3A_114 = arith.cmpi slt, %broadcast_in_dim3A_111, %lt3A_113 : vector<16xi32>
    %add3A_115 = arith.constant 16 : i32
    %add3A_116 = vector.broadcast %add3A_115 : i32 to vector<16xi32>
    %add3A_117 = arith.addi %broadcast_in_dim3A_111, %add3A_116 : vector<16xi32>
    %select_n3A_118 = arith.select %lt3A_114, %add3A_117, %broadcast_in_dim3A_111 : vector<16xi1>, vector<16xi32>
    %broadcast_in_dim3A_119 = vector.shape_cast %select_n3A_118 : vector<16xi32> to vector<16x1xi32>
    %gather3A_120 = vector.shape_cast %broadcast_in_dim3A_119 : vector<16x1xi32> to vector<16xi32>
    %gather3A_121 = tpu.dynamic_gather %get3A_3[%gather3A_120] in [0] : vector<16xf32>, vector<16xi32> -> vector<16xf32>
    %broadcast_in_dim3A_122 = arith.constant 5 : i32
    %broadcast_in_dim3A_123 = vector.broadcast %broadcast_in_dim3A_122 : i32 to vector<16xi32>
    %lt3A_124 = arith.constant 0 : i32
    %lt3A_125 = vector.broadcast %lt3A_124 : i32 to vector<16xi32>
    %lt3A_126 = arith.cmpi slt, %broadcast_in_dim3A_123, %lt3A_125 : vector<16xi32>
    %add3A_127 = arith.constant 16 : i32
    %add3A_128 = vector.broadcast %add3A_127 : i32 to vector<16xi32>
    %add3A_129 = arith.addi %broadcast_in_dim3A_123, %add3A_128 : vector<16xi32>
    %select_n3A_130 = arith.select %lt3A_126, %add3A_129, %broadcast_in_dim3A_123 : vector<16xi1>, vector<16xi32>
    %broadcast_in_dim3A_131 = vector.shape_cast %select_n3A_130 : vector<16xi32> to vector<16x1xi32>
    %gather3A_132 = vector.shape_cast %broadcast_in_dim3A_131 : vector<16x1xi32> to vector<16xi32>
    %gather3A_133 = tpu.dynamic_gather %get3A_3[%gather3A_132] in [0] : vector<16xf32>, vector<16xi32> -> vector<16xf32>
    %broadcast_in_dim3A_134 = arith.constant 7 : i32
    %broadcast_in_dim3A_135 = vector.broadcast %broadcast_in_dim3A_134 : i32 to vector<16xi32>
    %lt3A_136 = arith.constant 0 : i32
    %lt3A_137 = vector.broadcast %lt3A_136 : i32 to vector<16xi32>
    %lt3A_138 = arith.cmpi slt, %broadcast_in_dim3A_135, %lt3A_137 : vector<16xi32>
    %add3A_139 = arith.constant 16 : i32
    %add3A_140 = vector.broadcast %add3A_139 : i32 to vector<16xi32>
    %add3A_141 = arith.addi %broadcast_in_dim3A_135, %add3A_140 : vector<16xi32>
    %select_n3A_142 = arith.select %lt3A_138, %add3A_141, %broadcast_in_dim3A_135 : vector<16xi1>, vector<16xi32>
    %broadcast_in_dim3A_143 = vector.shape_cast %select_n3A_142 : vector<16xi32> to vector<16x1xi32>
    %gather3A_144 = vector.shape_cast %broadcast_in_dim3A_143 : vector<16x1xi32> to vector<16xi32>
    %gather3A_145 = tpu.dynamic_gather %get3A_3[%gather3A_144] in [0] : vector<16xf32>, vector<16xi32> -> vector<16xf32>
    %broadcast_in_dim3A_146 = arith.constant 9 : i32
    %broadcast_in_dim3A_147 = vector.broadcast %broadcast_in_dim3A_146 : i32 to vector<16xi32>
    %lt3A_148 = arith.constant 0 : i32
    %lt3A_149 = vector.broadcast %lt3A_148 : i32 to vector<16xi32>
    %lt3A_150 = arith.cmpi slt, %broadcast_in_dim3A_147, %lt3A_149 : vector<16xi32>
    %add3A_151 = arith.constant 16 : i32
    %add3A_152 = vector.broadcast %add3A_151 : i32 to vector<16xi32>
    %add3A_153 = arith.addi %broadcast_in_dim3A_147, %add3A_152 : vector<16xi32>
    %select_n3A_154 = arith.select %lt3A_150, %add3A_153, %broadcast_in_dim3A_147 : vector<16xi1>, vector<16xi32>
    %broadcast_in_dim3A_155 = vector.shape_cast %select_n3A_154 : vector<16xi32> to vector<16x1xi32>
    %gather3A_156 = vector.shape_cast %broadcast_in_dim3A_155 : vector<16x1xi32> to vector<16xi32>
    %gather3A_157 = tpu.dynamic_gather %get3A_3[%gather3A_156] in [0] : vector<16xf32>, vector<16xi32> -> vector<16xf32>
    %broadcast_in_dim3A_158 = arith.constant 11 : i32
    %broadcast_in_dim3A_159 = vector.broadcast %broadcast_in_dim3A_158 : i32 to vector<16xi32>
    %lt3A_160 = arith.constant 0 : i32
    %lt3A_161 = vector.broadcast %lt3A_160 : i32 to vector<16xi32>
    %lt3A_162 = arith.cmpi slt, %broadcast_in_dim3A_159, %lt3A_161 : vector<16xi32>
    %add3A_163 = arith.constant 16 : i32
    %add3A_164 = vector.broadcast %add3A_163 : i32 to vector<16xi32>
    %add3A_165 = arith.addi %broadcast_in_dim3A_159, %add3A_164 : vector<16xi32>
    %select_n3A_166 = arith.select %lt3A_162, %add3A_165, %broadcast_in_dim3A_159 : vector<16xi1>, vector<16xi32>
    %broadcast_in_dim3A_167 = vector.shape_cast %select_n3A_166 : vector<16xi32> to vector<16x1xi32>
    %gather3A_168 = vector.shape_cast %broadcast_in_dim3A_167 : vector<16x1xi32> to vector<16xi32>
    %gather3A_169 = tpu.dynamic_gather %get3A_3[%gather3A_168] in [0] : vector<16xf32>, vector<16xi32> -> vector<16xf32>
    %broadcast_in_dim3A_170 = arith.constant 13 : i32
    %broadcast_in_dim3A_171 = vector.broadcast %broadcast_in_dim3A_170 : i32 to vector<16xi32>
    %lt3A_172 = arith.constant 0 : i32
    %lt3A_173 = vector.broadcast %lt3A_172 : i32 to vector<16xi32>
    %lt3A_174 = arith.cmpi slt, %broadcast_in_dim3A_171, %lt3A_173 : vector<16xi32>
    %add3A_175 = arith.constant 16 : i32
    %add3A_176 = vector.broadcast %add3A_175 : i32 to vector<16xi32>
    %add3A_177 = arith.addi %broadcast_in_dim3A_171, %add3A_176 : vector<16xi32>
    %select_n3A_178 = arith.select %lt3A_174, %add3A_177, %broadcast_in_dim3A_171 : vector<16xi1>, vector<16xi32>
    %broadcast_in_dim3A_179 = vector.shape_cast %select_n3A_178 : vector<16xi32> to vector<16x1xi32>
    %gather3A_180 = vector.shape_cast %broadcast_in_dim3A_179 : vector<16x1xi32> to vector<16xi32>
    %gather3A_181 = tpu.dynamic_gather %get3A_3[%gather3A_180] in [0] : vector<16xf32>, vector<16xi32> -> vector<16xf32>
    %broadcast_in_dim3A_182 = arith.constant 15 : i32
    %broadcast_in_dim3A_183 = vector.broadcast %broadcast_in_dim3A_182 : i32 to vector<16xi32>
    %lt3A_184 = arith.constant 0 : i32
    %lt3A_185 = vector.broadcast %lt3A_184 : i32 to vector<16xi32>
    %lt3A_186 = arith.cmpi slt, %broadcast_in_dim3A_183, %lt3A_185 : vector<16xi32>
    %add3A_187 = arith.constant 16 : i32
    %add3A_188 = vector.broadcast %add3A_187 : i32 to vector<16xi32>
    %add3A_189 = arith.addi %broadcast_in_dim3A_183, %add3A_188 : vector<16xi32>
    %select_n3A_190 = arith.select %lt3A_186, %add3A_189, %broadcast_in_dim3A_183 : vector<16xi1>, vector<16xi32>
    %broadcast_in_dim3A_191 = vector.shape_cast %select_n3A_190 : vector<16xi32> to vector<16x1xi32>
    %gather3A_192 = vector.shape_cast %broadcast_in_dim3A_191 : vector<16x1xi32> to vector<16xi32>
    %gather3A_193 = tpu.dynamic_gather %get3A_3[%gather3A_192] in [0] : vector<16xf32>, vector<16xi32> -> vector<16xf32>
    %broadcast_in_dim3A_194 = arith.constant 0 : i32
    %broadcast_in_dim3A_195 = vector.broadcast %broadcast_in_dim3A_194 : i32 to vector<16xi32>
    %lt3A_196 = arith.constant 0 : i32
    %lt3A_197 = vector.broadcast %lt3A_196 : i32 to vector<16xi32>
    %lt3A_198 = arith.cmpi slt, %broadcast_in_dim3A_195, %lt3A_197 : vector<16xi32>
    %add3A_199 = arith.constant 16 : i32
    %add3A_200 = vector.broadcast %add3A_199 : i32 to vector<16xi32>
    %add3A_201 = arith.addi %broadcast_in_dim3A_195, %add3A_200 : vector<16xi32>
    %select_n3A_202 = arith.select %lt3A_198, %add3A_201, %broadcast_in_dim3A_195 : vector<16xi1>, vector<16xi32>
    %broadcast_in_dim3A_203 = vector.shape_cast %select_n3A_202 : vector<16xi32> to vector<16x1xi32>
    %gather3A_204 = vector.shape_cast %broadcast_in_dim3A_203 : vector<16x1xi32> to vector<16xi32>
    %gather3A_205 = tpu.dynamic_gather %get3A_5[%gather3A_204] in [0] : vector<16xf32>, vector<16xi32> -> vector<16xf32>
    %broadcast_in_dim3A_206 = arith.constant 1 : i32
    %broadcast_in_dim3A_207 = vector.broadcast %broadcast_in_dim3A_206 : i32 to vector<16xi32>
    %lt3A_208 = arith.constant 0 : i32
    %lt3A_209 = vector.broadcast %lt3A_208 : i32 to vector<16xi32>
    %lt3A_210 = arith.cmpi slt, %broadcast_in_dim3A_207, %lt3A_209 : vector<16xi32>
    %add3A_211 = arith.constant 16 : i32
    %add3A_212 = vector.broadcast %add3A_211 : i32 to vector<16xi32>
    %add3A_213 = arith.addi %broadcast_in_dim3A_207, %add3A_212 : vector<16xi32>
    %select_n3A_214 = arith.select %lt3A_210, %add3A_213, %broadcast_in_dim3A_207 : vector<16xi1>, vector<16xi32>
    %broadcast_in_dim3A_215 = vector.shape_cast %select_n3A_214 : vector<16xi32> to vector<16x1xi32>
    %gather3A_216 = vector.shape_cast %broadcast_in_dim3A_215 : vector<16x1xi32> to vector<16xi32>
    %gather3A_217 = tpu.dynamic_gather %get3A_5[%gather3A_216] in [0] : vector<16xf32>, vector<16xi32> -> vector<16xf32>
    %broadcast_in_dim3A_218 = arith.constant 2 : i32
    %broadcast_in_dim3A_219 = vector.broadcast %broadcast_in_dim3A_218 : i32 to vector<16xi32>
    %lt3A_220 = arith.constant 0 : i32
    %lt3A_221 = vector.broadcast %lt3A_220 : i32 to vector<16xi32>
    %lt3A_222 = arith.cmpi slt, %broadcast_in_dim3A_219, %lt3A_221 : vector<16xi32>
    %add3A_223 = arith.constant 16 : i32
    %add3A_224 = vector.broadcast %add3A_223 : i32 to vector<16xi32>
    %add3A_225 = arith.addi %broadcast_in_dim3A_219, %add3A_224 : vector<16xi32>
    %select_n3A_226 = arith.select %lt3A_222, %add3A_225, %broadcast_in_dim3A_219 : vector<16xi1>, vector<16xi32>
    %broadcast_in_dim3A_227 = vector.shape_cast %select_n3A_226 : vector<16xi32> to vector<16x1xi32>
    %gather3A_228 = vector.shape_cast %broadcast_in_dim3A_227 : vector<16x1xi32> to vector<16xi32>
    %gather3A_229 = tpu.dynamic_gather %get3A_5[%gather3A_228] in [0] : vector<16xf32>, vector<16xi32> -> vector<16xf32>
    %broadcast_in_dim3A_230 = arith.constant 3 : i32
    %broadcast_in_dim3A_231 = vector.broadcast %broadcast_in_dim3A_230 : i32 to vector<16xi32>
    %lt3A_232 = arith.constant 0 : i32
    %lt3A_233 = vector.broadcast %lt3A_232 : i32 to vector<16xi32>
    %lt3A_234 = arith.cmpi slt, %broadcast_in_dim3A_231, %lt3A_233 : vector<16xi32>
    %add3A_235 = arith.constant 16 : i32
    %add3A_236 = vector.broadcast %add3A_235 : i32 to vector<16xi32>
    %add3A_237 = arith.addi %broadcast_in_dim3A_231, %add3A_236 : vector<16xi32>
    %select_n3A_238 = arith.select %lt3A_234, %add3A_237, %broadcast_in_dim3A_231 : vector<16xi1>, vector<16xi32>
    %broadcast_in_dim3A_239 = vector.shape_cast %select_n3A_238 : vector<16xi32> to vector<16x1xi32>
    %gather3A_240 = vector.shape_cast %broadcast_in_dim3A_239 : vector<16x1xi32> to vector<16xi32>
    %gather3A_241 = tpu.dynamic_gather %get3A_5[%gather3A_240] in [0] : vector<16xf32>, vector<16xi32> -> vector<16xf32>
    %broadcast_in_dim3A_242 = arith.constant 4 : i32
    %broadcast_in_dim3A_243 = vector.broadcast %broadcast_in_dim3A_242 : i32 to vector<16xi32>
    %lt3A_244 = arith.constant 0 : i32
    %lt3A_245 = vector.broadcast %lt3A_244 : i32 to vector<16xi32>
    %lt3A_246 = arith.cmpi slt, %broadcast_in_dim3A_243, %lt3A_245 : vector<16xi32>
    %add3A_247 = arith.constant 16 : i32
    %add3A_248 = vector.broadcast %add3A_247 : i32 to vector<16xi32>
    %add3A_249 = arith.addi %broadcast_in_dim3A_243, %add3A_248 : vector<16xi32>
    %select_n3A_250 = arith.select %lt3A_246, %add3A_249, %broadcast_in_dim3A_243 : vector<16xi1>, vector<16xi32>
    %broadcast_in_dim3A_251 = vector.shape_cast %select_n3A_250 : vector<16xi32> to vector<16x1xi32>
    %gather3A_252 = vector.shape_cast %broadcast_in_dim3A_251 : vector<16x1xi32> to vector<16xi32>
    %gather3A_253 = tpu.dynamic_gather %get3A_5[%gather3A_252] in [0] : vector<16xf32>, vector<16xi32> -> vector<16xf32>
    %broadcast_in_dim3A_254 = arith.constant 5 : i32
    %broadcast_in_dim3A_255 = vector.broadcast %broadcast_in_dim3A_254 : i32 to vector<16xi32>
    %lt3A_256 = arith.constant 0 : i32
    %lt3A_257 = vector.broadcast %lt3A_256 : i32 to vector<16xi32>
    %lt3A_258 = arith.cmpi slt, %broadcast_in_dim3A_255, %lt3A_257 : vector<16xi32>
    %add3A_259 = arith.constant 16 : i32
    %add3A_260 = vector.broadcast %add3A_259 : i32 to vector<16xi32>
    %add3A_261 = arith.addi %broadcast_in_dim3A_255, %add3A_260 : vector<16xi32>
    %select_n3A_262 = arith.select %lt3A_258, %add3A_261, %broadcast_in_dim3A_255 : vector<16xi1>, vector<16xi32>
    %broadcast_in_dim3A_263 = vector.shape_cast %select_n3A_262 : vector<16xi32> to vector<16x1xi32>
    %gather3A_264 = vector.shape_cast %broadcast_in_dim3A_263 : vector<16x1xi32> to vector<16xi32>
    %gather3A_265 = tpu.dynamic_gather %get3A_5[%gather3A_264] in [0] : vector<16xf32>, vector<16xi32> -> vector<16xf32>
    %broadcast_in_dim3A_266 = arith.constant 6 : i32
    %broadcast_in_dim3A_267 = vector.broadcast %broadcast_in_dim3A_266 : i32 to vector<16xi32>
    %lt3A_268 = arith.constant 0 : i32
    %lt3A_269 = vector.broadcast %lt3A_268 : i32 to vector<16xi32>
    %lt3A_270 = arith.cmpi slt, %broadcast_in_dim3A_267, %lt3A_269 : vector<16xi32>
    %add3A_271 = arith.constant 16 : i32
    %add3A_272 = vector.broadcast %add3A_271 : i32 to vector<16xi32>
    %add3A_273 = arith.addi %broadcast_in_dim3A_267, %add3A_272 : vector<16xi32>
    %select_n3A_274 = arith.select %lt3A_270, %add3A_273, %broadcast_in_dim3A_267 : vector<16xi1>, vector<16xi32>
    %broadcast_in_dim3A_275 = vector.shape_cast %select_n3A_274 : vector<16xi32> to vector<16x1xi32>
    %gather3A_276 = vector.shape_cast %broadcast_in_dim3A_275 : vector<16x1xi32> to vector<16xi32>
    %gather3A_277 = tpu.dynamic_gather %get3A_5[%gather3A_276] in [0] : vector<16xf32>, vector<16xi32> -> vector<16xf32>
    %broadcast_in_dim3A_278 = arith.constant 7 : i32
    %broadcast_in_dim3A_279 = vector.broadcast %broadcast_in_dim3A_278 : i32 to vector<16xi32>
    %lt3A_280 = arith.constant 0 : i32
    %lt3A_281 = vector.broadcast %lt3A_280 : i32 to vector<16xi32>
    %lt3A_282 = arith.cmpi slt, %broadcast_in_dim3A_279, %lt3A_281 : vector<16xi32>
    %add3A_283 = arith.constant 16 : i32
    %add3A_284 = vector.broadcast %add3A_283 : i32 to vector<16xi32>
    %add3A_285 = arith.addi %broadcast_in_dim3A_279, %add3A_284 : vector<16xi32>
    %select_n3A_286 = arith.select %lt3A_282, %add3A_285, %broadcast_in_dim3A_279 : vector<16xi1>, vector<16xi32>
    %broadcast_in_dim3A_287 = vector.shape_cast %select_n3A_286 : vector<16xi32> to vector<16x1xi32>
    %gather3A_288 = vector.shape_cast %broadcast_in_dim3A_287 : vector<16x1xi32> to vector<16xi32>
    %gather3A_289 = tpu.dynamic_gather %get3A_5[%gather3A_288] in [0] : vector<16xf32>, vector<16xi32> -> vector<16xf32>
    %scan3A = arith.constant 0 : i32
    %scan3A_290 = arith.constant 0 : i32
    %scan3A_291 = arith.constant 5 : i32
    %scan3A_292 = arith.addi %scan3A_290, %scan3A_291 : i32
    %scan3A_293 = arith.constant 1 : i32
    %scan3A_294 = scf.for %scan3A_296 = %scan3A_290 to %scan3A_292 step %scan3A_293 iter_args(%scan3A_297 = %scan3A) -> (i32)  : i32 {
      %mul3A_298 = arith.constant 2000 : i32
      %mul3A_299 = arith.muli %scan3A_296, %mul3A_298 : i32
      %add3A_300 = arith.addi %mul3A_2, %mul3A_299 : i32
      %mul3A_301 = arith.constant 2 : i32
      %mul3A_302 = arith.muli %add3A_300, %mul3A_301 : i32
      "tpu.region"() ({
        %run_scoped3A = tpu.sem_alloc : memref<!tpu.dma_semaphore, #tpu.memory_space<semaphore_mem>>
        %dma_start3A = tpu.memref_slice %arg3[%mul3A_302] : memref<640000xi32, #tpu.memory_space<hbm>> -> memref<4000xi32, #tpu.memory_space<hbm>>
        %dma_start3A_311 = tpu.memref_slice %arg3[%mul3A_302] : memref<640000xi32, #tpu.memory_space<hbm>> -> memref<4000xi32, #tpu.memory_space<hbm>>
        tpu.enqueue_dma source(%dma_start3A_311 : memref<4000xi32, #tpu.memory_space<hbm>>) target(%arg10 : memref<4000xi32, #tpu.memory_space<vmem>>) target_semaphore(%run_scoped3A : memref<!tpu.dma_semaphore, #tpu.memory_space<semaphore_mem>>)
        %dma_wait3A = tpu.memref_slice %arg3[%mul3A_302] : memref<640000xi32, #tpu.memory_space<hbm>> -> memref<4000xi32, #tpu.memory_space<hbm>>
        %dma_wait3A_312 = tpu.memref_slice %arg3[%mul3A_302] : memref<640000xi32, #tpu.memory_space<hbm>> -> memref<4000xi32, #tpu.memory_space<hbm>>
        tpu.wait_dma2 semaphore(%run_scoped3A : memref<!tpu.dma_semaphore, #tpu.memory_space<semaphore_mem>>) src(%dma_wait3A_312 : memref<4000xi32, #tpu.memory_space<hbm>>) dst(%arg10 : memref<4000xi32, #tpu.memory_space<vmem>>)
        tpu.yield
      }) : () -> ()
      %scan3A_303 = arith.constant 0 : i32
      %scan3A_304 = arith.constant 0 : i32
      %scan3A_305 = arith.constant 125 : i32
      %scan3A_306 = arith.addi %scan3A_304, %scan3A_305 : i32
      %scan3A_307 = arith.constant 1 : i32
      %scan3A_308 = scf.for %scan3A_311 = %scan3A_304 to %scan3A_306 step %scan3A_307 iter_args(%scan3A_312 = %scan3A_303) -> (i32)  : i32 {
        %mul3A_313 = arith.constant 32 : i32
        %mul3A_314 = arith.muli %scan3A_311, %mul3A_313 : i32
        %mul3A_315 = arith.constant 2 : i32
        %mul3A_316 = vector.broadcast %mul3A_315 : i32 to vector<16xi32>
        %mul3A_317 = arith.muli %iota3A, %mul3A_316 : vector<16xi32>
        %add3A_318 = vector.broadcast %mul3A_314 : i32 to vector<16xi32>
        %add3A_319 = arith.addi %mul3A_317, %add3A_318 : vector<16xi32>
        %gather3A_320 = tpu.vector_load_idx %arg10[%add3A_319] : memref<4000xi32, #tpu.memory_space<vmem>>[vector<16xi32>], vector<16xi32>,
        %mul3A_321 = arith.constant 2 : i32
        %mul3A_322 = vector.broadcast %mul3A_321 : i32 to vector<16xi32>
        %mul3A_323 = arith.muli %iota3A, %mul3A_322 : vector<16xi32>
        %add3A_324 = vector.broadcast %mul3A_314 : i32 to vector<16xi32>
        %add3A_325 = arith.addi %mul3A_323, %add3A_324 : vector<16xi32>
        %add3A_326 = arith.constant 1 : i32
        %add3A_327 = vector.broadcast %add3A_326 : i32 to vector<16xi32>
        %add3A_328 = arith.addi %add3A_325, %add3A_327 : vector<16xi32>
        %gather3A_329 = tpu.vector_load_idx %arg10[%add3A_328] : memref<4000xi32, #tpu.memory_space<vmem>>[vector<16xi32>], vector<16xi32>,
        %mul3A_330 = arith.constant 2 : i32
        %mul3A_331 = vector.broadcast %mul3A_330 : i32 to vector<16xi32>
        %mul3A_332 = arith.muli %gather3A_320, %mul3A_331 : vector<16xi32>
        %gather3A_333 = tpu.vector_load_idx %arg8[%mul3A_332] : memref<20000xf32, #tpu.memory_space<vmem>>[vector<16xi32>], vector<16xf32>,
        %mul3A_334 = arith.constant 2 : i32
        %mul3A_335 = vector.broadcast %mul3A_334 : i32 to vector<16xi32>
        %mul3A_336 = arith.muli %gather3A_320, %mul3A_335 : vector<16xi32>
        %add3A_337 = arith.constant 1 : i32
        %add3A_338 = vector.broadcast %add3A_337 : i32 to vector<16xi32>
        %add3A_339 = arith.addi %mul3A_336, %add3A_338 : vector<16xi32>
        %gather3A_340 = tpu.vector_load_idx %arg8[%add3A_339] : memref<20000xf32, #tpu.memory_space<vmem>>[vector<16xi32>], vector<16xf32>,
        %mul3A_341 = arith.constant 2 : i32
        %mul3A_342 = vector.broadcast %mul3A_341 : i32 to vector<16xi32>
        %mul3A_343 = arith.muli %gather3A_329, %mul3A_342 : vector<16xi32>
        %gather3A_344 = tpu.vector_load_idx %arg8[%mul3A_343] : memref<20000xf32, #tpu.memory_space<vmem>>[vector<16xi32>], vector<16xf32>,
        %mul3A_345 = arith.constant 2 : i32
        %mul3A_346 = vector.broadcast %mul3A_345 : i32 to vector<16xi32>
        %mul3A_347 = arith.muli %gather3A_329, %mul3A_346 : vector<16xi32>
        %add3A_348 = arith.constant 1 : i32
        %add3A_349 = vector.broadcast %add3A_348 : i32 to vector<16xi32>
        %add3A_350 = arith.addi %mul3A_347, %add3A_349 : vector<16xi32>
        %gather3A_351 = tpu.vector_load_idx %arg8[%add3A_350] : memref<20000xf32, #tpu.memory_space<vmem>>[vector<16xi32>], vector<16xf32>,
        %sub3A = arith.subf %gather3A_344, %gather3A_333 : vector<16xf32>
        %bitcast3A = vector.bitcast %sub3A : vector<16xf32> to vector<16xi32>
        %add3A_352 = arith.constant 32767 : i32
        %add3A_353 = vector.broadcast %add3A_352 : i32 to vector<16xi32>
        %add3A_354 = arith.addi %bitcast3A, %add3A_353 : vector<16xi32>
        %shift_right_logical3A = arith.constant 16 : i32
        %shift_right_logical3A_355 = vector.broadcast %shift_right_logical3A : i32 to vector<16xi32>
        %shift_right_logical3A_356 = arith.shrui %bitcast3A, %shift_right_logical3A_355 : vector<16xi32>
        %and3A = arith.constant 1 : i32
        %and3A_357 = vector.broadcast %and3A : i32 to vector<16xi32>
        %and3A_358 = arith.andi %shift_right_logical3A_356, %and3A_357 : vector<16xi32>
        %add3A_359 = arith.addi %add3A_354, %and3A_358 : vector<16xi32>
        %and3A_360 = arith.constant -65536 : i32
        %and3A_361 = vector.broadcast %and3A_360 : i32 to vector<16xi32>
        %and3A_362 = arith.andi %add3A_359, %and3A_361 : vector<16xi32>
        %bitcast3A_363 = vector.bitcast %and3A_362 : vector<16xi32> to vector<16xf32>
        %sub3A_364 = arith.subf %gather3A_351, %gather3A_340 : vector<16xf32>
        %bitcast3A_365 = vector.bitcast %sub3A_364 : vector<16xf32> to vector<16xi32>
        %add3A_366 = arith.constant 32767 : i32
        %add3A_367 = vector.broadcast %add3A_366 : i32 to vector<16xi32>
        %add3A_368 = arith.addi %bitcast3A_365, %add3A_367 : vector<16xi32>
        %shift_right_logical3A_369 = arith.constant 16 : i32
        %shift_right_logical3A_370 = vector.broadcast %shift_right_logical3A_369 : i32 to vector<16xi32>
        %shift_right_logical3A_371 = arith.shrui %bitcast3A_365, %shift_right_logical3A_370 : vector<16xi32>
        %and3A_372 = arith.constant 1 : i32
        %and3A_373 = vector.broadcast %and3A_372 : i32 to vector<16xi32>
        %and3A_374 = arith.andi %shift_right_logical3A_371, %and3A_373 : vector<16xi32>
        %add3A_375 = arith.addi %add3A_368, %and3A_374 : vector<16xi32>
        %and3A_376 = arith.constant -65536 : i32
        %and3A_377 = vector.broadcast %and3A_376 : i32 to vector<16xi32>
        %and3A_378 = arith.andi %add3A_375, %and3A_377 : vector<16xi32>
        %bitcast3A_379 = vector.bitcast %and3A_378 : vector<16xi32> to vector<16xf32>
        %mul3A_380 = arith.mulf %bitcast3A_363, %gather3A_13 : vector<16xf32>
        %mul3A_381 = arith.mulf %bitcast3A_379, %gather3A_109 : vector<16xf32>
        %add3A_382 = arith.addf %mul3A_380, %mul3A_381 : vector<16xf32>
        %add3A_383 = arith.addf %add3A_382, %gather3A_205 : vector<16xf32>
        %mul3A_384 = arith.mulf %bitcast3A_363, %gather3A_25 : vector<16xf32>
        %mul3A_385 = arith.mulf %bitcast3A_379, %gather3A_121 : vector<16xf32>
        %add3A_386 = arith.addf %mul3A_384, %mul3A_385 : vector<16xf32>
        %add3A_387 = arith.addf %add3A_386, %gather3A_217 : vector<16xf32>
        %mul3A_388 = arith.mulf %bitcast3A_363, %gather3A_37 : vector<16xf32>
        %mul3A_389 = arith.mulf %bitcast3A_379, %gather3A_133 : vector<16xf32>
        %add3A_390 = arith.addf %mul3A_388, %mul3A_389 : vector<16xf32>
        %add3A_391 = arith.addf %add3A_390, %gather3A_229 : vector<16xf32>
        %mul3A_392 = arith.mulf %bitcast3A_363, %gather3A_49 : vector<16xf32>
        %mul3A_393 = arith.mulf %bitcast3A_379, %gather3A_145 : vector<16xf32>
        %add3A_394 = arith.addf %mul3A_392, %mul3A_393 : vector<16xf32>
        %add3A_395 = arith.addf %add3A_394, %gather3A_241 : vector<16xf32>
        %mul3A_396 = arith.mulf %bitcast3A_363, %gather3A_61 : vector<16xf32>
        %mul3A_397 = arith.mulf %bitcast3A_379, %gather3A_157 : vector<16xf32>
        %add3A_398 = arith.addf %mul3A_396, %mul3A_397 : vector<16xf32>
        %add3A_399 = arith.addf %add3A_398, %gather3A_253 : vector<16xf32>
        %mul3A_400 = arith.mulf %bitcast3A_363, %gather3A_73 : vector<16xf32>
        %mul3A_401 = arith.mulf %bitcast3A_379, %gather3A_169 : vector<16xf32>
        %add3A_402 = arith.addf %mul3A_400, %mul3A_401 : vector<16xf32>
        %add3A_403 = arith.addf %add3A_402, %gather3A_265 : vector<16xf32>
        %mul3A_404 = arith.mulf %bitcast3A_363, %gather3A_85 : vector<16xf32>
        %mul3A_405 = arith.mulf %bitcast3A_379, %gather3A_181 : vector<16xf32>
        %add3A_406 = arith.addf %mul3A_404, %mul3A_405 : vector<16xf32>
        %add3A_407 = arith.addf %add3A_406, %gather3A_277 : vector<16xf32>
        %mul3A_408 = arith.mulf %bitcast3A_363, %gather3A_97 : vector<16xf32>
        %mul3A_409 = arith.mulf %bitcast3A_379, %gather3A_193 : vector<16xf32>
        %add3A_410 = arith.addf %mul3A_408, %mul3A_409 : vector<16xf32>
        %add3A_411 = arith.addf %add3A_410, %gather3A_289 : vector<16xf32>
        %max3A = arith.maximumf %add3A_383, %add3A_387 : vector<16xf32>
        %max3A_412 = arith.maximumf %max3A, %add3A_391 : vector<16xf32>
        %max3A_413 = arith.maximumf %max3A_412, %add3A_395 : vector<16xf32>
        %max3A_414 = arith.maximumf %max3A_413, %add3A_399 : vector<16xf32>
        %max3A_415 = arith.maximumf %max3A_414, %add3A_403 : vector<16xf32>
        %max3A_416 = arith.maximumf %max3A_415, %add3A_407 : vector<16xf32>
        %max3A_417 = arith.maximumf %max3A_416, %add3A_411 : vector<16xf32>
        %broadcast_in_dim3A_418 = arith.constant 8 : i32
        %broadcast_in_dim3A_419 = vector.broadcast %broadcast_in_dim3A_418 : i32 to vector<16xi32>
        %eq3A = arith.cmpf oeq, %add3A_383, %max3A_417 : vector<16xf32>
        %broadcast_in_dim3A_420 = arith.constant 0 : i32
        %broadcast_in_dim3A_421 = vector.broadcast %broadcast_in_dim3A_420 : i32 to vector<16xi32>
        %jit3A = arith.constant 8 : i32
        %broadcast_in_dim3A_422 = vector.broadcast %jit3A : i32 to vector<16xi32>
        %select_n3A_423 = arith.select %eq3A, %broadcast_in_dim3A_421, %broadcast_in_dim3A_422 : vector<16xi1>, vector<16xi32>
        %min3A = arith.minsi %broadcast_in_dim3A_419, %select_n3A_423 : vector<16xi32>
        %eq3A_424 = arith.cmpf oeq, %add3A_387, %max3A_417 : vector<16xf32>
        %broadcast_in_dim3A_425 = arith.constant 1 : i32
        %broadcast_in_dim3A_426 = vector.broadcast %broadcast_in_dim3A_425 : i32 to vector<16xi32>
        %jit3A_427 = arith.constant 8 : i32
        %broadcast_in_dim3A_428 = vector.broadcast %jit3A_427 : i32 to vector<16xi32>
        %select_n3A_429 = arith.select %eq3A_424, %broadcast_in_dim3A_426, %broadcast_in_dim3A_428 : vector<16xi1>, vector<16xi32>
        %min3A_430 = arith.minsi %min3A, %select_n3A_429 : vector<16xi32>
        %eq3A_431 = arith.cmpf oeq, %add3A_391, %max3A_417 : vector<16xf32>
        %broadcast_in_dim3A_432 = arith.constant 2 : i32
        %broadcast_in_dim3A_433 = vector.broadcast %broadcast_in_dim3A_432 : i32 to vector<16xi32>
        %jit3A_434 = arith.constant 8 : i32
        %broadcast_in_dim3A_435 = vector.broadcast %jit3A_434 : i32 to vector<16xi32>
        %select_n3A_436 = arith.select %eq3A_431, %broadcast_in_dim3A_433, %broadcast_in_dim3A_435 : vector<16xi1>, vector<16xi32>
        %min3A_437 = arith.minsi %min3A_430, %select_n3A_436 : vector<16xi32>
        %eq3A_438 = arith.cmpf oeq, %add3A_395, %max3A_417 : vector<16xf32>
        %broadcast_in_dim3A_439 = arith.constant 3 : i32
        %broadcast_in_dim3A_440 = vector.broadcast %broadcast_in_dim3A_439 : i32 to vector<16xi32>
        %jit3A_441 = arith.constant 8 : i32
        %broadcast_in_dim3A_442 = vector.broadcast %jit3A_441 : i32 to vector<16xi32>
        %select_n3A_443 = arith.select %eq3A_438, %broadcast_in_dim3A_440, %broadcast_in_dim3A_442 : vector<16xi1>, vector<16xi32>
        %min3A_444 = arith.minsi %min3A_437, %select_n3A_443 : vector<16xi32>
        %eq3A_445 = arith.cmpf oeq, %add3A_399, %max3A_417 : vector<16xf32>
        %broadcast_in_dim3A_446 = arith.constant 4 : i32
        %broadcast_in_dim3A_447 = vector.broadcast %broadcast_in_dim3A_446 : i32 to vector<16xi32>
        %jit3A_448 = arith.constant 8 : i32
        %broadcast_in_dim3A_449 = vector.broadcast %jit3A_448 : i32 to vector<16xi32>
        %select_n3A_450 = arith.select %eq3A_445, %broadcast_in_dim3A_447, %broadcast_in_dim3A_449 : vector<16xi1>, vector<16xi32>
        %min3A_451 = arith.minsi %min3A_444, %select_n3A_450 : vector<16xi32>
        %eq3A_452 = arith.cmpf oeq, %add3A_403, %max3A_417 : vector<16xf32>
        %broadcast_in_dim3A_453 = arith.constant 5 : i32
        %broadcast_in_dim3A_454 = vector.broadcast %broadcast_in_dim3A_453 : i32 to vector<16xi32>
        %jit3A_455 = arith.constant 8 : i32
        %broadcast_in_dim3A_456 = vector.broadcast %jit3A_455 : i32 to vector<16xi32>
        %select_n3A_457 = arith.select %eq3A_452, %broadcast_in_dim3A_454, %broadcast_in_dim3A_456 : vector<16xi1>, vector<16xi32>
        %min3A_458 = arith.minsi %min3A_451, %select_n3A_457 : vector<16xi32>
        %eq3A_459 = arith.cmpf oeq, %add3A_407, %max3A_417 : vector<16xf32>
        %broadcast_in_dim3A_460 = arith.constant 6 : i32
        %broadcast_in_dim3A_461 = vector.broadcast %broadcast_in_dim3A_460 : i32 to vector<16xi32>
        %jit3A_462 = arith.constant 8 : i32
        %broadcast_in_dim3A_463 = vector.broadcast %jit3A_462 : i32 to vector<16xi32>
        %select_n3A_464 = arith.select %eq3A_459, %broadcast_in_dim3A_461, %broadcast_in_dim3A_463 : vector<16xi1>, vector<16xi32>
        %min3A_465 = arith.minsi %min3A_458, %select_n3A_464 : vector<16xi32>
        %eq3A_466 = arith.cmpf oeq, %add3A_411, %max3A_417 : vector<16xf32>
        %broadcast_in_dim3A_467 = arith.constant 7 : i32
        %broadcast_in_dim3A_468 = vector.broadcast %broadcast_in_dim3A_467 : i32 to vector<16xi32>
        %jit3A_469 = arith.constant 8 : i32
        %broadcast_in_dim3A_470 = vector.broadcast %jit3A_469 : i32 to vector<16xi32>
        %select_n3A_471 = arith.select %eq3A_466, %broadcast_in_dim3A_468, %broadcast_in_dim3A_470 : vector<16xi1>, vector<16xi32>
        %min3A_472 = arith.minsi %min3A_465, %select_n3A_471 : vector<16xi32>
        %broadcast_in_dim3A_473 = arith.constant -3.40282347E+38 : f32
        %broadcast_in_dim3A_474 = vector.broadcast %broadcast_in_dim3A_473 : f32 to vector<16xf32>
        %eq3A_475 = arith.constant 0 : i32
        %eq3A_476 = vector.broadcast %eq3A_475 : i32 to vector<16xi32>
        %eq3A_477 = arith.cmpi eq, %min3A_472, %eq3A_476 : vector<16xi32>
        %jit3A_478 = arith.constant -3.40282347E+38 : f32
        %broadcast_in_dim3A_479 = vector.broadcast %jit3A_478 : f32 to vector<16xf32>
        %select_n3A_480 = arith.select %eq3A_477, %broadcast_in_dim3A_479, %add3A_383 : vector<16xi1>, vector<16xf32>
        %max3A_481 = arith.maximumf %broadcast_in_dim3A_474, %select_n3A_480 : vector<16xf32>
        %eq3A_482 = arith.constant 1 : i32
        %eq3A_483 = vector.broadcast %eq3A_482 : i32 to vector<16xi32>
        %eq3A_484 = arith.cmpi eq, %min3A_472, %eq3A_483 : vector<16xi32>
        %jit3A_485 = arith.constant -3.40282347E+38 : f32
        %broadcast_in_dim3A_486 = vector.broadcast %jit3A_485 : f32 to vector<16xf32>
        %select_n3A_487 = arith.select %eq3A_484, %broadcast_in_dim3A_486, %add3A_387 : vector<16xi1>, vector<16xf32>
        %max3A_488 = arith.maximumf %max3A_481, %select_n3A_487 : vector<16xf32>
        %eq3A_489 = arith.constant 2 : i32
        %eq3A_490 = vector.broadcast %eq3A_489 : i32 to vector<16xi32>
        %eq3A_491 = arith.cmpi eq, %min3A_472, %eq3A_490 : vector<16xi32>
        %jit3A_492 = arith.constant -3.40282347E+38 : f32
        %broadcast_in_dim3A_493 = vector.broadcast %jit3A_492 : f32 to vector<16xf32>
        %select_n3A_494 = arith.select %eq3A_491, %broadcast_in_dim3A_493, %add3A_391 : vector<16xi1>, vector<16xf32>
        %max3A_495 = arith.maximumf %max3A_488, %select_n3A_494 : vector<16xf32>
        %eq3A_496 = arith.constant 3 : i32
        %eq3A_497 = vector.broadcast %eq3A_496 : i32 to vector<16xi32>
        %eq3A_498 = arith.cmpi eq, %min3A_472, %eq3A_497 : vector<16xi32>
        %jit3A_499 = arith.constant -3.40282347E+38 : f32
        %broadcast_in_dim3A_500 = vector.broadcast %jit3A_499 : f32 to vector<16xf32>
        %select_n3A_501 = arith.select %eq3A_498, %broadcast_in_dim3A_500, %add3A_395 : vector<16xi1>, vector<16xf32>
        %max3A_502 = arith.maximumf %max3A_495, %select_n3A_501 : vector<16xf32>
        %eq3A_503 = arith.constant 4 : i32
        %eq3A_504 = vector.broadcast %eq3A_503 : i32 to vector<16xi32>
        %eq3A_505 = arith.cmpi eq, %min3A_472, %eq3A_504 : vector<16xi32>
        %jit3A_506 = arith.constant -3.40282347E+38 : f32
        %broadcast_in_dim3A_507 = vector.broadcast %jit3A_506 : f32 to vector<16xf32>
        %select_n3A_508 = arith.select %eq3A_505, %broadcast_in_dim3A_507, %add3A_399 : vector<16xi1>, vector<16xf32>
        %max3A_509 = arith.maximumf %max3A_502, %select_n3A_508 : vector<16xf32>
        %eq3A_510 = arith.constant 5 : i32
        %eq3A_511 = vector.broadcast %eq3A_510 : i32 to vector<16xi32>
        %eq3A_512 = arith.cmpi eq, %min3A_472, %eq3A_511 : vector<16xi32>
        %jit3A_513 = arith.constant -3.40282347E+38 : f32
        %broadcast_in_dim3A_514 = vector.broadcast %jit3A_513 : f32 to vector<16xf32>
        %select_n3A_515 = arith.select %eq3A_512, %broadcast_in_dim3A_514, %add3A_403 : vector<16xi1>, vector<16xf32>
        %max3A_516 = arith.maximumf %max3A_509, %select_n3A_515 : vector<16xf32>
        %eq3A_517 = arith.constant 6 : i32
        %eq3A_518 = vector.broadcast %eq3A_517 : i32 to vector<16xi32>
        %eq3A_519 = arith.cmpi eq, %min3A_472, %eq3A_518 : vector<16xi32>
        %jit3A_520 = arith.constant -3.40282347E+38 : f32
        %broadcast_in_dim3A_521 = vector.broadcast %jit3A_520 : f32 to vector<16xf32>
        %select_n3A_522 = arith.select %eq3A_519, %broadcast_in_dim3A_521, %add3A_407 : vector<16xi1>, vector<16xf32>
        %max3A_523 = arith.maximumf %max3A_516, %select_n3A_522 : vector<16xf32>
        %eq3A_524 = arith.constant 7 : i32
        %eq3A_525 = vector.broadcast %eq3A_524 : i32 to vector<16xi32>
        %eq3A_526 = arith.cmpi eq, %min3A_472, %eq3A_525 : vector<16xi32>
        %jit3A_527 = arith.constant -3.40282347E+38 : f32
        %broadcast_in_dim3A_528 = vector.broadcast %jit3A_527 : f32 to vector<16xf32>
        %select_n3A_529 = arith.select %eq3A_526, %broadcast_in_dim3A_528, %add3A_411 : vector<16xi1>, vector<16xf32>
        %max3A_530 = arith.maximumf %max3A_523, %select_n3A_529 : vector<16xf32>
        %broadcast_in_dim3A_531 = arith.constant 8 : i32
        %broadcast_in_dim3A_532 = vector.broadcast %broadcast_in_dim3A_531 : i32 to vector<16xi32>
        %eq3A_533 = arith.cmpf oeq, %add3A_383, %max3A_530 : vector<16xf32>
        %ne3A = arith.constant 0 : i32
        %ne3A_534 = vector.broadcast %ne3A : i32 to vector<16xi32>
        %ne3A_535 = arith.cmpi ne, %min3A_472, %ne3A_534 : vector<16xi32>
        %and3A_536 = arith.andi %eq3A_533, %ne3A_535 : vector<16xi1>
        %broadcast_in_dim3A_537 = arith.constant 0 : i32
        %broadcast_in_dim3A_538 = vector.broadcast %broadcast_in_dim3A_537 : i32 to vector<16xi32>
        %jit3A_539 = arith.constant 8 : i32
        %broadcast_in_dim3A_540 = vector.broadcast %jit3A_539 : i32 to vector<16xi32>
        %select_n3A_541 = arith.select %and3A_536, %broadcast_in_dim3A_538, %broadcast_in_dim3A_540 : vector<16xi1>, vector<16xi32>
        %min3A_542 = arith.minsi %broadcast_in_dim3A_532, %select_n3A_541 : vector<16xi32>
        %eq3A_543 = arith.cmpf oeq, %add3A_387, %max3A_530 : vector<16xf32>
        %ne3A_544 = arith.constant 1 : i32
        %ne3A_545 = vector.broadcast %ne3A_544 : i32 to vector<16xi32>
        %ne3A_546 = arith.cmpi ne, %min3A_472, %ne3A_545 : vector<16xi32>
        %and3A_547 = arith.andi %eq3A_543, %ne3A_546 : vector<16xi1>
        %broadcast_in_dim3A_548 = arith.constant 1 : i32
        %broadcast_in_dim3A_549 = vector.broadcast %broadcast_in_dim3A_548 : i32 to vector<16xi32>
        %jit3A_550 = arith.constant 8 : i32
        %broadcast_in_dim3A_551 = vector.broadcast %jit3A_550 : i32 to vector<16xi32>
        %select_n3A_552 = arith.select %and3A_547, %broadcast_in_dim3A_549, %broadcast_in_dim3A_551 : vector<16xi1>, vector<16xi32>
        %min3A_553 = arith.minsi %min3A_542, %select_n3A_552 : vector<16xi32>
        %eq3A_554 = arith.cmpf oeq, %add3A_391, %max3A_530 : vector<16xf32>
        %ne3A_555 = arith.constant 2 : i32
        %ne3A_556 = vector.broadcast %ne3A_555 : i32 to vector<16xi32>
        %ne3A_557 = arith.cmpi ne, %min3A_472, %ne3A_556 : vector<16xi32>
        %and3A_558 = arith.andi %eq3A_554, %ne3A_557 : vector<16xi1>
        %broadcast_in_dim3A_559 = arith.constant 2 : i32
        %broadcast_in_dim3A_560 = vector.broadcast %broadcast_in_dim3A_559 : i32 to vector<16xi32>
        %jit3A_561 = arith.constant 8 : i32
        %broadcast_in_dim3A_562 = vector.broadcast %jit3A_561 : i32 to vector<16xi32>
        %select_n3A_563 = arith.select %and3A_558, %broadcast_in_dim3A_560, %broadcast_in_dim3A_562 : vector<16xi1>, vector<16xi32>
        %min3A_564 = arith.minsi %min3A_553, %select_n3A_563 : vector<16xi32>
        %eq3A_565 = arith.cmpf oeq, %add3A_395, %max3A_530 : vector<16xf32>
        %ne3A_566 = arith.constant 3 : i32
        %ne3A_567 = vector.broadcast %ne3A_566 : i32 to vector<16xi32>
        %ne3A_568 = arith.cmpi ne, %min3A_472, %ne3A_567 : vector<16xi32>
        %and3A_569 = arith.andi %eq3A_565, %ne3A_568 : vector<16xi1>
        %broadcast_in_dim3A_570 = arith.constant 3 : i32
        %broadcast_in_dim3A_571 = vector.broadcast %broadcast_in_dim3A_570 : i32 to vector<16xi32>
        %jit3A_572 = arith.constant 8 : i32
        %broadcast_in_dim3A_573 = vector.broadcast %jit3A_572 : i32 to vector<16xi32>
        %select_n3A_574 = arith.select %and3A_569, %broadcast_in_dim3A_571, %broadcast_in_dim3A_573 : vector<16xi1>, vector<16xi32>
        %min3A_575 = arith.minsi %min3A_564, %select_n3A_574 : vector<16xi32>
        %eq3A_576 = arith.cmpf oeq, %add3A_399, %max3A_530 : vector<16xf32>
        %ne3A_577 = arith.constant 4 : i32
        %ne3A_578 = vector.broadcast %ne3A_577 : i32 to vector<16xi32>
        %ne3A_579 = arith.cmpi ne, %min3A_472, %ne3A_578 : vector<16xi32>
        %and3A_580 = arith.andi %eq3A_576, %ne3A_579 : vector<16xi1>
        %broadcast_in_dim3A_581 = arith.constant 4 : i32
        %broadcast_in_dim3A_582 = vector.broadcast %broadcast_in_dim3A_581 : i32 to vector<16xi32>
        %jit3A_583 = arith.constant 8 : i32
        %broadcast_in_dim3A_584 = vector.broadcast %jit3A_583 : i32 to vector<16xi32>
        %select_n3A_585 = arith.select %and3A_580, %broadcast_in_dim3A_582, %broadcast_in_dim3A_584 : vector<16xi1>, vector<16xi32>
        %min3A_586 = arith.minsi %min3A_575, %select_n3A_585 : vector<16xi32>
        %eq3A_587 = arith.cmpf oeq, %add3A_403, %max3A_530 : vector<16xf32>
        %ne3A_588 = arith.constant 5 : i32
        %ne3A_589 = vector.broadcast %ne3A_588 : i32 to vector<16xi32>
        %ne3A_590 = arith.cmpi ne, %min3A_472, %ne3A_589 : vector<16xi32>
        %and3A_591 = arith.andi %eq3A_587, %ne3A_590 : vector<16xi1>
        %broadcast_in_dim3A_592 = arith.constant 5 : i32
        %broadcast_in_dim3A_593 = vector.broadcast %broadcast_in_dim3A_592 : i32 to vector<16xi32>
        %jit3A_594 = arith.constant 8 : i32
        %broadcast_in_dim3A_595 = vector.broadcast %jit3A_594 : i32 to vector<16xi32>
        %select_n3A_596 = arith.select %and3A_591, %broadcast_in_dim3A_593, %broadcast_in_dim3A_595 : vector<16xi1>, vector<16xi32>
        %min3A_597 = arith.minsi %min3A_586, %select_n3A_596 : vector<16xi32>
        %eq3A_598 = arith.cmpf oeq, %add3A_407, %max3A_530 : vector<16xf32>
        %ne3A_599 = arith.constant 6 : i32
        %ne3A_600 = vector.broadcast %ne3A_599 : i32 to vector<16xi32>
        %ne3A_601 = arith.cmpi ne, %min3A_472, %ne3A_600 : vector<16xi32>
        %and3A_602 = arith.andi %eq3A_598, %ne3A_601 : vector<16xi1>
        %broadcast_in_dim3A_603 = arith.constant 6 : i32
        %broadcast_in_dim3A_604 = vector.broadcast %broadcast_in_dim3A_603 : i32 to vector<16xi32>
        %jit3A_605 = arith.constant 8 : i32
        %broadcast_in_dim3A_606 = vector.broadcast %jit3A_605 : i32 to vector<16xi32>
        %select_n3A_607 = arith.select %and3A_602, %broadcast_in_dim3A_604, %broadcast_in_dim3A_606 : vector<16xi1>, vector<16xi32>
        %min3A_608 = arith.minsi %min3A_597, %select_n3A_607 : vector<16xi32>
        %eq3A_609 = arith.cmpf oeq, %add3A_411, %max3A_530 : vector<16xf32>
        %ne3A_610 = arith.constant 7 : i32
        %ne3A_611 = vector.broadcast %ne3A_610 : i32 to vector<16xi32>
        %ne3A_612 = arith.cmpi ne, %min3A_472, %ne3A_611 : vector<16xi32>
        %and3A_613 = arith.andi %eq3A_609, %ne3A_612 : vector<16xi1>
        %broadcast_in_dim3A_614 = arith.constant 7 : i32
        %broadcast_in_dim3A_615 = vector.broadcast %broadcast_in_dim3A_614 : i32 to vector<16xi32>
        %jit3A_616 = arith.constant 8 : i32
        %broadcast_in_dim3A_617 = vector.broadcast %jit3A_616 : i32 to vector<16xi32>
        %select_n3A_618 = arith.select %and3A_613, %broadcast_in_dim3A_615, %broadcast_in_dim3A_617 : vector<16xi1>, vector<16xi32>
        %min3A_619 = arith.minsi %min3A_608, %select_n3A_618 : vector<16xi32>
        %mul3A_620 = arith.constant 16 : i32
        %mul3A_621 = arith.muli %scan3A_311, %mul3A_620 : i32
        %swap3A = arith.index_cast %mul3A_621 : i32 to index
        %swap3A_622 = tpu.vector_load %arg11[%swap3A] {strides = array<i32>} : memref<2000xi32, #tpu.memory_space<vmem>>, vector<16xi32>,
        tpu.vector_store %arg11[%swap3A], %gather3A_320 {strides = array<i32>} : memref<2000xi32, #tpu.memory_space<vmem>>, vector<16xi32>,
        %mul3A_623 = arith.constant 32 : i32
        %mul3A_624 = vector.broadcast %mul3A_623 : i32 to vector<16xi32>
        %mul3A_625 = arith.muli %gather3A_329, %mul3A_624 : vector<16xi32>
        %mul3A_626 = arith.constant 4 : i32
        %mul3A_627 = vector.broadcast %mul3A_626 : i32 to vector<16xi32>
        %mul3A_628 = arith.muli %min3A_472, %mul3A_627 : vector<16xi32>
        %add3A_629 = arith.addi %mul3A_625, %mul3A_628 : vector<16xi32>
        %mul3A_630 = arith.constant 16 : i32
        %mul3A_631 = arith.muli %scan3A_311, %mul3A_630 : i32
        %swap3A_632 = arith.index_cast %mul3A_631 : i32 to index
        %swap3A_633 = tpu.vector_load %arg12[%swap3A_632] {strides = array<i32>} : memref<2000xi32, #tpu.memory_space<vmem>>, vector<16xi32>,
        tpu.vector_store %arg12[%swap3A_632], %add3A_629 {strides = array<i32>} : memref<2000xi32, #tpu.memory_space<vmem>>, vector<16xi32>,
        %mul3A_634 = arith.constant 32 : i32
        %mul3A_635 = vector.broadcast %mul3A_634 : i32 to vector<16xi32>
        %mul3A_636 = arith.muli %gather3A_329, %mul3A_635 : vector<16xi32>
        %mul3A_637 = arith.constant 4 : i32
        %mul3A_638 = vector.broadcast %mul3A_637 : i32 to vector<16xi32>
        %mul3A_639 = arith.muli %min3A_619, %mul3A_638 : vector<16xi32>
        %add3A_640 = arith.addi %mul3A_636, %mul3A_639 : vector<16xi32>
        %mul3A_641 = arith.constant 16 : i32
        %mul3A_642 = arith.muli %scan3A_311, %mul3A_641 : i32
        %swap3A_643 = arith.index_cast %mul3A_642 : i32 to index
        %swap3A_644 = tpu.vector_load %arg13[%swap3A_643] {strides = array<i32>} : memref<2000xi32, #tpu.memory_space<vmem>>, vector<16xi32>,
        tpu.vector_store %arg13[%swap3A_643], %add3A_640 {strides = array<i32>} : memref<2000xi32, #tpu.memory_space<vmem>>, vector<16xi32>,
        %scan3A_645 = arith.constant 0 : i32
        scf.yield %scan3A_645 : i32
      }
      %scan3A_309 = arith.constant 125 : i32
      "tpu.region"() ({
        %run_scoped3A = tpu.sem_alloc : memref<!tpu.dma_semaphore, #tpu.memory_space<semaphore_mem>>
        %dma_start3A = tpu.memref_slice %arg5[%add3A_300] : memref<320000xi32, #tpu.memory_space<hbm>> -> memref<2000xi32, #tpu.memory_space<hbm>>
        %dma_start3A_311 = tpu.memref_slice %arg5[%add3A_300] : memref<320000xi32, #tpu.memory_space<hbm>> -> memref<2000xi32, #tpu.memory_space<hbm>>
        tpu.enqueue_dma source(%arg11 : memref<2000xi32, #tpu.memory_space<vmem>>) target(%dma_start3A_311 : memref<2000xi32, #tpu.memory_space<hbm>>) target_semaphore(%run_scoped3A : memref<!tpu.dma_semaphore, #tpu.memory_space<semaphore_mem>>)
        %dma_wait3A = tpu.memref_slice %arg5[%add3A_300] : memref<320000xi32, #tpu.memory_space<hbm>> -> memref<2000xi32, #tpu.memory_space<hbm>>
        %dma_wait3A_312 = tpu.memref_slice %arg5[%add3A_300] : memref<320000xi32, #tpu.memory_space<hbm>> -> memref<2000xi32, #tpu.memory_space<hbm>>
        tpu.wait_dma2 semaphore(%run_scoped3A : memref<!tpu.dma_semaphore, #tpu.memory_space<semaphore_mem>>) src(%arg11 : memref<2000xi32, #tpu.memory_space<vmem>>) dst(%dma_wait3A_312 : memref<2000xi32, #tpu.memory_space<hbm>>)
        tpu.yield
      }) : () -> ()
      "tpu.region"() ({
        %run_scoped3A = tpu.sem_alloc : memref<!tpu.dma_semaphore, #tpu.memory_space<semaphore_mem>>
        %dma_start3A = tpu.memref_slice %arg6[%add3A_300] : memref<320000xi32, #tpu.memory_space<hbm>> -> memref<2000xi32, #tpu.memory_space<hbm>>
        %dma_start3A_311 = tpu.memref_slice %arg6[%add3A_300] : memref<320000xi32, #tpu.memory_space<hbm>> -> memref<2000xi32, #tpu.memory_space<hbm>>
        tpu.enqueue_dma source(%arg12 : memref<2000xi32, #tpu.memory_space<vmem>>) target(%dma_start3A_311 : memref<2000xi32, #tpu.memory_space<hbm>>) target_semaphore(%run_scoped3A : memref<!tpu.dma_semaphore, #tpu.memory_space<semaphore_mem>>)
        %dma_wait3A = tpu.memref_slice %arg6[%add3A_300] : memref<320000xi32, #tpu.memory_space<hbm>> -> memref<2000xi32, #tpu.memory_space<hbm>>
        %dma_wait3A_312 = tpu.memref_slice %arg6[%add3A_300] : memref<320000xi32, #tpu.memory_space<hbm>> -> memref<2000xi32, #tpu.memory_space<hbm>>
        tpu.wait_dma2 semaphore(%run_scoped3A : memref<!tpu.dma_semaphore, #tpu.memory_space<semaphore_mem>>) src(%arg12 : memref<2000xi32, #tpu.memory_space<vmem>>) dst(%dma_wait3A_312 : memref<2000xi32, #tpu.memory_space<hbm>>)
        tpu.yield
      }) : () -> ()
      "tpu.region"() ({
        %run_scoped3A = tpu.sem_alloc : memref<!tpu.dma_semaphore, #tpu.memory_space<semaphore_mem>>
        %dma_start3A = tpu.memref_slice %arg7[%add3A_300] : memref<320000xi32, #tpu.memory_space<hbm>> -> memref<2000xi32, #tpu.memory_space<hbm>>
        %dma_start3A_311 = tpu.memref_slice %arg7[%add3A_300] : memref<320000xi32, #tpu.memory_space<hbm>> -> memref<2000xi32, #tpu.memory_space<hbm>>
        tpu.enqueue_dma source(%arg13 : memref<2000xi32, #tpu.memory_space<vmem>>) target(%dma_start3A_311 : memref<2000xi32, #tpu.memory_space<hbm>>) target_semaphore(%run_scoped3A : memref<!tpu.dma_semaphore, #tpu.memory_space<semaphore_mem>>)
        %dma_wait3A = tpu.memref_slice %arg7[%add3A_300] : memref<320000xi32, #tpu.memory_space<hbm>> -> memref<2000xi32, #tpu.memory_space<hbm>>
        %dma_wait3A_312 = tpu.memref_slice %arg7[%add3A_300] : memref<320000xi32, #tpu.memory_space<hbm>> -> memref<2000xi32, #tpu.memory_space<hbm>>
        tpu.wait_dma2 semaphore(%run_scoped3A : memref<!tpu.dma_semaphore, #tpu.memory_space<semaphore_mem>>) src(%arg13 : memref<2000xi32, #tpu.memory_space<vmem>>) dst(%dma_wait3A_312 : memref<2000xi32, #tpu.memory_space<hbm>>)
        tpu.yield
      }) : () -> ()
      %scan3A_310 = arith.constant 0 : i32
      scf.yield %scan3A_310 : i32
    }
    %scan3A_295 = arith.constant 5 : i32
    return
  }
}

#map = affine_map<(d0, d1) -> (0)>
#map1 = affine_map<(d0, d1) -> (0, 0)>
module attributes {stable_mosaic.version = 14 : i64} {
  func.func @_segmax(%arg0: i32, %arg1: i32, %arg2: memref<320000xi32, #tpu.memory_space<hbm>>, %arg3: memref<320000xi32, #tpu.memory_space<hbm>>, %arg4: memref<320000xi32, #tpu.memory_space<hbm>>, %arg5: memref<320000x32xf32, #tpu.memory_space<hbm>>, %arg6: memref<1280000xf32, #tpu.memory_space<hbm>>, %arg7: memref<20128xf32, #tpu.memory_space<vmem>>, %arg8: memref<20128xf32, #tpu.memory_space<vmem>>, %arg9: memref<8000xi32, #tpu.memory_space<vmem>>, %arg10: memref<8000xi32, #tpu.memory_space<vmem>>, %arg11: memref<8000xi32, #tpu.memory_space<vmem>>, %arg12: memref<8512xi32, #tpu.memory_space<vmem>>, %arg13: memref<8512xi32, #tpu.memory_space<vmem>>, %arg14: memref<8512xi32, #tpu.memory_space<vmem>>, %arg15: memref<256x32xf32, #tpu.memory_space<vmem>>, %arg16: memref<256x32xf32, #tpu.memory_space<vmem>>, %arg17: memref<256x32xf32, #tpu.memory_space<vmem>>, %arg18: memref<256x32xf32, #tpu.memory_space<vmem>>, %arg19: memref<!tpu.dma_semaphore, #tpu.memory_space<semaphore_mem>>, %arg20: memref<!tpu.dma_semaphore, #tpu.memory_space<semaphore_mem>>, %arg21: memref<!tpu.dma_semaphore, #tpu.memory_space<semaphore_mem>>, %arg22: memref<!tpu.dma_semaphore, #tpu.memory_space<semaphore_mem>>, %arg23: memref<!tpu.dma_semaphore, #tpu.memory_space<semaphore_mem>>) attributes {dimension_semantics = [#tpu.dimension_semantics<core_parallel>, #tpu.dimension_semantics<subcore_parallel>], iteration_bounds = array<i64: 2, 16>, scalar_prefetch = 0 : i64, scratch_operands = 17 : i64, tpu.core_type = #tpu.core_type<sc_vector_subcore>, window_params = [{transform_indices = #map}, {transform_indices = #map}, {transform_indices = #map}, {transform_indices = #map1}, {transform_indices = #map}]} {
    %mul3A = arith.constant 2 : i32
    %mul3A_0 = arith.muli %arg1, %mul3A : i32
    %add3A = arith.addi %mul3A_0, %arg0 : i32
    %jit3A = arith.constant 4 : i32
    %div3A = arith.divsi %add3A, %jit3A : i32
    %sign3A = arith.constant 0 : i32
    %sign3A_1 = arith.cmpi sgt, %add3A, %sign3A : i32
    %sign3A_2 = arith.extui %sign3A_1 : i1 to i32
    %sign3A_3 = arith.constant 0 : i32
    %sign3A_4 = arith.cmpi slt, %add3A, %sign3A_3 : i32
    %sign3A_5 = arith.extui %sign3A_4 : i1 to i32
    %sign3A_6 = arith.subi %sign3A_2, %sign3A_5 : i32
    %sign3A_7 = arith.constant 0 : i32
    %sign3A_8 = arith.cmpi sgt, %jit3A, %sign3A_7 : i32
    %sign3A_9 = arith.extui %sign3A_8 : i1 to i32
    %sign3A_10 = arith.constant 0 : i32
    %sign3A_11 = arith.cmpi slt, %jit3A, %sign3A_10 : i32
    %sign3A_12 = arith.extui %sign3A_11 : i1 to i32
    %sign3A_13 = arith.subi %sign3A_9, %sign3A_12 : i32
    %ne3A = arith.cmpi ne, %sign3A_6, %sign3A_13 : i32
    %rem3A = arith.remsi %add3A, %jit3A : i32
    %ne3A_14 = arith.constant 0 : i32
    %ne3A_15 = arith.cmpi ne, %rem3A, %ne3A_14 : i32
    %and3A = arith.andi %ne3A, %ne3A_15 : i1
    %sub3A = arith.constant 1 : i32
    %sub3A_16 = arith.subi %div3A, %sub3A : i32
    %select_n3A = arith.select %and3A, %sub3A_16, %div3A : i32
    %jit3A_17 = arith.constant 4 : i32
    %eq3A = arith.constant 0 : i32
    %eq3A_18 = arith.cmpi eq, %jit3A_17, %eq3A : i32
    %jit3A_19 = arith.constant 1 : i32
    %select_n3A_20 = arith.select %eq3A_18, %jit3A_19, %jit3A_17 : i32
    %rem3A_21 = arith.remsi %add3A, %select_n3A_20 : i32
    %ne3A_22 = arith.constant 0 : i32
    %ne3A_23 = arith.cmpi ne, %rem3A_21, %ne3A_22 : i32
    %lt3A = arith.constant 0 : i32
    %lt3A_24 = arith.cmpi slt, %rem3A_21, %lt3A : i32
    %lt3A_25 = arith.constant 0 : i32
    %lt3A_26 = arith.cmpi slt, %select_n3A_20, %lt3A_25 : i32
    %ne3A_27 = arith.xori %lt3A_24, %lt3A_26 : i1
    %and3A_28 = arith.andi %ne3A_27, %ne3A_23 : i1
    %add3A_29 = arith.addi %rem3A_21, %select_n3A_20 : i32
    %select_n3A_30 = arith.select %and3A_28, %add3A_29, %rem3A_21 : i32
    %mul3A_31 = arith.constant 1250 : i32
    %mul3A_32 = arith.muli %select_n3A, %mul3A_31 : i32
    %iota3A = tpu.iota {dimensions = array<i32: 0>} : vector<16xi32>
    %add3A_33 = arith.constant 16 : i32
    %add3A_34 = vector.broadcast %add3A_33 : i32 to vector<16xi32>
    %add3A_35 = arith.addi %iota3A, %add3A_34 : vector<16xi32>
    %broadcast_in_dim3A = arith.constant -3.40282347E+38 : f32
    %broadcast_in_dim3A_36 = vector.broadcast %broadcast_in_dim3A : f32 to vector<16xf32>
    %scan3A = arith.constant 0 : i32
    %scan3A_37 = arith.constant 0 : i32
    %scan3A_38 = arith.constant 1258 : i32
    %scan3A_39 = arith.addi %scan3A_37, %scan3A_38 : i32
    %scan3A_40 = arith.constant 1 : i32
    %scan3A_41 = scf.for %scan3A_84 = %scan3A_37 to %scan3A_39 step %scan3A_40 iter_args(%scan3A_85 = %scan3A) -> (i32)  : i32 {
      %mul3A_86 = arith.constant 16 : i32
      %mul3A_87 = arith.muli %scan3A_84, %mul3A_86 : i32
      %swap3A = arith.index_cast %mul3A_87 : i32 to index
      %swap3A_88 = tpu.vector_load %arg7[%swap3A] {strides = array<i32>} : memref<20128xf32, #tpu.memory_space<vmem>>, vector<16xf32>,
      tpu.vector_store %arg7[%swap3A], %broadcast_in_dim3A_36 {strides = array<i32>} : memref<20128xf32, #tpu.memory_space<vmem>>, vector<16xf32>,
      %mul3A_89 = arith.constant 16 : i32
      %mul3A_90 = arith.muli %scan3A_84, %mul3A_89 : i32
      %swap3A_91 = arith.index_cast %mul3A_90 : i32 to index
      %swap3A_92 = tpu.vector_load %arg8[%swap3A_91] {strides = array<i32>} : memref<20128xf32, #tpu.memory_space<vmem>>, vector<16xf32>,
      tpu.vector_store %arg8[%swap3A_91], %broadcast_in_dim3A_36 {strides = array<i32>} : memref<20128xf32, #tpu.memory_space<vmem>>, vector<16xf32>,
      %scan3A_93 = arith.constant 0 : i32
      scf.yield %scan3A_93 : i32
    }
    %scan3A_42 = arith.constant 1258 : i32
    %scan3A_43 = arith.constant 0 : i32
    %scan3A_44 = arith.constant 0 : i32
    %scan3A_45 = arith.constant 532 : i32
    %scan3A_46 = arith.addi %scan3A_44, %scan3A_45 : i32
    %scan3A_47 = arith.constant 1 : i32
    %scan3A_48 = scf.for %scan3A_84 = %scan3A_44 to %scan3A_46 step %scan3A_47 iter_args(%scan3A_85 = %scan3A_43) -> (i32)  : i32 {
      %broadcast_in_dim3A_86 = arith.constant 0 : i32
      %broadcast_in_dim3A_87 = vector.broadcast %broadcast_in_dim3A_86 : i32 to vector<16xi32>
      %mul3A_88 = arith.constant 16 : i32
      %mul3A_89 = arith.muli %scan3A_84, %mul3A_88 : i32
      %swap3A = arith.index_cast %mul3A_89 : i32 to index
      %swap3A_90 = tpu.vector_load %arg13[%swap3A] {strides = array<i32>} : memref<8512xi32, #tpu.memory_space<vmem>>, vector<16xi32>,
      tpu.vector_store %arg13[%swap3A], %broadcast_in_dim3A_87 {strides = array<i32>} : memref<8512xi32, #tpu.memory_space<vmem>>, vector<16xi32>,
      %broadcast_in_dim3A_91 = arith.constant 0 : i32
      %broadcast_in_dim3A_92 = vector.broadcast %broadcast_in_dim3A_91 : i32 to vector<16xi32>
      %mul3A_93 = arith.constant 16 : i32
      %mul3A_94 = arith.muli %scan3A_84, %mul3A_93 : i32
      %swap3A_95 = arith.index_cast %mul3A_94 : i32 to index
      %swap3A_96 = tpu.vector_load %arg14[%swap3A_95] {strides = array<i32>} : memref<8512xi32, #tpu.memory_space<vmem>>, vector<16xi32>,
      tpu.vector_store %arg14[%swap3A_95], %broadcast_in_dim3A_92 {strides = array<i32>} : memref<8512xi32, #tpu.memory_space<vmem>>, vector<16xi32>,
      %scan3A_97 = arith.constant 0 : i32
      scf.yield %scan3A_97 : i32
    }
    %scan3A_49 = arith.constant 532 : i32
    %dma_start3A = arith.constant 0 : i32
    %dma_start3A_50 = tpu.memref_slice %arg2[%dma_start3A] : memref<320000xi32, #tpu.memory_space<hbm>> -> memref<8000xi32, #tpu.memory_space<hbm>>
    %dma_start3A_51 = arith.constant 0 : i32
    %dma_start3A_52 = tpu.memref_slice %arg2[%dma_start3A_51] : memref<320000xi32, #tpu.memory_space<hbm>> -> memref<8000xi32, #tpu.memory_space<hbm>>
    tpu.enqueue_dma source(%dma_start3A_52 : memref<8000xi32, #tpu.memory_space<hbm>>) target(%arg9 : memref<8000xi32, #tpu.memory_space<vmem>>) target_semaphore(%arg21 : memref<!tpu.dma_semaphore, #tpu.memory_space<semaphore_mem>>)
    %dma_start3A_53 = arith.constant 0 : i32
    %dma_start3A_54 = tpu.memref_slice %arg3[%dma_start3A_53] : memref<320000xi32, #tpu.memory_space<hbm>> -> memref<8000xi32, #tpu.memory_space<hbm>>
    %dma_start3A_55 = arith.constant 0 : i32
    %dma_start3A_56 = tpu.memref_slice %arg3[%dma_start3A_55] : memref<320000xi32, #tpu.memory_space<hbm>> -> memref<8000xi32, #tpu.memory_space<hbm>>
    tpu.enqueue_dma source(%dma_start3A_56 : memref<8000xi32, #tpu.memory_space<hbm>>) target(%arg10 : memref<8000xi32, #tpu.memory_space<vmem>>) target_semaphore(%arg22 : memref<!tpu.dma_semaphore, #tpu.memory_space<semaphore_mem>>)
    %dma_start3A_57 = arith.constant 0 : i32
    %dma_start3A_58 = tpu.memref_slice %arg4[%dma_start3A_57] : memref<320000xi32, #tpu.memory_space<hbm>> -> memref<8000xi32, #tpu.memory_space<hbm>>
    %dma_start3A_59 = arith.constant 0 : i32
    %dma_start3A_60 = tpu.memref_slice %arg4[%dma_start3A_59] : memref<320000xi32, #tpu.memory_space<hbm>> -> memref<8000xi32, #tpu.memory_space<hbm>>
    tpu.enqueue_dma source(%dma_start3A_60 : memref<8000xi32, #tpu.memory_space<hbm>>) target(%arg11 : memref<8000xi32, #tpu.memory_space<vmem>>) target_semaphore(%arg23 : memref<!tpu.dma_semaphore, #tpu.memory_space<semaphore_mem>>)
    %scan3A_61 = arith.constant 0 : i32
    %scan3A_62 = arith.constant 0 : i32
    %scan3A_63 = arith.constant 40 : i32
    %scan3A_64 = arith.addi %scan3A_62, %scan3A_63 : i32
    %scan3A_65 = arith.constant 1 : i32
    %scan3A_66 = scf.for %scan3A_84 = %scan3A_62 to %scan3A_64 step %scan3A_65 iter_args(%scan3A_85 = %scan3A_61) -> (i32)  : i32 {
      %dma_wait3A = arith.constant 0 : i32
      %dma_wait3A_86 = tpu.memref_slice %arg2[%dma_wait3A] : memref<320000xi32, #tpu.memory_space<hbm>> -> memref<8000xi32, #tpu.memory_space<hbm>>
      %dma_wait3A_87 = arith.constant 0 : i32
      %dma_wait3A_88 = tpu.memref_slice %arg2[%dma_wait3A_87] : memref<320000xi32, #tpu.memory_space<hbm>> -> memref<8000xi32, #tpu.memory_space<hbm>>
      tpu.wait_dma2 semaphore(%arg21 : memref<!tpu.dma_semaphore, #tpu.memory_space<semaphore_mem>>) src(%dma_wait3A_88 : memref<8000xi32, #tpu.memory_space<hbm>>) dst(%arg9 : memref<8000xi32, #tpu.memory_space<vmem>>)
      %dma_wait3A_89 = arith.constant 0 : i32
      %dma_wait3A_90 = tpu.memref_slice %arg3[%dma_wait3A_89] : memref<320000xi32, #tpu.memory_space<hbm>> -> memref<8000xi32, #tpu.memory_space<hbm>>
      %dma_wait3A_91 = arith.constant 0 : i32
      %dma_wait3A_92 = tpu.memref_slice %arg3[%dma_wait3A_91] : memref<320000xi32, #tpu.memory_space<hbm>> -> memref<8000xi32, #tpu.memory_space<hbm>>
      tpu.wait_dma2 semaphore(%arg22 : memref<!tpu.dma_semaphore, #tpu.memory_space<semaphore_mem>>) src(%dma_wait3A_92 : memref<8000xi32, #tpu.memory_space<hbm>>) dst(%arg10 : memref<8000xi32, #tpu.memory_space<vmem>>)
      %dma_wait3A_93 = arith.constant 0 : i32
      %dma_wait3A_94 = tpu.memref_slice %arg4[%dma_wait3A_93] : memref<320000xi32, #tpu.memory_space<hbm>> -> memref<8000xi32, #tpu.memory_space<hbm>>
      %dma_wait3A_95 = arith.constant 0 : i32
      %dma_wait3A_96 = tpu.memref_slice %arg4[%dma_wait3A_95] : memref<320000xi32, #tpu.memory_space<hbm>> -> memref<8000xi32, #tpu.memory_space<hbm>>
      tpu.wait_dma2 semaphore(%arg23 : memref<!tpu.dma_semaphore, #tpu.memory_space<semaphore_mem>>) src(%dma_wait3A_96 : memref<8000xi32, #tpu.memory_space<hbm>>) dst(%arg11 : memref<8000xi32, #tpu.memory_space<vmem>>)
      %scan3A_97 = arith.constant 0 : i32
      %scan3A_98 = arith.constant 0 : i32
      %scan3A_99 = arith.constant 500 : i32
      %scan3A_100 = arith.addi %scan3A_98, %scan3A_99 : i32
      %scan3A_101 = arith.constant 1 : i32
      %scan3A_102 = scf.for %scan3A_466 = %scan3A_98 to %scan3A_100 step %scan3A_101 iter_args(%scan3A_467 = %scan3A_97) -> (i32)  : i32 {
        %mul3A_468 = arith.constant 16 : i32
        %mul3A_469 = arith.muli %scan3A_466, %mul3A_468 : i32
        %get3A = arith.index_cast %mul3A_469 : i32 to index
        %get3A_470 = tpu.vector_load %arg9[%get3A] {strides = array<i32>} : memref<8000xi32, #tpu.memory_space<vmem>>, vector<16xi32>,
        %ge3A = vector.broadcast %mul3A_32 : i32 to vector<16xi32>
        %ge3A_471 = arith.cmpi sge, %get3A_470, %ge3A : vector<16xi32>
        %add3A_472 = arith.constant 1250 : i32
        %add3A_473 = arith.addi %mul3A_32, %add3A_472 : i32
        %lt3A_474 = vector.broadcast %add3A_473 : i32 to vector<16xi32>
        %lt3A_475 = arith.cmpi slt, %get3A_470, %lt3A_474 : vector<16xi32>
        %and3A_476 = arith.andi %ge3A_471, %lt3A_475 : vector<16xi1>
        %sub3A_477 = vector.broadcast %mul3A_32 : i32 to vector<16xi32>
        %sub3A_478 = arith.subi %get3A_470, %sub3A_477 : vector<16xi32>
        %mul3A_479 = arith.constant 16 : i32
        %mul3A_480 = vector.broadcast %mul3A_479 : i32 to vector<16xi32>
        %mul3A_481 = arith.muli %sub3A_478, %mul3A_480 : vector<16xi32>
        %mul3A_482 = arith.constant 16 : i32
        %mul3A_483 = arith.muli %scan3A_466, %mul3A_482 : i32
        %get3A_484 = arith.index_cast %mul3A_483 : i32 to index
        %get3A_485 = tpu.vector_load %arg10[%get3A_484] {strides = array<i32>} : memref<8000xi32, #tpu.memory_space<vmem>>, vector<16xi32>,
        %add3A_486 = vector.broadcast %select_n3A_30 : i32 to vector<16xi32>
        %add3A_487 = arith.addi %get3A_485, %add3A_486 : vector<16xi32>
        %mul3A_488 = arith.constant 16 : i32
        %mul3A_489 = arith.muli %scan3A_466, %mul3A_488 : i32
        %get3A_490 = arith.index_cast %mul3A_489 : i32 to index
        %get3A_491 = tpu.vector_load %arg11[%get3A_490] {strides = array<i32>} : memref<8000xi32, #tpu.memory_space<vmem>>, vector<16xi32>,
        %add3A_492 = vector.broadcast %select_n3A_30 : i32 to vector<16xi32>
        %add3A_493 = arith.addi %get3A_491, %add3A_492 : vector<16xi32>
        %swap3A_494 = arith.index_cast %scan3A_467 : i32 to index
        %swap3A_495 = tpu.vector_load %arg12[%swap3A_494] masked %and3A_476 {strides = array<i32>} : memref<8512xi32, #tpu.memory_space<vmem>>, vector<16xi32>, vector<16xi1>
        tpu.vector_store %arg12[%swap3A_494], %mul3A_481 masked %and3A_476 {strides = array<i32>} : memref<8512xi32, #tpu.memory_space<vmem>>, vector<16xi32>, vector<16xi1>
        %swap3A_496 = arith.index_cast %scan3A_467 : i32 to index
        %swap3A_497 = tpu.vector_load %arg13[%swap3A_496] masked %and3A_476 {strides = array<i32>} : memref<8512xi32, #tpu.memory_space<vmem>>, vector<16xi32>, vector<16xi1>
        tpu.vector_store %arg13[%swap3A_496], %add3A_487 masked %and3A_476 {strides = array<i32>} : memref<8512xi32, #tpu.memory_space<vmem>>, vector<16xi32>, vector<16xi1>
        %swap3A_498 = arith.index_cast %scan3A_467 : i32 to index
        %swap3A_499 = tpu.vector_load %arg14[%swap3A_498] masked %and3A_476 {strides = array<i32>} : memref<8512xi32, #tpu.memory_space<vmem>>, vector<16xi32>, vector<16xi1>
        tpu.vector_store %arg14[%swap3A_498], %add3A_493 masked %and3A_476 {strides = array<i32>} : memref<8512xi32, #tpu.memory_space<vmem>>, vector<16xi32>, vector<16xi1>
        %convert_element_type3A_500 = arith.extui %and3A_476 : vector<16xi1> to vector<16xi32>
        %reduce_sum3A = arith.constant true
        %reduce_sum3A_501 = vector.broadcast %reduce_sum3A : i1 to vector<16xi1>
        %reduce_sum3A_502 = tpu.scan <sum>, %convert_element_type3A_500 masked %reduce_sum3A_501 : vector<16xi32>, vector<16xi1> -> vector<16xi32>
        %reduce_sum3A_503 = vector.extract %reduce_sum3A_502[15] : i32 from vector<16xi32>
        %add3A_504 = arith.addi %scan3A_467, %reduce_sum3A_503 : i32
        scf.yield %add3A_504 : i32
      }
      %scan3A_103 = arith.constant 500 : i32
      %add3A_104 = arith.constant 1 : i32
      %add3A_105 = arith.addi %scan3A_84, %add3A_104 : i32
      %lt3A_106 = arith.constant 40 : i32
      %lt3A_107 = arith.cmpi slt, %add3A_105, %lt3A_106 : i32
      %convert_element_type3A = arith.extui %lt3A_107 : i1 to i32
      %cond3A = arith.constant 0 : i32
      %cond3A_108 = arith.cmpi ne, %convert_element_type3A, %cond3A : i32
      scf.if %cond3A_108 {
        %add3A_466 = arith.constant 1 : i32
        %add3A_467 = arith.addi %scan3A_84, %add3A_466 : i32
        %mul3A_468 = arith.constant 8000 : i32
        %mul3A_469 = arith.muli %add3A_467, %mul3A_468 : i32
        %dma_start3A_470 = tpu.memref_slice %arg2[%mul3A_469] : memref<320000xi32, #tpu.memory_space<hbm>> -> memref<8000xi32, #tpu.memory_space<hbm>>
        %dma_start3A_471 = tpu.memref_slice %arg2[%mul3A_469] : memref<320000xi32, #tpu.memory_space<hbm>> -> memref<8000xi32, #tpu.memory_space<hbm>>
        tpu.enqueue_dma source(%dma_start3A_471 : memref<8000xi32, #tpu.memory_space<hbm>>) target(%arg9 : memref<8000xi32, #tpu.memory_space<vmem>>) target_semaphore(%arg21 : memref<!tpu.dma_semaphore, #tpu.memory_space<semaphore_mem>>)
        %dma_start3A_472 = tpu.memref_slice %arg3[%mul3A_469] : memref<320000xi32, #tpu.memory_space<hbm>> -> memref<8000xi32, #tpu.memory_space<hbm>>
        %dma_start3A_473 = tpu.memref_slice %arg3[%mul3A_469] : memref<320000xi32, #tpu.memory_space<hbm>> -> memref<8000xi32, #tpu.memory_space<hbm>>
        tpu.enqueue_dma source(%dma_start3A_473 : memref<8000xi32, #tpu.memory_space<hbm>>) target(%arg10 : memref<8000xi32, #tpu.memory_space<vmem>>) target_semaphore(%arg22 : memref<!tpu.dma_semaphore, #tpu.memory_space<semaphore_mem>>)
        %dma_start3A_474 = tpu.memref_slice %arg4[%mul3A_469] : memref<320000xi32, #tpu.memory_space<hbm>> -> memref<8000xi32, #tpu.memory_space<hbm>>
        %dma_start3A_475 = tpu.memref_slice %arg4[%mul3A_469] : memref<320000xi32, #tpu.memory_space<hbm>> -> memref<8000xi32, #tpu.memory_space<hbm>>
        tpu.enqueue_dma source(%dma_start3A_475 : memref<8000xi32, #tpu.memory_space<hbm>>) target(%arg11 : memref<8000xi32, #tpu.memory_space<vmem>>) target_semaphore(%arg23 : memref<!tpu.dma_semaphore, #tpu.memory_space<semaphore_mem>>)
      } else {
      }
      %broadcast_in_dim3A_109 = arith.constant 20000 : i32
      %broadcast_in_dim3A_110 = vector.broadcast %broadcast_in_dim3A_109 : i32 to vector<16xi32>
      %add3A_111 = arith.constant 0 : i32
      %add3A_112 = arith.addi %scan3A_102, %add3A_111 : i32
      %swap3A = arith.index_cast %add3A_112 : i32 to index
      %swap3A_113 = tpu.vector_load %arg12[%swap3A] {strides = array<i32>} : memref<8512xi32, #tpu.memory_space<vmem>>, vector<16xi32>,
      tpu.vector_store %arg12[%swap3A], %broadcast_in_dim3A_110 {strides = array<i32>} : memref<8512xi32, #tpu.memory_space<vmem>>, vector<16xi32>,
      %broadcast_in_dim3A_114 = arith.constant 0 : i32
      %broadcast_in_dim3A_115 = vector.broadcast %broadcast_in_dim3A_114 : i32 to vector<16xi32>
      %add3A_116 = arith.constant 0 : i32
      %add3A_117 = arith.addi %scan3A_102, %add3A_116 : i32
      %swap3A_118 = arith.index_cast %add3A_117 : i32 to index
      %swap3A_119 = tpu.vector_load %arg13[%swap3A_118] {strides = array<i32>} : memref<8512xi32, #tpu.memory_space<vmem>>, vector<16xi32>,
      tpu.vector_store %arg13[%swap3A_118], %broadcast_in_dim3A_115 {strides = array<i32>} : memref<8512xi32, #tpu.memory_space<vmem>>, vector<16xi32>,
      %broadcast_in_dim3A_120 = arith.constant 0 : i32
      %broadcast_in_dim3A_121 = vector.broadcast %broadcast_in_dim3A_120 : i32 to vector<16xi32>
      %add3A_122 = arith.constant 0 : i32
      %add3A_123 = arith.addi %scan3A_102, %add3A_122 : i32
      %swap3A_124 = arith.index_cast %add3A_123 : i32 to index
      %swap3A_125 = tpu.vector_load %arg14[%swap3A_124] {strides = array<i32>} : memref<8512xi32, #tpu.memory_space<vmem>>, vector<16xi32>,
      tpu.vector_store %arg14[%swap3A_124], %broadcast_in_dim3A_121 {strides = array<i32>} : memref<8512xi32, #tpu.memory_space<vmem>>, vector<16xi32>,
      %broadcast_in_dim3A_126 = arith.constant 20000 : i32
      %broadcast_in_dim3A_127 = vector.broadcast %broadcast_in_dim3A_126 : i32 to vector<16xi32>
      %add3A_128 = arith.constant 16 : i32
      %add3A_129 = arith.addi %scan3A_102, %add3A_128 : i32
      %swap3A_130 = arith.index_cast %add3A_129 : i32 to index
      %swap3A_131 = tpu.vector_load %arg12[%swap3A_130] {strides = array<i32>} : memref<8512xi32, #tpu.memory_space<vmem>>, vector<16xi32>,
      tpu.vector_store %arg12[%swap3A_130], %broadcast_in_dim3A_127 {strides = array<i32>} : memref<8512xi32, #tpu.memory_space<vmem>>, vector<16xi32>,
      %broadcast_in_dim3A_132 = arith.constant 0 : i32
      %broadcast_in_dim3A_133 = vector.broadcast %broadcast_in_dim3A_132 : i32 to vector<16xi32>
      %add3A_134 = arith.constant 16 : i32
      %add3A_135 = arith.addi %scan3A_102, %add3A_134 : i32
      %swap3A_136 = arith.index_cast %add3A_135 : i32 to index
      %swap3A_137 = tpu.vector_load %arg13[%swap3A_136] {strides = array<i32>} : memref<8512xi32, #tpu.memory_space<vmem>>, vector<16xi32>,
      tpu.vector_store %arg13[%swap3A_136], %broadcast_in_dim3A_133 {strides = array<i32>} : memref<8512xi32, #tpu.memory_space<vmem>>, vector<16xi32>,
      %broadcast_in_dim3A_138 = arith.constant 0 : i32
      %broadcast_in_dim3A_139 = vector.broadcast %broadcast_in_dim3A_138 : i32 to vector<16xi32>
      %add3A_140 = arith.constant 16 : i32
      %add3A_141 = arith.addi %scan3A_102, %add3A_140 : i32
      %swap3A_142 = arith.index_cast %add3A_141 : i32 to index
      %swap3A_143 = tpu.vector_load %arg14[%swap3A_142] {strides = array<i32>} : memref<8512xi32, #tpu.memory_space<vmem>>, vector<16xi32>,
      tpu.vector_store %arg14[%swap3A_142], %broadcast_in_dim3A_139 {strides = array<i32>} : memref<8512xi32, #tpu.memory_space<vmem>>, vector<16xi32>,
      %broadcast_in_dim3A_144 = arith.constant 20000 : i32
      %broadcast_in_dim3A_145 = vector.broadcast %broadcast_in_dim3A_144 : i32 to vector<16xi32>
      %add3A_146 = arith.constant 32 : i32
      %add3A_147 = arith.addi %scan3A_102, %add3A_146 : i32
      %swap3A_148 = arith.index_cast %add3A_147 : i32 to index
      %swap3A_149 = tpu.vector_load %arg12[%swap3A_148] {strides = array<i32>} : memref<8512xi32, #tpu.memory_space<vmem>>, vector<16xi32>,
      tpu.vector_store %arg12[%swap3A_148], %broadcast_in_dim3A_145 {strides = array<i32>} : memref<8512xi32, #tpu.memory_space<vmem>>, vector<16xi32>,
      %broadcast_in_dim3A_150 = arith.constant 0 : i32
      %broadcast_in_dim3A_151 = vector.broadcast %broadcast_in_dim3A_150 : i32 to vector<16xi32>
      %add3A_152 = arith.constant 32 : i32
      %add3A_153 = arith.addi %scan3A_102, %add3A_152 : i32
      %swap3A_154 = arith.index_cast %add3A_153 : i32 to index
      %swap3A_155 = tpu.vector_load %arg13[%swap3A_154] {strides = array<i32>} : memref<8512xi32, #tpu.memory_space<vmem>>, vector<16xi32>,
      tpu.vector_store %arg13[%swap3A_154], %broadcast_in_dim3A_151 {strides = array<i32>} : memref<8512xi32, #tpu.memory_space<vmem>>, vector<16xi32>,
      %broadcast_in_dim3A_156 = arith.constant 0 : i32
      %broadcast_in_dim3A_157 = vector.broadcast %broadcast_in_dim3A_156 : i32 to vector<16xi32>
      %add3A_158 = arith.constant 32 : i32
      %add3A_159 = arith.addi %scan3A_102, %add3A_158 : i32
      %swap3A_160 = arith.index_cast %add3A_159 : i32 to index
      %swap3A_161 = tpu.vector_load %arg14[%swap3A_160] {strides = array<i32>} : memref<8512xi32, #tpu.memory_space<vmem>>, vector<16xi32>,
      tpu.vector_store %arg14[%swap3A_160], %broadcast_in_dim3A_157 {strides = array<i32>} : memref<8512xi32, #tpu.memory_space<vmem>>, vector<16xi32>,
      %broadcast_in_dim3A_162 = arith.constant 20000 : i32
      %broadcast_in_dim3A_163 = vector.broadcast %broadcast_in_dim3A_162 : i32 to vector<16xi32>
      %add3A_164 = arith.constant 48 : i32
      %add3A_165 = arith.addi %scan3A_102, %add3A_164 : i32
      %swap3A_166 = arith.index_cast %add3A_165 : i32 to index
      %swap3A_167 = tpu.vector_load %arg12[%swap3A_166] {strides = array<i32>} : memref<8512xi32, #tpu.memory_space<vmem>>, vector<16xi32>,
      tpu.vector_store %arg12[%swap3A_166], %broadcast_in_dim3A_163 {strides = array<i32>} : memref<8512xi32, #tpu.memory_space<vmem>>, vector<16xi32>,
      %broadcast_in_dim3A_168 = arith.constant 0 : i32
      %broadcast_in_dim3A_169 = vector.broadcast %broadcast_in_dim3A_168 : i32 to vector<16xi32>
      %add3A_170 = arith.constant 48 : i32
      %add3A_171 = arith.addi %scan3A_102, %add3A_170 : i32
      %swap3A_172 = arith.index_cast %add3A_171 : i32 to index
      %swap3A_173 = tpu.vector_load %arg13[%swap3A_172] {strides = array<i32>} : memref<8512xi32, #tpu.memory_space<vmem>>, vector<16xi32>,
      tpu.vector_store %arg13[%swap3A_172], %broadcast_in_dim3A_169 {strides = array<i32>} : memref<8512xi32, #tpu.memory_space<vmem>>, vector<16xi32>,
      %broadcast_in_dim3A_174 = arith.constant 0 : i32
      %broadcast_in_dim3A_175 = vector.broadcast %broadcast_in_dim3A_174 : i32 to vector<16xi32>
      %add3A_176 = arith.constant 48 : i32
      %add3A_177 = arith.addi %scan3A_102, %add3A_176 : i32
      %swap3A_178 = arith.index_cast %add3A_177 : i32 to index
      %swap3A_179 = tpu.vector_load %arg14[%swap3A_178] {strides = array<i32>} : memref<8512xi32, #tpu.memory_space<vmem>>, vector<16xi32>,
      tpu.vector_store %arg14[%swap3A_178], %broadcast_in_dim3A_175 {strides = array<i32>} : memref<8512xi32, #tpu.memory_space<vmem>>, vector<16xi32>,
      %broadcast_in_dim3A_180 = arith.constant 20000 : i32
      %broadcast_in_dim3A_181 = vector.broadcast %broadcast_in_dim3A_180 : i32 to vector<16xi32>
      %add3A_182 = arith.constant 64 : i32
      %add3A_183 = arith.addi %scan3A_102, %add3A_182 : i32
      %swap3A_184 = arith.index_cast %add3A_183 : i32 to index
      %swap3A_185 = tpu.vector_load %arg12[%swap3A_184] {strides = array<i32>} : memref<8512xi32, #tpu.memory_space<vmem>>, vector<16xi32>,
      tpu.vector_store %arg12[%swap3A_184], %broadcast_in_dim3A_181 {strides = array<i32>} : memref<8512xi32, #tpu.memory_space<vmem>>, vector<16xi32>,
      %broadcast_in_dim3A_186 = arith.constant 0 : i32
      %broadcast_in_dim3A_187 = vector.broadcast %broadcast_in_dim3A_186 : i32 to vector<16xi32>
      %add3A_188 = arith.constant 64 : i32
      %add3A_189 = arith.addi %scan3A_102, %add3A_188 : i32
      %swap3A_190 = arith.index_cast %add3A_189 : i32 to index
      %swap3A_191 = tpu.vector_load %arg13[%swap3A_190] {strides = array<i32>} : memref<8512xi32, #tpu.memory_space<vmem>>, vector<16xi32>,
      tpu.vector_store %arg13[%swap3A_190], %broadcast_in_dim3A_187 {strides = array<i32>} : memref<8512xi32, #tpu.memory_space<vmem>>, vector<16xi32>,
      %broadcast_in_dim3A_192 = arith.constant 0 : i32
      %broadcast_in_dim3A_193 = vector.broadcast %broadcast_in_dim3A_192 : i32 to vector<16xi32>
      %add3A_194 = arith.constant 64 : i32
      %add3A_195 = arith.addi %scan3A_102, %add3A_194 : i32
      %swap3A_196 = arith.index_cast %add3A_195 : i32 to index
      %swap3A_197 = tpu.vector_load %arg14[%swap3A_196] {strides = array<i32>} : memref<8512xi32, #tpu.memory_space<vmem>>, vector<16xi32>,
      tpu.vector_store %arg14[%swap3A_196], %broadcast_in_dim3A_193 {strides = array<i32>} : memref<8512xi32, #tpu.memory_space<vmem>>, vector<16xi32>,
      %broadcast_in_dim3A_198 = arith.constant 20000 : i32
      %broadcast_in_dim3A_199 = vector.broadcast %broadcast_in_dim3A_198 : i32 to vector<16xi32>
      %add3A_200 = arith.constant 80 : i32
      %add3A_201 = arith.addi %scan3A_102, %add3A_200 : i32
      %swap3A_202 = arith.index_cast %add3A_201 : i32 to index
      %swap3A_203 = tpu.vector_load %arg12[%swap3A_202] {strides = array<i32>} : memref<8512xi32, #tpu.memory_space<vmem>>, vector<16xi32>,
      tpu.vector_store %arg12[%swap3A_202], %broadcast_in_dim3A_199 {strides = array<i32>} : memref<8512xi32, #tpu.memory_space<vmem>>, vector<16xi32>,
      %broadcast_in_dim3A_204 = arith.constant 0 : i32
      %broadcast_in_dim3A_205 = vector.broadcast %broadcast_in_dim3A_204 : i32 to vector<16xi32>
      %add3A_206 = arith.constant 80 : i32
      %add3A_207 = arith.addi %scan3A_102, %add3A_206 : i32
      %swap3A_208 = arith.index_cast %add3A_207 : i32 to index
      %swap3A_209 = tpu.vector_load %arg13[%swap3A_208] {strides = array<i32>} : memref<8512xi32, #tpu.memory_space<vmem>>, vector<16xi32>,
      tpu.vector_store %arg13[%swap3A_208], %broadcast_in_dim3A_205 {strides = array<i32>} : memref<8512xi32, #tpu.memory_space<vmem>>, vector<16xi32>,
      %broadcast_in_dim3A_210 = arith.constant 0 : i32
      %broadcast_in_dim3A_211 = vector.broadcast %broadcast_in_dim3A_210 : i32 to vector<16xi32>
      %add3A_212 = arith.constant 80 : i32
      %add3A_213 = arith.addi %scan3A_102, %add3A_212 : i32
      %swap3A_214 = arith.index_cast %add3A_213 : i32 to index
      %swap3A_215 = tpu.vector_load %arg14[%swap3A_214] {strides = array<i32>} : memref<8512xi32, #tpu.memory_space<vmem>>, vector<16xi32>,
      tpu.vector_store %arg14[%swap3A_214], %broadcast_in_dim3A_211 {strides = array<i32>} : memref<8512xi32, #tpu.memory_space<vmem>>, vector<16xi32>,
      %broadcast_in_dim3A_216 = arith.constant 20000 : i32
      %broadcast_in_dim3A_217 = vector.broadcast %broadcast_in_dim3A_216 : i32 to vector<16xi32>
      %add3A_218 = arith.constant 96 : i32
      %add3A_219 = arith.addi %scan3A_102, %add3A_218 : i32
      %swap3A_220 = arith.index_cast %add3A_219 : i32 to index
      %swap3A_221 = tpu.vector_load %arg12[%swap3A_220] {strides = array<i32>} : memref<8512xi32, #tpu.memory_space<vmem>>, vector<16xi32>,
      tpu.vector_store %arg12[%swap3A_220], %broadcast_in_dim3A_217 {strides = array<i32>} : memref<8512xi32, #tpu.memory_space<vmem>>, vector<16xi32>,
      %broadcast_in_dim3A_222 = arith.constant 0 : i32
      %broadcast_in_dim3A_223 = vector.broadcast %broadcast_in_dim3A_222 : i32 to vector<16xi32>
      %add3A_224 = arith.constant 96 : i32
      %add3A_225 = arith.addi %scan3A_102, %add3A_224 : i32
      %swap3A_226 = arith.index_cast %add3A_225 : i32 to index
      %swap3A_227 = tpu.vector_load %arg13[%swap3A_226] {strides = array<i32>} : memref<8512xi32, #tpu.memory_space<vmem>>, vector<16xi32>,
      tpu.vector_store %arg13[%swap3A_226], %broadcast_in_dim3A_223 {strides = array<i32>} : memref<8512xi32, #tpu.memory_space<vmem>>, vector<16xi32>,
      %broadcast_in_dim3A_228 = arith.constant 0 : i32
      %broadcast_in_dim3A_229 = vector.broadcast %broadcast_in_dim3A_228 : i32 to vector<16xi32>
      %add3A_230 = arith.constant 96 : i32
      %add3A_231 = arith.addi %scan3A_102, %add3A_230 : i32
      %swap3A_232 = arith.index_cast %add3A_231 : i32 to index
      %swap3A_233 = tpu.vector_load %arg14[%swap3A_232] {strides = array<i32>} : memref<8512xi32, #tpu.memory_space<vmem>>, vector<16xi32>,
      tpu.vector_store %arg14[%swap3A_232], %broadcast_in_dim3A_229 {strides = array<i32>} : memref<8512xi32, #tpu.memory_space<vmem>>, vector<16xi32>,
      %broadcast_in_dim3A_234 = arith.constant 20000 : i32
      %broadcast_in_dim3A_235 = vector.broadcast %broadcast_in_dim3A_234 : i32 to vector<16xi32>
      %add3A_236 = arith.constant 112 : i32
      %add3A_237 = arith.addi %scan3A_102, %add3A_236 : i32
      %swap3A_238 = arith.index_cast %add3A_237 : i32 to index
      %swap3A_239 = tpu.vector_load %arg12[%swap3A_238] {strides = array<i32>} : memref<8512xi32, #tpu.memory_space<vmem>>, vector<16xi32>,
      tpu.vector_store %arg12[%swap3A_238], %broadcast_in_dim3A_235 {strides = array<i32>} : memref<8512xi32, #tpu.memory_space<vmem>>, vector<16xi32>,
      %broadcast_in_dim3A_240 = arith.constant 0 : i32
      %broadcast_in_dim3A_241 = vector.broadcast %broadcast_in_dim3A_240 : i32 to vector<16xi32>
      %add3A_242 = arith.constant 112 : i32
      %add3A_243 = arith.addi %scan3A_102, %add3A_242 : i32
      %swap3A_244 = arith.index_cast %add3A_243 : i32 to index
      %swap3A_245 = tpu.vector_load %arg13[%swap3A_244] {strides = array<i32>} : memref<8512xi32, #tpu.memory_space<vmem>>, vector<16xi32>,
      tpu.vector_store %arg13[%swap3A_244], %broadcast_in_dim3A_241 {strides = array<i32>} : memref<8512xi32, #tpu.memory_space<vmem>>, vector<16xi32>,
      %broadcast_in_dim3A_246 = arith.constant 0 : i32
      %broadcast_in_dim3A_247 = vector.broadcast %broadcast_in_dim3A_246 : i32 to vector<16xi32>
      %add3A_248 = arith.constant 112 : i32
      %add3A_249 = arith.addi %scan3A_102, %add3A_248 : i32
      %swap3A_250 = arith.index_cast %add3A_249 : i32 to index
      %swap3A_251 = tpu.vector_load %arg14[%swap3A_250] {strides = array<i32>} : memref<8512xi32, #tpu.memory_space<vmem>>, vector<16xi32>,
      tpu.vector_store %arg14[%swap3A_250], %broadcast_in_dim3A_247 {strides = array<i32>} : memref<8512xi32, #tpu.memory_space<vmem>>, vector<16xi32>,
      %broadcast_in_dim3A_252 = arith.constant 20000 : i32
      %broadcast_in_dim3A_253 = vector.broadcast %broadcast_in_dim3A_252 : i32 to vector<16xi32>
      %add3A_254 = arith.constant 128 : i32
      %add3A_255 = arith.addi %scan3A_102, %add3A_254 : i32
      %swap3A_256 = arith.index_cast %add3A_255 : i32 to index
      %swap3A_257 = tpu.vector_load %arg12[%swap3A_256] {strides = array<i32>} : memref<8512xi32, #tpu.memory_space<vmem>>, vector<16xi32>,
      tpu.vector_store %arg12[%swap3A_256], %broadcast_in_dim3A_253 {strides = array<i32>} : memref<8512xi32, #tpu.memory_space<vmem>>, vector<16xi32>,
      %broadcast_in_dim3A_258 = arith.constant 0 : i32
      %broadcast_in_dim3A_259 = vector.broadcast %broadcast_in_dim3A_258 : i32 to vector<16xi32>
      %add3A_260 = arith.constant 128 : i32
      %add3A_261 = arith.addi %scan3A_102, %add3A_260 : i32
      %swap3A_262 = arith.index_cast %add3A_261 : i32 to index
      %swap3A_263 = tpu.vector_load %arg13[%swap3A_262] {strides = array<i32>} : memref<8512xi32, #tpu.memory_space<vmem>>, vector<16xi32>,
      tpu.vector_store %arg13[%swap3A_262], %broadcast_in_dim3A_259 {strides = array<i32>} : memref<8512xi32, #tpu.memory_space<vmem>>, vector<16xi32>,
      %broadcast_in_dim3A_264 = arith.constant 0 : i32
      %broadcast_in_dim3A_265 = vector.broadcast %broadcast_in_dim3A_264 : i32 to vector<16xi32>
      %add3A_266 = arith.constant 128 : i32
      %add3A_267 = arith.addi %scan3A_102, %add3A_266 : i32
      %swap3A_268 = arith.index_cast %add3A_267 : i32 to index
      %swap3A_269 = tpu.vector_load %arg14[%swap3A_268] {strides = array<i32>} : memref<8512xi32, #tpu.memory_space<vmem>>, vector<16xi32>,
      tpu.vector_store %arg14[%swap3A_268], %broadcast_in_dim3A_265 {strides = array<i32>} : memref<8512xi32, #tpu.memory_space<vmem>>, vector<16xi32>,
      %broadcast_in_dim3A_270 = arith.constant 20000 : i32
      %broadcast_in_dim3A_271 = vector.broadcast %broadcast_in_dim3A_270 : i32 to vector<16xi32>
      %add3A_272 = arith.constant 144 : i32
      %add3A_273 = arith.addi %scan3A_102, %add3A_272 : i32
      %swap3A_274 = arith.index_cast %add3A_273 : i32 to index
      %swap3A_275 = tpu.vector_load %arg12[%swap3A_274] {strides = array<i32>} : memref<8512xi32, #tpu.memory_space<vmem>>, vector<16xi32>,
      tpu.vector_store %arg12[%swap3A_274], %broadcast_in_dim3A_271 {strides = array<i32>} : memref<8512xi32, #tpu.memory_space<vmem>>, vector<16xi32>,
      %broadcast_in_dim3A_276 = arith.constant 0 : i32
      %broadcast_in_dim3A_277 = vector.broadcast %broadcast_in_dim3A_276 : i32 to vector<16xi32>
      %add3A_278 = arith.constant 144 : i32
      %add3A_279 = arith.addi %scan3A_102, %add3A_278 : i32
      %swap3A_280 = arith.index_cast %add3A_279 : i32 to index
      %swap3A_281 = tpu.vector_load %arg13[%swap3A_280] {strides = array<i32>} : memref<8512xi32, #tpu.memory_space<vmem>>, vector<16xi32>,
      tpu.vector_store %arg13[%swap3A_280], %broadcast_in_dim3A_277 {strides = array<i32>} : memref<8512xi32, #tpu.memory_space<vmem>>, vector<16xi32>,
      %broadcast_in_dim3A_282 = arith.constant 0 : i32
      %broadcast_in_dim3A_283 = vector.broadcast %broadcast_in_dim3A_282 : i32 to vector<16xi32>
      %add3A_284 = arith.constant 144 : i32
      %add3A_285 = arith.addi %scan3A_102, %add3A_284 : i32
      %swap3A_286 = arith.index_cast %add3A_285 : i32 to index
      %swap3A_287 = tpu.vector_load %arg14[%swap3A_286] {strides = array<i32>} : memref<8512xi32, #tpu.memory_space<vmem>>, vector<16xi32>,
      tpu.vector_store %arg14[%swap3A_286], %broadcast_in_dim3A_283 {strides = array<i32>} : memref<8512xi32, #tpu.memory_space<vmem>>, vector<16xi32>,
      %broadcast_in_dim3A_288 = arith.constant 20000 : i32
      %broadcast_in_dim3A_289 = vector.broadcast %broadcast_in_dim3A_288 : i32 to vector<16xi32>
      %add3A_290 = arith.constant 160 : i32
      %add3A_291 = arith.addi %scan3A_102, %add3A_290 : i32
      %swap3A_292 = arith.index_cast %add3A_291 : i32 to index
      %swap3A_293 = tpu.vector_load %arg12[%swap3A_292] {strides = array<i32>} : memref<8512xi32, #tpu.memory_space<vmem>>, vector<16xi32>,
      tpu.vector_store %arg12[%swap3A_292], %broadcast_in_dim3A_289 {strides = array<i32>} : memref<8512xi32, #tpu.memory_space<vmem>>, vector<16xi32>,
      %broadcast_in_dim3A_294 = arith.constant 0 : i32
      %broadcast_in_dim3A_295 = vector.broadcast %broadcast_in_dim3A_294 : i32 to vector<16xi32>
      %add3A_296 = arith.constant 160 : i32
      %add3A_297 = arith.addi %scan3A_102, %add3A_296 : i32
      %swap3A_298 = arith.index_cast %add3A_297 : i32 to index
      %swap3A_299 = tpu.vector_load %arg13[%swap3A_298] {strides = array<i32>} : memref<8512xi32, #tpu.memory_space<vmem>>, vector<16xi32>,
      tpu.vector_store %arg13[%swap3A_298], %broadcast_in_dim3A_295 {strides = array<i32>} : memref<8512xi32, #tpu.memory_space<vmem>>, vector<16xi32>,
      %broadcast_in_dim3A_300 = arith.constant 0 : i32
      %broadcast_in_dim3A_301 = vector.broadcast %broadcast_in_dim3A_300 : i32 to vector<16xi32>
      %add3A_302 = arith.constant 160 : i32
      %add3A_303 = arith.addi %scan3A_102, %add3A_302 : i32
      %swap3A_304 = arith.index_cast %add3A_303 : i32 to index
      %swap3A_305 = tpu.vector_load %arg14[%swap3A_304] {strides = array<i32>} : memref<8512xi32, #tpu.memory_space<vmem>>, vector<16xi32>,
      tpu.vector_store %arg14[%swap3A_304], %broadcast_in_dim3A_301 {strides = array<i32>} : memref<8512xi32, #tpu.memory_space<vmem>>, vector<16xi32>,
      %broadcast_in_dim3A_306 = arith.constant 20000 : i32
      %broadcast_in_dim3A_307 = vector.broadcast %broadcast_in_dim3A_306 : i32 to vector<16xi32>
      %add3A_308 = arith.constant 176 : i32
      %add3A_309 = arith.addi %scan3A_102, %add3A_308 : i32
      %swap3A_310 = arith.index_cast %add3A_309 : i32 to index
      %swap3A_311 = tpu.vector_load %arg12[%swap3A_310] {strides = array<i32>} : memref<8512xi32, #tpu.memory_space<vmem>>, vector<16xi32>,
      tpu.vector_store %arg12[%swap3A_310], %broadcast_in_dim3A_307 {strides = array<i32>} : memref<8512xi32, #tpu.memory_space<vmem>>, vector<16xi32>,
      %broadcast_in_dim3A_312 = arith.constant 0 : i32
      %broadcast_in_dim3A_313 = vector.broadcast %broadcast_in_dim3A_312 : i32 to vector<16xi32>
      %add3A_314 = arith.constant 176 : i32
      %add3A_315 = arith.addi %scan3A_102, %add3A_314 : i32
      %swap3A_316 = arith.index_cast %add3A_315 : i32 to index
      %swap3A_317 = tpu.vector_load %arg13[%swap3A_316] {strides = array<i32>} : memref<8512xi32, #tpu.memory_space<vmem>>, vector<16xi32>,
      tpu.vector_store %arg13[%swap3A_316], %broadcast_in_dim3A_313 {strides = array<i32>} : memref<8512xi32, #tpu.memory_space<vmem>>, vector<16xi32>,
      %broadcast_in_dim3A_318 = arith.constant 0 : i32
      %broadcast_in_dim3A_319 = vector.broadcast %broadcast_in_dim3A_318 : i32 to vector<16xi32>
      %add3A_320 = arith.constant 176 : i32
      %add3A_321 = arith.addi %scan3A_102, %add3A_320 : i32
      %swap3A_322 = arith.index_cast %add3A_321 : i32 to index
      %swap3A_323 = tpu.vector_load %arg14[%swap3A_322] {strides = array<i32>} : memref<8512xi32, #tpu.memory_space<vmem>>, vector<16xi32>,
      tpu.vector_store %arg14[%swap3A_322], %broadcast_in_dim3A_319 {strides = array<i32>} : memref<8512xi32, #tpu.memory_space<vmem>>, vector<16xi32>,
      %broadcast_in_dim3A_324 = arith.constant 20000 : i32
      %broadcast_in_dim3A_325 = vector.broadcast %broadcast_in_dim3A_324 : i32 to vector<16xi32>
      %add3A_326 = arith.constant 192 : i32
      %add3A_327 = arith.addi %scan3A_102, %add3A_326 : i32
      %swap3A_328 = arith.index_cast %add3A_327 : i32 to index
      %swap3A_329 = tpu.vector_load %arg12[%swap3A_328] {strides = array<i32>} : memref<8512xi32, #tpu.memory_space<vmem>>, vector<16xi32>,
      tpu.vector_store %arg12[%swap3A_328], %broadcast_in_dim3A_325 {strides = array<i32>} : memref<8512xi32, #tpu.memory_space<vmem>>, vector<16xi32>,
      %broadcast_in_dim3A_330 = arith.constant 0 : i32
      %broadcast_in_dim3A_331 = vector.broadcast %broadcast_in_dim3A_330 : i32 to vector<16xi32>
      %add3A_332 = arith.constant 192 : i32
      %add3A_333 = arith.addi %scan3A_102, %add3A_332 : i32
      %swap3A_334 = arith.index_cast %add3A_333 : i32 to index
      %swap3A_335 = tpu.vector_load %arg13[%swap3A_334] {strides = array<i32>} : memref<8512xi32, #tpu.memory_space<vmem>>, vector<16xi32>,
      tpu.vector_store %arg13[%swap3A_334], %broadcast_in_dim3A_331 {strides = array<i32>} : memref<8512xi32, #tpu.memory_space<vmem>>, vector<16xi32>,
      %broadcast_in_dim3A_336 = arith.constant 0 : i32
      %broadcast_in_dim3A_337 = vector.broadcast %broadcast_in_dim3A_336 : i32 to vector<16xi32>
      %add3A_338 = arith.constant 192 : i32
      %add3A_339 = arith.addi %scan3A_102, %add3A_338 : i32
      %swap3A_340 = arith.index_cast %add3A_339 : i32 to index
      %swap3A_341 = tpu.vector_load %arg14[%swap3A_340] {strides = array<i32>} : memref<8512xi32, #tpu.memory_space<vmem>>, vector<16xi32>,
      tpu.vector_store %arg14[%swap3A_340], %broadcast_in_dim3A_337 {strides = array<i32>} : memref<8512xi32, #tpu.memory_space<vmem>>, vector<16xi32>,
      %broadcast_in_dim3A_342 = arith.constant 20000 : i32
      %broadcast_in_dim3A_343 = vector.broadcast %broadcast_in_dim3A_342 : i32 to vector<16xi32>
      %add3A_344 = arith.constant 208 : i32
      %add3A_345 = arith.addi %scan3A_102, %add3A_344 : i32
      %swap3A_346 = arith.index_cast %add3A_345 : i32 to index
      %swap3A_347 = tpu.vector_load %arg12[%swap3A_346] {strides = array<i32>} : memref<8512xi32, #tpu.memory_space<vmem>>, vector<16xi32>,
      tpu.vector_store %arg12[%swap3A_346], %broadcast_in_dim3A_343 {strides = array<i32>} : memref<8512xi32, #tpu.memory_space<vmem>>, vector<16xi32>,
      %broadcast_in_dim3A_348 = arith.constant 0 : i32
      %broadcast_in_dim3A_349 = vector.broadcast %broadcast_in_dim3A_348 : i32 to vector<16xi32>
      %add3A_350 = arith.constant 208 : i32
      %add3A_351 = arith.addi %scan3A_102, %add3A_350 : i32
      %swap3A_352 = arith.index_cast %add3A_351 : i32 to index
      %swap3A_353 = tpu.vector_load %arg13[%swap3A_352] {strides = array<i32>} : memref<8512xi32, #tpu.memory_space<vmem>>, vector<16xi32>,
      tpu.vector_store %arg13[%swap3A_352], %broadcast_in_dim3A_349 {strides = array<i32>} : memref<8512xi32, #tpu.memory_space<vmem>>, vector<16xi32>,
      %broadcast_in_dim3A_354 = arith.constant 0 : i32
      %broadcast_in_dim3A_355 = vector.broadcast %broadcast_in_dim3A_354 : i32 to vector<16xi32>
      %add3A_356 = arith.constant 208 : i32
      %add3A_357 = arith.addi %scan3A_102, %add3A_356 : i32
      %swap3A_358 = arith.index_cast %add3A_357 : i32 to index
      %swap3A_359 = tpu.vector_load %arg14[%swap3A_358] {strides = array<i32>} : memref<8512xi32, #tpu.memory_space<vmem>>, vector<16xi32>,
      tpu.vector_store %arg14[%swap3A_358], %broadcast_in_dim3A_355 {strides = array<i32>} : memref<8512xi32, #tpu.memory_space<vmem>>, vector<16xi32>,
      %broadcast_in_dim3A_360 = arith.constant 20000 : i32
      %broadcast_in_dim3A_361 = vector.broadcast %broadcast_in_dim3A_360 : i32 to vector<16xi32>
      %add3A_362 = arith.constant 224 : i32
      %add3A_363 = arith.addi %scan3A_102, %add3A_362 : i32
      %swap3A_364 = arith.index_cast %add3A_363 : i32 to index
      %swap3A_365 = tpu.vector_load %arg12[%swap3A_364] {strides = array<i32>} : memref<8512xi32, #tpu.memory_space<vmem>>, vector<16xi32>,
      tpu.vector_store %arg12[%swap3A_364], %broadcast_in_dim3A_361 {strides = array<i32>} : memref<8512xi32, #tpu.memory_space<vmem>>, vector<16xi32>,
      %broadcast_in_dim3A_366 = arith.constant 0 : i32
      %broadcast_in_dim3A_367 = vector.broadcast %broadcast_in_dim3A_366 : i32 to vector<16xi32>
      %add3A_368 = arith.constant 224 : i32
      %add3A_369 = arith.addi %scan3A_102, %add3A_368 : i32
      %swap3A_370 = arith.index_cast %add3A_369 : i32 to index
      %swap3A_371 = tpu.vector_load %arg13[%swap3A_370] {strides = array<i32>} : memref<8512xi32, #tpu.memory_space<vmem>>, vector<16xi32>,
      tpu.vector_store %arg13[%swap3A_370], %broadcast_in_dim3A_367 {strides = array<i32>} : memref<8512xi32, #tpu.memory_space<vmem>>, vector<16xi32>,
      %broadcast_in_dim3A_372 = arith.constant 0 : i32
      %broadcast_in_dim3A_373 = vector.broadcast %broadcast_in_dim3A_372 : i32 to vector<16xi32>
      %add3A_374 = arith.constant 224 : i32
      %add3A_375 = arith.addi %scan3A_102, %add3A_374 : i32
      %swap3A_376 = arith.index_cast %add3A_375 : i32 to index
      %swap3A_377 = tpu.vector_load %arg14[%swap3A_376] {strides = array<i32>} : memref<8512xi32, #tpu.memory_space<vmem>>, vector<16xi32>,
      tpu.vector_store %arg14[%swap3A_376], %broadcast_in_dim3A_373 {strides = array<i32>} : memref<8512xi32, #tpu.memory_space<vmem>>, vector<16xi32>,
      %broadcast_in_dim3A_378 = arith.constant 20000 : i32
      %broadcast_in_dim3A_379 = vector.broadcast %broadcast_in_dim3A_378 : i32 to vector<16xi32>
      %add3A_380 = arith.constant 240 : i32
      %add3A_381 = arith.addi %scan3A_102, %add3A_380 : i32
      %swap3A_382 = arith.index_cast %add3A_381 : i32 to index
      %swap3A_383 = tpu.vector_load %arg12[%swap3A_382] {strides = array<i32>} : memref<8512xi32, #tpu.memory_space<vmem>>, vector<16xi32>,
      tpu.vector_store %arg12[%swap3A_382], %broadcast_in_dim3A_379 {strides = array<i32>} : memref<8512xi32, #tpu.memory_space<vmem>>, vector<16xi32>,
      %broadcast_in_dim3A_384 = arith.constant 0 : i32
      %broadcast_in_dim3A_385 = vector.broadcast %broadcast_in_dim3A_384 : i32 to vector<16xi32>
      %add3A_386 = arith.constant 240 : i32
      %add3A_387 = arith.addi %scan3A_102, %add3A_386 : i32
      %swap3A_388 = arith.index_cast %add3A_387 : i32 to index
      %swap3A_389 = tpu.vector_load %arg13[%swap3A_388] {strides = array<i32>} : memref<8512xi32, #tpu.memory_space<vmem>>, vector<16xi32>,
      tpu.vector_store %arg13[%swap3A_388], %broadcast_in_dim3A_385 {strides = array<i32>} : memref<8512xi32, #tpu.memory_space<vmem>>, vector<16xi32>,
      %broadcast_in_dim3A_390 = arith.constant 0 : i32
      %broadcast_in_dim3A_391 = vector.broadcast %broadcast_in_dim3A_390 : i32 to vector<16xi32>
      %add3A_392 = arith.constant 240 : i32
      %add3A_393 = arith.addi %scan3A_102, %add3A_392 : i32
      %swap3A_394 = arith.index_cast %add3A_393 : i32 to index
      %swap3A_395 = tpu.vector_load %arg14[%swap3A_394] {strides = array<i32>} : memref<8512xi32, #tpu.memory_space<vmem>>, vector<16xi32>,
      tpu.vector_store %arg14[%swap3A_394], %broadcast_in_dim3A_391 {strides = array<i32>} : memref<8512xi32, #tpu.memory_space<vmem>>, vector<16xi32>,
      %add3A_396 = arith.constant 256 : i32
      %add3A_397 = arith.addi %scan3A_102, %add3A_396 : i32
      %sub3A_398 = arith.constant 1 : i32
      %sub3A_399 = arith.subi %add3A_397, %sub3A_398 : i32
      %jit3A_400 = arith.constant 256 : i32
      %div3A_401 = arith.divsi %sub3A_399, %jit3A_400 : i32
      %sign3A_402 = arith.constant 0 : i32
      %sign3A_403 = arith.cmpi sgt, %sub3A_399, %sign3A_402 : i32
      %sign3A_404 = arith.extui %sign3A_403 : i1 to i32
      %sign3A_405 = arith.constant 0 : i32
      %sign3A_406 = arith.cmpi slt, %sub3A_399, %sign3A_405 : i32
      %sign3A_407 = arith.extui %sign3A_406 : i1 to i32
      %sign3A_408 = arith.subi %sign3A_404, %sign3A_407 : i32
      %sign3A_409 = arith.constant 0 : i32
      %sign3A_410 = arith.cmpi sgt, %jit3A_400, %sign3A_409 : i32
      %sign3A_411 = arith.extui %sign3A_410 : i1 to i32
      %sign3A_412 = arith.constant 0 : i32
      %sign3A_413 = arith.cmpi slt, %jit3A_400, %sign3A_412 : i32
      %sign3A_414 = arith.extui %sign3A_413 : i1 to i32
      %sign3A_415 = arith.subi %sign3A_411, %sign3A_414 : i32
      %ne3A_416 = arith.cmpi ne, %sign3A_408, %sign3A_415 : i32
      %rem3A_417 = arith.remsi %sub3A_399, %jit3A_400 : i32
      %ne3A_418 = arith.constant 0 : i32
      %ne3A_419 = arith.cmpi ne, %rem3A_417, %ne3A_418 : i32
      %and3A_420 = arith.andi %ne3A_416, %ne3A_419 : i1
      %sub3A_421 = arith.constant 1 : i32
      %sub3A_422 = arith.subi %div3A_401, %sub3A_421 : i32
      %select_n3A_423 = arith.select %and3A_420, %sub3A_422, %div3A_401 : i32
      %gt3A = arith.constant 0 : i32
      %gt3A_424 = arith.cmpi sgt, %select_n3A_423, %gt3A : i32
      %convert_element_type3A_425 = arith.extui %gt3A_424 : i1 to i32
      %cond3A_426 = arith.constant 0 : i32
      %cond3A_427 = arith.cmpi ne, %convert_element_type3A_425, %cond3A_426 : i32
      scf.if %cond3A_427 {
        %dma_start3A_466 = arith.constant 0 : i32
        %dma_start3A_467 = arith.constant 0 : i32
        %dma_start3A_468 = tpu.memref_slice %arg15[%dma_start3A_466, %dma_start3A_467] : memref<256x32xf32, #tpu.memory_space<vmem>> -> memref<128x32xf32, #tpu.memory_space<vmem>>
        %dma_start3A_469 = arith.constant 0 : i32
        %dma_start3A_470 = tpu.memref_slice %arg13[%dma_start3A_469] : memref<8512xi32, #tpu.memory_space<vmem>> -> memref<128xi32, #tpu.memory_space<vmem>>
        %dma_start3A_471 = arith.constant 0 : i32
        %dma_start3A_472 = arith.constant 0 : i32
        %dma_start3A_473 = tpu.memref_slice %arg5[%dma_start3A_471, %dma_start3A_472] : memref<320000x32xf32, #tpu.memory_space<hbm>> -> memref<320000x32xf32, #tpu.memory_space<hbm>>
        tpu.enqueue_indirect_dma source(%dma_start3A_473 : memref<320000x32xf32, #tpu.memory_space<hbm>>) target(%dma_start3A_468 : memref<128x32xf32, #tpu.memory_space<vmem>>) offsets(%dma_start3A_470 : memref<128xi32, #tpu.memory_space<vmem>>) semaphore(%arg19 : memref<!tpu.dma_semaphore, #tpu.memory_space<semaphore_mem>>)
        %dma_start3A_474 = arith.constant 0 : i32
        %dma_start3A_475 = arith.constant 0 : i32
        %dma_start3A_476 = tpu.memref_slice %arg16[%dma_start3A_474, %dma_start3A_475] : memref<256x32xf32, #tpu.memory_space<vmem>> -> memref<128x32xf32, #tpu.memory_space<vmem>>
        %dma_start3A_477 = arith.constant 0 : i32
        %dma_start3A_478 = tpu.memref_slice %arg14[%dma_start3A_477] : memref<8512xi32, #tpu.memory_space<vmem>> -> memref<128xi32, #tpu.memory_space<vmem>>
        %dma_start3A_479 = arith.constant 0 : i32
        %dma_start3A_480 = arith.constant 0 : i32
        %dma_start3A_481 = tpu.memref_slice %arg5[%dma_start3A_479, %dma_start3A_480] : memref<320000x32xf32, #tpu.memory_space<hbm>> -> memref<320000x32xf32, #tpu.memory_space<hbm>>
        tpu.enqueue_indirect_dma source(%dma_start3A_481 : memref<320000x32xf32, #tpu.memory_space<hbm>>) target(%dma_start3A_476 : memref<128x32xf32, #tpu.memory_space<vmem>>) offsets(%dma_start3A_478 : memref<128xi32, #tpu.memory_space<vmem>>) semaphore(%arg19 : memref<!tpu.dma_semaphore, #tpu.memory_space<semaphore_mem>>)
        %dma_start3A_482 = arith.constant 128 : i32
        %dma_start3A_483 = arith.constant 0 : i32
        %dma_start3A_484 = tpu.memref_slice %arg15[%dma_start3A_482, %dma_start3A_483] : memref<256x32xf32, #tpu.memory_space<vmem>> -> memref<128x32xf32, #tpu.memory_space<vmem>>
        %dma_start3A_485 = arith.constant 128 : i32
        %dma_start3A_486 = tpu.memref_slice %arg13[%dma_start3A_485] : memref<8512xi32, #tpu.memory_space<vmem>> -> memref<128xi32, #tpu.memory_space<vmem>>
        %dma_start3A_487 = arith.constant 0 : i32
        %dma_start3A_488 = arith.constant 0 : i32
        %dma_start3A_489 = tpu.memref_slice %arg5[%dma_start3A_487, %dma_start3A_488] : memref<320000x32xf32, #tpu.memory_space<hbm>> -> memref<320000x32xf32, #tpu.memory_space<hbm>>
        tpu.enqueue_indirect_dma source(%dma_start3A_489 : memref<320000x32xf32, #tpu.memory_space<hbm>>) target(%dma_start3A_484 : memref<128x32xf32, #tpu.memory_space<vmem>>) offsets(%dma_start3A_486 : memref<128xi32, #tpu.memory_space<vmem>>) semaphore(%arg19 : memref<!tpu.dma_semaphore, #tpu.memory_space<semaphore_mem>>)
        %dma_start3A_490 = arith.constant 128 : i32
        %dma_start3A_491 = arith.constant 0 : i32
        %dma_start3A_492 = tpu.memref_slice %arg16[%dma_start3A_490, %dma_start3A_491] : memref<256x32xf32, #tpu.memory_space<vmem>> -> memref<128x32xf32, #tpu.memory_space<vmem>>
        %dma_start3A_493 = arith.constant 128 : i32
        %dma_start3A_494 = tpu.memref_slice %arg14[%dma_start3A_493] : memref<8512xi32, #tpu.memory_space<vmem>> -> memref<128xi32, #tpu.memory_space<vmem>>
        %dma_start3A_495 = arith.constant 0 : i32
        %dma_start3A_496 = arith.constant 0 : i32
        %dma_start3A_497 = tpu.memref_slice %arg5[%dma_start3A_495, %dma_start3A_496] : memref<320000x32xf32, #tpu.memory_space<hbm>> -> memref<320000x32xf32, #tpu.memory_space<hbm>>
        tpu.enqueue_indirect_dma source(%dma_start3A_497 : memref<320000x32xf32, #tpu.memory_space<hbm>>) target(%dma_start3A_492 : memref<128x32xf32, #tpu.memory_space<vmem>>) offsets(%dma_start3A_494 : memref<128xi32, #tpu.memory_space<vmem>>) semaphore(%arg19 : memref<!tpu.dma_semaphore, #tpu.memory_space<semaphore_mem>>)
      } else {
      }
      %add3A_428 = arith.constant 1 : i32
      %add3A_429 = arith.addi %select_n3A_423, %add3A_428 : i32
      %jit3A_430 = arith.constant 2 : i32
      %div3A_431 = arith.divsi %add3A_429, %jit3A_430 : i32
      %sign3A_432 = arith.constant 0 : i32
      %sign3A_433 = arith.cmpi sgt, %add3A_429, %sign3A_432 : i32
      %sign3A_434 = arith.extui %sign3A_433 : i1 to i32
      %sign3A_435 = arith.constant 0 : i32
      %sign3A_436 = arith.cmpi slt, %add3A_429, %sign3A_435 : i32
      %sign3A_437 = arith.extui %sign3A_436 : i1 to i32
      %sign3A_438 = arith.subi %sign3A_434, %sign3A_437 : i32
      %sign3A_439 = arith.constant 0 : i32
      %sign3A_440 = arith.cmpi sgt, %jit3A_430, %sign3A_439 : i32
      %sign3A_441 = arith.extui %sign3A_440 : i1 to i32
      %sign3A_442 = arith.constant 0 : i32
      %sign3A_443 = arith.cmpi slt, %jit3A_430, %sign3A_442 : i32
      %sign3A_444 = arith.extui %sign3A_443 : i1 to i32
      %sign3A_445 = arith.subi %sign3A_441, %sign3A_444 : i32
      %ne3A_446 = arith.cmpi ne, %sign3A_438, %sign3A_445 : i32
      %rem3A_447 = arith.remsi %add3A_429, %jit3A_430 : i32
      %ne3A_448 = arith.constant 0 : i32
      %ne3A_449 = arith.cmpi ne, %rem3A_447, %ne3A_448 : i32
      %and3A_450 = arith.andi %ne3A_446, %ne3A_449 : i1
      %sub3A_451 = arith.constant 1 : i32
      %sub3A_452 = arith.subi %div3A_431, %sub3A_451 : i32
      %select_n3A_453 = arith.select %and3A_450, %sub3A_452, %div3A_431 : i32
      %while3A = arith.constant 0 : i32
      %while3A_454 = arith.constant 0 : i32
      %while3A_455 = arith.subi %select_n3A_453, %while3A : i32
      %while3A_456 = arith.addi %while3A, %while3A_455 : i32
      %while3A_457 = arith.constant 1 : i32
      %while3A_458 = arith.divsi %while3A_455, %while3A_457 : i32
      %while3A_459 = arith.muli %while3A_458, %while3A_457 : i32
      %while3A_460 = arith.addi %while3A, %while3A_459 : i32
      %while3A_461 = arith.constant 1 : i32
      %while3A_462 = scf.for %while3A_466 = %while3A to %while3A_460 step %while3A_461 iter_args(%while3A_467 = %while3A_454) -> (i32)  : i32 {
        %mul3A_468 = arith.constant 2 : i32
        %mul3A_469 = arith.muli %while3A_466, %mul3A_468 : i32
        %lt3A_470 = arith.cmpi slt, %mul3A_469, %select_n3A_423 : i32
        %convert_element_type3A_471 = arith.extui %lt3A_470 : i1 to i32
        %cond3A_472 = arith.constant 0 : i32
        %cond3A_473 = arith.cmpi ne, %convert_element_type3A_471, %cond3A_472 : i32
        scf.if %cond3A_473 {
          %add3A_481 = arith.constant 1 : i32
          %add3A_482 = arith.addi %mul3A_469, %add3A_481 : i32
          %lt3A_483 = arith.cmpi slt, %add3A_482, %select_n3A_423 : i32
          %convert_element_type3A_484 = arith.extui %lt3A_483 : i1 to i32
          %cond3A_485 = arith.constant 0 : i32
          %cond3A_486 = arith.cmpi ne, %convert_element_type3A_484, %cond3A_485 : i32
          scf.if %cond3A_486 {
            %add3A_526 = arith.constant 1 : i32
            %add3A_527 = arith.addi %mul3A_469, %add3A_526 : i32
            %mul3A_528 = arith.constant 256 : i32
            %mul3A_529 = arith.muli %add3A_527, %mul3A_528 : i32
            %add3A_530 = arith.constant 0 : i32
            %add3A_531 = arith.addi %mul3A_529, %add3A_530 : i32
            %dma_start3A_532 = arith.constant 0 : i32
            %dma_start3A_533 = arith.constant 0 : i32
            %dma_start3A_534 = tpu.memref_slice %arg17[%dma_start3A_532, %dma_start3A_533] : memref<256x32xf32, #tpu.memory_space<vmem>> -> memref<128x32xf32, #tpu.memory_space<vmem>>
            %dma_start3A_535 = tpu.memref_slice %arg13[%add3A_531] : memref<8512xi32, #tpu.memory_space<vmem>> -> memref<128xi32, #tpu.memory_space<vmem>>
            %dma_start3A_536 = arith.constant 0 : i32
            %dma_start3A_537 = arith.constant 0 : i32
            %dma_start3A_538 = tpu.memref_slice %arg5[%dma_start3A_536, %dma_start3A_537] : memref<320000x32xf32, #tpu.memory_space<hbm>> -> memref<320000x32xf32, #tpu.memory_space<hbm>>
            tpu.enqueue_indirect_dma source(%dma_start3A_538 : memref<320000x32xf32, #tpu.memory_space<hbm>>) target(%dma_start3A_534 : memref<128x32xf32, #tpu.memory_space<vmem>>) offsets(%dma_start3A_535 : memref<128xi32, #tpu.memory_space<vmem>>) semaphore(%arg20 : memref<!tpu.dma_semaphore, #tpu.memory_space<semaphore_mem>>)
            %dma_start3A_539 = arith.constant 0 : i32
            %dma_start3A_540 = arith.constant 0 : i32
            %dma_start3A_541 = tpu.memref_slice %arg18[%dma_start3A_539, %dma_start3A_540] : memref<256x32xf32, #tpu.memory_space<vmem>> -> memref<128x32xf32, #tpu.memory_space<vmem>>
            %dma_start3A_542 = tpu.memref_slice %arg14[%add3A_531] : memref<8512xi32, #tpu.memory_space<vmem>> -> memref<128xi32, #tpu.memory_space<vmem>>
            %dma_start3A_543 = arith.constant 0 : i32
            %dma_start3A_544 = arith.constant 0 : i32
            %dma_start3A_545 = tpu.memref_slice %arg5[%dma_start3A_543, %dma_start3A_544] : memref<320000x32xf32, #tpu.memory_space<hbm>> -> memref<320000x32xf32, #tpu.memory_space<hbm>>
            tpu.enqueue_indirect_dma source(%dma_start3A_545 : memref<320000x32xf32, #tpu.memory_space<hbm>>) target(%dma_start3A_541 : memref<128x32xf32, #tpu.memory_space<vmem>>) offsets(%dma_start3A_542 : memref<128xi32, #tpu.memory_space<vmem>>) semaphore(%arg20 : memref<!tpu.dma_semaphore, #tpu.memory_space<semaphore_mem>>)
            %mul3A_546 = arith.constant 256 : i32
            %mul3A_547 = arith.muli %add3A_527, %mul3A_546 : i32
            %add3A_548 = arith.constant 128 : i32
            %add3A_549 = arith.addi %mul3A_547, %add3A_548 : i32
            %dma_start3A_550 = arith.constant 128 : i32
            %dma_start3A_551 = arith.constant 0 : i32
            %dma_start3A_552 = tpu.memref_slice %arg17[%dma_start3A_550, %dma_start3A_551] : memref<256x32xf32, #tpu.memory_space<vmem>> -> memref<128x32xf32, #tpu.memory_space<vmem>>
            %dma_start3A_553 = tpu.memref_slice %arg13[%add3A_549] : memref<8512xi32, #tpu.memory_space<vmem>> -> memref<128xi32, #tpu.memory_space<vmem>>
            %dma_start3A_554 = arith.constant 0 : i32
            %dma_start3A_555 = arith.constant 0 : i32
            %dma_start3A_556 = tpu.memref_slice %arg5[%dma_start3A_554, %dma_start3A_555] : memref<320000x32xf32, #tpu.memory_space<hbm>> -> memref<320000x32xf32, #tpu.memory_space<hbm>>
            tpu.enqueue_indirect_dma source(%dma_start3A_556 : memref<320000x32xf32, #tpu.memory_space<hbm>>) target(%dma_start3A_552 : memref<128x32xf32, #tpu.memory_space<vmem>>) offsets(%dma_start3A_553 : memref<128xi32, #tpu.memory_space<vmem>>) semaphore(%arg20 : memref<!tpu.dma_semaphore, #tpu.memory_space<semaphore_mem>>)
            %dma_start3A_557 = arith.constant 128 : i32
            %dma_start3A_558 = arith.constant 0 : i32
            %dma_start3A_559 = tpu.memref_slice %arg18[%dma_start3A_557, %dma_start3A_558] : memref<256x32xf32, #tpu.memory_space<vmem>> -> memref<128x32xf32, #tpu.memory_space<vmem>>
            %dma_start3A_560 = tpu.memref_slice %arg14[%add3A_549] : memref<8512xi32, #tpu.memory_space<vmem>> -> memref<128xi32, #tpu.memory_space<vmem>>
            %dma_start3A_561 = arith.constant 0 : i32
            %dma_start3A_562 = arith.constant 0 : i32
            %dma_start3A_563 = tpu.memref_slice %arg5[%dma_start3A_561, %dma_start3A_562] : memref<320000x32xf32, #tpu.memory_space<hbm>> -> memref<320000x32xf32, #tpu.memory_space<hbm>>
            tpu.enqueue_indirect_dma source(%dma_start3A_563 : memref<320000x32xf32, #tpu.memory_space<hbm>>) target(%dma_start3A_559 : memref<128x32xf32, #tpu.memory_space<vmem>>) offsets(%dma_start3A_560 : memref<128xi32, #tpu.memory_space<vmem>>) semaphore(%arg20 : memref<!tpu.dma_semaphore, #tpu.memory_space<semaphore_mem>>)
          } else {
          }
          %dma_wait3A_487 = arith.constant 0 : i32
          %dma_wait3A_488 = arith.constant 0 : i32
          %dma_wait3A_489 = tpu.memref_slice %arg15[%dma_wait3A_487, %dma_wait3A_488] : memref<256x32xf32, #tpu.memory_space<vmem>> -> memref<128x32xf32, #tpu.memory_space<vmem>>
          %dma_wait3A_490 = arith.constant 0 : i32
          %dma_wait3A_491 = tpu.memref_slice %arg13[%dma_wait3A_490] : memref<8512xi32, #tpu.memory_space<vmem>> -> memref<128xi32, #tpu.memory_space<vmem>>
          %dma_wait3A_492 = arith.constant 0 : i32
          %dma_wait3A_493 = arith.constant 0 : i32
          %dma_wait3A_494 = tpu.memref_slice %arg5[%dma_wait3A_492, %dma_wait3A_493] : memref<320000x32xf32, #tpu.memory_space<hbm>> -> memref<320000x32xf32, #tpu.memory_space<hbm>>
          tpu.wait_indirect_dma semaphore(%arg19 : memref<!tpu.dma_semaphore, #tpu.memory_space<semaphore_mem>>) src(%dma_wait3A_494 : memref<320000x32xf32, #tpu.memory_space<hbm>>) dst(%dma_wait3A_489 : memref<128x32xf32, #tpu.memory_space<vmem>>)
          %dma_wait3A_495 = arith.constant 0 : i32
          %dma_wait3A_496 = arith.constant 0 : i32
          %dma_wait3A_497 = tpu.memref_slice %arg16[%dma_wait3A_495, %dma_wait3A_496] : memref<256x32xf32, #tpu.memory_space<vmem>> -> memref<128x32xf32, #tpu.memory_space<vmem>>
          %dma_wait3A_498 = arith.constant 0 : i32
          %dma_wait3A_499 = tpu.memref_slice %arg14[%dma_wait3A_498] : memref<8512xi32, #tpu.memory_space<vmem>> -> memref<128xi32, #tpu.memory_space<vmem>>
          %dma_wait3A_500 = arith.constant 0 : i32
          %dma_wait3A_501 = arith.constant 0 : i32
          %dma_wait3A_502 = tpu.memref_slice %arg5[%dma_wait3A_500, %dma_wait3A_501] : memref<320000x32xf32, #tpu.memory_space<hbm>> -> memref<320000x32xf32, #tpu.memory_space<hbm>>
          tpu.wait_indirect_dma semaphore(%arg19 : memref<!tpu.dma_semaphore, #tpu.memory_space<semaphore_mem>>) src(%dma_wait3A_502 : memref<320000x32xf32, #tpu.memory_space<hbm>>) dst(%dma_wait3A_497 : memref<128x32xf32, #tpu.memory_space<vmem>>)
          %dma_wait3A_503 = arith.constant 128 : i32
          %dma_wait3A_504 = arith.constant 0 : i32
          %dma_wait3A_505 = tpu.memref_slice %arg15[%dma_wait3A_503, %dma_wait3A_504] : memref<256x32xf32, #tpu.memory_space<vmem>> -> memref<128x32xf32, #tpu.memory_space<vmem>>
          %dma_wait3A_506 = arith.constant 0 : i32
          %dma_wait3A_507 = tpu.memref_slice %arg13[%dma_wait3A_506] : memref<8512xi32, #tpu.memory_space<vmem>> -> memref<128xi32, #tpu.memory_space<vmem>>
          %dma_wait3A_508 = arith.constant 0 : i32
          %dma_wait3A_509 = arith.constant 0 : i32
          %dma_wait3A_510 = tpu.memref_slice %arg5[%dma_wait3A_508, %dma_wait3A_509] : memref<320000x32xf32, #tpu.memory_space<hbm>> -> memref<320000x32xf32, #tpu.memory_space<hbm>>
          tpu.wait_indirect_dma semaphore(%arg19 : memref<!tpu.dma_semaphore, #tpu.memory_space<semaphore_mem>>) src(%dma_wait3A_510 : memref<320000x32xf32, #tpu.memory_space<hbm>>) dst(%dma_wait3A_505 : memref<128x32xf32, #tpu.memory_space<vmem>>)
          %dma_wait3A_511 = arith.constant 128 : i32
          %dma_wait3A_512 = arith.constant 0 : i32
          %dma_wait3A_513 = tpu.memref_slice %arg16[%dma_wait3A_511, %dma_wait3A_512] : memref<256x32xf32, #tpu.memory_space<vmem>> -> memref<128x32xf32, #tpu.memory_space<vmem>>
          %dma_wait3A_514 = arith.constant 0 : i32
          %dma_wait3A_515 = tpu.memref_slice %arg14[%dma_wait3A_514] : memref<8512xi32, #tpu.memory_space<vmem>> -> memref<128xi32, #tpu.memory_space<vmem>>
          %dma_wait3A_516 = arith.constant 0 : i32
          %dma_wait3A_517 = arith.constant 0 : i32
          %dma_wait3A_518 = tpu.memref_slice %arg5[%dma_wait3A_516, %dma_wait3A_517] : memref<320000x32xf32, #tpu.memory_space<hbm>> -> memref<320000x32xf32, #tpu.memory_space<hbm>>
          tpu.wait_indirect_dma semaphore(%arg19 : memref<!tpu.dma_semaphore, #tpu.memory_space<semaphore_mem>>) src(%dma_wait3A_518 : memref<320000x32xf32, #tpu.memory_space<hbm>>) dst(%dma_wait3A_513 : memref<128x32xf32, #tpu.memory_space<vmem>>)
          %scan3A_519 = arith.constant 0 : i32
          %scan3A_520 = arith.constant 0 : i32
          %scan3A_521 = arith.constant 16 : i32
          %scan3A_522 = arith.addi %scan3A_520, %scan3A_521 : i32
          %scan3A_523 = arith.constant 1 : i32
          %scan3A_524 = scf.for %scan3A_526 = %scan3A_520 to %scan3A_522 step %scan3A_523 iter_args(%scan3A_527 = %scan3A_519) -> (i32)  : i32 {
            %mul3A_528 = arith.constant 256 : i32
            %mul3A_529 = arith.muli %mul3A_469, %mul3A_528 : i32
            %mul3A_530 = arith.constant 16 : i32
            %mul3A_531 = arith.muli %scan3A_526, %mul3A_530 : i32
            %add3A_532 = arith.addi %mul3A_529, %mul3A_531 : i32
            %get3A = arith.index_cast %add3A_532 : i32 to index
            %get3A_533 = tpu.vector_load %arg12[%get3A] {strides = array<i32>} : memref<8512xi32, #tpu.memory_space<vmem>>, vector<16xi32>,
            %broadcast_in_dim3A_534 = arith.constant 0 : i32
            %broadcast_in_dim3A_535 = vector.broadcast %broadcast_in_dim3A_534 : i32 to vector<16xi32>
            %lt3A_536 = arith.constant 0 : i32
            %lt3A_537 = vector.broadcast %lt3A_536 : i32 to vector<16xi32>
            %lt3A_538 = arith.cmpi slt, %broadcast_in_dim3A_535, %lt3A_537 : vector<16xi32>
            %add3A_539 = arith.constant 16 : i32
            %add3A_540 = vector.broadcast %add3A_539 : i32 to vector<16xi32>
            %add3A_541 = arith.addi %broadcast_in_dim3A_535, %add3A_540 : vector<16xi32>
            %select_n3A_542 = arith.select %lt3A_538, %add3A_541, %broadcast_in_dim3A_535 : vector<16xi1>, vector<16xi32>
            %broadcast_in_dim3A_543 = vector.shape_cast %select_n3A_542 : vector<16xi32> to vector<16x1xi32>
            %gather3A = vector.shape_cast %broadcast_in_dim3A_543 : vector<16x1xi32> to vector<16xi32>
            %gather3A_544 = tpu.dynamic_gather %get3A_533[%gather3A] in [0] : vector<16xi32>, vector<16xi32> -> vector<16xi32>
            %broadcast_in_dim3A_545 = arith.constant 1 : i32
            %broadcast_in_dim3A_546 = vector.broadcast %broadcast_in_dim3A_545 : i32 to vector<16xi32>
            %lt3A_547 = arith.constant 0 : i32
            %lt3A_548 = vector.broadcast %lt3A_547 : i32 to vector<16xi32>
            %lt3A_549 = arith.cmpi slt, %broadcast_in_dim3A_546, %lt3A_548 : vector<16xi32>
            %add3A_550 = arith.constant 16 : i32
            %add3A_551 = vector.broadcast %add3A_550 : i32 to vector<16xi32>
            %add3A_552 = arith.addi %broadcast_in_dim3A_546, %add3A_551 : vector<16xi32>
            %select_n3A_553 = arith.select %lt3A_549, %add3A_552, %broadcast_in_dim3A_546 : vector<16xi1>, vector<16xi32>
            %broadcast_in_dim3A_554 = vector.shape_cast %select_n3A_553 : vector<16xi32> to vector<16x1xi32>
            %gather3A_555 = vector.shape_cast %broadcast_in_dim3A_554 : vector<16x1xi32> to vector<16xi32>
            %gather3A_556 = tpu.dynamic_gather %get3A_533[%gather3A_555] in [0] : vector<16xi32>, vector<16xi32> -> vector<16xi32>
            %broadcast_in_dim3A_557 = arith.constant 2 : i32
            %broadcast_in_dim3A_558 = vector.broadcast %broadcast_in_dim3A_557 : i32 to vector<16xi32>
            %lt3A_559 = arith.constant 0 : i32
            %lt3A_560 = vector.broadcast %lt3A_559 : i32 to vector<16xi32>
            %lt3A_561 = arith.cmpi slt, %broadcast_in_dim3A_558, %lt3A_560 : vector<16xi32>
            %add3A_562 = arith.constant 16 : i32
            %add3A_563 = vector.broadcast %add3A_562 : i32 to vector<16xi32>
            %add3A_564 = arith.addi %broadcast_in_dim3A_558, %add3A_563 : vector<16xi32>
            %select_n3A_565 = arith.select %lt3A_561, %add3A_564, %broadcast_in_dim3A_558 : vector<16xi1>, vector<16xi32>
            %broadcast_in_dim3A_566 = vector.shape_cast %select_n3A_565 : vector<16xi32> to vector<16x1xi32>
            %gather3A_567 = vector.shape_cast %broadcast_in_dim3A_566 : vector<16x1xi32> to vector<16xi32>
            %gather3A_568 = tpu.dynamic_gather %get3A_533[%gather3A_567] in [0] : vector<16xi32>, vector<16xi32> -> vector<16xi32>
            %broadcast_in_dim3A_569 = arith.constant 3 : i32
            %broadcast_in_dim3A_570 = vector.broadcast %broadcast_in_dim3A_569 : i32 to vector<16xi32>
            %lt3A_571 = arith.constant 0 : i32
            %lt3A_572 = vector.broadcast %lt3A_571 : i32 to vector<16xi32>
            %lt3A_573 = arith.cmpi slt, %broadcast_in_dim3A_570, %lt3A_572 : vector<16xi32>
            %add3A_574 = arith.constant 16 : i32
            %add3A_575 = vector.broadcast %add3A_574 : i32 to vector<16xi32>
            %add3A_576 = arith.addi %broadcast_in_dim3A_570, %add3A_575 : vector<16xi32>
            %select_n3A_577 = arith.select %lt3A_573, %add3A_576, %broadcast_in_dim3A_570 : vector<16xi1>, vector<16xi32>
            %broadcast_in_dim3A_578 = vector.shape_cast %select_n3A_577 : vector<16xi32> to vector<16x1xi32>
            %gather3A_579 = vector.shape_cast %broadcast_in_dim3A_578 : vector<16x1xi32> to vector<16xi32>
            %gather3A_580 = tpu.dynamic_gather %get3A_533[%gather3A_579] in [0] : vector<16xi32>, vector<16xi32> -> vector<16xi32>
            %mul3A_581 = arith.constant 16 : i32
            %mul3A_582 = arith.muli %scan3A_526, %mul3A_581 : i32
            %add3A_583 = arith.constant 0 : i32
            %add3A_584 = arith.addi %mul3A_582, %add3A_583 : i32
            %add3A_585 = arith.constant 0 : i32
            %add3A_586 = arith.addi %add3A_584, %add3A_585 : i32
            %broadcast_in_dim3A_587 = vector.broadcast %add3A_586 : i32 to vector<16xi32>
            %mul3A_588 = arith.constant 16 : i32
            %mul3A_589 = arith.muli %scan3A_526, %mul3A_588 : i32
            %add3A_590 = arith.constant 0 : i32
            %add3A_591 = arith.addi %mul3A_589, %add3A_590 : i32
            %add3A_592 = arith.constant 1 : i32
            %add3A_593 = arith.addi %add3A_591, %add3A_592 : i32
            %broadcast_in_dim3A_594 = vector.broadcast %add3A_593 : i32 to vector<16xi32>
            %mul3A_595 = arith.constant 16 : i32
            %mul3A_596 = arith.muli %scan3A_526, %mul3A_595 : i32
            %add3A_597 = arith.constant 0 : i32
            %add3A_598 = arith.addi %mul3A_596, %add3A_597 : i32
            %add3A_599 = arith.constant 2 : i32
            %add3A_600 = arith.addi %add3A_598, %add3A_599 : i32
            %broadcast_in_dim3A_601 = vector.broadcast %add3A_600 : i32 to vector<16xi32>
            %mul3A_602 = arith.constant 16 : i32
            %mul3A_603 = arith.muli %scan3A_526, %mul3A_602 : i32
            %add3A_604 = arith.constant 0 : i32
            %add3A_605 = arith.addi %mul3A_603, %add3A_604 : i32
            %add3A_606 = arith.constant 3 : i32
            %add3A_607 = arith.addi %add3A_605, %add3A_606 : i32
            %broadcast_in_dim3A_608 = vector.broadcast %add3A_607 : i32 to vector<16xi32>
            %gather3A_609 = tpu.vector_load_idx %arg15[%broadcast_in_dim3A_587, %iota3A] : memref<256x32xf32, #tpu.memory_space<vmem>>[vector<16xi32>, vector<16xi32>], vector<16xf32>,
            %gather3A_610 = tpu.vector_load_idx %arg16[%broadcast_in_dim3A_587, %iota3A] : memref<256x32xf32, #tpu.memory_space<vmem>>[vector<16xi32>, vector<16xi32>], vector<16xf32>,
            %add3A_611 = arith.addf %gather3A_609, %gather3A_610 : vector<16xf32>
            %gather3A_612 = tpu.vector_load_idx %arg15[%broadcast_in_dim3A_594, %iota3A] : memref<256x32xf32, #tpu.memory_space<vmem>>[vector<16xi32>, vector<16xi32>], vector<16xf32>,
            %gather3A_613 = tpu.vector_load_idx %arg16[%broadcast_in_dim3A_594, %iota3A] : memref<256x32xf32, #tpu.memory_space<vmem>>[vector<16xi32>, vector<16xi32>], vector<16xf32>,
            %add3A_614 = arith.addf %gather3A_612, %gather3A_613 : vector<16xf32>
            %gather3A_615 = tpu.vector_load_idx %arg15[%broadcast_in_dim3A_601, %iota3A] : memref<256x32xf32, #tpu.memory_space<vmem>>[vector<16xi32>, vector<16xi32>], vector<16xf32>,
            %gather3A_616 = tpu.vector_load_idx %arg16[%broadcast_in_dim3A_601, %iota3A] : memref<256x32xf32, #tpu.memory_space<vmem>>[vector<16xi32>, vector<16xi32>], vector<16xf32>,
            %add3A_617 = arith.addf %gather3A_615, %gather3A_616 : vector<16xf32>
            %gather3A_618 = tpu.vector_load_idx %arg15[%broadcast_in_dim3A_608, %iota3A] : memref<256x32xf32, #tpu.memory_space<vmem>>[vector<16xi32>, vector<16xi32>], vector<16xf32>,
            %gather3A_619 = tpu.vector_load_idx %arg16[%broadcast_in_dim3A_608, %iota3A] : memref<256x32xf32, #tpu.memory_space<vmem>>[vector<16xi32>, vector<16xi32>], vector<16xf32>,
            %add3A_620 = arith.addf %gather3A_618, %gather3A_619 : vector<16xf32>
            %gather3A_621 = tpu.vector_load_idx %arg15[%broadcast_in_dim3A_587, %add3A_35] : memref<256x32xf32, #tpu.memory_space<vmem>>[vector<16xi32>, vector<16xi32>], vector<16xf32>,
            %gather3A_622 = tpu.vector_load_idx %arg16[%broadcast_in_dim3A_587, %add3A_35] : memref<256x32xf32, #tpu.memory_space<vmem>>[vector<16xi32>, vector<16xi32>], vector<16xf32>,
            %add3A_623 = arith.addf %gather3A_621, %gather3A_622 : vector<16xf32>
            %gather3A_624 = tpu.vector_load_idx %arg15[%broadcast_in_dim3A_594, %add3A_35] : memref<256x32xf32, #tpu.memory_space<vmem>>[vector<16xi32>, vector<16xi32>], vector<16xf32>,
            %gather3A_625 = tpu.vector_load_idx %arg16[%broadcast_in_dim3A_594, %add3A_35] : memref<256x32xf32, #tpu.memory_space<vmem>>[vector<16xi32>, vector<16xi32>], vector<16xf32>,
            %add3A_626 = arith.addf %gather3A_624, %gather3A_625 : vector<16xf32>
            %gather3A_627 = tpu.vector_load_idx %arg15[%broadcast_in_dim3A_601, %add3A_35] : memref<256x32xf32, #tpu.memory_space<vmem>>[vector<16xi32>, vector<16xi32>], vector<16xf32>,
            %gather3A_628 = tpu.vector_load_idx %arg16[%broadcast_in_dim3A_601, %add3A_35] : memref<256x32xf32, #tpu.memory_space<vmem>>[vector<16xi32>, vector<16xi32>], vector<16xf32>,
            %add3A_629 = arith.addf %gather3A_627, %gather3A_628 : vector<16xf32>
            %gather3A_630 = tpu.vector_load_idx %arg15[%broadcast_in_dim3A_608, %add3A_35] : memref<256x32xf32, #tpu.memory_space<vmem>>[vector<16xi32>, vector<16xi32>], vector<16xf32>,
            %gather3A_631 = tpu.vector_load_idx %arg16[%broadcast_in_dim3A_608, %add3A_35] : memref<256x32xf32, #tpu.memory_space<vmem>>[vector<16xi32>, vector<16xi32>], vector<16xf32>,
            %add3A_632 = arith.addf %gather3A_630, %gather3A_631 : vector<16xf32>
            %eq3A_633 = arith.cmpi eq, %gather3A_544, %gather3A_556 : vector<16xi32>
            %max3A = arith.maximumf %add3A_614, %add3A_611 : vector<16xf32>
            %select_n3A_634 = arith.select %eq3A_633, %max3A, %add3A_614 : vector<16xi1>, vector<16xf32>
            %max3A_635 = arith.maximumf %add3A_626, %add3A_623 : vector<16xf32>
            %select_n3A_636 = arith.select %eq3A_633, %max3A_635, %add3A_626 : vector<16xi1>, vector<16xf32>
            %eq3A_637 = arith.cmpi eq, %gather3A_544, %gather3A_568 : vector<16xi32>
            %max3A_638 = arith.maximumf %add3A_617, %add3A_611 : vector<16xf32>
            %select_n3A_639 = arith.select %eq3A_637, %max3A_638, %add3A_617 : vector<16xi1>, vector<16xf32>
            %max3A_640 = arith.maximumf %add3A_629, %add3A_623 : vector<16xf32>
            %select_n3A_641 = arith.select %eq3A_637, %max3A_640, %add3A_629 : vector<16xi1>, vector<16xf32>
            %or3A = arith.ori %eq3A_633, %eq3A_637 : vector<16xi1>
            %eq3A_642 = arith.cmpi eq, %gather3A_544, %gather3A_580 : vector<16xi32>
            %max3A_643 = arith.maximumf %add3A_620, %add3A_611 : vector<16xf32>
            %select_n3A_644 = arith.select %eq3A_642, %max3A_643, %add3A_620 : vector<16xi1>, vector<16xf32>
            %max3A_645 = arith.maximumf %add3A_632, %add3A_623 : vector<16xf32>
            %select_n3A_646 = arith.select %eq3A_642, %max3A_645, %add3A_632 : vector<16xi1>, vector<16xf32>
            %or3A_647 = arith.ori %or3A, %eq3A_642 : vector<16xi1>
            %not3A = arith.constant dense<true> : vector<16xi1>
            %not3A_648 = arith.xori %or3A_647, %not3A : vector<16xi1>
            %eq3A_649 = arith.cmpi eq, %gather3A_556, %gather3A_568 : vector<16xi32>
            %max3A_650 = arith.maximumf %select_n3A_639, %select_n3A_634 : vector<16xf32>
            %select_n3A_651 = arith.select %eq3A_649, %max3A_650, %select_n3A_639 : vector<16xi1>, vector<16xf32>
            %max3A_652 = arith.maximumf %select_n3A_641, %select_n3A_636 : vector<16xf32>
            %select_n3A_653 = arith.select %eq3A_649, %max3A_652, %select_n3A_641 : vector<16xi1>, vector<16xf32>
            %eq3A_654 = arith.cmpi eq, %gather3A_556, %gather3A_580 : vector<16xi32>
            %max3A_655 = arith.maximumf %select_n3A_644, %select_n3A_634 : vector<16xf32>
            %select_n3A_656 = arith.select %eq3A_654, %max3A_655, %select_n3A_644 : vector<16xi1>, vector<16xf32>
            %max3A_657 = arith.maximumf %select_n3A_646, %select_n3A_636 : vector<16xf32>
            %select_n3A_658 = arith.select %eq3A_654, %max3A_657, %select_n3A_646 : vector<16xi1>, vector<16xf32>
            %or3A_659 = arith.ori %eq3A_649, %eq3A_654 : vector<16xi1>
            %not3A_660 = arith.constant dense<true> : vector<16xi1>
            %not3A_661 = arith.xori %or3A_659, %not3A_660 : vector<16xi1>
            %eq3A_662 = arith.cmpi eq, %gather3A_568, %gather3A_580 : vector<16xi32>
            %max3A_663 = arith.maximumf %select_n3A_656, %select_n3A_651 : vector<16xf32>
            %select_n3A_664 = arith.select %eq3A_662, %max3A_663, %select_n3A_656 : vector<16xi1>, vector<16xf32>
            %max3A_665 = arith.maximumf %select_n3A_658, %select_n3A_653 : vector<16xf32>
            %select_n3A_666 = arith.select %eq3A_662, %max3A_665, %select_n3A_658 : vector<16xi1>, vector<16xf32>
            %not3A_667 = arith.constant dense<true> : vector<16xi1>
            %not3A_668 = arith.xori %eq3A_662, %not3A_667 : vector<16xi1>
            %add3A_669 = arith.addi %gather3A_544, %iota3A : vector<16xi32>
            %add3A_670 = arith.addi %gather3A_556, %iota3A : vector<16xi32>
            %add3A_671 = arith.addi %gather3A_568, %iota3A : vector<16xi32>
            %add3A_672 = arith.addi %gather3A_580, %iota3A : vector<16xi32>
            %gather3A_673 = tpu.vector_load_idx %arg7[%add3A_669] : memref<20128xf32, #tpu.memory_space<vmem>>[vector<16xi32>], vector<16xf32>,
            %max3A_674 = arith.maximumf %gather3A_673, %add3A_611 : vector<16xf32>
            %gather3A_675 = tpu.vector_load_idx %arg7[%add3A_670] : memref<20128xf32, #tpu.memory_space<vmem>>[vector<16xi32>], vector<16xf32>,
            %max3A_676 = arith.maximumf %gather3A_675, %select_n3A_634 : vector<16xf32>
            %gather3A_677 = tpu.vector_load_idx %arg7[%add3A_671] : memref<20128xf32, #tpu.memory_space<vmem>>[vector<16xi32>], vector<16xf32>,
            %max3A_678 = arith.maximumf %gather3A_677, %select_n3A_651 : vector<16xf32>
            %gather3A_679 = tpu.vector_load_idx %arg7[%add3A_672] : memref<20128xf32, #tpu.memory_space<vmem>>[vector<16xi32>], vector<16xf32>,
            %max3A_680 = arith.maximumf %gather3A_679, %select_n3A_664 : vector<16xf32>
            %gather3A_681 = tpu.vector_load_idx %arg8[%add3A_669] : memref<20128xf32, #tpu.memory_space<vmem>>[vector<16xi32>], vector<16xf32>,
            %max3A_682 = arith.maximumf %gather3A_681, %add3A_623 : vector<16xf32>
            %gather3A_683 = tpu.vector_load_idx %arg8[%add3A_670] : memref<20128xf32, #tpu.memory_space<vmem>>[vector<16xi32>], vector<16xf32>,
            %max3A_684 = arith.maximumf %gather3A_683, %select_n3A_636 : vector<16xf32>
            %gather3A_685 = tpu.vector_load_idx %arg8[%add3A_671] : memref<20128xf32, #tpu.memory_space<vmem>>[vector<16xi32>], vector<16xf32>,
            %max3A_686 = arith.maximumf %gather3A_685, %select_n3A_653 : vector<16xf32>
            %gather3A_687 = tpu.vector_load_idx %arg8[%add3A_672] : memref<20128xf32, #tpu.memory_space<vmem>>[vector<16xi32>], vector<16xf32>,
            %max3A_688 = arith.maximumf %gather3A_687, %select_n3A_666 : vector<16xf32>
            tpu.vector_store_idx %arg7[%add3A_669], %max3A_674 masked %not3A_648 : memref<20128xf32, #tpu.memory_space<vmem>>[vector<16xi32>], vector<16xf32>, vector<16xi1>
            tpu.vector_store_idx %arg8[%add3A_669], %max3A_682 masked %not3A_648 : memref<20128xf32, #tpu.memory_space<vmem>>[vector<16xi32>], vector<16xf32>, vector<16xi1>
            tpu.vector_store_idx %arg7[%add3A_670], %max3A_676 masked %not3A_661 : memref<20128xf32, #tpu.memory_space<vmem>>[vector<16xi32>], vector<16xf32>, vector<16xi1>
            tpu.vector_store_idx %arg8[%add3A_670], %max3A_684 masked %not3A_661 : memref<20128xf32, #tpu.memory_space<vmem>>[vector<16xi32>], vector<16xf32>, vector<16xi1>
            tpu.vector_store_idx %arg7[%add3A_671], %max3A_678 masked %not3A_668 : memref<20128xf32, #tpu.memory_space<vmem>>[vector<16xi32>], vector<16xf32>, vector<16xi1>
            tpu.vector_store_idx %arg8[%add3A_671], %max3A_686 masked %not3A_668 : memref<20128xf32, #tpu.memory_space<vmem>>[vector<16xi32>], vector<16xf32>, vector<16xi1>
            tpu.vector_store_idx %arg7[%add3A_672], %max3A_680 : memref<20128xf32, #tpu.memory_space<vmem>>[vector<16xi32>], vector<16xf32>,
            tpu.vector_store_idx %arg8[%add3A_672], %max3A_688 : memref<20128xf32, #tpu.memory_space<vmem>>[vector<16xi32>], vector<16xf32>,
            %broadcast_in_dim3A_689 = arith.constant 4 : i32
            %broadcast_in_dim3A_690 = vector.broadcast %broadcast_in_dim3A_689 : i32 to vector<16xi32>
            %lt3A_691 = arith.constant 0 : i32
            %lt3A_692 = vector.broadcast %lt3A_691 : i32 to vector<16xi32>
            %lt3A_693 = arith.cmpi slt, %broadcast_in_dim3A_690, %lt3A_692 : vector<16xi32>
            %add3A_694 = arith.constant 16 : i32
            %add3A_695 = vector.broadcast %add3A_694 : i32 to vector<16xi32>
            %add3A_696 = arith.addi %broadcast_in_dim3A_690, %add3A_695 : vector<16xi32>
            %select_n3A_697 = arith.select %lt3A_693, %add3A_696, %broadcast_in_dim3A_690 : vector<16xi1>, vector<16xi32>
            %broadcast_in_dim3A_698 = vector.shape_cast %select_n3A_697 : vector<16xi32> to vector<16x1xi32>
            %gather3A_699 = vector.shape_cast %broadcast_in_dim3A_698 : vector<16x1xi32> to vector<16xi32>
            %gather3A_700 = tpu.dynamic_gather %get3A_533[%gather3A_699] in [0] : vector<16xi32>, vector<16xi32> -> vector<16xi32>
            %broadcast_in_dim3A_701 = arith.constant 5 : i32
            %broadcast_in_dim3A_702 = vector.broadcast %broadcast_in_dim3A_701 : i32 to vector<16xi32>
            %lt3A_703 = arith.constant 0 : i32
            %lt3A_704 = vector.broadcast %lt3A_703 : i32 to vector<16xi32>
            %lt3A_705 = arith.cmpi slt, %broadcast_in_dim3A_702, %lt3A_704 : vector<16xi32>
            %add3A_706 = arith.constant 16 : i32
            %add3A_707 = vector.broadcast %add3A_706 : i32 to vector<16xi32>
            %add3A_708 = arith.addi %broadcast_in_dim3A_702, %add3A_707 : vector<16xi32>
            %select_n3A_709 = arith.select %lt3A_705, %add3A_708, %broadcast_in_dim3A_702 : vector<16xi1>, vector<16xi32>
            %broadcast_in_dim3A_710 = vector.shape_cast %select_n3A_709 : vector<16xi32> to vector<16x1xi32>
            %gather3A_711 = vector.shape_cast %broadcast_in_dim3A_710 : vector<16x1xi32> to vector<16xi32>
            %gather3A_712 = tpu.dynamic_gather %get3A_533[%gather3A_711] in [0] : vector<16xi32>, vector<16xi32> -> vector<16xi32>
            %broadcast_in_dim3A_713 = arith.constant 6 : i32
            %broadcast_in_dim3A_714 = vector.broadcast %broadcast_in_dim3A_713 : i32 to vector<16xi32>
            %lt3A_715 = arith.constant 0 : i32
            %lt3A_716 = vector.broadcast %lt3A_715 : i32 to vector<16xi32>
            %lt3A_717 = arith.cmpi slt, %broadcast_in_dim3A_714, %lt3A_716 : vector<16xi32>
            %add3A_718 = arith.constant 16 : i32
            %add3A_719 = vector.broadcast %add3A_718 : i32 to vector<16xi32>
            %add3A_720 = arith.addi %broadcast_in_dim3A_714, %add3A_719 : vector<16xi32>
            %select_n3A_721 = arith.select %lt3A_717, %add3A_720, %broadcast_in_dim3A_714 : vector<16xi1>, vector<16xi32>
            %broadcast_in_dim3A_722 = vector.shape_cast %select_n3A_721 : vector<16xi32> to vector<16x1xi32>
            %gather3A_723 = vector.shape_cast %broadcast_in_dim3A_722 : vector<16x1xi32> to vector<16xi32>
            %gather3A_724 = tpu.dynamic_gather %get3A_533[%gather3A_723] in [0] : vector<16xi32>, vector<16xi32> -> vector<16xi32>
            %broadcast_in_dim3A_725 = arith.constant 7 : i32
            %broadcast_in_dim3A_726 = vector.broadcast %broadcast_in_dim3A_725 : i32 to vector<16xi32>
            %lt3A_727 = arith.constant 0 : i32
            %lt3A_728 = vector.broadcast %lt3A_727 : i32 to vector<16xi32>
            %lt3A_729 = arith.cmpi slt, %broadcast_in_dim3A_726, %lt3A_728 : vector<16xi32>
            %add3A_730 = arith.constant 16 : i32
            %add3A_731 = vector.broadcast %add3A_730 : i32 to vector<16xi32>
            %add3A_732 = arith.addi %broadcast_in_dim3A_726, %add3A_731 : vector<16xi32>
            %select_n3A_733 = arith.select %lt3A_729, %add3A_732, %broadcast_in_dim3A_726 : vector<16xi1>, vector<16xi32>
            %broadcast_in_dim3A_734 = vector.shape_cast %select_n3A_733 : vector<16xi32> to vector<16x1xi32>
            %gather3A_735 = vector.shape_cast %broadcast_in_dim3A_734 : vector<16x1xi32> to vector<16xi32>
            %gather3A_736 = tpu.dynamic_gather %get3A_533[%gather3A_735] in [0] : vector<16xi32>, vector<16xi32> -> vector<16xi32>
            %mul3A_737 = arith.constant 16 : i32
            %mul3A_738 = arith.muli %scan3A_526, %mul3A_737 : i32
            %add3A_739 = arith.constant 4 : i32
            %add3A_740 = arith.addi %mul3A_738, %add3A_739 : i32
            %add3A_741 = arith.constant 0 : i32
            %add3A_742 = arith.addi %add3A_740, %add3A_741 : i32
            %broadcast_in_dim3A_743 = vector.broadcast %add3A_742 : i32 to vector<16xi32>
            %mul3A_744 = arith.constant 16 : i32
            %mul3A_745 = arith.muli %scan3A_526, %mul3A_744 : i32
            %add3A_746 = arith.constant 4 : i32
            %add3A_747 = arith.addi %mul3A_745, %add3A_746 : i32
            %add3A_748 = arith.constant 1 : i32
            %add3A_749 = arith.addi %add3A_747, %add3A_748 : i32
            %broadcast_in_dim3A_750 = vector.broadcast %add3A_749 : i32 to vector<16xi32>
            %mul3A_751 = arith.constant 16 : i32
            %mul3A_752 = arith.muli %scan3A_526, %mul3A_751 : i32
            %add3A_753 = arith.constant 4 : i32
            %add3A_754 = arith.addi %mul3A_752, %add3A_753 : i32
            %add3A_755 = arith.constant 2 : i32
            %add3A_756 = arith.addi %add3A_754, %add3A_755 : i32
            %broadcast_in_dim3A_757 = vector.broadcast %add3A_756 : i32 to vector<16xi32>
            %mul3A_758 = arith.constant 16 : i32
            %mul3A_759 = arith.muli %scan3A_526, %mul3A_758 : i32
            %add3A_760 = arith.constant 4 : i32
            %add3A_761 = arith.addi %mul3A_759, %add3A_760 : i32
            %add3A_762 = arith.constant 3 : i32
            %add3A_763 = arith.addi %add3A_761, %add3A_762 : i32
            %broadcast_in_dim3A_764 = vector.broadcast %add3A_763 : i32 to vector<16xi32>
            %gather3A_765 = tpu.vector_load_idx %arg15[%broadcast_in_dim3A_743, %iota3A] : memref<256x32xf32, #tpu.memory_space<vmem>>[vector<16xi32>, vector<16xi32>], vector<16xf32>,
            %gather3A_766 = tpu.vector_load_idx %arg16[%broadcast_in_dim3A_743, %iota3A] : memref<256x32xf32, #tpu.memory_space<vmem>>[vector<16xi32>, vector<16xi32>], vector<16xf32>,
            %add3A_767 = arith.addf %gather3A_765, %gather3A_766 : vector<16xf32>
            %gather3A_768 = tpu.vector_load_idx %arg15[%broadcast_in_dim3A_750, %iota3A] : memref<256x32xf32, #tpu.memory_space<vmem>>[vector<16xi32>, vector<16xi32>], vector<16xf32>,
            %gather3A_769 = tpu.vector_load_idx %arg16[%broadcast_in_dim3A_750, %iota3A] : memref<256x32xf32, #tpu.memory_space<vmem>>[vector<16xi32>, vector<16xi32>], vector<16xf32>,
            %add3A_770 = arith.addf %gather3A_768, %gather3A_769 : vector<16xf32>
            %gather3A_771 = tpu.vector_load_idx %arg15[%broadcast_in_dim3A_757, %iota3A] : memref<256x32xf32, #tpu.memory_space<vmem>>[vector<16xi32>, vector<16xi32>], vector<16xf32>,
            %gather3A_772 = tpu.vector_load_idx %arg16[%broadcast_in_dim3A_757, %iota3A] : memref<256x32xf32, #tpu.memory_space<vmem>>[vector<16xi32>, vector<16xi32>], vector<16xf32>,
            %add3A_773 = arith.addf %gather3A_771, %gather3A_772 : vector<16xf32>
            %gather3A_774 = tpu.vector_load_idx %arg15[%broadcast_in_dim3A_764, %iota3A] : memref<256x32xf32, #tpu.memory_space<vmem>>[vector<16xi32>, vector<16xi32>], vector<16xf32>,
            %gather3A_775 = tpu.vector_load_idx %arg16[%broadcast_in_dim3A_764, %iota3A] : memref<256x32xf32, #tpu.memory_space<vmem>>[vector<16xi32>, vector<16xi32>], vector<16xf32>,
            %add3A_776 = arith.addf %gather3A_774, %gather3A_775 : vector<16xf32>
            %gather3A_777 = tpu.vector_load_idx %arg15[%broadcast_in_dim3A_743, %add3A_35] : memref<256x32xf32, #tpu.memory_space<vmem>>[vector<16xi32>, vector<16xi32>], vector<16xf32>,
            %gather3A_778 = tpu.vector_load_idx %arg16[%broadcast_in_dim3A_743, %add3A_35] : memref<256x32xf32, #tpu.memory_space<vmem>>[vector<16xi32>, vector<16xi32>], vector<16xf32>,
            %add3A_779 = arith.addf %gather3A_777, %gather3A_778 : vector<16xf32>
            %gather3A_780 = tpu.vector_load_idx %arg15[%broadcast_in_dim3A_750, %add3A_35] : memref<256x32xf32, #tpu.memory_space<vmem>>[vector<16xi32>, vector<16xi32>], vector<16xf32>,
            %gather3A_781 = tpu.vector_load_idx %arg16[%broadcast_in_dim3A_750, %add3A_35] : memref<256x32xf32, #tpu.memory_space<vmem>>[vector<16xi32>, vector<16xi32>], vector<16xf32>,
            %add3A_782 = arith.addf %gather3A_780, %gather3A_781 : vector<16xf32>
            %gather3A_783 = tpu.vector_load_idx %arg15[%broadcast_in_dim3A_757, %add3A_35] : memref<256x32xf32, #tpu.memory_space<vmem>>[vector<16xi32>, vector<16xi32>], vector<16xf32>,
            %gather3A_784 = tpu.vector_load_idx %arg16[%broadcast_in_dim3A_757, %add3A_35] : memref<256x32xf32, #tpu.memory_space<vmem>>[vector<16xi32>, vector<16xi32>], vector<16xf32>,
            %add3A_785 = arith.addf %gather3A_783, %gather3A_784 : vector<16xf32>
            %gather3A_786 = tpu.vector_load_idx %arg15[%broadcast_in_dim3A_764, %add3A_35] : memref<256x32xf32, #tpu.memory_space<vmem>>[vector<16xi32>, vector<16xi32>], vector<16xf32>,
            %gather3A_787 = tpu.vector_load_idx %arg16[%broadcast_in_dim3A_764, %add3A_35] : memref<256x32xf32, #tpu.memory_space<vmem>>[vector<16xi32>, vector<16xi32>], vector<16xf32>,
            %add3A_788 = arith.addf %gather3A_786, %gather3A_787 : vector<16xf32>
            %eq3A_789 = arith.cmpi eq, %gather3A_700, %gather3A_712 : vector<16xi32>
            %max3A_790 = arith.maximumf %add3A_770, %add3A_767 : vector<16xf32>
            %select_n3A_791 = arith.select %eq3A_789, %max3A_790, %add3A_770 : vector<16xi1>, vector<16xf32>
            %max3A_792 = arith.maximumf %add3A_782, %add3A_779 : vector<16xf32>
            %select_n3A_793 = arith.select %eq3A_789, %max3A_792, %add3A_782 : vector<16xi1>, vector<16xf32>
            %eq3A_794 = arith.cmpi eq, %gather3A_700, %gather3A_724 : vector<16xi32>
            %max3A_795 = arith.maximumf %add3A_773, %add3A_767 : vector<16xf32>
            %select_n3A_796 = arith.select %eq3A_794, %max3A_795, %add3A_773 : vector<16xi1>, vector<16xf32>
            %max3A_797 = arith.maximumf %add3A_785, %add3A_779 : vector<16xf32>
            %select_n3A_798 = arith.select %eq3A_794, %max3A_797, %add3A_785 : vector<16xi1>, vector<16xf32>
            %or3A_799 = arith.ori %eq3A_789, %eq3A_794 : vector<16xi1>
            %eq3A_800 = arith.cmpi eq, %gather3A_700, %gather3A_736 : vector<16xi32>
            %max3A_801 = arith.maximumf %add3A_776, %add3A_767 : vector<16xf32>
            %select_n3A_802 = arith.select %eq3A_800, %max3A_801, %add3A_776 : vector<16xi1>, vector<16xf32>
            %max3A_803 = arith.maximumf %add3A_788, %add3A_779 : vector<16xf32>
            %select_n3A_804 = arith.select %eq3A_800, %max3A_803, %add3A_788 : vector<16xi1>, vector<16xf32>
            %or3A_805 = arith.ori %or3A_799, %eq3A_800 : vector<16xi1>
            %not3A_806 = arith.constant dense<true> : vector<16xi1>
            %not3A_807 = arith.xori %or3A_805, %not3A_806 : vector<16xi1>
            %eq3A_808 = arith.cmpi eq, %gather3A_712, %gather3A_724 : vector<16xi32>
            %max3A_809 = arith.maximumf %select_n3A_796, %select_n3A_791 : vector<16xf32>
            %select_n3A_810 = arith.select %eq3A_808, %max3A_809, %select_n3A_796 : vector<16xi1>, vector<16xf32>
            %max3A_811 = arith.maximumf %select_n3A_798, %select_n3A_793 : vector<16xf32>
            %select_n3A_812 = arith.select %eq3A_808, %max3A_811, %select_n3A_798 : vector<16xi1>, vector<16xf32>
            %eq3A_813 = arith.cmpi eq, %gather3A_712, %gather3A_736 : vector<16xi32>
            %max3A_814 = arith.maximumf %select_n3A_802, %select_n3A_791 : vector<16xf32>
            %select_n3A_815 = arith.select %eq3A_813, %max3A_814, %select_n3A_802 : vector<16xi1>, vector<16xf32>
            %max3A_816 = arith.maximumf %select_n3A_804, %select_n3A_793 : vector<16xf32>
            %select_n3A_817 = arith.select %eq3A_813, %max3A_816, %select_n3A_804 : vector<16xi1>, vector<16xf32>
            %or3A_818 = arith.ori %eq3A_808, %eq3A_813 : vector<16xi1>
            %not3A_819 = arith.constant dense<true> : vector<16xi1>
            %not3A_820 = arith.xori %or3A_818, %not3A_819 : vector<16xi1>
            %eq3A_821 = arith.cmpi eq, %gather3A_724, %gather3A_736 : vector<16xi32>
            %max3A_822 = arith.maximumf %select_n3A_815, %select_n3A_810 : vector<16xf32>
            %select_n3A_823 = arith.select %eq3A_821, %max3A_822, %select_n3A_815 : vector<16xi1>, vector<16xf32>
            %max3A_824 = arith.maximumf %select_n3A_817, %select_n3A_812 : vector<16xf32>
            %select_n3A_825 = arith.select %eq3A_821, %max3A_824, %select_n3A_817 : vector<16xi1>, vector<16xf32>
            %not3A_826 = arith.constant dense<true> : vector<16xi1>
            %not3A_827 = arith.xori %eq3A_821, %not3A_826 : vector<16xi1>
            %add3A_828 = arith.addi %gather3A_700, %iota3A : vector<16xi32>
            %add3A_829 = arith.addi %gather3A_712, %iota3A : vector<16xi32>
            %add3A_830 = arith.addi %gather3A_724, %iota3A : vector<16xi32>
            %add3A_831 = arith.addi %gather3A_736, %iota3A : vector<16xi32>
            %gather3A_832 = tpu.vector_load_idx %arg7[%add3A_828] : memref<20128xf32, #tpu.memory_space<vmem>>[vector<16xi32>], vector<16xf32>,
            %max3A_833 = arith.maximumf %gather3A_832, %add3A_767 : vector<16xf32>
            %gather3A_834 = tpu.vector_load_idx %arg7[%add3A_829] : memref<20128xf32, #tpu.memory_space<vmem>>[vector<16xi32>], vector<16xf32>,
            %max3A_835 = arith.maximumf %gather3A_834, %select_n3A_791 : vector<16xf32>
            %gather3A_836 = tpu.vector_load_idx %arg7[%add3A_830] : memref<20128xf32, #tpu.memory_space<vmem>>[vector<16xi32>], vector<16xf32>,
            %max3A_837 = arith.maximumf %gather3A_836, %select_n3A_810 : vector<16xf32>
            %gather3A_838 = tpu.vector_load_idx %arg7[%add3A_831] : memref<20128xf32, #tpu.memory_space<vmem>>[vector<16xi32>], vector<16xf32>,
            %max3A_839 = arith.maximumf %gather3A_838, %select_n3A_823 : vector<16xf32>
            %gather3A_840 = tpu.vector_load_idx %arg8[%add3A_828] : memref<20128xf32, #tpu.memory_space<vmem>>[vector<16xi32>], vector<16xf32>,
            %max3A_841 = arith.maximumf %gather3A_840, %add3A_779 : vector<16xf32>
            %gather3A_842 = tpu.vector_load_idx %arg8[%add3A_829] : memref<20128xf32, #tpu.memory_space<vmem>>[vector<16xi32>], vector<16xf32>,
            %max3A_843 = arith.maximumf %gather3A_842, %select_n3A_793 : vector<16xf32>
            %gather3A_844 = tpu.vector_load_idx %arg8[%add3A_830] : memref<20128xf32, #tpu.memory_space<vmem>>[vector<16xi32>], vector<16xf32>,
            %max3A_845 = arith.maximumf %gather3A_844, %select_n3A_812 : vector<16xf32>
            %gather3A_846 = tpu.vector_load_idx %arg8[%add3A_831] : memref<20128xf32, #tpu.memory_space<vmem>>[vector<16xi32>], vector<16xf32>,
            %max3A_847 = arith.maximumf %gather3A_846, %select_n3A_825 : vector<16xf32>
            tpu.vector_store_idx %arg7[%add3A_828], %max3A_833 masked %not3A_807 : memref<20128xf32, #tpu.memory_space<vmem>>[vector<16xi32>], vector<16xf32>, vector<16xi1>
            tpu.vector_store_idx %arg8[%add3A_828], %max3A_841 masked %not3A_807 : memref<20128xf32, #tpu.memory_space<vmem>>[vector<16xi32>], vector<16xf32>, vector<16xi1>
            tpu.vector_store_idx %arg7[%add3A_829], %max3A_835 masked %not3A_820 : memref<20128xf32, #tpu.memory_space<vmem>>[vector<16xi32>], vector<16xf32>, vector<16xi1>
            tpu.vector_store_idx %arg8[%add3A_829], %max3A_843 masked %not3A_820 : memref<20128xf32, #tpu.memory_space<vmem>>[vector<16xi32>], vector<16xf32>, vector<16xi1>
            tpu.vector_store_idx %arg7[%add3A_830], %max3A_837 masked %not3A_827 : memref<20128xf32, #tpu.memory_space<vmem>>[vector<16xi32>], vector<16xf32>, vector<16xi1>
            tpu.vector_store_idx %arg8[%add3A_830], %max3A_845 masked %not3A_827 : memref<20128xf32, #tpu.memory_space<vmem>>[vector<16xi32>], vector<16xf32>, vector<16xi1>
            tpu.vector_store_idx %arg7[%add3A_831], %max3A_839 : memref<20128xf32, #tpu.memory_space<vmem>>[vector<16xi32>], vector<16xf32>,
            tpu.vector_store_idx %arg8[%add3A_831], %max3A_847 : memref<20128xf32, #tpu.memory_space<vmem>>[vector<16xi32>], vector<16xf32>,
            %broadcast_in_dim3A_848 = arith.constant 8 : i32
            %broadcast_in_dim3A_849 = vector.broadcast %broadcast_in_dim3A_848 : i32 to vector<16xi32>
            %lt3A_850 = arith.constant 0 : i32
            %lt3A_851 = vector.broadcast %lt3A_850 : i32 to vector<16xi32>
            %lt3A_852 = arith.cmpi slt, %broadcast_in_dim3A_849, %lt3A_851 : vector<16xi32>
            %add3A_853 = arith.constant 16 : i32
            %add3A_854 = vector.broadcast %add3A_853 : i32 to vector<16xi32>
            %add3A_855 = arith.addi %broadcast_in_dim3A_849, %add3A_854 : vector<16xi32>
            %select_n3A_856 = arith.select %lt3A_852, %add3A_855, %broadcast_in_dim3A_849 : vector<16xi1>, vector<16xi32>
            %broadcast_in_dim3A_857 = vector.shape_cast %select_n3A_856 : vector<16xi32> to vector<16x1xi32>
            %gather3A_858 = vector.shape_cast %broadcast_in_dim3A_857 : vector<16x1xi32> to vector<16xi32>
            %gather3A_859 = tpu.dynamic_gather %get3A_533[%gather3A_858] in [0] : vector<16xi32>, vector<16xi32> -> vector<16xi32>
            %broadcast_in_dim3A_860 = arith.constant 9 : i32
            %broadcast_in_dim3A_861 = vector.broadcast %broadcast_in_dim3A_860 : i32 to vector<16xi32>
            %lt3A_862 = arith.constant 0 : i32
            %lt3A_863 = vector.broadcast %lt3A_862 : i32 to vector<16xi32>
            %lt3A_864 = arith.cmpi slt, %broadcast_in_dim3A_861, %lt3A_863 : vector<16xi32>
            %add3A_865 = arith.constant 16 : i32
            %add3A_866 = vector.broadcast %add3A_865 : i32 to vector<16xi32>
            %add3A_867 = arith.addi %broadcast_in_dim3A_861, %add3A_866 : vector<16xi32>
            %select_n3A_868 = arith.select %lt3A_864, %add3A_867, %broadcast_in_dim3A_861 : vector<16xi1>, vector<16xi32>
            %broadcast_in_dim3A_869 = vector.shape_cast %select_n3A_868 : vector<16xi32> to vector<16x1xi32>
            %gather3A_870 = vector.shape_cast %broadcast_in_dim3A_869 : vector<16x1xi32> to vector<16xi32>
            %gather3A_871 = tpu.dynamic_gather %get3A_533[%gather3A_870] in [0] : vector<16xi32>, vector<16xi32> -> vector<16xi32>
            %broadcast_in_dim3A_872 = arith.constant 10 : i32
            %broadcast_in_dim3A_873 = vector.broadcast %broadcast_in_dim3A_872 : i32 to vector<16xi32>
            %lt3A_874 = arith.constant 0 : i32
            %lt3A_875 = vector.broadcast %lt3A_874 : i32 to vector<16xi32>
            %lt3A_876 = arith.cmpi slt, %broadcast_in_dim3A_873, %lt3A_875 : vector<16xi32>
            %add3A_877 = arith.constant 16 : i32
            %add3A_878 = vector.broadcast %add3A_877 : i32 to vector<16xi32>
            %add3A_879 = arith.addi %broadcast_in_dim3A_873, %add3A_878 : vector<16xi32>
            %select_n3A_880 = arith.select %lt3A_876, %add3A_879, %broadcast_in_dim3A_873 : vector<16xi1>, vector<16xi32>
            %broadcast_in_dim3A_881 = vector.shape_cast %select_n3A_880 : vector<16xi32> to vector<16x1xi32>
            %gather3A_882 = vector.shape_cast %broadcast_in_dim3A_881 : vector<16x1xi32> to vector<16xi32>
            %gather3A_883 = tpu.dynamic_gather %get3A_533[%gather3A_882] in [0] : vector<16xi32>, vector<16xi32> -> vector<16xi32>
            %broadcast_in_dim3A_884 = arith.constant 11 : i32
            %broadcast_in_dim3A_885 = vector.broadcast %broadcast_in_dim3A_884 : i32 to vector<16xi32>
            %lt3A_886 = arith.constant 0 : i32
            %lt3A_887 = vector.broadcast %lt3A_886 : i32 to vector<16xi32>
            %lt3A_888 = arith.cmpi slt, %broadcast_in_dim3A_885, %lt3A_887 : vector<16xi32>
            %add3A_889 = arith.constant 16 : i32
            %add3A_890 = vector.broadcast %add3A_889 : i32 to vector<16xi32>
            %add3A_891 = arith.addi %broadcast_in_dim3A_885, %add3A_890 : vector<16xi32>
            %select_n3A_892 = arith.select %lt3A_888, %add3A_891, %broadcast_in_dim3A_885 : vector<16xi1>, vector<16xi32>
            %broadcast_in_dim3A_893 = vector.shape_cast %select_n3A_892 : vector<16xi32> to vector<16x1xi32>
            %gather3A_894 = vector.shape_cast %broadcast_in_dim3A_893 : vector<16x1xi32> to vector<16xi32>
            %gather3A_895 = tpu.dynamic_gather %get3A_533[%gather3A_894] in [0] : vector<16xi32>, vector<16xi32> -> vector<16xi32>
            %mul3A_896 = arith.constant 16 : i32
            %mul3A_897 = arith.muli %scan3A_526, %mul3A_896 : i32
            %add3A_898 = arith.constant 8 : i32
            %add3A_899 = arith.addi %mul3A_897, %add3A_898 : i32
            %add3A_900 = arith.constant 0 : i32
            %add3A_901 = arith.addi %add3A_899, %add3A_900 : i32
            %broadcast_in_dim3A_902 = vector.broadcast %add3A_901 : i32 to vector<16xi32>
            %mul3A_903 = arith.constant 16 : i32
            %mul3A_904 = arith.muli %scan3A_526, %mul3A_903 : i32
            %add3A_905 = arith.constant 8 : i32
            %add3A_906 = arith.addi %mul3A_904, %add3A_905 : i32
            %add3A_907 = arith.constant 1 : i32
            %add3A_908 = arith.addi %add3A_906, %add3A_907 : i32
            %broadcast_in_dim3A_909 = vector.broadcast %add3A_908 : i32 to vector<16xi32>
            %mul3A_910 = arith.constant 16 : i32
            %mul3A_911 = arith.muli %scan3A_526, %mul3A_910 : i32
            %add3A_912 = arith.constant 8 : i32
            %add3A_913 = arith.addi %mul3A_911, %add3A_912 : i32
            %add3A_914 = arith.constant 2 : i32
            %add3A_915 = arith.addi %add3A_913, %add3A_914 : i32
            %broadcast_in_dim3A_916 = vector.broadcast %add3A_915 : i32 to vector<16xi32>
            %mul3A_917 = arith.constant 16 : i32
            %mul3A_918 = arith.muli %scan3A_526, %mul3A_917 : i32
            %add3A_919 = arith.constant 8 : i32
            %add3A_920 = arith.addi %mul3A_918, %add3A_919 : i32
            %add3A_921 = arith.constant 3 : i32
            %add3A_922 = arith.addi %add3A_920, %add3A_921 : i32
            %broadcast_in_dim3A_923 = vector.broadcast %add3A_922 : i32 to vector<16xi32>
            %gather3A_924 = tpu.vector_load_idx %arg15[%broadcast_in_dim3A_902, %iota3A] : memref<256x32xf32, #tpu.memory_space<vmem>>[vector<16xi32>, vector<16xi32>], vector<16xf32>,
            %gather3A_925 = tpu.vector_load_idx %arg16[%broadcast_in_dim3A_902, %iota3A] : memref<256x32xf32, #tpu.memory_space<vmem>>[vector<16xi32>, vector<16xi32>], vector<16xf32>,
            %add3A_926 = arith.addf %gather3A_924, %gather3A_925 : vector<16xf32>
            %gather3A_927 = tpu.vector_load_idx %arg15[%broadcast_in_dim3A_909, %iota3A] : memref<256x32xf32, #tpu.memory_space<vmem>>[vector<16xi32>, vector<16xi32>], vector<16xf32>,
            %gather3A_928 = tpu.vector_load_idx %arg16[%broadcast_in_dim3A_909, %iota3A] : memref<256x32xf32, #tpu.memory_space<vmem>>[vector<16xi32>, vector<16xi32>], vector<16xf32>,
            %add3A_929 = arith.addf %gather3A_927, %gather3A_928 : vector<16xf32>
            %gather3A_930 = tpu.vector_load_idx %arg15[%broadcast_in_dim3A_916, %iota3A] : memref<256x32xf32, #tpu.memory_space<vmem>>[vector<16xi32>, vector<16xi32>], vector<16xf32>,
            %gather3A_931 = tpu.vector_load_idx %arg16[%broadcast_in_dim3A_916, %iota3A] : memref<256x32xf32, #tpu.memory_space<vmem>>[vector<16xi32>, vector<16xi32>], vector<16xf32>,
            %add3A_932 = arith.addf %gather3A_930, %gather3A_931 : vector<16xf32>
            %gather3A_933 = tpu.vector_load_idx %arg15[%broadcast_in_dim3A_923, %iota3A] : memref<256x32xf32, #tpu.memory_space<vmem>>[vector<16xi32>, vector<16xi32>], vector<16xf32>,
            %gather3A_934 = tpu.vector_load_idx %arg16[%broadcast_in_dim3A_923, %iota3A] : memref<256x32xf32, #tpu.memory_space<vmem>>[vector<16xi32>, vector<16xi32>], vector<16xf32>,
            %add3A_935 = arith.addf %gather3A_933, %gather3A_934 : vector<16xf32>
            %gather3A_936 = tpu.vector_load_idx %arg15[%broadcast_in_dim3A_902, %add3A_35] : memref<256x32xf32, #tpu.memory_space<vmem>>[vector<16xi32>, vector<16xi32>], vector<16xf32>,
            %gather3A_937 = tpu.vector_load_idx %arg16[%broadcast_in_dim3A_902, %add3A_35] : memref<256x32xf32, #tpu.memory_space<vmem>>[vector<16xi32>, vector<16xi32>], vector<16xf32>,
            %add3A_938 = arith.addf %gather3A_936, %gather3A_937 : vector<16xf32>
            %gather3A_939 = tpu.vector_load_idx %arg15[%broadcast_in_dim3A_909, %add3A_35] : memref<256x32xf32, #tpu.memory_space<vmem>>[vector<16xi32>, vector<16xi32>], vector<16xf32>,
            %gather3A_940 = tpu.vector_load_idx %arg16[%broadcast_in_dim3A_909, %add3A_35] : memref<256x32xf32, #tpu.memory_space<vmem>>[vector<16xi32>, vector<16xi32>], vector<16xf32>,
            %add3A_941 = arith.addf %gather3A_939, %gather3A_940 : vector<16xf32>
            %gather3A_942 = tpu.vector_load_idx %arg15[%broadcast_in_dim3A_916, %add3A_35] : memref<256x32xf32, #tpu.memory_space<vmem>>[vector<16xi32>, vector<16xi32>], vector<16xf32>,
            %gather3A_943 = tpu.vector_load_idx %arg16[%broadcast_in_dim3A_916, %add3A_35] : memref<256x32xf32, #tpu.memory_space<vmem>>[vector<16xi32>, vector<16xi32>], vector<16xf32>,
            %add3A_944 = arith.addf %gather3A_942, %gather3A_943 : vector<16xf32>
            %gather3A_945 = tpu.vector_load_idx %arg15[%broadcast_in_dim3A_923, %add3A_35] : memref<256x32xf32, #tpu.memory_space<vmem>>[vector<16xi32>, vector<16xi32>], vector<16xf32>,
            %gather3A_946 = tpu.vector_load_idx %arg16[%broadcast_in_dim3A_923, %add3A_35] : memref<256x32xf32, #tpu.memory_space<vmem>>[vector<16xi32>, vector<16xi32>], vector<16xf32>,
            %add3A_947 = arith.addf %gather3A_945, %gather3A_946 : vector<16xf32>
            %eq3A_948 = arith.cmpi eq, %gather3A_859, %gather3A_871 : vector<16xi32>
            %max3A_949 = arith.maximumf %add3A_929, %add3A_926 : vector<16xf32>
            %select_n3A_950 = arith.select %eq3A_948, %max3A_949, %add3A_929 : vector<16xi1>, vector<16xf32>
            %max3A_951 = arith.maximumf %add3A_941, %add3A_938 : vector<16xf32>
            %select_n3A_952 = arith.select %eq3A_948, %max3A_951, %add3A_941 : vector<16xi1>, vector<16xf32>
            %eq3A_953 = arith.cmpi eq, %gather3A_859, %gather3A_883 : vector<16xi32>
            %max3A_954 = arith.maximumf %add3A_932, %add3A_926 : vector<16xf32>
            %select_n3A_955 = arith.select %eq3A_953, %max3A_954, %add3A_932 : vector<16xi1>, vector<16xf32>
            %max3A_956 = arith.maximumf %add3A_944, %add3A_938 : vector<16xf32>
            %select_n3A_957 = arith.select %eq3A_953, %max3A_956, %add3A_944 : vector<16xi1>, vector<16xf32>
            %or3A_958 = arith.ori %eq3A_948, %eq3A_953 : vector<16xi1>
            %eq3A_959 = arith.cmpi eq, %gather3A_859, %gather3A_895 : vector<16xi32>
            %max3A_960 = arith.maximumf %add3A_935, %add3A_926 : vector<16xf32>
            %select_n3A_961 = arith.select %eq3A_959, %max3A_960, %add3A_935 : vector<16xi1>, vector<16xf32>
            %max3A_962 = arith.maximumf %add3A_947, %add3A_938 : vector<16xf32>
            %select_n3A_963 = arith.select %eq3A_959, %max3A_962, %add3A_947 : vector<16xi1>, vector<16xf32>
            %or3A_964 = arith.ori %or3A_958, %eq3A_959 : vector<16xi1>
            %not3A_965 = arith.constant dense<true> : vector<16xi1>
            %not3A_966 = arith.xori %or3A_964, %not3A_965 : vector<16xi1>
            %eq3A_967 = arith.cmpi eq, %gather3A_871, %gather3A_883 : vector<16xi32>
            %max3A_968 = arith.maximumf %select_n3A_955, %select_n3A_950 : vector<16xf32>
            %select_n3A_969 = arith.select %eq3A_967, %max3A_968, %select_n3A_955 : vector<16xi1>, vector<16xf32>
            %max3A_970 = arith.maximumf %select_n3A_957, %select_n3A_952 : vector<16xf32>
            %select_n3A_971 = arith.select %eq3A_967, %max3A_970, %select_n3A_957 : vector<16xi1>, vector<16xf32>
            %eq3A_972 = arith.cmpi eq, %gather3A_871, %gather3A_895 : vector<16xi32>
            %max3A_973 = arith.maximumf %select_n3A_961, %select_n3A_950 : vector<16xf32>
            %select_n3A_974 = arith.select %eq3A_972, %max3A_973, %select_n3A_961 : vector<16xi1>, vector<16xf32>
            %max3A_975 = arith.maximumf %select_n3A_963, %select_n3A_952 : vector<16xf32>
            %select_n3A_976 = arith.select %eq3A_972, %max3A_975, %select_n3A_963 : vector<16xi1>, vector<16xf32>
            %or3A_977 = arith.ori %eq3A_967, %eq3A_972 : vector<16xi1>
            %not3A_978 = arith.constant dense<true> : vector<16xi1>
            %not3A_979 = arith.xori %or3A_977, %not3A_978 : vector<16xi1>
            %eq3A_980 = arith.cmpi eq, %gather3A_883, %gather3A_895 : vector<16xi32>
            %max3A_981 = arith.maximumf %select_n3A_974, %select_n3A_969 : vector<16xf32>
            %select_n3A_982 = arith.select %eq3A_980, %max3A_981, %select_n3A_974 : vector<16xi1>, vector<16xf32>
            %max3A_983 = arith.maximumf %select_n3A_976, %select_n3A_971 : vector<16xf32>
            %select_n3A_984 = arith.select %eq3A_980, %max3A_983, %select_n3A_976 : vector<16xi1>, vector<16xf32>
            %not3A_985 = arith.constant dense<true> : vector<16xi1>
            %not3A_986 = arith.xori %eq3A_980, %not3A_985 : vector<16xi1>
            %add3A_987 = arith.addi %gather3A_859, %iota3A : vector<16xi32>
            %add3A_988 = arith.addi %gather3A_871, %iota3A : vector<16xi32>
            %add3A_989 = arith.addi %gather3A_883, %iota3A : vector<16xi32>
            %add3A_990 = arith.addi %gather3A_895, %iota3A : vector<16xi32>
            %gather3A_991 = tpu.vector_load_idx %arg7[%add3A_987] : memref<20128xf32, #tpu.memory_space<vmem>>[vector<16xi32>], vector<16xf32>,
            %max3A_992 = arith.maximumf %gather3A_991, %add3A_926 : vector<16xf32>
            %gather3A_993 = tpu.vector_load_idx %arg7[%add3A_988] : memref<20128xf32, #tpu.memory_space<vmem>>[vector<16xi32>], vector<16xf32>,
            %max3A_994 = arith.maximumf %gather3A_993, %select_n3A_950 : vector<16xf32>
            %gather3A_995 = tpu.vector_load_idx %arg7[%add3A_989] : memref<20128xf32, #tpu.memory_space<vmem>>[vector<16xi32>], vector<16xf32>,
            %max3A_996 = arith.maximumf %gather3A_995, %select_n3A_969 : vector<16xf32>
            %gather3A_997 = tpu.vector_load_idx %arg7[%add3A_990] : memref<20128xf32, #tpu.memory_space<vmem>>[vector<16xi32>], vector<16xf32>,
            %max3A_998 = arith.maximumf %gather3A_997, %select_n3A_982 : vector<16xf32>
            %gather3A_999 = tpu.vector_load_idx %arg8[%add3A_987] : memref<20128xf32, #tpu.memory_space<vmem>>[vector<16xi32>], vector<16xf32>,
            %max3A_1000 = arith.maximumf %gather3A_999, %add3A_938 : vector<16xf32>
            %gather3A_1001 = tpu.vector_load_idx %arg8[%add3A_988] : memref<20128xf32, #tpu.memory_space<vmem>>[vector<16xi32>], vector<16xf32>,
            %max3A_1002 = arith.maximumf %gather3A_1001, %select_n3A_952 : vector<16xf32>
            %gather3A_1003 = tpu.vector_load_idx %arg8[%add3A_989] : memref<20128xf32, #tpu.memory_space<vmem>>[vector<16xi32>], vector<16xf32>,
            %max3A_1004 = arith.maximumf %gather3A_1003, %select_n3A_971 : vector<16xf32>
            %gather3A_1005 = tpu.vector_load_idx %arg8[%add3A_990] : memref<20128xf32, #tpu.memory_space<vmem>>[vector<16xi32>], vector<16xf32>,
            %max3A_1006 = arith.maximumf %gather3A_1005, %select_n3A_984 : vector<16xf32>
            tpu.vector_store_idx %arg7[%add3A_987], %max3A_992 masked %not3A_966 : memref<20128xf32, #tpu.memory_space<vmem>>[vector<16xi32>], vector<16xf32>, vector<16xi1>
            tpu.vector_store_idx %arg8[%add3A_987], %max3A_1000 masked %not3A_966 : memref<20128xf32, #tpu.memory_space<vmem>>[vector<16xi32>], vector<16xf32>, vector<16xi1>
            tpu.vector_store_idx %arg7[%add3A_988], %max3A_994 masked %not3A_979 : memref<20128xf32, #tpu.memory_space<vmem>>[vector<16xi32>], vector<16xf32>, vector<16xi1>
            tpu.vector_store_idx %arg8[%add3A_988], %max3A_1002 masked %not3A_979 : memref<20128xf32, #tpu.memory_space<vmem>>[vector<16xi32>], vector<16xf32>, vector<16xi1>
            tpu.vector_store_idx %arg7[%add3A_989], %max3A_996 masked %not3A_986 : memref<20128xf32, #tpu.memory_space<vmem>>[vector<16xi32>], vector<16xf32>, vector<16xi1>
            tpu.vector_store_idx %arg8[%add3A_989], %max3A_1004 masked %not3A_986 : memref<20128xf32, #tpu.memory_space<vmem>>[vector<16xi32>], vector<16xf32>, vector<16xi1>
            tpu.vector_store_idx %arg7[%add3A_990], %max3A_998 : memref<20128xf32, #tpu.memory_space<vmem>>[vector<16xi32>], vector<16xf32>,
            tpu.vector_store_idx %arg8[%add3A_990], %max3A_1006 : memref<20128xf32, #tpu.memory_space<vmem>>[vector<16xi32>], vector<16xf32>,
            %broadcast_in_dim3A_1007 = arith.constant 12 : i32
            %broadcast_in_dim3A_1008 = vector.broadcast %broadcast_in_dim3A_1007 : i32 to vector<16xi32>
            %lt3A_1009 = arith.constant 0 : i32
            %lt3A_1010 = vector.broadcast %lt3A_1009 : i32 to vector<16xi32>
            %lt3A_1011 = arith.cmpi slt, %broadcast_in_dim3A_1008, %lt3A_1010 : vector<16xi32>
            %add3A_1012 = arith.constant 16 : i32
            %add3A_1013 = vector.broadcast %add3A_1012 : i32 to vector<16xi32>
            %add3A_1014 = arith.addi %broadcast_in_dim3A_1008, %add3A_1013 : vector<16xi32>
            %select_n3A_1015 = arith.select %lt3A_1011, %add3A_1014, %broadcast_in_dim3A_1008 : vector<16xi1>, vector<16xi32>
            %broadcast_in_dim3A_1016 = vector.shape_cast %select_n3A_1015 : vector<16xi32> to vector<16x1xi32>
            %gather3A_1017 = vector.shape_cast %broadcast_in_dim3A_1016 : vector<16x1xi32> to vector<16xi32>
            %gather3A_1018 = tpu.dynamic_gather %get3A_533[%gather3A_1017] in [0] : vector<16xi32>, vector<16xi32> -> vector<16xi32>
            %broadcast_in_dim3A_1019 = arith.constant 13 : i32
            %broadcast_in_dim3A_1020 = vector.broadcast %broadcast_in_dim3A_1019 : i32 to vector<16xi32>
            %lt3A_1021 = arith.constant 0 : i32
            %lt3A_1022 = vector.broadcast %lt3A_1021 : i32 to vector<16xi32>
            %lt3A_1023 = arith.cmpi slt, %broadcast_in_dim3A_1020, %lt3A_1022 : vector<16xi32>
            %add3A_1024 = arith.constant 16 : i32
            %add3A_1025 = vector.broadcast %add3A_1024 : i32 to vector<16xi32>
            %add3A_1026 = arith.addi %broadcast_in_dim3A_1020, %add3A_1025 : vector<16xi32>
            %select_n3A_1027 = arith.select %lt3A_1023, %add3A_1026, %broadcast_in_dim3A_1020 : vector<16xi1>, vector<16xi32>
            %broadcast_in_dim3A_1028 = vector.shape_cast %select_n3A_1027 : vector<16xi32> to vector<16x1xi32>
            %gather3A_1029 = vector.shape_cast %broadcast_in_dim3A_1028 : vector<16x1xi32> to vector<16xi32>
            %gather3A_1030 = tpu.dynamic_gather %get3A_533[%gather3A_1029] in [0] : vector<16xi32>, vector<16xi32> -> vector<16xi32>
            %broadcast_in_dim3A_1031 = arith.constant 14 : i32
            %broadcast_in_dim3A_1032 = vector.broadcast %broadcast_in_dim3A_1031 : i32 to vector<16xi32>
            %lt3A_1033 = arith.constant 0 : i32
            %lt3A_1034 = vector.broadcast %lt3A_1033 : i32 to vector<16xi32>
            %lt3A_1035 = arith.cmpi slt, %broadcast_in_dim3A_1032, %lt3A_1034 : vector<16xi32>
            %add3A_1036 = arith.constant 16 : i32
            %add3A_1037 = vector.broadcast %add3A_1036 : i32 to vector<16xi32>
            %add3A_1038 = arith.addi %broadcast_in_dim3A_1032, %add3A_1037 : vector<16xi32>
            %select_n3A_1039 = arith.select %lt3A_1035, %add3A_1038, %broadcast_in_dim3A_1032 : vector<16xi1>, vector<16xi32>
            %broadcast_in_dim3A_1040 = vector.shape_cast %select_n3A_1039 : vector<16xi32> to vector<16x1xi32>
            %gather3A_1041 = vector.shape_cast %broadcast_in_dim3A_1040 : vector<16x1xi32> to vector<16xi32>
            %gather3A_1042 = tpu.dynamic_gather %get3A_533[%gather3A_1041] in [0] : vector<16xi32>, vector<16xi32> -> vector<16xi32>
            %broadcast_in_dim3A_1043 = arith.constant 15 : i32
            %broadcast_in_dim3A_1044 = vector.broadcast %broadcast_in_dim3A_1043 : i32 to vector<16xi32>
            %lt3A_1045 = arith.constant 0 : i32
            %lt3A_1046 = vector.broadcast %lt3A_1045 : i32 to vector<16xi32>
            %lt3A_1047 = arith.cmpi slt, %broadcast_in_dim3A_1044, %lt3A_1046 : vector<16xi32>
            %add3A_1048 = arith.constant 16 : i32
            %add3A_1049 = vector.broadcast %add3A_1048 : i32 to vector<16xi32>
            %add3A_1050 = arith.addi %broadcast_in_dim3A_1044, %add3A_1049 : vector<16xi32>
            %select_n3A_1051 = arith.select %lt3A_1047, %add3A_1050, %broadcast_in_dim3A_1044 : vector<16xi1>, vector<16xi32>
            %broadcast_in_dim3A_1052 = vector.shape_cast %select_n3A_1051 : vector<16xi32> to vector<16x1xi32>
            %gather3A_1053 = vector.shape_cast %broadcast_in_dim3A_1052 : vector<16x1xi32> to vector<16xi32>
            %gather3A_1054 = tpu.dynamic_gather %get3A_533[%gather3A_1053] in [0] : vector<16xi32>, vector<16xi32> -> vector<16xi32>
            %mul3A_1055 = arith.constant 16 : i32
            %mul3A_1056 = arith.muli %scan3A_526, %mul3A_1055 : i32
            %add3A_1057 = arith.constant 12 : i32
            %add3A_1058 = arith.addi %mul3A_1056, %add3A_1057 : i32
            %add3A_1059 = arith.constant 0 : i32
            %add3A_1060 = arith.addi %add3A_1058, %add3A_1059 : i32
            %broadcast_in_dim3A_1061 = vector.broadcast %add3A_1060 : i32 to vector<16xi32>
            %mul3A_1062 = arith.constant 16 : i32
            %mul3A_1063 = arith.muli %scan3A_526, %mul3A_1062 : i32
            %add3A_1064 = arith.constant 12 : i32
            %add3A_1065 = arith.addi %mul3A_1063, %add3A_1064 : i32
            %add3A_1066 = arith.constant 1 : i32
            %add3A_1067 = arith.addi %add3A_1065, %add3A_1066 : i32
            %broadcast_in_dim3A_1068 = vector.broadcast %add3A_1067 : i32 to vector<16xi32>
            %mul3A_1069 = arith.constant 16 : i32
            %mul3A_1070 = arith.muli %scan3A_526, %mul3A_1069 : i32
            %add3A_1071 = arith.constant 12 : i32
            %add3A_1072 = arith.addi %mul3A_1070, %add3A_1071 : i32
            %add3A_1073 = arith.constant 2 : i32
            %add3A_1074 = arith.addi %add3A_1072, %add3A_1073 : i32
            %broadcast_in_dim3A_1075 = vector.broadcast %add3A_1074 : i32 to vector<16xi32>
            %mul3A_1076 = arith.constant 16 : i32
            %mul3A_1077 = arith.muli %scan3A_526, %mul3A_1076 : i32
            %add3A_1078 = arith.constant 12 : i32
            %add3A_1079 = arith.addi %mul3A_1077, %add3A_1078 : i32
            %add3A_1080 = arith.constant 3 : i32
            %add3A_1081 = arith.addi %add3A_1079, %add3A_1080 : i32
            %broadcast_in_dim3A_1082 = vector.broadcast %add3A_1081 : i32 to vector<16xi32>
            %gather3A_1083 = tpu.vector_load_idx %arg15[%broadcast_in_dim3A_1061, %iota3A] : memref<256x32xf32, #tpu.memory_space<vmem>>[vector<16xi32>, vector<16xi32>], vector<16xf32>,
            %gather3A_1084 = tpu.vector_load_idx %arg16[%broadcast_in_dim3A_1061, %iota3A] : memref<256x32xf32, #tpu.memory_space<vmem>>[vector<16xi32>, vector<16xi32>], vector<16xf32>,
            %add3A_1085 = arith.addf %gather3A_1083, %gather3A_1084 : vector<16xf32>
            %gather3A_1086 = tpu.vector_load_idx %arg15[%broadcast_in_dim3A_1068, %iota3A] : memref<256x32xf32, #tpu.memory_space<vmem>>[vector<16xi32>, vector<16xi32>], vector<16xf32>,
            %gather3A_1087 = tpu.vector_load_idx %arg16[%broadcast_in_dim3A_1068, %iota3A] : memref<256x32xf32, #tpu.memory_space<vmem>>[vector<16xi32>, vector<16xi32>], vector<16xf32>,
            %add3A_1088 = arith.addf %gather3A_1086, %gather3A_1087 : vector<16xf32>
            %gather3A_1089 = tpu.vector_load_idx %arg15[%broadcast_in_dim3A_1075, %iota3A] : memref<256x32xf32, #tpu.memory_space<vmem>>[vector<16xi32>, vector<16xi32>], vector<16xf32>,
            %gather3A_1090 = tpu.vector_load_idx %arg16[%broadcast_in_dim3A_1075, %iota3A] : memref<256x32xf32, #tpu.memory_space<vmem>>[vector<16xi32>, vector<16xi32>], vector<16xf32>,
            %add3A_1091 = arith.addf %gather3A_1089, %gather3A_1090 : vector<16xf32>
            %gather3A_1092 = tpu.vector_load_idx %arg15[%broadcast_in_dim3A_1082, %iota3A] : memref<256x32xf32, #tpu.memory_space<vmem>>[vector<16xi32>, vector<16xi32>], vector<16xf32>,
            %gather3A_1093 = tpu.vector_load_idx %arg16[%broadcast_in_dim3A_1082, %iota3A] : memref<256x32xf32, #tpu.memory_space<vmem>>[vector<16xi32>, vector<16xi32>], vector<16xf32>,
            %add3A_1094 = arith.addf %gather3A_1092, %gather3A_1093 : vector<16xf32>
            %gather3A_1095 = tpu.vector_load_idx %arg15[%broadcast_in_dim3A_1061, %add3A_35] : memref<256x32xf32, #tpu.memory_space<vmem>>[vector<16xi32>, vector<16xi32>], vector<16xf32>,
            %gather3A_1096 = tpu.vector_load_idx %arg16[%broadcast_in_dim3A_1061, %add3A_35] : memref<256x32xf32, #tpu.memory_space<vmem>>[vector<16xi32>, vector<16xi32>], vector<16xf32>,
            %add3A_1097 = arith.addf %gather3A_1095, %gather3A_1096 : vector<16xf32>
            %gather3A_1098 = tpu.vector_load_idx %arg15[%broadcast_in_dim3A_1068, %add3A_35] : memref<256x32xf32, #tpu.memory_space<vmem>>[vector<16xi32>, vector<16xi32>], vector<16xf32>,
            %gather3A_1099 = tpu.vector_load_idx %arg16[%broadcast_in_dim3A_1068, %add3A_35] : memref<256x32xf32, #tpu.memory_space<vmem>>[vector<16xi32>, vector<16xi32>], vector<16xf32>,
            %add3A_1100 = arith.addf %gather3A_1098, %gather3A_1099 : vector<16xf32>
            %gather3A_1101 = tpu.vector_load_idx %arg15[%broadcast_in_dim3A_1075, %add3A_35] : memref<256x32xf32, #tpu.memory_space<vmem>>[vector<16xi32>, vector<16xi32>], vector<16xf32>,
            %gather3A_1102 = tpu.vector_load_idx %arg16[%broadcast_in_dim3A_1075, %add3A_35] : memref<256x32xf32, #tpu.memory_space<vmem>>[vector<16xi32>, vector<16xi32>], vector<16xf32>,
            %add3A_1103 = arith.addf %gather3A_1101, %gather3A_1102 : vector<16xf32>
            %gather3A_1104 = tpu.vector_load_idx %arg15[%broadcast_in_dim3A_1082, %add3A_35] : memref<256x32xf32, #tpu.memory_space<vmem>>[vector<16xi32>, vector<16xi32>], vector<16xf32>,
            %gather3A_1105 = tpu.vector_load_idx %arg16[%broadcast_in_dim3A_1082, %add3A_35] : memref<256x32xf32, #tpu.memory_space<vmem>>[vector<16xi32>, vector<16xi32>], vector<16xf32>,
            %add3A_1106 = arith.addf %gather3A_1104, %gather3A_1105 : vector<16xf32>
            %eq3A_1107 = arith.cmpi eq, %gather3A_1018, %gather3A_1030 : vector<16xi32>
            %max3A_1108 = arith.maximumf %add3A_1088, %add3A_1085 : vector<16xf32>
            %select_n3A_1109 = arith.select %eq3A_1107, %max3A_1108, %add3A_1088 : vector<16xi1>, vector<16xf32>
            %max3A_1110 = arith.maximumf %add3A_1100, %add3A_1097 : vector<16xf32>
            %select_n3A_1111 = arith.select %eq3A_1107, %max3A_1110, %add3A_1100 : vector<16xi1>, vector<16xf32>
            %eq3A_1112 = arith.cmpi eq, %gather3A_1018, %gather3A_1042 : vector<16xi32>
            %max3A_1113 = arith.maximumf %add3A_1091, %add3A_1085 : vector<16xf32>
            %select_n3A_1114 = arith.select %eq3A_1112, %max3A_1113, %add3A_1091 : vector<16xi1>, vector<16xf32>
            %max3A_1115 = arith.maximumf %add3A_1103, %add3A_1097 : vector<16xf32>
            %select_n3A_1116 = arith.select %eq3A_1112, %max3A_1115, %add3A_1103 : vector<16xi1>, vector<16xf32>
            %or3A_1117 = arith.ori %eq3A_1107, %eq3A_1112 : vector<16xi1>
            %eq3A_1118 = arith.cmpi eq, %gather3A_1018, %gather3A_1054 : vector<16xi32>
            %max3A_1119 = arith.maximumf %add3A_1094, %add3A_1085 : vector<16xf32>
            %select_n3A_1120 = arith.select %eq3A_1118, %max3A_1119, %add3A_1094 : vector<16xi1>, vector<16xf32>
            %max3A_1121 = arith.maximumf %add3A_1106, %add3A_1097 : vector<16xf32>
            %select_n3A_1122 = arith.select %eq3A_1118, %max3A_1121, %add3A_1106 : vector<16xi1>, vector<16xf32>
            %or3A_1123 = arith.ori %or3A_1117, %eq3A_1118 : vector<16xi1>
            %not3A_1124 = arith.constant dense<true> : vector<16xi1>
            %not3A_1125 = arith.xori %or3A_1123, %not3A_1124 : vector<16xi1>
            %eq3A_1126 = arith.cmpi eq, %gather3A_1030, %gather3A_1042 : vector<16xi32>
            %max3A_1127 = arith.maximumf %select_n3A_1114, %select_n3A_1109 : vector<16xf32>
            %select_n3A_1128 = arith.select %eq3A_1126, %max3A_1127, %select_n3A_1114 : vector<16xi1>, vector<16xf32>
            %max3A_1129 = arith.maximumf %select_n3A_1116, %select_n3A_1111 : vector<16xf32>
            %select_n3A_1130 = arith.select %eq3A_1126, %max3A_1129, %select_n3A_1116 : vector<16xi1>, vector<16xf32>
            %eq3A_1131 = arith.cmpi eq, %gather3A_1030, %gather3A_1054 : vector<16xi32>
            %max3A_1132 = arith.maximumf %select_n3A_1120, %select_n3A_1109 : vector<16xf32>
            %select_n3A_1133 = arith.select %eq3A_1131, %max3A_1132, %select_n3A_1120 : vector<16xi1>, vector<16xf32>
            %max3A_1134 = arith.maximumf %select_n3A_1122, %select_n3A_1111 : vector<16xf32>
            %select_n3A_1135 = arith.select %eq3A_1131, %max3A_1134, %select_n3A_1122 : vector<16xi1>, vector<16xf32>
            %or3A_1136 = arith.ori %eq3A_1126, %eq3A_1131 : vector<16xi1>
            %not3A_1137 = arith.constant dense<true> : vector<16xi1>
            %not3A_1138 = arith.xori %or3A_1136, %not3A_1137 : vector<16xi1>
            %eq3A_1139 = arith.cmpi eq, %gather3A_1042, %gather3A_1054 : vector<16xi32>
            %max3A_1140 = arith.maximumf %select_n3A_1133, %select_n3A_1128 : vector<16xf32>
            %select_n3A_1141 = arith.select %eq3A_1139, %max3A_1140, %select_n3A_1133 : vector<16xi1>, vector<16xf32>
            %max3A_1142 = arith.maximumf %select_n3A_1135, %select_n3A_1130 : vector<16xf32>
            %select_n3A_1143 = arith.select %eq3A_1139, %max3A_1142, %select_n3A_1135 : vector<16xi1>, vector<16xf32>
            %not3A_1144 = arith.constant dense<true> : vector<16xi1>
            %not3A_1145 = arith.xori %eq3A_1139, %not3A_1144 : vector<16xi1>
            %add3A_1146 = arith.addi %gather3A_1018, %iota3A : vector<16xi32>
            %add3A_1147 = arith.addi %gather3A_1030, %iota3A : vector<16xi32>
            %add3A_1148 = arith.addi %gather3A_1042, %iota3A : vector<16xi32>
            %add3A_1149 = arith.addi %gather3A_1054, %iota3A : vector<16xi32>
            %gather3A_1150 = tpu.vector_load_idx %arg7[%add3A_1146] : memref<20128xf32, #tpu.memory_space<vmem>>[vector<16xi32>], vector<16xf32>,
            %max3A_1151 = arith.maximumf %gather3A_1150, %add3A_1085 : vector<16xf32>
            %gather3A_1152 = tpu.vector_load_idx %arg7[%add3A_1147] : memref<20128xf32, #tpu.memory_space<vmem>>[vector<16xi32>], vector<16xf32>,
            %max3A_1153 = arith.maximumf %gather3A_1152, %select_n3A_1109 : vector<16xf32>
            %gather3A_1154 = tpu.vector_load_idx %arg7[%add3A_1148] : memref<20128xf32, #tpu.memory_space<vmem>>[vector<16xi32>], vector<16xf32>,
            %max3A_1155 = arith.maximumf %gather3A_1154, %select_n3A_1128 : vector<16xf32>
            %gather3A_1156 = tpu.vector_load_idx %arg7[%add3A_1149] : memref<20128xf32, #tpu.memory_space<vmem>>[vector<16xi32>], vector<16xf32>,
            %max3A_1157 = arith.maximumf %gather3A_1156, %select_n3A_1141 : vector<16xf32>
            %gather3A_1158 = tpu.vector_load_idx %arg8[%add3A_1146] : memref<20128xf32, #tpu.memory_space<vmem>>[vector<16xi32>], vector<16xf32>,
            %max3A_1159 = arith.maximumf %gather3A_1158, %add3A_1097 : vector<16xf32>
            %gather3A_1160 = tpu.vector_load_idx %arg8[%add3A_1147] : memref<20128xf32, #tpu.memory_space<vmem>>[vector<16xi32>], vector<16xf32>,
            %max3A_1161 = arith.maximumf %gather3A_1160, %select_n3A_1111 : vector<16xf32>
            %gather3A_1162 = tpu.vector_load_idx %arg8[%add3A_1148] : memref<20128xf32, #tpu.memory_space<vmem>>[vector<16xi32>], vector<16xf32>,
            %max3A_1163 = arith.maximumf %gather3A_1162, %select_n3A_1130 : vector<16xf32>
            %gather3A_1164 = tpu.vector_load_idx %arg8[%add3A_1149] : memref<20128xf32, #tpu.memory_space<vmem>>[vector<16xi32>], vector<16xf32>,
            %max3A_1165 = arith.maximumf %gather3A_1164, %select_n3A_1143 : vector<16xf32>
            tpu.vector_store_idx %arg7[%add3A_1146], %max3A_1151 masked %not3A_1125 : memref<20128xf32, #tpu.memory_space<vmem>>[vector<16xi32>], vector<16xf32>, vector<16xi1>
            tpu.vector_store_idx %arg8[%add3A_1146], %max3A_1159 masked %not3A_1125 : memref<20128xf32, #tpu.memory_space<vmem>>[vector<16xi32>], vector<16xf32>, vector<16xi1>
            tpu.vector_store_idx %arg7[%add3A_1147], %max3A_1153 masked %not3A_1138 : memref<20128xf32, #tpu.memory_space<vmem>>[vector<16xi32>], vector<16xf32>, vector<16xi1>
            tpu.vector_store_idx %arg8[%add3A_1147], %max3A_1161 masked %not3A_1138 : memref<20128xf32, #tpu.memory_space<vmem>>[vector<16xi32>], vector<16xf32>, vector<16xi1>
            tpu.vector_store_idx %arg7[%add3A_1148], %max3A_1155 masked %not3A_1145 : memref<20128xf32, #tpu.memory_space<vmem>>[vector<16xi32>], vector<16xf32>, vector<16xi1>
            tpu.vector_store_idx %arg8[%add3A_1148], %max3A_1163 masked %not3A_1145 : memref<20128xf32, #tpu.memory_space<vmem>>[vector<16xi32>], vector<16xf32>, vector<16xi1>
            tpu.vector_store_idx %arg7[%add3A_1149], %max3A_1157 : memref<20128xf32, #tpu.memory_space<vmem>>[vector<16xi32>], vector<16xf32>,
            tpu.vector_store_idx %arg8[%add3A_1149], %max3A_1165 : memref<20128xf32, #tpu.memory_space<vmem>>[vector<16xi32>], vector<16xf32>,
            %scan3A_1166 = arith.constant 0 : i32
            scf.yield %scan3A_1166 : i32
          }
          %scan3A_525 = arith.constant 16 : i32
        } else {
        }
        %add3A_474 = arith.constant 1 : i32
        %add3A_475 = arith.addi %mul3A_469, %add3A_474 : i32
        %lt3A_476 = arith.cmpi slt, %add3A_475, %select_n3A_423 : i32
        %convert_element_type3A_477 = arith.extui %lt3A_476 : i1 to i32
        %cond3A_478 = arith.constant 0 : i32
        %cond3A_479 = arith.cmpi ne, %convert_element_type3A_477, %cond3A_478 : i32
        scf.if %cond3A_479 {
          %add3A_481 = arith.constant 2 : i32
          %add3A_482 = arith.addi %mul3A_469, %add3A_481 : i32
          %lt3A_483 = arith.cmpi slt, %add3A_482, %select_n3A_423 : i32
          %convert_element_type3A_484 = arith.extui %lt3A_483 : i1 to i32
          %cond3A_485 = arith.constant 0 : i32
          %cond3A_486 = arith.cmpi ne, %convert_element_type3A_484, %cond3A_485 : i32
          scf.if %cond3A_486 {
            %add3A_528 = arith.constant 2 : i32
            %add3A_529 = arith.addi %mul3A_469, %add3A_528 : i32
            %mul3A_530 = arith.constant 256 : i32
            %mul3A_531 = arith.muli %add3A_529, %mul3A_530 : i32
            %add3A_532 = arith.constant 0 : i32
            %add3A_533 = arith.addi %mul3A_531, %add3A_532 : i32
            %dma_start3A_534 = arith.constant 0 : i32
            %dma_start3A_535 = arith.constant 0 : i32
            %dma_start3A_536 = tpu.memref_slice %arg15[%dma_start3A_534, %dma_start3A_535] : memref<256x32xf32, #tpu.memory_space<vmem>> -> memref<128x32xf32, #tpu.memory_space<vmem>>
            %dma_start3A_537 = tpu.memref_slice %arg13[%add3A_533] : memref<8512xi32, #tpu.memory_space<vmem>> -> memref<128xi32, #tpu.memory_space<vmem>>
            %dma_start3A_538 = arith.constant 0 : i32
            %dma_start3A_539 = arith.constant 0 : i32
            %dma_start3A_540 = tpu.memref_slice %arg5[%dma_start3A_538, %dma_start3A_539] : memref<320000x32xf32, #tpu.memory_space<hbm>> -> memref<320000x32xf32, #tpu.memory_space<hbm>>
            tpu.enqueue_indirect_dma source(%dma_start3A_540 : memref<320000x32xf32, #tpu.memory_space<hbm>>) target(%dma_start3A_536 : memref<128x32xf32, #tpu.memory_space<vmem>>) offsets(%dma_start3A_537 : memref<128xi32, #tpu.memory_space<vmem>>) semaphore(%arg19 : memref<!tpu.dma_semaphore, #tpu.memory_space<semaphore_mem>>)
            %dma_start3A_541 = arith.constant 0 : i32
            %dma_start3A_542 = arith.constant 0 : i32
            %dma_start3A_543 = tpu.memref_slice %arg16[%dma_start3A_541, %dma_start3A_542] : memref<256x32xf32, #tpu.memory_space<vmem>> -> memref<128x32xf32, #tpu.memory_space<vmem>>
            %dma_start3A_544 = tpu.memref_slice %arg14[%add3A_533] : memref<8512xi32, #tpu.memory_space<vmem>> -> memref<128xi32, #tpu.memory_space<vmem>>
            %dma_start3A_545 = arith.constant 0 : i32
            %dma_start3A_546 = arith.constant 0 : i32
            %dma_start3A_547 = tpu.memref_slice %arg5[%dma_start3A_545, %dma_start3A_546] : memref<320000x32xf32, #tpu.memory_space<hbm>> -> memref<320000x32xf32, #tpu.memory_space<hbm>>
            tpu.enqueue_indirect_dma source(%dma_start3A_547 : memref<320000x32xf32, #tpu.memory_space<hbm>>) target(%dma_start3A_543 : memref<128x32xf32, #tpu.memory_space<vmem>>) offsets(%dma_start3A_544 : memref<128xi32, #tpu.memory_space<vmem>>) semaphore(%arg19 : memref<!tpu.dma_semaphore, #tpu.memory_space<semaphore_mem>>)
            %mul3A_548 = arith.constant 256 : i32
            %mul3A_549 = arith.muli %add3A_529, %mul3A_548 : i32
            %add3A_550 = arith.constant 128 : i32
            %add3A_551 = arith.addi %mul3A_549, %add3A_550 : i32
            %dma_start3A_552 = arith.constant 128 : i32
            %dma_start3A_553 = arith.constant 0 : i32
            %dma_start3A_554 = tpu.memref_slice %arg15[%dma_start3A_552, %dma_start3A_553] : memref<256x32xf32, #tpu.memory_space<vmem>> -> memref<128x32xf32, #tpu.memory_space<vmem>>
            %dma_start3A_555 = tpu.memref_slice %arg13[%add3A_551] : memref<8512xi32, #tpu.memory_space<vmem>> -> memref<128xi32, #tpu.memory_space<vmem>>
            %dma_start3A_556 = arith.constant 0 : i32
            %dma_start3A_557 = arith.constant 0 : i32
            %dma_start3A_558 = tpu.memref_slice %arg5[%dma_start3A_556, %dma_start3A_557] : memref<320000x32xf32, #tpu.memory_space<hbm>> -> memref<320000x32xf32, #tpu.memory_space<hbm>>
            tpu.enqueue_indirect_dma source(%dma_start3A_558 : memref<320000x32xf32, #tpu.memory_space<hbm>>) target(%dma_start3A_554 : memref<128x32xf32, #tpu.memory_space<vmem>>) offsets(%dma_start3A_555 : memref<128xi32, #tpu.memory_space<vmem>>) semaphore(%arg19 : memref<!tpu.dma_semaphore, #tpu.memory_space<semaphore_mem>>)
            %dma_start3A_559 = arith.constant 128 : i32
            %dma_start3A_560 = arith.constant 0 : i32
            %dma_start3A_561 = tpu.memref_slice %arg16[%dma_start3A_559, %dma_start3A_560] : memref<256x32xf32, #tpu.memory_space<vmem>> -> memref<128x32xf32, #tpu.memory_space<vmem>>
            %dma_start3A_562 = tpu.memref_slice %arg14[%add3A_551] : memref<8512xi32, #tpu.memory_space<vmem>> -> memref<128xi32, #tpu.memory_space<vmem>>
            %dma_start3A_563 = arith.constant 0 : i32
            %dma_start3A_564 = arith.constant 0 : i32
            %dma_start3A_565 = tpu.memref_slice %arg5[%dma_start3A_563, %dma_start3A_564] : memref<320000x32xf32, #tpu.memory_space<hbm>> -> memref<320000x32xf32, #tpu.memory_space<hbm>>
            tpu.enqueue_indirect_dma source(%dma_start3A_565 : memref<320000x32xf32, #tpu.memory_space<hbm>>) target(%dma_start3A_561 : memref<128x32xf32, #tpu.memory_space<vmem>>) offsets(%dma_start3A_562 : memref<128xi32, #tpu.memory_space<vmem>>) semaphore(%arg19 : memref<!tpu.dma_semaphore, #tpu.memory_space<semaphore_mem>>)
          } else {
          }
          %dma_wait3A_487 = arith.constant 0 : i32
          %dma_wait3A_488 = arith.constant 0 : i32
          %dma_wait3A_489 = tpu.memref_slice %arg17[%dma_wait3A_487, %dma_wait3A_488] : memref<256x32xf32, #tpu.memory_space<vmem>> -> memref<128x32xf32, #tpu.memory_space<vmem>>
          %dma_wait3A_490 = arith.constant 0 : i32
          %dma_wait3A_491 = tpu.memref_slice %arg13[%dma_wait3A_490] : memref<8512xi32, #tpu.memory_space<vmem>> -> memref<128xi32, #tpu.memory_space<vmem>>
          %dma_wait3A_492 = arith.constant 0 : i32
          %dma_wait3A_493 = arith.constant 0 : i32
          %dma_wait3A_494 = tpu.memref_slice %arg5[%dma_wait3A_492, %dma_wait3A_493] : memref<320000x32xf32, #tpu.memory_space<hbm>> -> memref<320000x32xf32, #tpu.memory_space<hbm>>
          tpu.wait_indirect_dma semaphore(%arg20 : memref<!tpu.dma_semaphore, #tpu.memory_space<semaphore_mem>>) src(%dma_wait3A_494 : memref<320000x32xf32, #tpu.memory_space<hbm>>) dst(%dma_wait3A_489 : memref<128x32xf32, #tpu.memory_space<vmem>>)
          %dma_wait3A_495 = arith.constant 0 : i32
          %dma_wait3A_496 = arith.constant 0 : i32
          %dma_wait3A_497 = tpu.memref_slice %arg18[%dma_wait3A_495, %dma_wait3A_496] : memref<256x32xf32, #tpu.memory_space<vmem>> -> memref<128x32xf32, #tpu.memory_space<vmem>>
          %dma_wait3A_498 = arith.constant 0 : i32
          %dma_wait3A_499 = tpu.memref_slice %arg14[%dma_wait3A_498] : memref<8512xi32, #tpu.memory_space<vmem>> -> memref<128xi32, #tpu.memory_space<vmem>>
          %dma_wait3A_500 = arith.constant 0 : i32
          %dma_wait3A_501 = arith.constant 0 : i32
          %dma_wait3A_502 = tpu.memref_slice %arg5[%dma_wait3A_500, %dma_wait3A_501] : memref<320000x32xf32, #tpu.memory_space<hbm>> -> memref<320000x32xf32, #tpu.memory_space<hbm>>
          tpu.wait_indirect_dma semaphore(%arg20 : memref<!tpu.dma_semaphore, #tpu.memory_space<semaphore_mem>>) src(%dma_wait3A_502 : memref<320000x32xf32, #tpu.memory_space<hbm>>) dst(%dma_wait3A_497 : memref<128x32xf32, #tpu.memory_space<vmem>>)
          %dma_wait3A_503 = arith.constant 128 : i32
          %dma_wait3A_504 = arith.constant 0 : i32
          %dma_wait3A_505 = tpu.memref_slice %arg17[%dma_wait3A_503, %dma_wait3A_504] : memref<256x32xf32, #tpu.memory_space<vmem>> -> memref<128x32xf32, #tpu.memory_space<vmem>>
          %dma_wait3A_506 = arith.constant 0 : i32
          %dma_wait3A_507 = tpu.memref_slice %arg13[%dma_wait3A_506] : memref<8512xi32, #tpu.memory_space<vmem>> -> memref<128xi32, #tpu.memory_space<vmem>>
          %dma_wait3A_508 = arith.constant 0 : i32
          %dma_wait3A_509 = arith.constant 0 : i32
          %dma_wait3A_510 = tpu.memref_slice %arg5[%dma_wait3A_508, %dma_wait3A_509] : memref<320000x32xf32, #tpu.memory_space<hbm>> -> memref<320000x32xf32, #tpu.memory_space<hbm>>
          tpu.wait_indirect_dma semaphore(%arg20 : memref<!tpu.dma_semaphore, #tpu.memory_space<semaphore_mem>>) src(%dma_wait3A_510 : memref<320000x32xf32, #tpu.memory_space<hbm>>) dst(%dma_wait3A_505 : memref<128x32xf32, #tpu.memory_space<vmem>>)
          %dma_wait3A_511 = arith.constant 128 : i32
          %dma_wait3A_512 = arith.constant 0 : i32
          %dma_wait3A_513 = tpu.memref_slice %arg18[%dma_wait3A_511, %dma_wait3A_512] : memref<256x32xf32, #tpu.memory_space<vmem>> -> memref<128x32xf32, #tpu.memory_space<vmem>>
          %dma_wait3A_514 = arith.constant 0 : i32
          %dma_wait3A_515 = tpu.memref_slice %arg14[%dma_wait3A_514] : memref<8512xi32, #tpu.memory_space<vmem>> -> memref<128xi32, #tpu.memory_space<vmem>>
          %dma_wait3A_516 = arith.constant 0 : i32
          %dma_wait3A_517 = arith.constant 0 : i32
          %dma_wait3A_518 = tpu.memref_slice %arg5[%dma_wait3A_516, %dma_wait3A_517] : memref<320000x32xf32, #tpu.memory_space<hbm>> -> memref<320000x32xf32, #tpu.memory_space<hbm>>
          tpu.wait_indirect_dma semaphore(%arg20 : memref<!tpu.dma_semaphore, #tpu.memory_space<semaphore_mem>>) src(%dma_wait3A_518 : memref<320000x32xf32, #tpu.memory_space<hbm>>) dst(%dma_wait3A_513 : memref<128x32xf32, #tpu.memory_space<vmem>>)
          %add3A_519 = arith.constant 1 : i32
          %add3A_520 = arith.addi %mul3A_469, %add3A_519 : i32
          %scan3A_521 = arith.constant 0 : i32
          %scan3A_522 = arith.constant 0 : i32
          %scan3A_523 = arith.constant 16 : i32
          %scan3A_524 = arith.addi %scan3A_522, %scan3A_523 : i32
          %scan3A_525 = arith.constant 1 : i32
          %scan3A_526 = scf.for %scan3A_528 = %scan3A_522 to %scan3A_524 step %scan3A_525 iter_args(%scan3A_529 = %scan3A_521) -> (i32)  : i32 {
            %mul3A_530 = arith.constant 256 : i32
            %mul3A_531 = arith.muli %add3A_520, %mul3A_530 : i32
            %mul3A_532 = arith.constant 16 : i32
            %mul3A_533 = arith.muli %scan3A_528, %mul3A_532 : i32
            %add3A_534 = arith.addi %mul3A_531, %mul3A_533 : i32
            %get3A = arith.index_cast %add3A_534 : i32 to index
            %get3A_535 = tpu.vector_load %arg12[%get3A] {strides = array<i32>} : memref<8512xi32, #tpu.memory_space<vmem>>, vector<16xi32>,
            %broadcast_in_dim3A_536 = arith.constant 0 : i32
            %broadcast_in_dim3A_537 = vector.broadcast %broadcast_in_dim3A_536 : i32 to vector<16xi32>
            %lt3A_538 = arith.constant 0 : i32
            %lt3A_539 = vector.broadcast %lt3A_538 : i32 to vector<16xi32>
            %lt3A_540 = arith.cmpi slt, %broadcast_in_dim3A_537, %lt3A_539 : vector<16xi32>
            %add3A_541 = arith.constant 16 : i32
            %add3A_542 = vector.broadcast %add3A_541 : i32 to vector<16xi32>
            %add3A_543 = arith.addi %broadcast_in_dim3A_537, %add3A_542 : vector<16xi32>
            %select_n3A_544 = arith.select %lt3A_540, %add3A_543, %broadcast_in_dim3A_537 : vector<16xi1>, vector<16xi32>
            %broadcast_in_dim3A_545 = vector.shape_cast %select_n3A_544 : vector<16xi32> to vector<16x1xi32>
            %gather3A = vector.shape_cast %broadcast_in_dim3A_545 : vector<16x1xi32> to vector<16xi32>
            %gather3A_546 = tpu.dynamic_gather %get3A_535[%gather3A] in [0] : vector<16xi32>, vector<16xi32> -> vector<16xi32>
            %broadcast_in_dim3A_547 = arith.constant 1 : i32
            %broadcast_in_dim3A_548 = vector.broadcast %broadcast_in_dim3A_547 : i32 to vector<16xi32>
            %lt3A_549 = arith.constant 0 : i32
            %lt3A_550 = vector.broadcast %lt3A_549 : i32 to vector<16xi32>
            %lt3A_551 = arith.cmpi slt, %broadcast_in_dim3A_548, %lt3A_550 : vector<16xi32>
            %add3A_552 = arith.constant 16 : i32
            %add3A_553 = vector.broadcast %add3A_552 : i32 to vector<16xi32>
            %add3A_554 = arith.addi %broadcast_in_dim3A_548, %add3A_553 : vector<16xi32>
            %select_n3A_555 = arith.select %lt3A_551, %add3A_554, %broadcast_in_dim3A_548 : vector<16xi1>, vector<16xi32>
            %broadcast_in_dim3A_556 = vector.shape_cast %select_n3A_555 : vector<16xi32> to vector<16x1xi32>
            %gather3A_557 = vector.shape_cast %broadcast_in_dim3A_556 : vector<16x1xi32> to vector<16xi32>
            %gather3A_558 = tpu.dynamic_gather %get3A_535[%gather3A_557] in [0] : vector<16xi32>, vector<16xi32> -> vector<16xi32>
            %broadcast_in_dim3A_559 = arith.constant 2 : i32
            %broadcast_in_dim3A_560 = vector.broadcast %broadcast_in_dim3A_559 : i32 to vector<16xi32>
            %lt3A_561 = arith.constant 0 : i32
            %lt3A_562 = vector.broadcast %lt3A_561 : i32 to vector<16xi32>
            %lt3A_563 = arith.cmpi slt, %broadcast_in_dim3A_560, %lt3A_562 : vector<16xi32>
            %add3A_564 = arith.constant 16 : i32
            %add3A_565 = vector.broadcast %add3A_564 : i32 to vector<16xi32>
            %add3A_566 = arith.addi %broadcast_in_dim3A_560, %add3A_565 : vector<16xi32>
            %select_n3A_567 = arith.select %lt3A_563, %add3A_566, %broadcast_in_dim3A_560 : vector<16xi1>, vector<16xi32>
            %broadcast_in_dim3A_568 = vector.shape_cast %select_n3A_567 : vector<16xi32> to vector<16x1xi32>
            %gather3A_569 = vector.shape_cast %broadcast_in_dim3A_568 : vector<16x1xi32> to vector<16xi32>
            %gather3A_570 = tpu.dynamic_gather %get3A_535[%gather3A_569] in [0] : vector<16xi32>, vector<16xi32> -> vector<16xi32>
            %broadcast_in_dim3A_571 = arith.constant 3 : i32
            %broadcast_in_dim3A_572 = vector.broadcast %broadcast_in_dim3A_571 : i32 to vector<16xi32>
            %lt3A_573 = arith.constant 0 : i32
            %lt3A_574 = vector.broadcast %lt3A_573 : i32 to vector<16xi32>
            %lt3A_575 = arith.cmpi slt, %broadcast_in_dim3A_572, %lt3A_574 : vector<16xi32>
            %add3A_576 = arith.constant 16 : i32
            %add3A_577 = vector.broadcast %add3A_576 : i32 to vector<16xi32>
            %add3A_578 = arith.addi %broadcast_in_dim3A_572, %add3A_577 : vector<16xi32>
            %select_n3A_579 = arith.select %lt3A_575, %add3A_578, %broadcast_in_dim3A_572 : vector<16xi1>, vector<16xi32>
            %broadcast_in_dim3A_580 = vector.shape_cast %select_n3A_579 : vector<16xi32> to vector<16x1xi32>
            %gather3A_581 = vector.shape_cast %broadcast_in_dim3A_580 : vector<16x1xi32> to vector<16xi32>
            %gather3A_582 = tpu.dynamic_gather %get3A_535[%gather3A_581] in [0] : vector<16xi32>, vector<16xi32> -> vector<16xi32>
            %mul3A_583 = arith.constant 16 : i32
            %mul3A_584 = arith.muli %scan3A_528, %mul3A_583 : i32
            %add3A_585 = arith.constant 0 : i32
            %add3A_586 = arith.addi %mul3A_584, %add3A_585 : i32
            %add3A_587 = arith.constant 0 : i32
            %add3A_588 = arith.addi %add3A_586, %add3A_587 : i32
            %broadcast_in_dim3A_589 = vector.broadcast %add3A_588 : i32 to vector<16xi32>
            %mul3A_590 = arith.constant 16 : i32
            %mul3A_591 = arith.muli %scan3A_528, %mul3A_590 : i32
            %add3A_592 = arith.constant 0 : i32
            %add3A_593 = arith.addi %mul3A_591, %add3A_592 : i32
            %add3A_594 = arith.constant 1 : i32
            %add3A_595 = arith.addi %add3A_593, %add3A_594 : i32
            %broadcast_in_dim3A_596 = vector.broadcast %add3A_595 : i32 to vector<16xi32>
            %mul3A_597 = arith.constant 16 : i32
            %mul3A_598 = arith.muli %scan3A_528, %mul3A_597 : i32
            %add3A_599 = arith.constant 0 : i32
            %add3A_600 = arith.addi %mul3A_598, %add3A_599 : i32
            %add3A_601 = arith.constant 2 : i32
            %add3A_602 = arith.addi %add3A_600, %add3A_601 : i32
            %broadcast_in_dim3A_603 = vector.broadcast %add3A_602 : i32 to vector<16xi32>
            %mul3A_604 = arith.constant 16 : i32
            %mul3A_605 = arith.muli %scan3A_528, %mul3A_604 : i32
            %add3A_606 = arith.constant 0 : i32
            %add3A_607 = arith.addi %mul3A_605, %add3A_606 : i32
            %add3A_608 = arith.constant 3 : i32
            %add3A_609 = arith.addi %add3A_607, %add3A_608 : i32
            %broadcast_in_dim3A_610 = vector.broadcast %add3A_609 : i32 to vector<16xi32>
            %gather3A_611 = tpu.vector_load_idx %arg17[%broadcast_in_dim3A_589, %iota3A] : memref<256x32xf32, #tpu.memory_space<vmem>>[vector<16xi32>, vector<16xi32>], vector<16xf32>,
            %gather3A_612 = tpu.vector_load_idx %arg18[%broadcast_in_dim3A_589, %iota3A] : memref<256x32xf32, #tpu.memory_space<vmem>>[vector<16xi32>, vector<16xi32>], vector<16xf32>,
            %add3A_613 = arith.addf %gather3A_611, %gather3A_612 : vector<16xf32>
            %gather3A_614 = tpu.vector_load_idx %arg17[%broadcast_in_dim3A_596, %iota3A] : memref<256x32xf32, #tpu.memory_space<vmem>>[vector<16xi32>, vector<16xi32>], vector<16xf32>,
            %gather3A_615 = tpu.vector_load_idx %arg18[%broadcast_in_dim3A_596, %iota3A] : memref<256x32xf32, #tpu.memory_space<vmem>>[vector<16xi32>, vector<16xi32>], vector<16xf32>,
            %add3A_616 = arith.addf %gather3A_614, %gather3A_615 : vector<16xf32>
            %gather3A_617 = tpu.vector_load_idx %arg17[%broadcast_in_dim3A_603, %iota3A] : memref<256x32xf32, #tpu.memory_space<vmem>>[vector<16xi32>, vector<16xi32>], vector<16xf32>,
            %gather3A_618 = tpu.vector_load_idx %arg18[%broadcast_in_dim3A_603, %iota3A] : memref<256x32xf32, #tpu.memory_space<vmem>>[vector<16xi32>, vector<16xi32>], vector<16xf32>,
            %add3A_619 = arith.addf %gather3A_617, %gather3A_618 : vector<16xf32>
            %gather3A_620 = tpu.vector_load_idx %arg17[%broadcast_in_dim3A_610, %iota3A] : memref<256x32xf32, #tpu.memory_space<vmem>>[vector<16xi32>, vector<16xi32>], vector<16xf32>,
            %gather3A_621 = tpu.vector_load_idx %arg18[%broadcast_in_dim3A_610, %iota3A] : memref<256x32xf32, #tpu.memory_space<vmem>>[vector<16xi32>, vector<16xi32>], vector<16xf32>,
            %add3A_622 = arith.addf %gather3A_620, %gather3A_621 : vector<16xf32>
            %gather3A_623 = tpu.vector_load_idx %arg17[%broadcast_in_dim3A_589, %add3A_35] : memref<256x32xf32, #tpu.memory_space<vmem>>[vector<16xi32>, vector<16xi32>], vector<16xf32>,
            %gather3A_624 = tpu.vector_load_idx %arg18[%broadcast_in_dim3A_589, %add3A_35] : memref<256x32xf32, #tpu.memory_space<vmem>>[vector<16xi32>, vector<16xi32>], vector<16xf32>,
            %add3A_625 = arith.addf %gather3A_623, %gather3A_624 : vector<16xf32>
            %gather3A_626 = tpu.vector_load_idx %arg17[%broadcast_in_dim3A_596, %add3A_35] : memref<256x32xf32, #tpu.memory_space<vmem>>[vector<16xi32>, vector<16xi32>], vector<16xf32>,
            %gather3A_627 = tpu.vector_load_idx %arg18[%broadcast_in_dim3A_596, %add3A_35] : memref<256x32xf32, #tpu.memory_space<vmem>>[vector<16xi32>, vector<16xi32>], vector<16xf32>,
            %add3A_628 = arith.addf %gather3A_626, %gather3A_627 : vector<16xf32>
            %gather3A_629 = tpu.vector_load_idx %arg17[%broadcast_in_dim3A_603, %add3A_35] : memref<256x32xf32, #tpu.memory_space<vmem>>[vector<16xi32>, vector<16xi32>], vector<16xf32>,
            %gather3A_630 = tpu.vector_load_idx %arg18[%broadcast_in_dim3A_603, %add3A_35] : memref<256x32xf32, #tpu.memory_space<vmem>>[vector<16xi32>, vector<16xi32>], vector<16xf32>,
            %add3A_631 = arith.addf %gather3A_629, %gather3A_630 : vector<16xf32>
            %gather3A_632 = tpu.vector_load_idx %arg17[%broadcast_in_dim3A_610, %add3A_35] : memref<256x32xf32, #tpu.memory_space<vmem>>[vector<16xi32>, vector<16xi32>], vector<16xf32>,
            %gather3A_633 = tpu.vector_load_idx %arg18[%broadcast_in_dim3A_610, %add3A_35] : memref<256x32xf32, #tpu.memory_space<vmem>>[vector<16xi32>, vector<16xi32>], vector<16xf32>,
            %add3A_634 = arith.addf %gather3A_632, %gather3A_633 : vector<16xf32>
            %eq3A_635 = arith.cmpi eq, %gather3A_546, %gather3A_558 : vector<16xi32>
            %max3A = arith.maximumf %add3A_616, %add3A_613 : vector<16xf32>
            %select_n3A_636 = arith.select %eq3A_635, %max3A, %add3A_616 : vector<16xi1>, vector<16xf32>
            %max3A_637 = arith.maximumf %add3A_628, %add3A_625 : vector<16xf32>
            %select_n3A_638 = arith.select %eq3A_635, %max3A_637, %add3A_628 : vector<16xi1>, vector<16xf32>
            %eq3A_639 = arith.cmpi eq, %gather3A_546, %gather3A_570 : vector<16xi32>
            %max3A_640 = arith.maximumf %add3A_619, %add3A_613 : vector<16xf32>
            %select_n3A_641 = arith.select %eq3A_639, %max3A_640, %add3A_619 : vector<16xi1>, vector<16xf32>
            %max3A_642 = arith.maximumf %add3A_631, %add3A_625 : vector<16xf32>
            %select_n3A_643 = arith.select %eq3A_639, %max3A_642, %add3A_631 : vector<16xi1>, vector<16xf32>
            %or3A = arith.ori %eq3A_635, %eq3A_639 : vector<16xi1>
            %eq3A_644 = arith.cmpi eq, %gather3A_546, %gather3A_582 : vector<16xi32>
            %max3A_645 = arith.maximumf %add3A_622, %add3A_613 : vector<16xf32>
            %select_n3A_646 = arith.select %eq3A_644, %max3A_645, %add3A_622 : vector<16xi1>, vector<16xf32>
            %max3A_647 = arith.maximumf %add3A_634, %add3A_625 : vector<16xf32>
            %select_n3A_648 = arith.select %eq3A_644, %max3A_647, %add3A_634 : vector<16xi1>, vector<16xf32>
            %or3A_649 = arith.ori %or3A, %eq3A_644 : vector<16xi1>
            %not3A = arith.constant dense<true> : vector<16xi1>
            %not3A_650 = arith.xori %or3A_649, %not3A : vector<16xi1>
            %eq3A_651 = arith.cmpi eq, %gather3A_558, %gather3A_570 : vector<16xi32>
            %max3A_652 = arith.maximumf %select_n3A_641, %select_n3A_636 : vector<16xf32>
            %select_n3A_653 = arith.select %eq3A_651, %max3A_652, %select_n3A_641 : vector<16xi1>, vector<16xf32>
            %max3A_654 = arith.maximumf %select_n3A_643, %select_n3A_638 : vector<16xf32>
            %select_n3A_655 = arith.select %eq3A_651, %max3A_654, %select_n3A_643 : vector<16xi1>, vector<16xf32>
            %eq3A_656 = arith.cmpi eq, %gather3A_558, %gather3A_582 : vector<16xi32>
            %max3A_657 = arith.maximumf %select_n3A_646, %select_n3A_636 : vector<16xf32>
            %select_n3A_658 = arith.select %eq3A_656, %max3A_657, %select_n3A_646 : vector<16xi1>, vector<16xf32>
            %max3A_659 = arith.maximumf %select_n3A_648, %select_n3A_638 : vector<16xf32>
            %select_n3A_660 = arith.select %eq3A_656, %max3A_659, %select_n3A_648 : vector<16xi1>, vector<16xf32>
            %or3A_661 = arith.ori %eq3A_651, %eq3A_656 : vector<16xi1>
            %not3A_662 = arith.constant dense<true> : vector<16xi1>
            %not3A_663 = arith.xori %or3A_661, %not3A_662 : vector<16xi1>
            %eq3A_664 = arith.cmpi eq, %gather3A_570, %gather3A_582 : vector<16xi32>
            %max3A_665 = arith.maximumf %select_n3A_658, %select_n3A_653 : vector<16xf32>
            %select_n3A_666 = arith.select %eq3A_664, %max3A_665, %select_n3A_658 : vector<16xi1>, vector<16xf32>
            %max3A_667 = arith.maximumf %select_n3A_660, %select_n3A_655 : vector<16xf32>
            %select_n3A_668 = arith.select %eq3A_664, %max3A_667, %select_n3A_660 : vector<16xi1>, vector<16xf32>
            %not3A_669 = arith.constant dense<true> : vector<16xi1>
            %not3A_670 = arith.xori %eq3A_664, %not3A_669 : vector<16xi1>
            %add3A_671 = arith.addi %gather3A_546, %iota3A : vector<16xi32>
            %add3A_672 = arith.addi %gather3A_558, %iota3A : vector<16xi32>
            %add3A_673 = arith.addi %gather3A_570, %iota3A : vector<16xi32>
            %add3A_674 = arith.addi %gather3A_582, %iota3A : vector<16xi32>
            %gather3A_675 = tpu.vector_load_idx %arg7[%add3A_671] : memref<20128xf32, #tpu.memory_space<vmem>>[vector<16xi32>], vector<16xf32>,
            %max3A_676 = arith.maximumf %gather3A_675, %add3A_613 : vector<16xf32>
            %gather3A_677 = tpu.vector_load_idx %arg7[%add3A_672] : memref<20128xf32, #tpu.memory_space<vmem>>[vector<16xi32>], vector<16xf32>,
            %max3A_678 = arith.maximumf %gather3A_677, %select_n3A_636 : vector<16xf32>
            %gather3A_679 = tpu.vector_load_idx %arg7[%add3A_673] : memref<20128xf32, #tpu.memory_space<vmem>>[vector<16xi32>], vector<16xf32>,
            %max3A_680 = arith.maximumf %gather3A_679, %select_n3A_653 : vector<16xf32>
            %gather3A_681 = tpu.vector_load_idx %arg7[%add3A_674] : memref<20128xf32, #tpu.memory_space<vmem>>[vector<16xi32>], vector<16xf32>,
            %max3A_682 = arith.maximumf %gather3A_681, %select_n3A_666 : vector<16xf32>
            %gather3A_683 = tpu.vector_load_idx %arg8[%add3A_671] : memref<20128xf32, #tpu.memory_space<vmem>>[vector<16xi32>], vector<16xf32>,
            %max3A_684 = arith.maximumf %gather3A_683, %add3A_625 : vector<16xf32>
            %gather3A_685 = tpu.vector_load_idx %arg8[%add3A_672] : memref<20128xf32, #tpu.memory_space<vmem>>[vector<16xi32>], vector<16xf32>,
            %max3A_686 = arith.maximumf %gather3A_685, %select_n3A_638 : vector<16xf32>
            %gather3A_687 = tpu.vector_load_idx %arg8[%add3A_673] : memref<20128xf32, #tpu.memory_space<vmem>>[vector<16xi32>], vector<16xf32>,
            %max3A_688 = arith.maximumf %gather3A_687, %select_n3A_655 : vector<16xf32>
            %gather3A_689 = tpu.vector_load_idx %arg8[%add3A_674] : memref<20128xf32, #tpu.memory_space<vmem>>[vector<16xi32>], vector<16xf32>,
            %max3A_690 = arith.maximumf %gather3A_689, %select_n3A_668 : vector<16xf32>
            tpu.vector_store_idx %arg7[%add3A_671], %max3A_676 masked %not3A_650 : memref<20128xf32, #tpu.memory_space<vmem>>[vector<16xi32>], vector<16xf32>, vector<16xi1>
            tpu.vector_store_idx %arg8[%add3A_671], %max3A_684 masked %not3A_650 : memref<20128xf32, #tpu.memory_space<vmem>>[vector<16xi32>], vector<16xf32>, vector<16xi1>
            tpu.vector_store_idx %arg7[%add3A_672], %max3A_678 masked %not3A_663 : memref<20128xf32, #tpu.memory_space<vmem>>[vector<16xi32>], vector<16xf32>, vector<16xi1>
            tpu.vector_store_idx %arg8[%add3A_672], %max3A_686 masked %not3A_663 : memref<20128xf32, #tpu.memory_space<vmem>>[vector<16xi32>], vector<16xf32>, vector<16xi1>
            tpu.vector_store_idx %arg7[%add3A_673], %max3A_680 masked %not3A_670 : memref<20128xf32, #tpu.memory_space<vmem>>[vector<16xi32>], vector<16xf32>, vector<16xi1>
            tpu.vector_store_idx %arg8[%add3A_673], %max3A_688 masked %not3A_670 : memref<20128xf32, #tpu.memory_space<vmem>>[vector<16xi32>], vector<16xf32>, vector<16xi1>
            tpu.vector_store_idx %arg7[%add3A_674], %max3A_682 : memref<20128xf32, #tpu.memory_space<vmem>>[vector<16xi32>], vector<16xf32>,
            tpu.vector_store_idx %arg8[%add3A_674], %max3A_690 : memref<20128xf32, #tpu.memory_space<vmem>>[vector<16xi32>], vector<16xf32>,
            %broadcast_in_dim3A_691 = arith.constant 4 : i32
            %broadcast_in_dim3A_692 = vector.broadcast %broadcast_in_dim3A_691 : i32 to vector<16xi32>
            %lt3A_693 = arith.constant 0 : i32
            %lt3A_694 = vector.broadcast %lt3A_693 : i32 to vector<16xi32>
            %lt3A_695 = arith.cmpi slt, %broadcast_in_dim3A_692, %lt3A_694 : vector<16xi32>
            %add3A_696 = arith.constant 16 : i32
            %add3A_697 = vector.broadcast %add3A_696 : i32 to vector<16xi32>
            %add3A_698 = arith.addi %broadcast_in_dim3A_692, %add3A_697 : vector<16xi32>
            %select_n3A_699 = arith.select %lt3A_695, %add3A_698, %broadcast_in_dim3A_692 : vector<16xi1>, vector<16xi32>
            %broadcast_in_dim3A_700 = vector.shape_cast %select_n3A_699 : vector<16xi32> to vector<16x1xi32>
            %gather3A_701 = vector.shape_cast %broadcast_in_dim3A_700 : vector<16x1xi32> to vector<16xi32>
            %gather3A_702 = tpu.dynamic_gather %get3A_535[%gather3A_701] in [0] : vector<16xi32>, vector<16xi32> -> vector<16xi32>
            %broadcast_in_dim3A_703 = arith.constant 5 : i32
            %broadcast_in_dim3A_704 = vector.broadcast %broadcast_in_dim3A_703 : i32 to vector<16xi32>
            %lt3A_705 = arith.constant 0 : i32
            %lt3A_706 = vector.broadcast %lt3A_705 : i32 to vector<16xi32>
            %lt3A_707 = arith.cmpi slt, %broadcast_in_dim3A_704, %lt3A_706 : vector<16xi32>
            %add3A_708 = arith.constant 16 : i32
            %add3A_709 = vector.broadcast %add3A_708 : i32 to vector<16xi32>
            %add3A_710 = arith.addi %broadcast_in_dim3A_704, %add3A_709 : vector<16xi32>
            %select_n3A_711 = arith.select %lt3A_707, %add3A_710, %broadcast_in_dim3A_704 : vector<16xi1>, vector<16xi32>
            %broadcast_in_dim3A_712 = vector.shape_cast %select_n3A_711 : vector<16xi32> to vector<16x1xi32>
            %gather3A_713 = vector.shape_cast %broadcast_in_dim3A_712 : vector<16x1xi32> to vector<16xi32>
            %gather3A_714 = tpu.dynamic_gather %get3A_535[%gather3A_713] in [0] : vector<16xi32>, vector<16xi32> -> vector<16xi32>
            %broadcast_in_dim3A_715 = arith.constant 6 : i32
            %broadcast_in_dim3A_716 = vector.broadcast %broadcast_in_dim3A_715 : i32 to vector<16xi32>
            %lt3A_717 = arith.constant 0 : i32
            %lt3A_718 = vector.broadcast %lt3A_717 : i32 to vector<16xi32>
            %lt3A_719 = arith.cmpi slt, %broadcast_in_dim3A_716, %lt3A_718 : vector<16xi32>
            %add3A_720 = arith.constant 16 : i32
            %add3A_721 = vector.broadcast %add3A_720 : i32 to vector<16xi32>
            %add3A_722 = arith.addi %broadcast_in_dim3A_716, %add3A_721 : vector<16xi32>
            %select_n3A_723 = arith.select %lt3A_719, %add3A_722, %broadcast_in_dim3A_716 : vector<16xi1>, vector<16xi32>
            %broadcast_in_dim3A_724 = vector.shape_cast %select_n3A_723 : vector<16xi32> to vector<16x1xi32>
            %gather3A_725 = vector.shape_cast %broadcast_in_dim3A_724 : vector<16x1xi32> to vector<16xi32>
            %gather3A_726 = tpu.dynamic_gather %get3A_535[%gather3A_725] in [0] : vector<16xi32>, vector<16xi32> -> vector<16xi32>
            %broadcast_in_dim3A_727 = arith.constant 7 : i32
            %broadcast_in_dim3A_728 = vector.broadcast %broadcast_in_dim3A_727 : i32 to vector<16xi32>
            %lt3A_729 = arith.constant 0 : i32
            %lt3A_730 = vector.broadcast %lt3A_729 : i32 to vector<16xi32>
            %lt3A_731 = arith.cmpi slt, %broadcast_in_dim3A_728, %lt3A_730 : vector<16xi32>
            %add3A_732 = arith.constant 16 : i32
            %add3A_733 = vector.broadcast %add3A_732 : i32 to vector<16xi32>
            %add3A_734 = arith.addi %broadcast_in_dim3A_728, %add3A_733 : vector<16xi32>
            %select_n3A_735 = arith.select %lt3A_731, %add3A_734, %broadcast_in_dim3A_728 : vector<16xi1>, vector<16xi32>
            %broadcast_in_dim3A_736 = vector.shape_cast %select_n3A_735 : vector<16xi32> to vector<16x1xi32>
            %gather3A_737 = vector.shape_cast %broadcast_in_dim3A_736 : vector<16x1xi32> to vector<16xi32>
            %gather3A_738 = tpu.dynamic_gather %get3A_535[%gather3A_737] in [0] : vector<16xi32>, vector<16xi32> -> vector<16xi32>
            %mul3A_739 = arith.constant 16 : i32
            %mul3A_740 = arith.muli %scan3A_528, %mul3A_739 : i32
            %add3A_741 = arith.constant 4 : i32
            %add3A_742 = arith.addi %mul3A_740, %add3A_741 : i32
            %add3A_743 = arith.constant 0 : i32
            %add3A_744 = arith.addi %add3A_742, %add3A_743 : i32
            %broadcast_in_dim3A_745 = vector.broadcast %add3A_744 : i32 to vector<16xi32>
            %mul3A_746 = arith.constant 16 : i32
            %mul3A_747 = arith.muli %scan3A_528, %mul3A_746 : i32
            %add3A_748 = arith.constant 4 : i32
            %add3A_749 = arith.addi %mul3A_747, %add3A_748 : i32
            %add3A_750 = arith.constant 1 : i32
            %add3A_751 = arith.addi %add3A_749, %add3A_750 : i32
            %broadcast_in_dim3A_752 = vector.broadcast %add3A_751 : i32 to vector<16xi32>
            %mul3A_753 = arith.constant 16 : i32
            %mul3A_754 = arith.muli %scan3A_528, %mul3A_753 : i32
            %add3A_755 = arith.constant 4 : i32
            %add3A_756 = arith.addi %mul3A_754, %add3A_755 : i32
            %add3A_757 = arith.constant 2 : i32
            %add3A_758 = arith.addi %add3A_756, %add3A_757 : i32
            %broadcast_in_dim3A_759 = vector.broadcast %add3A_758 : i32 to vector<16xi32>
            %mul3A_760 = arith.constant 16 : i32
            %mul3A_761 = arith.muli %scan3A_528, %mul3A_760 : i32
            %add3A_762 = arith.constant 4 : i32
            %add3A_763 = arith.addi %mul3A_761, %add3A_762 : i32
            %add3A_764 = arith.constant 3 : i32
            %add3A_765 = arith.addi %add3A_763, %add3A_764 : i32
            %broadcast_in_dim3A_766 = vector.broadcast %add3A_765 : i32 to vector<16xi32>
            %gather3A_767 = tpu.vector_load_idx %arg17[%broadcast_in_dim3A_745, %iota3A] : memref<256x32xf32, #tpu.memory_space<vmem>>[vector<16xi32>, vector<16xi32>], vector<16xf32>,
            %gather3A_768 = tpu.vector_load_idx %arg18[%broadcast_in_dim3A_745, %iota3A] : memref<256x32xf32, #tpu.memory_space<vmem>>[vector<16xi32>, vector<16xi32>], vector<16xf32>,
            %add3A_769 = arith.addf %gather3A_767, %gather3A_768 : vector<16xf32>
            %gather3A_770 = tpu.vector_load_idx %arg17[%broadcast_in_dim3A_752, %iota3A] : memref<256x32xf32, #tpu.memory_space<vmem>>[vector<16xi32>, vector<16xi32>], vector<16xf32>,
            %gather3A_771 = tpu.vector_load_idx %arg18[%broadcast_in_dim3A_752, %iota3A] : memref<256x32xf32, #tpu.memory_space<vmem>>[vector<16xi32>, vector<16xi32>], vector<16xf32>,
            %add3A_772 = arith.addf %gather3A_770, %gather3A_771 : vector<16xf32>
            %gather3A_773 = tpu.vector_load_idx %arg17[%broadcast_in_dim3A_759, %iota3A] : memref<256x32xf32, #tpu.memory_space<vmem>>[vector<16xi32>, vector<16xi32>], vector<16xf32>,
            %gather3A_774 = tpu.vector_load_idx %arg18[%broadcast_in_dim3A_759, %iota3A] : memref<256x32xf32, #tpu.memory_space<vmem>>[vector<16xi32>, vector<16xi32>], vector<16xf32>,
            %add3A_775 = arith.addf %gather3A_773, %gather3A_774 : vector<16xf32>
            %gather3A_776 = tpu.vector_load_idx %arg17[%broadcast_in_dim3A_766, %iota3A] : memref<256x32xf32, #tpu.memory_space<vmem>>[vector<16xi32>, vector<16xi32>], vector<16xf32>,
            %gather3A_777 = tpu.vector_load_idx %arg18[%broadcast_in_dim3A_766, %iota3A] : memref<256x32xf32, #tpu.memory_space<vmem>>[vector<16xi32>, vector<16xi32>], vector<16xf32>,
            %add3A_778 = arith.addf %gather3A_776, %gather3A_777 : vector<16xf32>
            %gather3A_779 = tpu.vector_load_idx %arg17[%broadcast_in_dim3A_745, %add3A_35] : memref<256x32xf32, #tpu.memory_space<vmem>>[vector<16xi32>, vector<16xi32>], vector<16xf32>,
            %gather3A_780 = tpu.vector_load_idx %arg18[%broadcast_in_dim3A_745, %add3A_35] : memref<256x32xf32, #tpu.memory_space<vmem>>[vector<16xi32>, vector<16xi32>], vector<16xf32>,
            %add3A_781 = arith.addf %gather3A_779, %gather3A_780 : vector<16xf32>
            %gather3A_782 = tpu.vector_load_idx %arg17[%broadcast_in_dim3A_752, %add3A_35] : memref<256x32xf32, #tpu.memory_space<vmem>>[vector<16xi32>, vector<16xi32>], vector<16xf32>,
            %gather3A_783 = tpu.vector_load_idx %arg18[%broadcast_in_dim3A_752, %add3A_35] : memref<256x32xf32, #tpu.memory_space<vmem>>[vector<16xi32>, vector<16xi32>], vector<16xf32>,
            %add3A_784 = arith.addf %gather3A_782, %gather3A_783 : vector<16xf32>
            %gather3A_785 = tpu.vector_load_idx %arg17[%broadcast_in_dim3A_759, %add3A_35] : memref<256x32xf32, #tpu.memory_space<vmem>>[vector<16xi32>, vector<16xi32>], vector<16xf32>,
            %gather3A_786 = tpu.vector_load_idx %arg18[%broadcast_in_dim3A_759, %add3A_35] : memref<256x32xf32, #tpu.memory_space<vmem>>[vector<16xi32>, vector<16xi32>], vector<16xf32>,
            %add3A_787 = arith.addf %gather3A_785, %gather3A_786 : vector<16xf32>
            %gather3A_788 = tpu.vector_load_idx %arg17[%broadcast_in_dim3A_766, %add3A_35] : memref<256x32xf32, #tpu.memory_space<vmem>>[vector<16xi32>, vector<16xi32>], vector<16xf32>,
            %gather3A_789 = tpu.vector_load_idx %arg18[%broadcast_in_dim3A_766, %add3A_35] : memref<256x32xf32, #tpu.memory_space<vmem>>[vector<16xi32>, vector<16xi32>], vector<16xf32>,
            %add3A_790 = arith.addf %gather3A_788, %gather3A_789 : vector<16xf32>
            %eq3A_791 = arith.cmpi eq, %gather3A_702, %gather3A_714 : vector<16xi32>
            %max3A_792 = arith.maximumf %add3A_772, %add3A_769 : vector<16xf32>
            %select_n3A_793 = arith.select %eq3A_791, %max3A_792, %add3A_772 : vector<16xi1>, vector<16xf32>
            %max3A_794 = arith.maximumf %add3A_784, %add3A_781 : vector<16xf32>
            %select_n3A_795 = arith.select %eq3A_791, %max3A_794, %add3A_784 : vector<16xi1>, vector<16xf32>
            %eq3A_796 = arith.cmpi eq, %gather3A_702, %gather3A_726 : vector<16xi32>
            %max3A_797 = arith.maximumf %add3A_775, %add3A_769 : vector<16xf32>
            %select_n3A_798 = arith.select %eq3A_796, %max3A_797, %add3A_775 : vector<16xi1>, vector<16xf32>
            %max3A_799 = arith.maximumf %add3A_787, %add3A_781 : vector<16xf32>
            %select_n3A_800 = arith.select %eq3A_796, %max3A_799, %add3A_787 : vector<16xi1>, vector<16xf32>
            %or3A_801 = arith.ori %eq3A_791, %eq3A_796 : vector<16xi1>
            %eq3A_802 = arith.cmpi eq, %gather3A_702, %gather3A_738 : vector<16xi32>
            %max3A_803 = arith.maximumf %add3A_778, %add3A_769 : vector<16xf32>
            %select_n3A_804 = arith.select %eq3A_802, %max3A_803, %add3A_778 : vector<16xi1>, vector<16xf32>
            %max3A_805 = arith.maximumf %add3A_790, %add3A_781 : vector<16xf32>
            %select_n3A_806 = arith.select %eq3A_802, %max3A_805, %add3A_790 : vector<16xi1>, vector<16xf32>
            %or3A_807 = arith.ori %or3A_801, %eq3A_802 : vector<16xi1>
            %not3A_808 = arith.constant dense<true> : vector<16xi1>
            %not3A_809 = arith.xori %or3A_807, %not3A_808 : vector<16xi1>
            %eq3A_810 = arith.cmpi eq, %gather3A_714, %gather3A_726 : vector<16xi32>
            %max3A_811 = arith.maximumf %select_n3A_798, %select_n3A_793 : vector<16xf32>
            %select_n3A_812 = arith.select %eq3A_810, %max3A_811, %select_n3A_798 : vector<16xi1>, vector<16xf32>
            %max3A_813 = arith.maximumf %select_n3A_800, %select_n3A_795 : vector<16xf32>
            %select_n3A_814 = arith.select %eq3A_810, %max3A_813, %select_n3A_800 : vector<16xi1>, vector<16xf32>
            %eq3A_815 = arith.cmpi eq, %gather3A_714, %gather3A_738 : vector<16xi32>
            %max3A_816 = arith.maximumf %select_n3A_804, %select_n3A_793 : vector<16xf32>
            %select_n3A_817 = arith.select %eq3A_815, %max3A_816, %select_n3A_804 : vector<16xi1>, vector<16xf32>
            %max3A_818 = arith.maximumf %select_n3A_806, %select_n3A_795 : vector<16xf32>
            %select_n3A_819 = arith.select %eq3A_815, %max3A_818, %select_n3A_806 : vector<16xi1>, vector<16xf32>
            %or3A_820 = arith.ori %eq3A_810, %eq3A_815 : vector<16xi1>
            %not3A_821 = arith.constant dense<true> : vector<16xi1>
            %not3A_822 = arith.xori %or3A_820, %not3A_821 : vector<16xi1>
            %eq3A_823 = arith.cmpi eq, %gather3A_726, %gather3A_738 : vector<16xi32>
            %max3A_824 = arith.maximumf %select_n3A_817, %select_n3A_812 : vector<16xf32>
            %select_n3A_825 = arith.select %eq3A_823, %max3A_824, %select_n3A_817 : vector<16xi1>, vector<16xf32>
            %max3A_826 = arith.maximumf %select_n3A_819, %select_n3A_814 : vector<16xf32>
            %select_n3A_827 = arith.select %eq3A_823, %max3A_826, %select_n3A_819 : vector<16xi1>, vector<16xf32>
            %not3A_828 = arith.constant dense<true> : vector<16xi1>
            %not3A_829 = arith.xori %eq3A_823, %not3A_828 : vector<16xi1>
            %add3A_830 = arith.addi %gather3A_702, %iota3A : vector<16xi32>
            %add3A_831 = arith.addi %gather3A_714, %iota3A : vector<16xi32>
            %add3A_832 = arith.addi %gather3A_726, %iota3A : vector<16xi32>
            %add3A_833 = arith.addi %gather3A_738, %iota3A : vector<16xi32>
            %gather3A_834 = tpu.vector_load_idx %arg7[%add3A_830] : memref<20128xf32, #tpu.memory_space<vmem>>[vector<16xi32>], vector<16xf32>,
            %max3A_835 = arith.maximumf %gather3A_834, %add3A_769 : vector<16xf32>
            %gather3A_836 = tpu.vector_load_idx %arg7[%add3A_831] : memref<20128xf32, #tpu.memory_space<vmem>>[vector<16xi32>], vector<16xf32>,
            %max3A_837 = arith.maximumf %gather3A_836, %select_n3A_793 : vector<16xf32>
            %gather3A_838 = tpu.vector_load_idx %arg7[%add3A_832] : memref<20128xf32, #tpu.memory_space<vmem>>[vector<16xi32>], vector<16xf32>,
            %max3A_839 = arith.maximumf %gather3A_838, %select_n3A_812 : vector<16xf32>
            %gather3A_840 = tpu.vector_load_idx %arg7[%add3A_833] : memref<20128xf32, #tpu.memory_space<vmem>>[vector<16xi32>], vector<16xf32>,
            %max3A_841 = arith.maximumf %gather3A_840, %select_n3A_825 : vector<16xf32>
            %gather3A_842 = tpu.vector_load_idx %arg8[%add3A_830] : memref<20128xf32, #tpu.memory_space<vmem>>[vector<16xi32>], vector<16xf32>,
            %max3A_843 = arith.maximumf %gather3A_842, %add3A_781 : vector<16xf32>
            %gather3A_844 = tpu.vector_load_idx %arg8[%add3A_831] : memref<20128xf32, #tpu.memory_space<vmem>>[vector<16xi32>], vector<16xf32>,
            %max3A_845 = arith.maximumf %gather3A_844, %select_n3A_795 : vector<16xf32>
            %gather3A_846 = tpu.vector_load_idx %arg8[%add3A_832] : memref<20128xf32, #tpu.memory_space<vmem>>[vector<16xi32>], vector<16xf32>,
            %max3A_847 = arith.maximumf %gather3A_846, %select_n3A_814 : vector<16xf32>
            %gather3A_848 = tpu.vector_load_idx %arg8[%add3A_833] : memref<20128xf32, #tpu.memory_space<vmem>>[vector<16xi32>], vector<16xf32>,
            %max3A_849 = arith.maximumf %gather3A_848, %select_n3A_827 : vector<16xf32>
            tpu.vector_store_idx %arg7[%add3A_830], %max3A_835 masked %not3A_809 : memref<20128xf32, #tpu.memory_space<vmem>>[vector<16xi32>], vector<16xf32>, vector<16xi1>
            tpu.vector_store_idx %arg8[%add3A_830], %max3A_843 masked %not3A_809 : memref<20128xf32, #tpu.memory_space<vmem>>[vector<16xi32>], vector<16xf32>, vector<16xi1>
            tpu.vector_store_idx %arg7[%add3A_831], %max3A_837 masked %not3A_822 : memref<20128xf32, #tpu.memory_space<vmem>>[vector<16xi32>], vector<16xf32>, vector<16xi1>
            tpu.vector_store_idx %arg8[%add3A_831], %max3A_845 masked %not3A_822 : memref<20128xf32, #tpu.memory_space<vmem>>[vector<16xi32>], vector<16xf32>, vector<16xi1>
            tpu.vector_store_idx %arg7[%add3A_832], %max3A_839 masked %not3A_829 : memref<20128xf32, #tpu.memory_space<vmem>>[vector<16xi32>], vector<16xf32>, vector<16xi1>
            tpu.vector_store_idx %arg8[%add3A_832], %max3A_847 masked %not3A_829 : memref<20128xf32, #tpu.memory_space<vmem>>[vector<16xi32>], vector<16xf32>, vector<16xi1>
            tpu.vector_store_idx %arg7[%add3A_833], %max3A_841 : memref<20128xf32, #tpu.memory_space<vmem>>[vector<16xi32>], vector<16xf32>,
            tpu.vector_store_idx %arg8[%add3A_833], %max3A_849 : memref<20128xf32, #tpu.memory_space<vmem>>[vector<16xi32>], vector<16xf32>,
            %broadcast_in_dim3A_850 = arith.constant 8 : i32
            %broadcast_in_dim3A_851 = vector.broadcast %broadcast_in_dim3A_850 : i32 to vector<16xi32>
            %lt3A_852 = arith.constant 0 : i32
            %lt3A_853 = vector.broadcast %lt3A_852 : i32 to vector<16xi32>
            %lt3A_854 = arith.cmpi slt, %broadcast_in_dim3A_851, %lt3A_853 : vector<16xi32>
            %add3A_855 = arith.constant 16 : i32
            %add3A_856 = vector.broadcast %add3A_855 : i32 to vector<16xi32>
            %add3A_857 = arith.addi %broadcast_in_dim3A_851, %add3A_856 : vector<16xi32>
            %select_n3A_858 = arith.select %lt3A_854, %add3A_857, %broadcast_in_dim3A_851 : vector<16xi1>, vector<16xi32>
            %broadcast_in_dim3A_859 = vector.shape_cast %select_n3A_858 : vector<16xi32> to vector<16x1xi32>
            %gather3A_860 = vector.shape_cast %broadcast_in_dim3A_859 : vector<16x1xi32> to vector<16xi32>
            %gather3A_861 = tpu.dynamic_gather %get3A_535[%gather3A_860] in [0] : vector<16xi32>, vector<16xi32> -> vector<16xi32>
            %broadcast_in_dim3A_862 = arith.constant 9 : i32
            %broadcast_in_dim3A_863 = vector.broadcast %broadcast_in_dim3A_862 : i32 to vector<16xi32>
            %lt3A_864 = arith.constant 0 : i32
            %lt3A_865 = vector.broadcast %lt3A_864 : i32 to vector<16xi32>
            %lt3A_866 = arith.cmpi slt, %broadcast_in_dim3A_863, %lt3A_865 : vector<16xi32>
            %add3A_867 = arith.constant 16 : i32
            %add3A_868 = vector.broadcast %add3A_867 : i32 to vector<16xi32>
            %add3A_869 = arith.addi %broadcast_in_dim3A_863, %add3A_868 : vector<16xi32>
            %select_n3A_870 = arith.select %lt3A_866, %add3A_869, %broadcast_in_dim3A_863 : vector<16xi1>, vector<16xi32>
            %broadcast_in_dim3A_871 = vector.shape_cast %select_n3A_870 : vector<16xi32> to vector<16x1xi32>
            %gather3A_872 = vector.shape_cast %broadcast_in_dim3A_871 : vector<16x1xi32> to vector<16xi32>
            %gather3A_873 = tpu.dynamic_gather %get3A_535[%gather3A_872] in [0] : vector<16xi32>, vector<16xi32> -> vector<16xi32>
            %broadcast_in_dim3A_874 = arith.constant 10 : i32
            %broadcast_in_dim3A_875 = vector.broadcast %broadcast_in_dim3A_874 : i32 to vector<16xi32>
            %lt3A_876 = arith.constant 0 : i32
            %lt3A_877 = vector.broadcast %lt3A_876 : i32 to vector<16xi32>
            %lt3A_878 = arith.cmpi slt, %broadcast_in_dim3A_875, %lt3A_877 : vector<16xi32>
            %add3A_879 = arith.constant 16 : i32
            %add3A_880 = vector.broadcast %add3A_879 : i32 to vector<16xi32>
            %add3A_881 = arith.addi %broadcast_in_dim3A_875, %add3A_880 : vector<16xi32>
            %select_n3A_882 = arith.select %lt3A_878, %add3A_881, %broadcast_in_dim3A_875 : vector<16xi1>, vector<16xi32>
            %broadcast_in_dim3A_883 = vector.shape_cast %select_n3A_882 : vector<16xi32> to vector<16x1xi32>
            %gather3A_884 = vector.shape_cast %broadcast_in_dim3A_883 : vector<16x1xi32> to vector<16xi32>
            %gather3A_885 = tpu.dynamic_gather %get3A_535[%gather3A_884] in [0] : vector<16xi32>, vector<16xi32> -> vector<16xi32>
            %broadcast_in_dim3A_886 = arith.constant 11 : i32
            %broadcast_in_dim3A_887 = vector.broadcast %broadcast_in_dim3A_886 : i32 to vector<16xi32>
            %lt3A_888 = arith.constant 0 : i32
            %lt3A_889 = vector.broadcast %lt3A_888 : i32 to vector<16xi32>
            %lt3A_890 = arith.cmpi slt, %broadcast_in_dim3A_887, %lt3A_889 : vector<16xi32>
            %add3A_891 = arith.constant 16 : i32
            %add3A_892 = vector.broadcast %add3A_891 : i32 to vector<16xi32>
            %add3A_893 = arith.addi %broadcast_in_dim3A_887, %add3A_892 : vector<16xi32>
            %select_n3A_894 = arith.select %lt3A_890, %add3A_893, %broadcast_in_dim3A_887 : vector<16xi1>, vector<16xi32>
            %broadcast_in_dim3A_895 = vector.shape_cast %select_n3A_894 : vector<16xi32> to vector<16x1xi32>
            %gather3A_896 = vector.shape_cast %broadcast_in_dim3A_895 : vector<16x1xi32> to vector<16xi32>
            %gather3A_897 = tpu.dynamic_gather %get3A_535[%gather3A_896] in [0] : vector<16xi32>, vector<16xi32> -> vector<16xi32>
            %mul3A_898 = arith.constant 16 : i32
            %mul3A_899 = arith.muli %scan3A_528, %mul3A_898 : i32
            %add3A_900 = arith.constant 8 : i32
            %add3A_901 = arith.addi %mul3A_899, %add3A_900 : i32
            %add3A_902 = arith.constant 0 : i32
            %add3A_903 = arith.addi %add3A_901, %add3A_902 : i32
            %broadcast_in_dim3A_904 = vector.broadcast %add3A_903 : i32 to vector<16xi32>
            %mul3A_905 = arith.constant 16 : i32
            %mul3A_906 = arith.muli %scan3A_528, %mul3A_905 : i32
            %add3A_907 = arith.constant 8 : i32
            %add3A_908 = arith.addi %mul3A_906, %add3A_907 : i32
            %add3A_909 = arith.constant 1 : i32
            %add3A_910 = arith.addi %add3A_908, %add3A_909 : i32
            %broadcast_in_dim3A_911 = vector.broadcast %add3A_910 : i32 to vector<16xi32>
            %mul3A_912 = arith.constant 16 : i32
            %mul3A_913 = arith.muli %scan3A_528, %mul3A_912 : i32
            %add3A_914 = arith.constant 8 : i32
            %add3A_915 = arith.addi %mul3A_913, %add3A_914 : i32
            %add3A_916 = arith.constant 2 : i32
            %add3A_917 = arith.addi %add3A_915, %add3A_916 : i32
            %broadcast_in_dim3A_918 = vector.broadcast %add3A_917 : i32 to vector<16xi32>
            %mul3A_919 = arith.constant 16 : i32
            %mul3A_920 = arith.muli %scan3A_528, %mul3A_919 : i32
            %add3A_921 = arith.constant 8 : i32
            %add3A_922 = arith.addi %mul3A_920, %add3A_921 : i32
            %add3A_923 = arith.constant 3 : i32
            %add3A_924 = arith.addi %add3A_922, %add3A_923 : i32
            %broadcast_in_dim3A_925 = vector.broadcast %add3A_924 : i32 to vector<16xi32>
            %gather3A_926 = tpu.vector_load_idx %arg17[%broadcast_in_dim3A_904, %iota3A] : memref<256x32xf32, #tpu.memory_space<vmem>>[vector<16xi32>, vector<16xi32>], vector<16xf32>,
            %gather3A_927 = tpu.vector_load_idx %arg18[%broadcast_in_dim3A_904, %iota3A] : memref<256x32xf32, #tpu.memory_space<vmem>>[vector<16xi32>, vector<16xi32>], vector<16xf32>,
            %add3A_928 = arith.addf %gather3A_926, %gather3A_927 : vector<16xf32>
            %gather3A_929 = tpu.vector_load_idx %arg17[%broadcast_in_dim3A_911, %iota3A] : memref<256x32xf32, #tpu.memory_space<vmem>>[vector<16xi32>, vector<16xi32>], vector<16xf32>,
            %gather3A_930 = tpu.vector_load_idx %arg18[%broadcast_in_dim3A_911, %iota3A] : memref<256x32xf32, #tpu.memory_space<vmem>>[vector<16xi32>, vector<16xi32>], vector<16xf32>,
            %add3A_931 = arith.addf %gather3A_929, %gather3A_930 : vector<16xf32>
            %gather3A_932 = tpu.vector_load_idx %arg17[%broadcast_in_dim3A_918, %iota3A] : memref<256x32xf32, #tpu.memory_space<vmem>>[vector<16xi32>, vector<16xi32>], vector<16xf32>,
            %gather3A_933 = tpu.vector_load_idx %arg18[%broadcast_in_dim3A_918, %iota3A] : memref<256x32xf32, #tpu.memory_space<vmem>>[vector<16xi32>, vector<16xi32>], vector<16xf32>,
            %add3A_934 = arith.addf %gather3A_932, %gather3A_933 : vector<16xf32>
            %gather3A_935 = tpu.vector_load_idx %arg17[%broadcast_in_dim3A_925, %iota3A] : memref<256x32xf32, #tpu.memory_space<vmem>>[vector<16xi32>, vector<16xi32>], vector<16xf32>,
            %gather3A_936 = tpu.vector_load_idx %arg18[%broadcast_in_dim3A_925, %iota3A] : memref<256x32xf32, #tpu.memory_space<vmem>>[vector<16xi32>, vector<16xi32>], vector<16xf32>,
            %add3A_937 = arith.addf %gather3A_935, %gather3A_936 : vector<16xf32>
            %gather3A_938 = tpu.vector_load_idx %arg17[%broadcast_in_dim3A_904, %add3A_35] : memref<256x32xf32, #tpu.memory_space<vmem>>[vector<16xi32>, vector<16xi32>], vector<16xf32>,
            %gather3A_939 = tpu.vector_load_idx %arg18[%broadcast_in_dim3A_904, %add3A_35] : memref<256x32xf32, #tpu.memory_space<vmem>>[vector<16xi32>, vector<16xi32>], vector<16xf32>,
            %add3A_940 = arith.addf %gather3A_938, %gather3A_939 : vector<16xf32>
            %gather3A_941 = tpu.vector_load_idx %arg17[%broadcast_in_dim3A_911, %add3A_35] : memref<256x32xf32, #tpu.memory_space<vmem>>[vector<16xi32>, vector<16xi32>], vector<16xf32>,
            %gather3A_942 = tpu.vector_load_idx %arg18[%broadcast_in_dim3A_911, %add3A_35] : memref<256x32xf32, #tpu.memory_space<vmem>>[vector<16xi32>, vector<16xi32>], vector<16xf32>,
            %add3A_943 = arith.addf %gather3A_941, %gather3A_942 : vector<16xf32>
            %gather3A_944 = tpu.vector_load_idx %arg17[%broadcast_in_dim3A_918, %add3A_35] : memref<256x32xf32, #tpu.memory_space<vmem>>[vector<16xi32>, vector<16xi32>], vector<16xf32>,
            %gather3A_945 = tpu.vector_load_idx %arg18[%broadcast_in_dim3A_918, %add3A_35] : memref<256x32xf32, #tpu.memory_space<vmem>>[vector<16xi32>, vector<16xi32>], vector<16xf32>,
            %add3A_946 = arith.addf %gather3A_944, %gather3A_945 : vector<16xf32>
            %gather3A_947 = tpu.vector_load_idx %arg17[%broadcast_in_dim3A_925, %add3A_35] : memref<256x32xf32, #tpu.memory_space<vmem>>[vector<16xi32>, vector<16xi32>], vector<16xf32>,
            %gather3A_948 = tpu.vector_load_idx %arg18[%broadcast_in_dim3A_925, %add3A_35] : memref<256x32xf32, #tpu.memory_space<vmem>>[vector<16xi32>, vector<16xi32>], vector<16xf32>,
            %add3A_949 = arith.addf %gather3A_947, %gather3A_948 : vector<16xf32>
            %eq3A_950 = arith.cmpi eq, %gather3A_861, %gather3A_873 : vector<16xi32>
            %max3A_951 = arith.maximumf %add3A_931, %add3A_928 : vector<16xf32>
            %select_n3A_952 = arith.select %eq3A_950, %max3A_951, %add3A_931 : vector<16xi1>, vector<16xf32>
            %max3A_953 = arith.maximumf %add3A_943, %add3A_940 : vector<16xf32>
            %select_n3A_954 = arith.select %eq3A_950, %max3A_953, %add3A_943 : vector<16xi1>, vector<16xf32>
            %eq3A_955 = arith.cmpi eq, %gather3A_861, %gather3A_885 : vector<16xi32>
            %max3A_956 = arith.maximumf %add3A_934, %add3A_928 : vector<16xf32>
            %select_n3A_957 = arith.select %eq3A_955, %max3A_956, %add3A_934 : vector<16xi1>, vector<16xf32>
            %max3A_958 = arith.maximumf %add3A_946, %add3A_940 : vector<16xf32>
            %select_n3A_959 = arith.select %eq3A_955, %max3A_958, %add3A_946 : vector<16xi1>, vector<16xf32>
            %or3A_960 = arith.ori %eq3A_950, %eq3A_955 : vector<16xi1>
            %eq3A_961 = arith.cmpi eq, %gather3A_861, %gather3A_897 : vector<16xi32>
            %max3A_962 = arith.maximumf %add3A_937, %add3A_928 : vector<16xf32>
            %select_n3A_963 = arith.select %eq3A_961, %max3A_962, %add3A_937 : vector<16xi1>, vector<16xf32>
            %max3A_964 = arith.maximumf %add3A_949, %add3A_940 : vector<16xf32>
            %select_n3A_965 = arith.select %eq3A_961, %max3A_964, %add3A_949 : vector<16xi1>, vector<16xf32>
            %or3A_966 = arith.ori %or3A_960, %eq3A_961 : vector<16xi1>
            %not3A_967 = arith.constant dense<true> : vector<16xi1>
            %not3A_968 = arith.xori %or3A_966, %not3A_967 : vector<16xi1>
            %eq3A_969 = arith.cmpi eq, %gather3A_873, %gather3A_885 : vector<16xi32>
            %max3A_970 = arith.maximumf %select_n3A_957, %select_n3A_952 : vector<16xf32>
            %select_n3A_971 = arith.select %eq3A_969, %max3A_970, %select_n3A_957 : vector<16xi1>, vector<16xf32>
            %max3A_972 = arith.maximumf %select_n3A_959, %select_n3A_954 : vector<16xf32>
            %select_n3A_973 = arith.select %eq3A_969, %max3A_972, %select_n3A_959 : vector<16xi1>, vector<16xf32>
            %eq3A_974 = arith.cmpi eq, %gather3A_873, %gather3A_897 : vector<16xi32>
            %max3A_975 = arith.maximumf %select_n3A_963, %select_n3A_952 : vector<16xf32>
            %select_n3A_976 = arith.select %eq3A_974, %max3A_975, %select_n3A_963 : vector<16xi1>, vector<16xf32>
            %max3A_977 = arith.maximumf %select_n3A_965, %select_n3A_954 : vector<16xf32>
            %select_n3A_978 = arith.select %eq3A_974, %max3A_977, %select_n3A_965 : vector<16xi1>, vector<16xf32>
            %or3A_979 = arith.ori %eq3A_969, %eq3A_974 : vector<16xi1>
            %not3A_980 = arith.constant dense<true> : vector<16xi1>
            %not3A_981 = arith.xori %or3A_979, %not3A_980 : vector<16xi1>
            %eq3A_982 = arith.cmpi eq, %gather3A_885, %gather3A_897 : vector<16xi32>
            %max3A_983 = arith.maximumf %select_n3A_976, %select_n3A_971 : vector<16xf32>
            %select_n3A_984 = arith.select %eq3A_982, %max3A_983, %select_n3A_976 : vector<16xi1>, vector<16xf32>
            %max3A_985 = arith.maximumf %select_n3A_978, %select_n3A_973 : vector<16xf32>
            %select_n3A_986 = arith.select %eq3A_982, %max3A_985, %select_n3A_978 : vector<16xi1>, vector<16xf32>
            %not3A_987 = arith.constant dense<true> : vector<16xi1>
            %not3A_988 = arith.xori %eq3A_982, %not3A_987 : vector<16xi1>
            %add3A_989 = arith.addi %gather3A_861, %iota3A : vector<16xi32>
            %add3A_990 = arith.addi %gather3A_873, %iota3A : vector<16xi32>
            %add3A_991 = arith.addi %gather3A_885, %iota3A : vector<16xi32>
            %add3A_992 = arith.addi %gather3A_897, %iota3A : vector<16xi32>
            %gather3A_993 = tpu.vector_load_idx %arg7[%add3A_989] : memref<20128xf32, #tpu.memory_space<vmem>>[vector<16xi32>], vector<16xf32>,
            %max3A_994 = arith.maximumf %gather3A_993, %add3A_928 : vector<16xf32>
            %gather3A_995 = tpu.vector_load_idx %arg7[%add3A_990] : memref<20128xf32, #tpu.memory_space<vmem>>[vector<16xi32>], vector<16xf32>,
            %max3A_996 = arith.maximumf %gather3A_995, %select_n3A_952 : vector<16xf32>
            %gather3A_997 = tpu.vector_load_idx %arg7[%add3A_991] : memref<20128xf32, #tpu.memory_space<vmem>>[vector<16xi32>], vector<16xf32>,
            %max3A_998 = arith.maximumf %gather3A_997, %select_n3A_971 : vector<16xf32>
            %gather3A_999 = tpu.vector_load_idx %arg7[%add3A_992] : memref<20128xf32, #tpu.memory_space<vmem>>[vector<16xi32>], vector<16xf32>,
            %max3A_1000 = arith.maximumf %gather3A_999, %select_n3A_984 : vector<16xf32>
            %gather3A_1001 = tpu.vector_load_idx %arg8[%add3A_989] : memref<20128xf32, #tpu.memory_space<vmem>>[vector<16xi32>], vector<16xf32>,
            %max3A_1002 = arith.maximumf %gather3A_1001, %add3A_940 : vector<16xf32>
            %gather3A_1003 = tpu.vector_load_idx %arg8[%add3A_990] : memref<20128xf32, #tpu.memory_space<vmem>>[vector<16xi32>], vector<16xf32>,
            %max3A_1004 = arith.maximumf %gather3A_1003, %select_n3A_954 : vector<16xf32>
            %gather3A_1005 = tpu.vector_load_idx %arg8[%add3A_991] : memref<20128xf32, #tpu.memory_space<vmem>>[vector<16xi32>], vector<16xf32>,
            %max3A_1006 = arith.maximumf %gather3A_1005, %select_n3A_973 : vector<16xf32>
            %gather3A_1007 = tpu.vector_load_idx %arg8[%add3A_992] : memref<20128xf32, #tpu.memory_space<vmem>>[vector<16xi32>], vector<16xf32>,
            %max3A_1008 = arith.maximumf %gather3A_1007, %select_n3A_986 : vector<16xf32>
            tpu.vector_store_idx %arg7[%add3A_989], %max3A_994 masked %not3A_968 : memref<20128xf32, #tpu.memory_space<vmem>>[vector<16xi32>], vector<16xf32>, vector<16xi1>
            tpu.vector_store_idx %arg8[%add3A_989], %max3A_1002 masked %not3A_968 : memref<20128xf32, #tpu.memory_space<vmem>>[vector<16xi32>], vector<16xf32>, vector<16xi1>
            tpu.vector_store_idx %arg7[%add3A_990], %max3A_996 masked %not3A_981 : memref<20128xf32, #tpu.memory_space<vmem>>[vector<16xi32>], vector<16xf32>, vector<16xi1>
            tpu.vector_store_idx %arg8[%add3A_990], %max3A_1004 masked %not3A_981 : memref<20128xf32, #tpu.memory_space<vmem>>[vector<16xi32>], vector<16xf32>, vector<16xi1>
            tpu.vector_store_idx %arg7[%add3A_991], %max3A_998 masked %not3A_988 : memref<20128xf32, #tpu.memory_space<vmem>>[vector<16xi32>], vector<16xf32>, vector<16xi1>
            tpu.vector_store_idx %arg8[%add3A_991], %max3A_1006 masked %not3A_988 : memref<20128xf32, #tpu.memory_space<vmem>>[vector<16xi32>], vector<16xf32>, vector<16xi1>
            tpu.vector_store_idx %arg7[%add3A_992], %max3A_1000 : memref<20128xf32, #tpu.memory_space<vmem>>[vector<16xi32>], vector<16xf32>,
            tpu.vector_store_idx %arg8[%add3A_992], %max3A_1008 : memref<20128xf32, #tpu.memory_space<vmem>>[vector<16xi32>], vector<16xf32>,
            %broadcast_in_dim3A_1009 = arith.constant 12 : i32
            %broadcast_in_dim3A_1010 = vector.broadcast %broadcast_in_dim3A_1009 : i32 to vector<16xi32>
            %lt3A_1011 = arith.constant 0 : i32
            %lt3A_1012 = vector.broadcast %lt3A_1011 : i32 to vector<16xi32>
            %lt3A_1013 = arith.cmpi slt, %broadcast_in_dim3A_1010, %lt3A_1012 : vector<16xi32>
            %add3A_1014 = arith.constant 16 : i32
            %add3A_1015 = vector.broadcast %add3A_1014 : i32 to vector<16xi32>
            %add3A_1016 = arith.addi %broadcast_in_dim3A_1010, %add3A_1015 : vector<16xi32>
            %select_n3A_1017 = arith.select %lt3A_1013, %add3A_1016, %broadcast_in_dim3A_1010 : vector<16xi1>, vector<16xi32>
            %broadcast_in_dim3A_1018 = vector.shape_cast %select_n3A_1017 : vector<16xi32> to vector<16x1xi32>
            %gather3A_1019 = vector.shape_cast %broadcast_in_dim3A_1018 : vector<16x1xi32> to vector<16xi32>
            %gather3A_1020 = tpu.dynamic_gather %get3A_535[%gather3A_1019] in [0] : vector<16xi32>, vector<16xi32> -> vector<16xi32>
            %broadcast_in_dim3A_1021 = arith.constant 13 : i32
            %broadcast_in_dim3A_1022 = vector.broadcast %broadcast_in_dim3A_1021 : i32 to vector<16xi32>
            %lt3A_1023 = arith.constant 0 : i32
            %lt3A_1024 = vector.broadcast %lt3A_1023 : i32 to vector<16xi32>
            %lt3A_1025 = arith.cmpi slt, %broadcast_in_dim3A_1022, %lt3A_1024 : vector<16xi32>
            %add3A_1026 = arith.constant 16 : i32
            %add3A_1027 = vector.broadcast %add3A_1026 : i32 to vector<16xi32>
            %add3A_1028 = arith.addi %broadcast_in_dim3A_1022, %add3A_1027 : vector<16xi32>
            %select_n3A_1029 = arith.select %lt3A_1025, %add3A_1028, %broadcast_in_dim3A_1022 : vector<16xi1>, vector<16xi32>
            %broadcast_in_dim3A_1030 = vector.shape_cast %select_n3A_1029 : vector<16xi32> to vector<16x1xi32>
            %gather3A_1031 = vector.shape_cast %broadcast_in_dim3A_1030 : vector<16x1xi32> to vector<16xi32>
            %gather3A_1032 = tpu.dynamic_gather %get3A_535[%gather3A_1031] in [0] : vector<16xi32>, vector<16xi32> -> vector<16xi32>
            %broadcast_in_dim3A_1033 = arith.constant 14 : i32
            %broadcast_in_dim3A_1034 = vector.broadcast %broadcast_in_dim3A_1033 : i32 to vector<16xi32>
            %lt3A_1035 = arith.constant 0 : i32
            %lt3A_1036 = vector.broadcast %lt3A_1035 : i32 to vector<16xi32>
            %lt3A_1037 = arith.cmpi slt, %broadcast_in_dim3A_1034, %lt3A_1036 : vector<16xi32>
            %add3A_1038 = arith.constant 16 : i32
            %add3A_1039 = vector.broadcast %add3A_1038 : i32 to vector<16xi32>
            %add3A_1040 = arith.addi %broadcast_in_dim3A_1034, %add3A_1039 : vector<16xi32>
            %select_n3A_1041 = arith.select %lt3A_1037, %add3A_1040, %broadcast_in_dim3A_1034 : vector<16xi1>, vector<16xi32>
            %broadcast_in_dim3A_1042 = vector.shape_cast %select_n3A_1041 : vector<16xi32> to vector<16x1xi32>
            %gather3A_1043 = vector.shape_cast %broadcast_in_dim3A_1042 : vector<16x1xi32> to vector<16xi32>
            %gather3A_1044 = tpu.dynamic_gather %get3A_535[%gather3A_1043] in [0] : vector<16xi32>, vector<16xi32> -> vector<16xi32>
            %broadcast_in_dim3A_1045 = arith.constant 15 : i32
            %broadcast_in_dim3A_1046 = vector.broadcast %broadcast_in_dim3A_1045 : i32 to vector<16xi32>
            %lt3A_1047 = arith.constant 0 : i32
            %lt3A_1048 = vector.broadcast %lt3A_1047 : i32 to vector<16xi32>
            %lt3A_1049 = arith.cmpi slt, %broadcast_in_dim3A_1046, %lt3A_1048 : vector<16xi32>
            %add3A_1050 = arith.constant 16 : i32
            %add3A_1051 = vector.broadcast %add3A_1050 : i32 to vector<16xi32>
            %add3A_1052 = arith.addi %broadcast_in_dim3A_1046, %add3A_1051 : vector<16xi32>
            %select_n3A_1053 = arith.select %lt3A_1049, %add3A_1052, %broadcast_in_dim3A_1046 : vector<16xi1>, vector<16xi32>
            %broadcast_in_dim3A_1054 = vector.shape_cast %select_n3A_1053 : vector<16xi32> to vector<16x1xi32>
            %gather3A_1055 = vector.shape_cast %broadcast_in_dim3A_1054 : vector<16x1xi32> to vector<16xi32>
            %gather3A_1056 = tpu.dynamic_gather %get3A_535[%gather3A_1055] in [0] : vector<16xi32>, vector<16xi32> -> vector<16xi32>
            %mul3A_1057 = arith.constant 16 : i32
            %mul3A_1058 = arith.muli %scan3A_528, %mul3A_1057 : i32
            %add3A_1059 = arith.constant 12 : i32
            %add3A_1060 = arith.addi %mul3A_1058, %add3A_1059 : i32
            %add3A_1061 = arith.constant 0 : i32
            %add3A_1062 = arith.addi %add3A_1060, %add3A_1061 : i32
            %broadcast_in_dim3A_1063 = vector.broadcast %add3A_1062 : i32 to vector<16xi32>
            %mul3A_1064 = arith.constant 16 : i32
            %mul3A_1065 = arith.muli %scan3A_528, %mul3A_1064 : i32
            %add3A_1066 = arith.constant 12 : i32
            %add3A_1067 = arith.addi %mul3A_1065, %add3A_1066 : i32
            %add3A_1068 = arith.constant 1 : i32
            %add3A_1069 = arith.addi %add3A_1067, %add3A_1068 : i32
            %broadcast_in_dim3A_1070 = vector.broadcast %add3A_1069 : i32 to vector<16xi32>
            %mul3A_1071 = arith.constant 16 : i32
            %mul3A_1072 = arith.muli %scan3A_528, %mul3A_1071 : i32
            %add3A_1073 = arith.constant 12 : i32
            %add3A_1074 = arith.addi %mul3A_1072, %add3A_1073 : i32
            %add3A_1075 = arith.constant 2 : i32
            %add3A_1076 = arith.addi %add3A_1074, %add3A_1075 : i32
            %broadcast_in_dim3A_1077 = vector.broadcast %add3A_1076 : i32 to vector<16xi32>
            %mul3A_1078 = arith.constant 16 : i32
            %mul3A_1079 = arith.muli %scan3A_528, %mul3A_1078 : i32
            %add3A_1080 = arith.constant 12 : i32
            %add3A_1081 = arith.addi %mul3A_1079, %add3A_1080 : i32
            %add3A_1082 = arith.constant 3 : i32
            %add3A_1083 = arith.addi %add3A_1081, %add3A_1082 : i32
            %broadcast_in_dim3A_1084 = vector.broadcast %add3A_1083 : i32 to vector<16xi32>
            %gather3A_1085 = tpu.vector_load_idx %arg17[%broadcast_in_dim3A_1063, %iota3A] : memref<256x32xf32, #tpu.memory_space<vmem>>[vector<16xi32>, vector<16xi32>], vector<16xf32>,
            %gather3A_1086 = tpu.vector_load_idx %arg18[%broadcast_in_dim3A_1063, %iota3A] : memref<256x32xf32, #tpu.memory_space<vmem>>[vector<16xi32>, vector<16xi32>], vector<16xf32>,
            %add3A_1087 = arith.addf %gather3A_1085, %gather3A_1086 : vector<16xf32>
            %gather3A_1088 = tpu.vector_load_idx %arg17[%broadcast_in_dim3A_1070, %iota3A] : memref<256x32xf32, #tpu.memory_space<vmem>>[vector<16xi32>, vector<16xi32>], vector<16xf32>,
            %gather3A_1089 = tpu.vector_load_idx %arg18[%broadcast_in_dim3A_1070, %iota3A] : memref<256x32xf32, #tpu.memory_space<vmem>>[vector<16xi32>, vector<16xi32>], vector<16xf32>,
            %add3A_1090 = arith.addf %gather3A_1088, %gather3A_1089 : vector<16xf32>
            %gather3A_1091 = tpu.vector_load_idx %arg17[%broadcast_in_dim3A_1077, %iota3A] : memref<256x32xf32, #tpu.memory_space<vmem>>[vector<16xi32>, vector<16xi32>], vector<16xf32>,
            %gather3A_1092 = tpu.vector_load_idx %arg18[%broadcast_in_dim3A_1077, %iota3A] : memref<256x32xf32, #tpu.memory_space<vmem>>[vector<16xi32>, vector<16xi32>], vector<16xf32>,
            %add3A_1093 = arith.addf %gather3A_1091, %gather3A_1092 : vector<16xf32>
            %gather3A_1094 = tpu.vector_load_idx %arg17[%broadcast_in_dim3A_1084, %iota3A] : memref<256x32xf32, #tpu.memory_space<vmem>>[vector<16xi32>, vector<16xi32>], vector<16xf32>,
            %gather3A_1095 = tpu.vector_load_idx %arg18[%broadcast_in_dim3A_1084, %iota3A] : memref<256x32xf32, #tpu.memory_space<vmem>>[vector<16xi32>, vector<16xi32>], vector<16xf32>,
            %add3A_1096 = arith.addf %gather3A_1094, %gather3A_1095 : vector<16xf32>
            %gather3A_1097 = tpu.vector_load_idx %arg17[%broadcast_in_dim3A_1063, %add3A_35] : memref<256x32xf32, #tpu.memory_space<vmem>>[vector<16xi32>, vector<16xi32>], vector<16xf32>,
            %gather3A_1098 = tpu.vector_load_idx %arg18[%broadcast_in_dim3A_1063, %add3A_35] : memref<256x32xf32, #tpu.memory_space<vmem>>[vector<16xi32>, vector<16xi32>], vector<16xf32>,
            %add3A_1099 = arith.addf %gather3A_1097, %gather3A_1098 : vector<16xf32>
            %gather3A_1100 = tpu.vector_load_idx %arg17[%broadcast_in_dim3A_1070, %add3A_35] : memref<256x32xf32, #tpu.memory_space<vmem>>[vector<16xi32>, vector<16xi32>], vector<16xf32>,
            %gather3A_1101 = tpu.vector_load_idx %arg18[%broadcast_in_dim3A_1070, %add3A_35] : memref<256x32xf32, #tpu.memory_space<vmem>>[vector<16xi32>, vector<16xi32>], vector<16xf32>,
            %add3A_1102 = arith.addf %gather3A_1100, %gather3A_1101 : vector<16xf32>
            %gather3A_1103 = tpu.vector_load_idx %arg17[%broadcast_in_dim3A_1077, %add3A_35] : memref<256x32xf32, #tpu.memory_space<vmem>>[vector<16xi32>, vector<16xi32>], vector<16xf32>,
            %gather3A_1104 = tpu.vector_load_idx %arg18[%broadcast_in_dim3A_1077, %add3A_35] : memref<256x32xf32, #tpu.memory_space<vmem>>[vector<16xi32>, vector<16xi32>], vector<16xf32>,
            %add3A_1105 = arith.addf %gather3A_1103, %gather3A_1104 : vector<16xf32>
            %gather3A_1106 = tpu.vector_load_idx %arg17[%broadcast_in_dim3A_1084, %add3A_35] : memref<256x32xf32, #tpu.memory_space<vmem>>[vector<16xi32>, vector<16xi32>], vector<16xf32>,
            %gather3A_1107 = tpu.vector_load_idx %arg18[%broadcast_in_dim3A_1084, %add3A_35] : memref<256x32xf32, #tpu.memory_space<vmem>>[vector<16xi32>, vector<16xi32>], vector<16xf32>,
            %add3A_1108 = arith.addf %gather3A_1106, %gather3A_1107 : vector<16xf32>
            %eq3A_1109 = arith.cmpi eq, %gather3A_1020, %gather3A_1032 : vector<16xi32>
            %max3A_1110 = arith.maximumf %add3A_1090, %add3A_1087 : vector<16xf32>
            %select_n3A_1111 = arith.select %eq3A_1109, %max3A_1110, %add3A_1090 : vector<16xi1>, vector<16xf32>
            %max3A_1112 = arith.maximumf %add3A_1102, %add3A_1099 : vector<16xf32>
            %select_n3A_1113 = arith.select %eq3A_1109, %max3A_1112, %add3A_1102 : vector<16xi1>, vector<16xf32>
            %eq3A_1114 = arith.cmpi eq, %gather3A_1020, %gather3A_1044 : vector<16xi32>
            %max3A_1115 = arith.maximumf %add3A_1093, %add3A_1087 : vector<16xf32>
            %select_n3A_1116 = arith.select %eq3A_1114, %max3A_1115, %add3A_1093 : vector<16xi1>, vector<16xf32>
            %max3A_1117 = arith.maximumf %add3A_1105, %add3A_1099 : vector<16xf32>
            %select_n3A_1118 = arith.select %eq3A_1114, %max3A_1117, %add3A_1105 : vector<16xi1>, vector<16xf32>
            %or3A_1119 = arith.ori %eq3A_1109, %eq3A_1114 : vector<16xi1>
            %eq3A_1120 = arith.cmpi eq, %gather3A_1020, %gather3A_1056 : vector<16xi32>
            %max3A_1121 = arith.maximumf %add3A_1096, %add3A_1087 : vector<16xf32>
            %select_n3A_1122 = arith.select %eq3A_1120, %max3A_1121, %add3A_1096 : vector<16xi1>, vector<16xf32>
            %max3A_1123 = arith.maximumf %add3A_1108, %add3A_1099 : vector<16xf32>
            %select_n3A_1124 = arith.select %eq3A_1120, %max3A_1123, %add3A_1108 : vector<16xi1>, vector<16xf32>
            %or3A_1125 = arith.ori %or3A_1119, %eq3A_1120 : vector<16xi1>
            %not3A_1126 = arith.constant dense<true> : vector<16xi1>
            %not3A_1127 = arith.xori %or3A_1125, %not3A_1126 : vector<16xi1>
            %eq3A_1128 = arith.cmpi eq, %gather3A_1032, %gather3A_1044 : vector<16xi32>
            %max3A_1129 = arith.maximumf %select_n3A_1116, %select_n3A_1111 : vector<16xf32>
            %select_n3A_1130 = arith.select %eq3A_1128, %max3A_1129, %select_n3A_1116 : vector<16xi1>, vector<16xf32>
            %max3A_1131 = arith.maximumf %select_n3A_1118, %select_n3A_1113 : vector<16xf32>
            %select_n3A_1132 = arith.select %eq3A_1128, %max3A_1131, %select_n3A_1118 : vector<16xi1>, vector<16xf32>
            %eq3A_1133 = arith.cmpi eq, %gather3A_1032, %gather3A_1056 : vector<16xi32>
            %max3A_1134 = arith.maximumf %select_n3A_1122, %select_n3A_1111 : vector<16xf32>
            %select_n3A_1135 = arith.select %eq3A_1133, %max3A_1134, %select_n3A_1122 : vector<16xi1>, vector<16xf32>
            %max3A_1136 = arith.maximumf %select_n3A_1124, %select_n3A_1113 : vector<16xf32>
            %select_n3A_1137 = arith.select %eq3A_1133, %max3A_1136, %select_n3A_1124 : vector<16xi1>, vector<16xf32>
            %or3A_1138 = arith.ori %eq3A_1128, %eq3A_1133 : vector<16xi1>
            %not3A_1139 = arith.constant dense<true> : vector<16xi1>
            %not3A_1140 = arith.xori %or3A_1138, %not3A_1139 : vector<16xi1>
            %eq3A_1141 = arith.cmpi eq, %gather3A_1044, %gather3A_1056 : vector<16xi32>
            %max3A_1142 = arith.maximumf %select_n3A_1135, %select_n3A_1130 : vector<16xf32>
            %select_n3A_1143 = arith.select %eq3A_1141, %max3A_1142, %select_n3A_1135 : vector<16xi1>, vector<16xf32>
            %max3A_1144 = arith.maximumf %select_n3A_1137, %select_n3A_1132 : vector<16xf32>
            %select_n3A_1145 = arith.select %eq3A_1141, %max3A_1144, %select_n3A_1137 : vector<16xi1>, vector<16xf32>
            %not3A_1146 = arith.constant dense<true> : vector<16xi1>
            %not3A_1147 = arith.xori %eq3A_1141, %not3A_1146 : vector<16xi1>
            %add3A_1148 = arith.addi %gather3A_1020, %iota3A : vector<16xi32>
            %add3A_1149 = arith.addi %gather3A_1032, %iota3A : vector<16xi32>
            %add3A_1150 = arith.addi %gather3A_1044, %iota3A : vector<16xi32>
            %add3A_1151 = arith.addi %gather3A_1056, %iota3A : vector<16xi32>
            %gather3A_1152 = tpu.vector_load_idx %arg7[%add3A_1148] : memref<20128xf32, #tpu.memory_space<vmem>>[vector<16xi32>], vector<16xf32>,
            %max3A_1153 = arith.maximumf %gather3A_1152, %add3A_1087 : vector<16xf32>
            %gather3A_1154 = tpu.vector_load_idx %arg7[%add3A_1149] : memref<20128xf32, #tpu.memory_space<vmem>>[vector<16xi32>], vector<16xf32>,
            %max3A_1155 = arith.maximumf %gather3A_1154, %select_n3A_1111 : vector<16xf32>
            %gather3A_1156 = tpu.vector_load_idx %arg7[%add3A_1150] : memref<20128xf32, #tpu.memory_space<vmem>>[vector<16xi32>], vector<16xf32>,
            %max3A_1157 = arith.maximumf %gather3A_1156, %select_n3A_1130 : vector<16xf32>
            %gather3A_1158 = tpu.vector_load_idx %arg7[%add3A_1151] : memref<20128xf32, #tpu.memory_space<vmem>>[vector<16xi32>], vector<16xf32>,
            %max3A_1159 = arith.maximumf %gather3A_1158, %select_n3A_1143 : vector<16xf32>
            %gather3A_1160 = tpu.vector_load_idx %arg8[%add3A_1148] : memref<20128xf32, #tpu.memory_space<vmem>>[vector<16xi32>], vector<16xf32>,
            %max3A_1161 = arith.maximumf %gather3A_1160, %add3A_1099 : vector<16xf32>
            %gather3A_1162 = tpu.vector_load_idx %arg8[%add3A_1149] : memref<20128xf32, #tpu.memory_space<vmem>>[vector<16xi32>], vector<16xf32>,
            %max3A_1163 = arith.maximumf %gather3A_1162, %select_n3A_1113 : vector<16xf32>
            %gather3A_1164 = tpu.vector_load_idx %arg8[%add3A_1150] : memref<20128xf32, #tpu.memory_space<vmem>>[vector<16xi32>], vector<16xf32>,
            %max3A_1165 = arith.maximumf %gather3A_1164, %select_n3A_1132 : vector<16xf32>
            %gather3A_1166 = tpu.vector_load_idx %arg8[%add3A_1151] : memref<20128xf32, #tpu.memory_space<vmem>>[vector<16xi32>], vector<16xf32>,
            %max3A_1167 = arith.maximumf %gather3A_1166, %select_n3A_1145 : vector<16xf32>
            tpu.vector_store_idx %arg7[%add3A_1148], %max3A_1153 masked %not3A_1127 : memref<20128xf32, #tpu.memory_space<vmem>>[vector<16xi32>], vector<16xf32>, vector<16xi1>
            tpu.vector_store_idx %arg8[%add3A_1148], %max3A_1161 masked %not3A_1127 : memref<20128xf32, #tpu.memory_space<vmem>>[vector<16xi32>], vector<16xf32>, vector<16xi1>
            tpu.vector_store_idx %arg7[%add3A_1149], %max3A_1155 masked %not3A_1140 : memref<20128xf32, #tpu.memory_space<vmem>>[vector<16xi32>], vector<16xf32>, vector<16xi1>
            tpu.vector_store_idx %arg8[%add3A_1149], %max3A_1163 masked %not3A_1140 : memref<20128xf32, #tpu.memory_space<vmem>>[vector<16xi32>], vector<16xf32>, vector<16xi1>
            tpu.vector_store_idx %arg7[%add3A_1150], %max3A_1157 masked %not3A_1147 : memref<20128xf32, #tpu.memory_space<vmem>>[vector<16xi32>], vector<16xf32>, vector<16xi1>
            tpu.vector_store_idx %arg8[%add3A_1150], %max3A_1165 masked %not3A_1147 : memref<20128xf32, #tpu.memory_space<vmem>>[vector<16xi32>], vector<16xf32>, vector<16xi1>
            tpu.vector_store_idx %arg7[%add3A_1151], %max3A_1159 : memref<20128xf32, #tpu.memory_space<vmem>>[vector<16xi32>], vector<16xf32>,
            tpu.vector_store_idx %arg8[%add3A_1151], %max3A_1167 : memref<20128xf32, #tpu.memory_space<vmem>>[vector<16xi32>], vector<16xf32>,
            %scan3A_1168 = arith.constant 0 : i32
            scf.yield %scan3A_1168 : i32
          }
          %scan3A_527 = arith.constant 16 : i32
        } else {
        }
        %while3A_480 = arith.constant 0 : i32
        scf.yield %while3A_480 : i32
      }
      %while3A_463 = arith.constant 1 : i32
      %while3A_464 = scf.for %while3A_466 = %while3A_460 to %while3A_456 step %while3A_463 iter_args(%while3A_467 = %while3A_462) -> (i32)  : i32 {
        %mul3A_468 = arith.constant 2 : i32
        %mul3A_469 = arith.muli %while3A_466, %mul3A_468 : i32
        %lt3A_470 = arith.cmpi slt, %mul3A_469, %select_n3A_423 : i32
        %convert_element_type3A_471 = arith.extui %lt3A_470 : i1 to i32
        %cond3A_472 = arith.constant 0 : i32
        %cond3A_473 = arith.cmpi ne, %convert_element_type3A_471, %cond3A_472 : i32
        scf.if %cond3A_473 {
          %add3A_481 = arith.constant 1 : i32
          %add3A_482 = arith.addi %mul3A_469, %add3A_481 : i32
          %lt3A_483 = arith.cmpi slt, %add3A_482, %select_n3A_423 : i32
          %convert_element_type3A_484 = arith.extui %lt3A_483 : i1 to i32
          %cond3A_485 = arith.constant 0 : i32
          %cond3A_486 = arith.cmpi ne, %convert_element_type3A_484, %cond3A_485 : i32
          scf.if %cond3A_486 {
            %add3A_526 = arith.constant 1 : i32
            %add3A_527 = arith.addi %mul3A_469, %add3A_526 : i32
            %mul3A_528 = arith.constant 256 : i32
            %mul3A_529 = arith.muli %add3A_527, %mul3A_528 : i32
            %add3A_530 = arith.constant 0 : i32
            %add3A_531 = arith.addi %mul3A_529, %add3A_530 : i32
            %dma_start3A_532 = arith.constant 0 : i32
            %dma_start3A_533 = arith.constant 0 : i32
            %dma_start3A_534 = tpu.memref_slice %arg17[%dma_start3A_532, %dma_start3A_533] : memref<256x32xf32, #tpu.memory_space<vmem>> -> memref<128x32xf32, #tpu.memory_space<vmem>>
            %dma_start3A_535 = tpu.memref_slice %arg13[%add3A_531] : memref<8512xi32, #tpu.memory_space<vmem>> -> memref<128xi32, #tpu.memory_space<vmem>>
            %dma_start3A_536 = arith.constant 0 : i32
            %dma_start3A_537 = arith.constant 0 : i32
            %dma_start3A_538 = tpu.memref_slice %arg5[%dma_start3A_536, %dma_start3A_537] : memref<320000x32xf32, #tpu.memory_space<hbm>> -> memref<320000x32xf32, #tpu.memory_space<hbm>>
            tpu.enqueue_indirect_dma source(%dma_start3A_538 : memref<320000x32xf32, #tpu.memory_space<hbm>>) target(%dma_start3A_534 : memref<128x32xf32, #tpu.memory_space<vmem>>) offsets(%dma_start3A_535 : memref<128xi32, #tpu.memory_space<vmem>>) semaphore(%arg20 : memref<!tpu.dma_semaphore, #tpu.memory_space<semaphore_mem>>)
            %dma_start3A_539 = arith.constant 0 : i32
            %dma_start3A_540 = arith.constant 0 : i32
            %dma_start3A_541 = tpu.memref_slice %arg18[%dma_start3A_539, %dma_start3A_540] : memref<256x32xf32, #tpu.memory_space<vmem>> -> memref<128x32xf32, #tpu.memory_space<vmem>>
            %dma_start3A_542 = tpu.memref_slice %arg14[%add3A_531] : memref<8512xi32, #tpu.memory_space<vmem>> -> memref<128xi32, #tpu.memory_space<vmem>>
            %dma_start3A_543 = arith.constant 0 : i32
            %dma_start3A_544 = arith.constant 0 : i32
            %dma_start3A_545 = tpu.memref_slice %arg5[%dma_start3A_543, %dma_start3A_544] : memref<320000x32xf32, #tpu.memory_space<hbm>> -> memref<320000x32xf32, #tpu.memory_space<hbm>>
            tpu.enqueue_indirect_dma source(%dma_start3A_545 : memref<320000x32xf32, #tpu.memory_space<hbm>>) target(%dma_start3A_541 : memref<128x32xf32, #tpu.memory_space<vmem>>) offsets(%dma_start3A_542 : memref<128xi32, #tpu.memory_space<vmem>>) semaphore(%arg20 : memref<!tpu.dma_semaphore, #tpu.memory_space<semaphore_mem>>)
            %mul3A_546 = arith.constant 256 : i32
            %mul3A_547 = arith.muli %add3A_527, %mul3A_546 : i32
            %add3A_548 = arith.constant 128 : i32
            %add3A_549 = arith.addi %mul3A_547, %add3A_548 : i32
            %dma_start3A_550 = arith.constant 128 : i32
            %dma_start3A_551 = arith.constant 0 : i32
            %dma_start3A_552 = tpu.memref_slice %arg17[%dma_start3A_550, %dma_start3A_551] : memref<256x32xf32, #tpu.memory_space<vmem>> -> memref<128x32xf32, #tpu.memory_space<vmem>>
            %dma_start3A_553 = tpu.memref_slice %arg13[%add3A_549] : memref<8512xi32, #tpu.memory_space<vmem>> -> memref<128xi32, #tpu.memory_space<vmem>>
            %dma_start3A_554 = arith.constant 0 : i32
            %dma_start3A_555 = arith.constant 0 : i32
            %dma_start3A_556 = tpu.memref_slice %arg5[%dma_start3A_554, %dma_start3A_555] : memref<320000x32xf32, #tpu.memory_space<hbm>> -> memref<320000x32xf32, #tpu.memory_space<hbm>>
            tpu.enqueue_indirect_dma source(%dma_start3A_556 : memref<320000x32xf32, #tpu.memory_space<hbm>>) target(%dma_start3A_552 : memref<128x32xf32, #tpu.memory_space<vmem>>) offsets(%dma_start3A_553 : memref<128xi32, #tpu.memory_space<vmem>>) semaphore(%arg20 : memref<!tpu.dma_semaphore, #tpu.memory_space<semaphore_mem>>)
            %dma_start3A_557 = arith.constant 128 : i32
            %dma_start3A_558 = arith.constant 0 : i32
            %dma_start3A_559 = tpu.memref_slice %arg18[%dma_start3A_557, %dma_start3A_558] : memref<256x32xf32, #tpu.memory_space<vmem>> -> memref<128x32xf32, #tpu.memory_space<vmem>>
            %dma_start3A_560 = tpu.memref_slice %arg14[%add3A_549] : memref<8512xi32, #tpu.memory_space<vmem>> -> memref<128xi32, #tpu.memory_space<vmem>>
            %dma_start3A_561 = arith.constant 0 : i32
            %dma_start3A_562 = arith.constant 0 : i32
            %dma_start3A_563 = tpu.memref_slice %arg5[%dma_start3A_561, %dma_start3A_562] : memref<320000x32xf32, #tpu.memory_space<hbm>> -> memref<320000x32xf32, #tpu.memory_space<hbm>>
            tpu.enqueue_indirect_dma source(%dma_start3A_563 : memref<320000x32xf32, #tpu.memory_space<hbm>>) target(%dma_start3A_559 : memref<128x32xf32, #tpu.memory_space<vmem>>) offsets(%dma_start3A_560 : memref<128xi32, #tpu.memory_space<vmem>>) semaphore(%arg20 : memref<!tpu.dma_semaphore, #tpu.memory_space<semaphore_mem>>)
          } else {
          }
          %dma_wait3A_487 = arith.constant 0 : i32
          %dma_wait3A_488 = arith.constant 0 : i32
          %dma_wait3A_489 = tpu.memref_slice %arg15[%dma_wait3A_487, %dma_wait3A_488] : memref<256x32xf32, #tpu.memory_space<vmem>> -> memref<128x32xf32, #tpu.memory_space<vmem>>
          %dma_wait3A_490 = arith.constant 0 : i32
          %dma_wait3A_491 = tpu.memref_slice %arg13[%dma_wait3A_490] : memref<8512xi32, #tpu.memory_space<vmem>> -> memref<128xi32, #tpu.memory_space<vmem>>
          %dma_wait3A_492 = arith.constant 0 : i32
          %dma_wait3A_493 = arith.constant 0 : i32
          %dma_wait3A_494 = tpu.memref_slice %arg5[%dma_wait3A_492, %dma_wait3A_493] : memref<320000x32xf32, #tpu.memory_space<hbm>> -> memref<320000x32xf32, #tpu.memory_space<hbm>>
          tpu.wait_indirect_dma semaphore(%arg19 : memref<!tpu.dma_semaphore, #tpu.memory_space<semaphore_mem>>) src(%dma_wait3A_494 : memref<320000x32xf32, #tpu.memory_space<hbm>>) dst(%dma_wait3A_489 : memref<128x32xf32, #tpu.memory_space<vmem>>)
          %dma_wait3A_495 = arith.constant 0 : i32
          %dma_wait3A_496 = arith.constant 0 : i32
          %dma_wait3A_497 = tpu.memref_slice %arg16[%dma_wait3A_495, %dma_wait3A_496] : memref<256x32xf32, #tpu.memory_space<vmem>> -> memref<128x32xf32, #tpu.memory_space<vmem>>
          %dma_wait3A_498 = arith.constant 0 : i32
          %dma_wait3A_499 = tpu.memref_slice %arg14[%dma_wait3A_498] : memref<8512xi32, #tpu.memory_space<vmem>> -> memref<128xi32, #tpu.memory_space<vmem>>
          %dma_wait3A_500 = arith.constant 0 : i32
          %dma_wait3A_501 = arith.constant 0 : i32
          %dma_wait3A_502 = tpu.memref_slice %arg5[%dma_wait3A_500, %dma_wait3A_501] : memref<320000x32xf32, #tpu.memory_space<hbm>> -> memref<320000x32xf32, #tpu.memory_space<hbm>>
          tpu.wait_indirect_dma semaphore(%arg19 : memref<!tpu.dma_semaphore, #tpu.memory_space<semaphore_mem>>) src(%dma_wait3A_502 : memref<320000x32xf32, #tpu.memory_space<hbm>>) dst(%dma_wait3A_497 : memref<128x32xf32, #tpu.memory_space<vmem>>)
          %dma_wait3A_503 = arith.constant 128 : i32
          %dma_wait3A_504 = arith.constant 0 : i32
          %dma_wait3A_505 = tpu.memref_slice %arg15[%dma_wait3A_503, %dma_wait3A_504] : memref<256x32xf32, #tpu.memory_space<vmem>> -> memref<128x32xf32, #tpu.memory_space<vmem>>
          %dma_wait3A_506 = arith.constant 0 : i32
          %dma_wait3A_507 = tpu.memref_slice %arg13[%dma_wait3A_506] : memref<8512xi32, #tpu.memory_space<vmem>> -> memref<128xi32, #tpu.memory_space<vmem>>
          %dma_wait3A_508 = arith.constant 0 : i32
          %dma_wait3A_509 = arith.constant 0 : i32
          %dma_wait3A_510 = tpu.memref_slice %arg5[%dma_wait3A_508, %dma_wait3A_509] : memref<320000x32xf32, #tpu.memory_space<hbm>> -> memref<320000x32xf32, #tpu.memory_space<hbm>>
          tpu.wait_indirect_dma semaphore(%arg19 : memref<!tpu.dma_semaphore, #tpu.memory_space<semaphore_mem>>) src(%dma_wait3A_510 : memref<320000x32xf32, #tpu.memory_space<hbm>>) dst(%dma_wait3A_505 : memref<128x32xf32, #tpu.memory_space<vmem>>)
          %dma_wait3A_511 = arith.constant 128 : i32
          %dma_wait3A_512 = arith.constant 0 : i32
          %dma_wait3A_513 = tpu.memref_slice %arg16[%dma_wait3A_511, %dma_wait3A_512] : memref<256x32xf32, #tpu.memory_space<vmem>> -> memref<128x32xf32, #tpu.memory_space<vmem>>
          %dma_wait3A_514 = arith.constant 0 : i32
          %dma_wait3A_515 = tpu.memref_slice %arg14[%dma_wait3A_514] : memref<8512xi32, #tpu.memory_space<vmem>> -> memref<128xi32, #tpu.memory_space<vmem>>
          %dma_wait3A_516 = arith.constant 0 : i32
          %dma_wait3A_517 = arith.constant 0 : i32
          %dma_wait3A_518 = tpu.memref_slice %arg5[%dma_wait3A_516, %dma_wait3A_517] : memref<320000x32xf32, #tpu.memory_space<hbm>> -> memref<320000x32xf32, #tpu.memory_space<hbm>>
          tpu.wait_indirect_dma semaphore(%arg19 : memref<!tpu.dma_semaphore, #tpu.memory_space<semaphore_mem>>) src(%dma_wait3A_518 : memref<320000x32xf32, #tpu.memory_space<hbm>>) dst(%dma_wait3A_513 : memref<128x32xf32, #tpu.memory_space<vmem>>)
          %scan3A_519 = arith.constant 0 : i32
          %scan3A_520 = arith.constant 0 : i32
          %scan3A_521 = arith.constant 16 : i32
          %scan3A_522 = arith.addi %scan3A_520, %scan3A_521 : i32
          %scan3A_523 = arith.constant 1 : i32
          %scan3A_524 = scf.for %scan3A_526 = %scan3A_520 to %scan3A_522 step %scan3A_523 iter_args(%scan3A_527 = %scan3A_519) -> (i32)  : i32 {
            %mul3A_528 = arith.constant 256 : i32
            %mul3A_529 = arith.muli %mul3A_469, %mul3A_528 : i32
            %mul3A_530 = arith.constant 16 : i32
            %mul3A_531 = arith.muli %scan3A_526, %mul3A_530 : i32
            %add3A_532 = arith.addi %mul3A_529, %mul3A_531 : i32
            %get3A = arith.index_cast %add3A_532 : i32 to index
            %get3A_533 = tpu.vector_load %arg12[%get3A] {strides = array<i32>} : memref<8512xi32, #tpu.memory_space<vmem>>, vector<16xi32>,
            %broadcast_in_dim3A_534 = arith.constant 0 : i32
            %broadcast_in_dim3A_535 = vector.broadcast %broadcast_in_dim3A_534 : i32 to vector<16xi32>
            %lt3A_536 = arith.constant 0 : i32
            %lt3A_537 = vector.broadcast %lt3A_536 : i32 to vector<16xi32>
            %lt3A_538 = arith.cmpi slt, %broadcast_in_dim3A_535, %lt3A_537 : vector<16xi32>
            %add3A_539 = arith.constant 16 : i32
            %add3A_540 = vector.broadcast %add3A_539 : i32 to vector<16xi32>
            %add3A_541 = arith.addi %broadcast_in_dim3A_535, %add3A_540 : vector<16xi32>
            %select_n3A_542 = arith.select %lt3A_538, %add3A_541, %broadcast_in_dim3A_535 : vector<16xi1>, vector<16xi32>
            %broadcast_in_dim3A_543 = vector.shape_cast %select_n3A_542 : vector<16xi32> to vector<16x1xi32>
            %gather3A = vector.shape_cast %broadcast_in_dim3A_543 : vector<16x1xi32> to vector<16xi32>
            %gather3A_544 = tpu.dynamic_gather %get3A_533[%gather3A] in [0] : vector<16xi32>, vector<16xi32> -> vector<16xi32>
            %broadcast_in_dim3A_545 = arith.constant 1 : i32
            %broadcast_in_dim3A_546 = vector.broadcast %broadcast_in_dim3A_545 : i32 to vector<16xi32>
            %lt3A_547 = arith.constant 0 : i32
            %lt3A_548 = vector.broadcast %lt3A_547 : i32 to vector<16xi32>
            %lt3A_549 = arith.cmpi slt, %broadcast_in_dim3A_546, %lt3A_548 : vector<16xi32>
            %add3A_550 = arith.constant 16 : i32
            %add3A_551 = vector.broadcast %add3A_550 : i32 to vector<16xi32>
            %add3A_552 = arith.addi %broadcast_in_dim3A_546, %add3A_551 : vector<16xi32>
            %select_n3A_553 = arith.select %lt3A_549, %add3A_552, %broadcast_in_dim3A_546 : vector<16xi1>, vector<16xi32>
            %broadcast_in_dim3A_554 = vector.shape_cast %select_n3A_553 : vector<16xi32> to vector<16x1xi32>
            %gather3A_555 = vector.shape_cast %broadcast_in_dim3A_554 : vector<16x1xi32> to vector<16xi32>
            %gather3A_556 = tpu.dynamic_gather %get3A_533[%gather3A_555] in [0] : vector<16xi32>, vector<16xi32> -> vector<16xi32>
            %broadcast_in_dim3A_557 = arith.constant 2 : i32
            %broadcast_in_dim3A_558 = vector.broadcast %broadcast_in_dim3A_557 : i32 to vector<16xi32>
            %lt3A_559 = arith.constant 0 : i32
            %lt3A_560 = vector.broadcast %lt3A_559 : i32 to vector<16xi32>
            %lt3A_561 = arith.cmpi slt, %broadcast_in_dim3A_558, %lt3A_560 : vector<16xi32>
            %add3A_562 = arith.constant 16 : i32
            %add3A_563 = vector.broadcast %add3A_562 : i32 to vector<16xi32>
            %add3A_564 = arith.addi %broadcast_in_dim3A_558, %add3A_563 : vector<16xi32>
            %select_n3A_565 = arith.select %lt3A_561, %add3A_564, %broadcast_in_dim3A_558 : vector<16xi1>, vector<16xi32>
            %broadcast_in_dim3A_566 = vector.shape_cast %select_n3A_565 : vector<16xi32> to vector<16x1xi32>
            %gather3A_567 = vector.shape_cast %broadcast_in_dim3A_566 : vector<16x1xi32> to vector<16xi32>
            %gather3A_568 = tpu.dynamic_gather %get3A_533[%gather3A_567] in [0] : vector<16xi32>, vector<16xi32> -> vector<16xi32>
            %broadcast_in_dim3A_569 = arith.constant 3 : i32
            %broadcast_in_dim3A_570 = vector.broadcast %broadcast_in_dim3A_569 : i32 to vector<16xi32>
            %lt3A_571 = arith.constant 0 : i32
            %lt3A_572 = vector.broadcast %lt3A_571 : i32 to vector<16xi32>
            %lt3A_573 = arith.cmpi slt, %broadcast_in_dim3A_570, %lt3A_572 : vector<16xi32>
            %add3A_574 = arith.constant 16 : i32
            %add3A_575 = vector.broadcast %add3A_574 : i32 to vector<16xi32>
            %add3A_576 = arith.addi %broadcast_in_dim3A_570, %add3A_575 : vector<16xi32>
            %select_n3A_577 = arith.select %lt3A_573, %add3A_576, %broadcast_in_dim3A_570 : vector<16xi1>, vector<16xi32>
            %broadcast_in_dim3A_578 = vector.shape_cast %select_n3A_577 : vector<16xi32> to vector<16x1xi32>
            %gather3A_579 = vector.shape_cast %broadcast_in_dim3A_578 : vector<16x1xi32> to vector<16xi32>
            %gather3A_580 = tpu.dynamic_gather %get3A_533[%gather3A_579] in [0] : vector<16xi32>, vector<16xi32> -> vector<16xi32>
            %mul3A_581 = arith.constant 16 : i32
            %mul3A_582 = arith.muli %scan3A_526, %mul3A_581 : i32
            %add3A_583 = arith.constant 0 : i32
            %add3A_584 = arith.addi %mul3A_582, %add3A_583 : i32
            %add3A_585 = arith.constant 0 : i32
            %add3A_586 = arith.addi %add3A_584, %add3A_585 : i32
            %broadcast_in_dim3A_587 = vector.broadcast %add3A_586 : i32 to vector<16xi32>
            %mul3A_588 = arith.constant 16 : i32
            %mul3A_589 = arith.muli %scan3A_526, %mul3A_588 : i32
            %add3A_590 = arith.constant 0 : i32
            %add3A_591 = arith.addi %mul3A_589, %add3A_590 : i32
            %add3A_592 = arith.constant 1 : i32
            %add3A_593 = arith.addi %add3A_591, %add3A_592 : i32
            %broadcast_in_dim3A_594 = vector.broadcast %add3A_593 : i32 to vector<16xi32>
            %mul3A_595 = arith.constant 16 : i32
            %mul3A_596 = arith.muli %scan3A_526, %mul3A_595 : i32
            %add3A_597 = arith.constant 0 : i32
            %add3A_598 = arith.addi %mul3A_596, %add3A_597 : i32
            %add3A_599 = arith.constant 2 : i32
            %add3A_600 = arith.addi %add3A_598, %add3A_599 : i32
            %broadcast_in_dim3A_601 = vector.broadcast %add3A_600 : i32 to vector<16xi32>
            %mul3A_602 = arith.constant 16 : i32
            %mul3A_603 = arith.muli %scan3A_526, %mul3A_602 : i32
            %add3A_604 = arith.constant 0 : i32
            %add3A_605 = arith.addi %mul3A_603, %add3A_604 : i32
            %add3A_606 = arith.constant 3 : i32
            %add3A_607 = arith.addi %add3A_605, %add3A_606 : i32
            %broadcast_in_dim3A_608 = vector.broadcast %add3A_607 : i32 to vector<16xi32>
            %gather3A_609 = tpu.vector_load_idx %arg15[%broadcast_in_dim3A_587, %iota3A] : memref<256x32xf32, #tpu.memory_space<vmem>>[vector<16xi32>, vector<16xi32>], vector<16xf32>,
            %gather3A_610 = tpu.vector_load_idx %arg16[%broadcast_in_dim3A_587, %iota3A] : memref<256x32xf32, #tpu.memory_space<vmem>>[vector<16xi32>, vector<16xi32>], vector<16xf32>,
            %add3A_611 = arith.addf %gather3A_609, %gather3A_610 : vector<16xf32>
            %gather3A_612 = tpu.vector_load_idx %arg15[%broadcast_in_dim3A_594, %iota3A] : memref<256x32xf32, #tpu.memory_space<vmem>>[vector<16xi32>, vector<16xi32>], vector<16xf32>,
            %gather3A_613 = tpu.vector_load_idx %arg16[%broadcast_in_dim3A_594, %iota3A] : memref<256x32xf32, #tpu.memory_space<vmem>>[vector<16xi32>, vector<16xi32>], vector<16xf32>,
            %add3A_614 = arith.addf %gather3A_612, %gather3A_613 : vector<16xf32>
            %gather3A_615 = tpu.vector_load_idx %arg15[%broadcast_in_dim3A_601, %iota3A] : memref<256x32xf32, #tpu.memory_space<vmem>>[vector<16xi32>, vector<16xi32>], vector<16xf32>,
            %gather3A_616 = tpu.vector_load_idx %arg16[%broadcast_in_dim3A_601, %iota3A] : memref<256x32xf32, #tpu.memory_space<vmem>>[vector<16xi32>, vector<16xi32>], vector<16xf32>,
            %add3A_617 = arith.addf %gather3A_615, %gather3A_616 : vector<16xf32>
            %gather3A_618 = tpu.vector_load_idx %arg15[%broadcast_in_dim3A_608, %iota3A] : memref<256x32xf32, #tpu.memory_space<vmem>>[vector<16xi32>, vector<16xi32>], vector<16xf32>,
            %gather3A_619 = tpu.vector_load_idx %arg16[%broadcast_in_dim3A_608, %iota3A] : memref<256x32xf32, #tpu.memory_space<vmem>>[vector<16xi32>, vector<16xi32>], vector<16xf32>,
            %add3A_620 = arith.addf %gather3A_618, %gather3A_619 : vector<16xf32>
            %gather3A_621 = tpu.vector_load_idx %arg15[%broadcast_in_dim3A_587, %add3A_35] : memref<256x32xf32, #tpu.memory_space<vmem>>[vector<16xi32>, vector<16xi32>], vector<16xf32>,
            %gather3A_622 = tpu.vector_load_idx %arg16[%broadcast_in_dim3A_587, %add3A_35] : memref<256x32xf32, #tpu.memory_space<vmem>>[vector<16xi32>, vector<16xi32>], vector<16xf32>,
            %add3A_623 = arith.addf %gather3A_621, %gather3A_622 : vector<16xf32>
            %gather3A_624 = tpu.vector_load_idx %arg15[%broadcast_in_dim3A_594, %add3A_35] : memref<256x32xf32, #tpu.memory_space<vmem>>[vector<16xi32>, vector<16xi32>], vector<16xf32>,
            %gather3A_625 = tpu.vector_load_idx %arg16[%broadcast_in_dim3A_594, %add3A_35] : memref<256x32xf32, #tpu.memory_space<vmem>>[vector<16xi32>, vector<16xi32>], vector<16xf32>,
            %add3A_626 = arith.addf %gather3A_624, %gather3A_625 : vector<16xf32>
            %gather3A_627 = tpu.vector_load_idx %arg15[%broadcast_in_dim3A_601, %add3A_35] : memref<256x32xf32, #tpu.memory_space<vmem>>[vector<16xi32>, vector<16xi32>], vector<16xf32>,
            %gather3A_628 = tpu.vector_load_idx %arg16[%broadcast_in_dim3A_601, %add3A_35] : memref<256x32xf32, #tpu.memory_space<vmem>>[vector<16xi32>, vector<16xi32>], vector<16xf32>,
            %add3A_629 = arith.addf %gather3A_627, %gather3A_628 : vector<16xf32>
            %gather3A_630 = tpu.vector_load_idx %arg15[%broadcast_in_dim3A_608, %add3A_35] : memref<256x32xf32, #tpu.memory_space<vmem>>[vector<16xi32>, vector<16xi32>], vector<16xf32>,
            %gather3A_631 = tpu.vector_load_idx %arg16[%broadcast_in_dim3A_608, %add3A_35] : memref<256x32xf32, #tpu.memory_space<vmem>>[vector<16xi32>, vector<16xi32>], vector<16xf32>,
            %add3A_632 = arith.addf %gather3A_630, %gather3A_631 : vector<16xf32>
            %eq3A_633 = arith.cmpi eq, %gather3A_544, %gather3A_556 : vector<16xi32>
            %max3A = arith.maximumf %add3A_614, %add3A_611 : vector<16xf32>
            %select_n3A_634 = arith.select %eq3A_633, %max3A, %add3A_614 : vector<16xi1>, vector<16xf32>
            %max3A_635 = arith.maximumf %add3A_626, %add3A_623 : vector<16xf32>
            %select_n3A_636 = arith.select %eq3A_633, %max3A_635, %add3A_626 : vector<16xi1>, vector<16xf32>
            %eq3A_637 = arith.cmpi eq, %gather3A_544, %gather3A_568 : vector<16xi32>
            %max3A_638 = arith.maximumf %add3A_617, %add3A_611 : vector<16xf32>
            %select_n3A_639 = arith.select %eq3A_637, %max3A_638, %add3A_617 : vector<16xi1>, vector<16xf32>
            %max3A_640 = arith.maximumf %add3A_629, %add3A_623 : vector<16xf32>
            %select_n3A_641 = arith.select %eq3A_637, %max3A_640, %add3A_629 : vector<16xi1>, vector<16xf32>
            %or3A = arith.ori %eq3A_633, %eq3A_637 : vector<16xi1>
            %eq3A_642 = arith.cmpi eq, %gather3A_544, %gather3A_580 : vector<16xi32>
            %max3A_643 = arith.maximumf %add3A_620, %add3A_611 : vector<16xf32>
            %select_n3A_644 = arith.select %eq3A_642, %max3A_643, %add3A_620 : vector<16xi1>, vector<16xf32>
            %max3A_645 = arith.maximumf %add3A_632, %add3A_623 : vector<16xf32>
            %select_n3A_646 = arith.select %eq3A_642, %max3A_645, %add3A_632 : vector<16xi1>, vector<16xf32>
            %or3A_647 = arith.ori %or3A, %eq3A_642 : vector<16xi1>
            %not3A = arith.constant dense<true> : vector<16xi1>
            %not3A_648 = arith.xori %or3A_647, %not3A : vector<16xi1>
            %eq3A_649 = arith.cmpi eq, %gather3A_556, %gather3A_568 : vector<16xi32>
            %max3A_650 = arith.maximumf %select_n3A_639, %select_n3A_634 : vector<16xf32>
            %select_n3A_651 = arith.select %eq3A_649, %max3A_650, %select_n3A_639 : vector<16xi1>, vector<16xf32>
            %max3A_652 = arith.maximumf %select_n3A_641, %select_n3A_636 : vector<16xf32>
            %select_n3A_653 = arith.select %eq3A_649, %max3A_652, %select_n3A_641 : vector<16xi1>, vector<16xf32>
            %eq3A_654 = arith.cmpi eq, %gather3A_556, %gather3A_580 : vector<16xi32>
            %max3A_655 = arith.maximumf %select_n3A_644, %select_n3A_634 : vector<16xf32>
            %select_n3A_656 = arith.select %eq3A_654, %max3A_655, %select_n3A_644 : vector<16xi1>, vector<16xf32>
            %max3A_657 = arith.maximumf %select_n3A_646, %select_n3A_636 : vector<16xf32>
            %select_n3A_658 = arith.select %eq3A_654, %max3A_657, %select_n3A_646 : vector<16xi1>, vector<16xf32>
            %or3A_659 = arith.ori %eq3A_649, %eq3A_654 : vector<16xi1>
            %not3A_660 = arith.constant dense<true> : vector<16xi1>
            %not3A_661 = arith.xori %or3A_659, %not3A_660 : vector<16xi1>
            %eq3A_662 = arith.cmpi eq, %gather3A_568, %gather3A_580 : vector<16xi32>
            %max3A_663 = arith.maximumf %select_n3A_656, %select_n3A_651 : vector<16xf32>
            %select_n3A_664 = arith.select %eq3A_662, %max3A_663, %select_n3A_656 : vector<16xi1>, vector<16xf32>
            %max3A_665 = arith.maximumf %select_n3A_658, %select_n3A_653 : vector<16xf32>
            %select_n3A_666 = arith.select %eq3A_662, %max3A_665, %select_n3A_658 : vector<16xi1>, vector<16xf32>
            %not3A_667 = arith.constant dense<true> : vector<16xi1>
            %not3A_668 = arith.xori %eq3A_662, %not3A_667 : vector<16xi1>
            %add3A_669 = arith.addi %gather3A_544, %iota3A : vector<16xi32>
            %add3A_670 = arith.addi %gather3A_556, %iota3A : vector<16xi32>
            %add3A_671 = arith.addi %gather3A_568, %iota3A : vector<16xi32>
            %add3A_672 = arith.addi %gather3A_580, %iota3A : vector<16xi32>
            %gather3A_673 = tpu.vector_load_idx %arg7[%add3A_669] : memref<20128xf32, #tpu.memory_space<vmem>>[vector<16xi32>], vector<16xf32>,
            %max3A_674 = arith.maximumf %gather3A_673, %add3A_611 : vector<16xf32>
            %gather3A_675 = tpu.vector_load_idx %arg7[%add3A_670] : memref<20128xf32, #tpu.memory_space<vmem>>[vector<16xi32>], vector<16xf32>,
            %max3A_676 = arith.maximumf %gather3A_675, %select_n3A_634 : vector<16xf32>
            %gather3A_677 = tpu.vector_load_idx %arg7[%add3A_671] : memref<20128xf32, #tpu.memory_space<vmem>>[vector<16xi32>], vector<16xf32>,
            %max3A_678 = arith.maximumf %gather3A_677, %select_n3A_651 : vector<16xf32>
            %gather3A_679 = tpu.vector_load_idx %arg7[%add3A_672] : memref<20128xf32, #tpu.memory_space<vmem>>[vector<16xi32>], vector<16xf32>,
            %max3A_680 = arith.maximumf %gather3A_679, %select_n3A_664 : vector<16xf32>
            %gather3A_681 = tpu.vector_load_idx %arg8[%add3A_669] : memref<20128xf32, #tpu.memory_space<vmem>>[vector<16xi32>], vector<16xf32>,
            %max3A_682 = arith.maximumf %gather3A_681, %add3A_623 : vector<16xf32>
            %gather3A_683 = tpu.vector_load_idx %arg8[%add3A_670] : memref<20128xf32, #tpu.memory_space<vmem>>[vector<16xi32>], vector<16xf32>,
            %max3A_684 = arith.maximumf %gather3A_683, %select_n3A_636 : vector<16xf32>
            %gather3A_685 = tpu.vector_load_idx %arg8[%add3A_671] : memref<20128xf32, #tpu.memory_space<vmem>>[vector<16xi32>], vector<16xf32>,
            %max3A_686 = arith.maximumf %gather3A_685, %select_n3A_653 : vector<16xf32>
            %gather3A_687 = tpu.vector_load_idx %arg8[%add3A_672] : memref<20128xf32, #tpu.memory_space<vmem>>[vector<16xi32>], vector<16xf32>,
            %max3A_688 = arith.maximumf %gather3A_687, %select_n3A_666 : vector<16xf32>
            tpu.vector_store_idx %arg7[%add3A_669], %max3A_674 masked %not3A_648 : memref<20128xf32, #tpu.memory_space<vmem>>[vector<16xi32>], vector<16xf32>, vector<16xi1>
            tpu.vector_store_idx %arg8[%add3A_669], %max3A_682 masked %not3A_648 : memref<20128xf32, #tpu.memory_space<vmem>>[vector<16xi32>], vector<16xf32>, vector<16xi1>
            tpu.vector_store_idx %arg7[%add3A_670], %max3A_676 masked %not3A_661 : memref<20128xf32, #tpu.memory_space<vmem>>[vector<16xi32>], vector<16xf32>, vector<16xi1>
            tpu.vector_store_idx %arg8[%add3A_670], %max3A_684 masked %not3A_661 : memref<20128xf32, #tpu.memory_space<vmem>>[vector<16xi32>], vector<16xf32>, vector<16xi1>
            tpu.vector_store_idx %arg7[%add3A_671], %max3A_678 masked %not3A_668 : memref<20128xf32, #tpu.memory_space<vmem>>[vector<16xi32>], vector<16xf32>, vector<16xi1>
            tpu.vector_store_idx %arg8[%add3A_671], %max3A_686 masked %not3A_668 : memref<20128xf32, #tpu.memory_space<vmem>>[vector<16xi32>], vector<16xf32>, vector<16xi1>
            tpu.vector_store_idx %arg7[%add3A_672], %max3A_680 : memref<20128xf32, #tpu.memory_space<vmem>>[vector<16xi32>], vector<16xf32>,
            tpu.vector_store_idx %arg8[%add3A_672], %max3A_688 : memref<20128xf32, #tpu.memory_space<vmem>>[vector<16xi32>], vector<16xf32>,
            %broadcast_in_dim3A_689 = arith.constant 4 : i32
            %broadcast_in_dim3A_690 = vector.broadcast %broadcast_in_dim3A_689 : i32 to vector<16xi32>
            %lt3A_691 = arith.constant 0 : i32
            %lt3A_692 = vector.broadcast %lt3A_691 : i32 to vector<16xi32>
            %lt3A_693 = arith.cmpi slt, %broadcast_in_dim3A_690, %lt3A_692 : vector<16xi32>
            %add3A_694 = arith.constant 16 : i32
            %add3A_695 = vector.broadcast %add3A_694 : i32 to vector<16xi32>
            %add3A_696 = arith.addi %broadcast_in_dim3A_690, %add3A_695 : vector<16xi32>
            %select_n3A_697 = arith.select %lt3A_693, %add3A_696, %broadcast_in_dim3A_690 : vector<16xi1>, vector<16xi32>
            %broadcast_in_dim3A_698 = vector.shape_cast %select_n3A_697 : vector<16xi32> to vector<16x1xi32>
            %gather3A_699 = vector.shape_cast %broadcast_in_dim3A_698 : vector<16x1xi32> to vector<16xi32>
            %gather3A_700 = tpu.dynamic_gather %get3A_533[%gather3A_699] in [0] : vector<16xi32>, vector<16xi32> -> vector<16xi32>
            %broadcast_in_dim3A_701 = arith.constant 5 : i32
            %broadcast_in_dim3A_702 = vector.broadcast %broadcast_in_dim3A_701 : i32 to vector<16xi32>
            %lt3A_703 = arith.constant 0 : i32
            %lt3A_704 = vector.broadcast %lt3A_703 : i32 to vector<16xi32>
            %lt3A_705 = arith.cmpi slt, %broadcast_in_dim3A_702, %lt3A_704 : vector<16xi32>
            %add3A_706 = arith.constant 16 : i32
            %add3A_707 = vector.broadcast %add3A_706 : i32 to vector<16xi32>
            %add3A_708 = arith.addi %broadcast_in_dim3A_702, %add3A_707 : vector<16xi32>
            %select_n3A_709 = arith.select %lt3A_705, %add3A_708, %broadcast_in_dim3A_702 : vector<16xi1>, vector<16xi32>
            %broadcast_in_dim3A_710 = vector.shape_cast %select_n3A_709 : vector<16xi32> to vector<16x1xi32>
            %gather3A_711 = vector.shape_cast %broadcast_in_dim3A_710 : vector<16x1xi32> to vector<16xi32>
            %gather3A_712 = tpu.dynamic_gather %get3A_533[%gather3A_711] in [0] : vector<16xi32>, vector<16xi32> -> vector<16xi32>
            %broadcast_in_dim3A_713 = arith.constant 6 : i32
            %broadcast_in_dim3A_714 = vector.broadcast %broadcast_in_dim3A_713 : i32 to vector<16xi32>
            %lt3A_715 = arith.constant 0 : i32
            %lt3A_716 = vector.broadcast %lt3A_715 : i32 to vector<16xi32>
            %lt3A_717 = arith.cmpi slt, %broadcast_in_dim3A_714, %lt3A_716 : vector<16xi32>
            %add3A_718 = arith.constant 16 : i32
            %add3A_719 = vector.broadcast %add3A_718 : i32 to vector<16xi32>
            %add3A_720 = arith.addi %broadcast_in_dim3A_714, %add3A_719 : vector<16xi32>
            %select_n3A_721 = arith.select %lt3A_717, %add3A_720, %broadcast_in_dim3A_714 : vector<16xi1>, vector<16xi32>
            %broadcast_in_dim3A_722 = vector.shape_cast %select_n3A_721 : vector<16xi32> to vector<16x1xi32>
            %gather3A_723 = vector.shape_cast %broadcast_in_dim3A_722 : vector<16x1xi32> to vector<16xi32>
            %gather3A_724 = tpu.dynamic_gather %get3A_533[%gather3A_723] in [0] : vector<16xi32>, vector<16xi32> -> vector<16xi32>
            %broadcast_in_dim3A_725 = arith.constant 7 : i32
            %broadcast_in_dim3A_726 = vector.broadcast %broadcast_in_dim3A_725 : i32 to vector<16xi32>
            %lt3A_727 = arith.constant 0 : i32
            %lt3A_728 = vector.broadcast %lt3A_727 : i32 to vector<16xi32>
            %lt3A_729 = arith.cmpi slt, %broadcast_in_dim3A_726, %lt3A_728 : vector<16xi32>
            %add3A_730 = arith.constant 16 : i32
            %add3A_731 = vector.broadcast %add3A_730 : i32 to vector<16xi32>
            %add3A_732 = arith.addi %broadcast_in_dim3A_726, %add3A_731 : vector<16xi32>
            %select_n3A_733 = arith.select %lt3A_729, %add3A_732, %broadcast_in_dim3A_726 : vector<16xi1>, vector<16xi32>
            %broadcast_in_dim3A_734 = vector.shape_cast %select_n3A_733 : vector<16xi32> to vector<16x1xi32>
            %gather3A_735 = vector.shape_cast %broadcast_in_dim3A_734 : vector<16x1xi32> to vector<16xi32>
            %gather3A_736 = tpu.dynamic_gather %get3A_533[%gather3A_735] in [0] : vector<16xi32>, vector<16xi32> -> vector<16xi32>
            %mul3A_737 = arith.constant 16 : i32
            %mul3A_738 = arith.muli %scan3A_526, %mul3A_737 : i32
            %add3A_739 = arith.constant 4 : i32
            %add3A_740 = arith.addi %mul3A_738, %add3A_739 : i32
            %add3A_741 = arith.constant 0 : i32
            %add3A_742 = arith.addi %add3A_740, %add3A_741 : i32
            %broadcast_in_dim3A_743 = vector.broadcast %add3A_742 : i32 to vector<16xi32>
            %mul3A_744 = arith.constant 16 : i32
            %mul3A_745 = arith.muli %scan3A_526, %mul3A_744 : i32
            %add3A_746 = arith.constant 4 : i32
            %add3A_747 = arith.addi %mul3A_745, %add3A_746 : i32
            %add3A_748 = arith.constant 1 : i32
            %add3A_749 = arith.addi %add3A_747, %add3A_748 : i32
            %broadcast_in_dim3A_750 = vector.broadcast %add3A_749 : i32 to vector<16xi32>
            %mul3A_751 = arith.constant 16 : i32
            %mul3A_752 = arith.muli %scan3A_526, %mul3A_751 : i32
            %add3A_753 = arith.constant 4 : i32
            %add3A_754 = arith.addi %mul3A_752, %add3A_753 : i32
            %add3A_755 = arith.constant 2 : i32
            %add3A_756 = arith.addi %add3A_754, %add3A_755 : i32
            %broadcast_in_dim3A_757 = vector.broadcast %add3A_756 : i32 to vector<16xi32>
            %mul3A_758 = arith.constant 16 : i32
            %mul3A_759 = arith.muli %scan3A_526, %mul3A_758 : i32
            %add3A_760 = arith.constant 4 : i32
            %add3A_761 = arith.addi %mul3A_759, %add3A_760 : i32
            %add3A_762 = arith.constant 3 : i32
            %add3A_763 = arith.addi %add3A_761, %add3A_762 : i32
            %broadcast_in_dim3A_764 = vector.broadcast %add3A_763 : i32 to vector<16xi32>
            %gather3A_765 = tpu.vector_load_idx %arg15[%broadcast_in_dim3A_743, %iota3A] : memref<256x32xf32, #tpu.memory_space<vmem>>[vector<16xi32>, vector<16xi32>], vector<16xf32>,
            %gather3A_766 = tpu.vector_load_idx %arg16[%broadcast_in_dim3A_743, %iota3A] : memref<256x32xf32, #tpu.memory_space<vmem>>[vector<16xi32>, vector<16xi32>], vector<16xf32>,
            %add3A_767 = arith.addf %gather3A_765, %gather3A_766 : vector<16xf32>
            %gather3A_768 = tpu.vector_load_idx %arg15[%broadcast_in_dim3A_750, %iota3A] : memref<256x32xf32, #tpu.memory_space<vmem>>[vector<16xi32>, vector<16xi32>], vector<16xf32>,
            %gather3A_769 = tpu.vector_load_idx %arg16[%broadcast_in_dim3A_750, %iota3A] : memref<256x32xf32, #tpu.memory_space<vmem>>[vector<16xi32>, vector<16xi32>], vector<16xf32>,
            %add3A_770 = arith.addf %gather3A_768, %gather3A_769 : vector<16xf32>
            %gather3A_771 = tpu.vector_load_idx %arg15[%broadcast_in_dim3A_757, %iota3A] : memref<256x32xf32, #tpu.memory_space<vmem>>[vector<16xi32>, vector<16xi32>], vector<16xf32>,
            %gather3A_772 = tpu.vector_load_idx %arg16[%broadcast_in_dim3A_757, %iota3A] : memref<256x32xf32, #tpu.memory_space<vmem>>[vector<16xi32>, vector<16xi32>], vector<16xf32>,
            %add3A_773 = arith.addf %gather3A_771, %gather3A_772 : vector<16xf32>
            %gather3A_774 = tpu.vector_load_idx %arg15[%broadcast_in_dim3A_764, %iota3A] : memref<256x32xf32, #tpu.memory_space<vmem>>[vector<16xi32>, vector<16xi32>], vector<16xf32>,
            %gather3A_775 = tpu.vector_load_idx %arg16[%broadcast_in_dim3A_764, %iota3A] : memref<256x32xf32, #tpu.memory_space<vmem>>[vector<16xi32>, vector<16xi32>], vector<16xf32>,
            %add3A_776 = arith.addf %gather3A_774, %gather3A_775 : vector<16xf32>
            %gather3A_777 = tpu.vector_load_idx %arg15[%broadcast_in_dim3A_743, %add3A_35] : memref<256x32xf32, #tpu.memory_space<vmem>>[vector<16xi32>, vector<16xi32>], vector<16xf32>,
            %gather3A_778 = tpu.vector_load_idx %arg16[%broadcast_in_dim3A_743, %add3A_35] : memref<256x32xf32, #tpu.memory_space<vmem>>[vector<16xi32>, vector<16xi32>], vector<16xf32>,
            %add3A_779 = arith.addf %gather3A_777, %gather3A_778 : vector<16xf32>
            %gather3A_780 = tpu.vector_load_idx %arg15[%broadcast_in_dim3A_750, %add3A_35] : memref<256x32xf32, #tpu.memory_space<vmem>>[vector<16xi32>, vector<16xi32>], vector<16xf32>,
            %gather3A_781 = tpu.vector_load_idx %arg16[%broadcast_in_dim3A_750, %add3A_35] : memref<256x32xf32, #tpu.memory_space<vmem>>[vector<16xi32>, vector<16xi32>], vector<16xf32>,
            %add3A_782 = arith.addf %gather3A_780, %gather3A_781 : vector<16xf32>
            %gather3A_783 = tpu.vector_load_idx %arg15[%broadcast_in_dim3A_757, %add3A_35] : memref<256x32xf32, #tpu.memory_space<vmem>>[vector<16xi32>, vector<16xi32>], vector<16xf32>,
            %gather3A_784 = tpu.vector_load_idx %arg16[%broadcast_in_dim3A_757, %add3A_35] : memref<256x32xf32, #tpu.memory_space<vmem>>[vector<16xi32>, vector<16xi32>], vector<16xf32>,
            %add3A_785 = arith.addf %gather3A_783, %gather3A_784 : vector<16xf32>
            %gather3A_786 = tpu.vector_load_idx %arg15[%broadcast_in_dim3A_764, %add3A_35] : memref<256x32xf32, #tpu.memory_space<vmem>>[vector<16xi32>, vector<16xi32>], vector<16xf32>,
            %gather3A_787 = tpu.vector_load_idx %arg16[%broadcast_in_dim3A_764, %add3A_35] : memref<256x32xf32, #tpu.memory_space<vmem>>[vector<16xi32>, vector<16xi32>], vector<16xf32>,
            %add3A_788 = arith.addf %gather3A_786, %gather3A_787 : vector<16xf32>
            %eq3A_789 = arith.cmpi eq, %gather3A_700, %gather3A_712 : vector<16xi32>
            %max3A_790 = arith.maximumf %add3A_770, %add3A_767 : vector<16xf32>
            %select_n3A_791 = arith.select %eq3A_789, %max3A_790, %add3A_770 : vector<16xi1>, vector<16xf32>
            %max3A_792 = arith.maximumf %add3A_782, %add3A_779 : vector<16xf32>
            %select_n3A_793 = arith.select %eq3A_789, %max3A_792, %add3A_782 : vector<16xi1>, vector<16xf32>
            %eq3A_794 = arith.cmpi eq, %gather3A_700, %gather3A_724 : vector<16xi32>
            %max3A_795 = arith.maximumf %add3A_773, %add3A_767 : vector<16xf32>
            %select_n3A_796 = arith.select %eq3A_794, %max3A_795, %add3A_773 : vector<16xi1>, vector<16xf32>
            %max3A_797 = arith.maximumf %add3A_785, %add3A_779 : vector<16xf32>
            %select_n3A_798 = arith.select %eq3A_794, %max3A_797, %add3A_785 : vector<16xi1>, vector<16xf32>
            %or3A_799 = arith.ori %eq3A_789, %eq3A_794 : vector<16xi1>
            %eq3A_800 = arith.cmpi eq, %gather3A_700, %gather3A_736 : vector<16xi32>
            %max3A_801 = arith.maximumf %add3A_776, %add3A_767 : vector<16xf32>
            %select_n3A_802 = arith.select %eq3A_800, %max3A_801, %add3A_776 : vector<16xi1>, vector<16xf32>
            %max3A_803 = arith.maximumf %add3A_788, %add3A_779 : vector<16xf32>
            %select_n3A_804 = arith.select %eq3A_800, %max3A_803, %add3A_788 : vector<16xi1>, vector<16xf32>
            %or3A_805 = arith.ori %or3A_799, %eq3A_800 : vector<16xi1>
            %not3A_806 = arith.constant dense<true> : vector<16xi1>
            %not3A_807 = arith.xori %or3A_805, %not3A_806 : vector<16xi1>
            %eq3A_808 = arith.cmpi eq, %gather3A_712, %gather3A_724 : vector<16xi32>
            %max3A_809 = arith.maximumf %select_n3A_796, %select_n3A_791 : vector<16xf32>
            %select_n3A_810 = arith.select %eq3A_808, %max3A_809, %select_n3A_796 : vector<16xi1>, vector<16xf32>
            %max3A_811 = arith.maximumf %select_n3A_798, %select_n3A_793 : vector<16xf32>
            %select_n3A_812 = arith.select %eq3A_808, %max3A_811, %select_n3A_798 : vector<16xi1>, vector<16xf32>
            %eq3A_813 = arith.cmpi eq, %gather3A_712, %gather3A_736 : vector<16xi32>
            %max3A_814 = arith.maximumf %select_n3A_802, %select_n3A_791 : vector<16xf32>
            %select_n3A_815 = arith.select %eq3A_813, %max3A_814, %select_n3A_802 : vector<16xi1>, vector<16xf32>
            %max3A_816 = arith.maximumf %select_n3A_804, %select_n3A_793 : vector<16xf32>
            %select_n3A_817 = arith.select %eq3A_813, %max3A_816, %select_n3A_804 : vector<16xi1>, vector<16xf32>
            %or3A_818 = arith.ori %eq3A_808, %eq3A_813 : vector<16xi1>
            %not3A_819 = arith.constant dense<true> : vector<16xi1>
            %not3A_820 = arith.xori %or3A_818, %not3A_819 : vector<16xi1>
            %eq3A_821 = arith.cmpi eq, %gather3A_724, %gather3A_736 : vector<16xi32>
            %max3A_822 = arith.maximumf %select_n3A_815, %select_n3A_810 : vector<16xf32>
            %select_n3A_823 = arith.select %eq3A_821, %max3A_822, %select_n3A_815 : vector<16xi1>, vector<16xf32>
            %max3A_824 = arith.maximumf %select_n3A_817, %select_n3A_812 : vector<16xf32>
            %select_n3A_825 = arith.select %eq3A_821, %max3A_824, %select_n3A_817 : vector<16xi1>, vector<16xf32>
            %not3A_826 = arith.constant dense<true> : vector<16xi1>
            %not3A_827 = arith.xori %eq3A_821, %not3A_826 : vector<16xi1>
            %add3A_828 = arith.addi %gather3A_700, %iota3A : vector<16xi32>
            %add3A_829 = arith.addi %gather3A_712, %iota3A : vector<16xi32>
            %add3A_830 = arith.addi %gather3A_724, %iota3A : vector<16xi32>
            %add3A_831 = arith.addi %gather3A_736, %iota3A : vector<16xi32>
            %gather3A_832 = tpu.vector_load_idx %arg7[%add3A_828] : memref<20128xf32, #tpu.memory_space<vmem>>[vector<16xi32>], vector<16xf32>,
            %max3A_833 = arith.maximumf %gather3A_832, %add3A_767 : vector<16xf32>
            %gather3A_834 = tpu.vector_load_idx %arg7[%add3A_829] : memref<20128xf32, #tpu.memory_space<vmem>>[vector<16xi32>], vector<16xf32>,
            %max3A_835 = arith.maximumf %gather3A_834, %select_n3A_791 : vector<16xf32>
            %gather3A_836 = tpu.vector_load_idx %arg7[%add3A_830] : memref<20128xf32, #tpu.memory_space<vmem>>[vector<16xi32>], vector<16xf32>,
            %max3A_837 = arith.maximumf %gather3A_836, %select_n3A_810 : vector<16xf32>
            %gather3A_838 = tpu.vector_load_idx %arg7[%add3A_831] : memref<20128xf32, #tpu.memory_space<vmem>>[vector<16xi32>], vector<16xf32>,
            %max3A_839 = arith.maximumf %gather3A_838, %select_n3A_823 : vector<16xf32>
            %gather3A_840 = tpu.vector_load_idx %arg8[%add3A_828] : memref<20128xf32, #tpu.memory_space<vmem>>[vector<16xi32>], vector<16xf32>,
            %max3A_841 = arith.maximumf %gather3A_840, %add3A_779 : vector<16xf32>
            %gather3A_842 = tpu.vector_load_idx %arg8[%add3A_829] : memref<20128xf32, #tpu.memory_space<vmem>>[vector<16xi32>], vector<16xf32>,
            %max3A_843 = arith.maximumf %gather3A_842, %select_n3A_793 : vector<16xf32>
            %gather3A_844 = tpu.vector_load_idx %arg8[%add3A_830] : memref<20128xf32, #tpu.memory_space<vmem>>[vector<16xi32>], vector<16xf32>,
            %max3A_845 = arith.maximumf %gather3A_844, %select_n3A_812 : vector<16xf32>
            %gather3A_846 = tpu.vector_load_idx %arg8[%add3A_831] : memref<20128xf32, #tpu.memory_space<vmem>>[vector<16xi32>], vector<16xf32>,
            %max3A_847 = arith.maximumf %gather3A_846, %select_n3A_825 : vector<16xf32>
            tpu.vector_store_idx %arg7[%add3A_828], %max3A_833 masked %not3A_807 : memref<20128xf32, #tpu.memory_space<vmem>>[vector<16xi32>], vector<16xf32>, vector<16xi1>
            tpu.vector_store_idx %arg8[%add3A_828], %max3A_841 masked %not3A_807 : memref<20128xf32, #tpu.memory_space<vmem>>[vector<16xi32>], vector<16xf32>, vector<16xi1>
            tpu.vector_store_idx %arg7[%add3A_829], %max3A_835 masked %not3A_820 : memref<20128xf32, #tpu.memory_space<vmem>>[vector<16xi32>], vector<16xf32>, vector<16xi1>
            tpu.vector_store_idx %arg8[%add3A_829], %max3A_843 masked %not3A_820 : memref<20128xf32, #tpu.memory_space<vmem>>[vector<16xi32>], vector<16xf32>, vector<16xi1>
            tpu.vector_store_idx %arg7[%add3A_830], %max3A_837 masked %not3A_827 : memref<20128xf32, #tpu.memory_space<vmem>>[vector<16xi32>], vector<16xf32>, vector<16xi1>
            tpu.vector_store_idx %arg8[%add3A_830], %max3A_845 masked %not3A_827 : memref<20128xf32, #tpu.memory_space<vmem>>[vector<16xi32>], vector<16xf32>, vector<16xi1>
            tpu.vector_store_idx %arg7[%add3A_831], %max3A_839 : memref<20128xf32, #tpu.memory_space<vmem>>[vector<16xi32>], vector<16xf32>,
            tpu.vector_store_idx %arg8[%add3A_831], %max3A_847 : memref<20128xf32, #tpu.memory_space<vmem>>[vector<16xi32>], vector<16xf32>,
            %broadcast_in_dim3A_848 = arith.constant 8 : i32
            %broadcast_in_dim3A_849 = vector.broadcast %broadcast_in_dim3A_848 : i32 to vector<16xi32>
            %lt3A_850 = arith.constant 0 : i32
            %lt3A_851 = vector.broadcast %lt3A_850 : i32 to vector<16xi32>
            %lt3A_852 = arith.cmpi slt, %broadcast_in_dim3A_849, %lt3A_851 : vector<16xi32>
            %add3A_853 = arith.constant 16 : i32
            %add3A_854 = vector.broadcast %add3A_853 : i32 to vector<16xi32>
            %add3A_855 = arith.addi %broadcast_in_dim3A_849, %add3A_854 : vector<16xi32>
            %select_n3A_856 = arith.select %lt3A_852, %add3A_855, %broadcast_in_dim3A_849 : vector<16xi1>, vector<16xi32>
            %broadcast_in_dim3A_857 = vector.shape_cast %select_n3A_856 : vector<16xi32> to vector<16x1xi32>
            %gather3A_858 = vector.shape_cast %broadcast_in_dim3A_857 : vector<16x1xi32> to vector<16xi32>
            %gather3A_859 = tpu.dynamic_gather %get3A_533[%gather3A_858] in [0] : vector<16xi32>, vector<16xi32> -> vector<16xi32>
            %broadcast_in_dim3A_860 = arith.constant 9 : i32
            %broadcast_in_dim3A_861 = vector.broadcast %broadcast_in_dim3A_860 : i32 to vector<16xi32>
            %lt3A_862 = arith.constant 0 : i32
            %lt3A_863 = vector.broadcast %lt3A_862 : i32 to vector<16xi32>
            %lt3A_864 = arith.cmpi slt, %broadcast_in_dim3A_861, %lt3A_863 : vector<16xi32>
            %add3A_865 = arith.constant 16 : i32
            %add3A_866 = vector.broadcast %add3A_865 : i32 to vector<16xi32>
            %add3A_867 = arith.addi %broadcast_in_dim3A_861, %add3A_866 : vector<16xi32>
            %select_n3A_868 = arith.select %lt3A_864, %add3A_867, %broadcast_in_dim3A_861 : vector<16xi1>, vector<16xi32>
            %broadcast_in_dim3A_869 = vector.shape_cast %select_n3A_868 : vector<16xi32> to vector<16x1xi32>
            %gather3A_870 = vector.shape_cast %broadcast_in_dim3A_869 : vector<16x1xi32> to vector<16xi32>
            %gather3A_871 = tpu.dynamic_gather %get3A_533[%gather3A_870] in [0] : vector<16xi32>, vector<16xi32> -> vector<16xi32>
            %broadcast_in_dim3A_872 = arith.constant 10 : i32
            %broadcast_in_dim3A_873 = vector.broadcast %broadcast_in_dim3A_872 : i32 to vector<16xi32>
            %lt3A_874 = arith.constant 0 : i32
            %lt3A_875 = vector.broadcast %lt3A_874 : i32 to vector<16xi32>
            %lt3A_876 = arith.cmpi slt, %broadcast_in_dim3A_873, %lt3A_875 : vector<16xi32>
            %add3A_877 = arith.constant 16 : i32
            %add3A_878 = vector.broadcast %add3A_877 : i32 to vector<16xi32>
            %add3A_879 = arith.addi %broadcast_in_dim3A_873, %add3A_878 : vector<16xi32>
            %select_n3A_880 = arith.select %lt3A_876, %add3A_879, %broadcast_in_dim3A_873 : vector<16xi1>, vector<16xi32>
            %broadcast_in_dim3A_881 = vector.shape_cast %select_n3A_880 : vector<16xi32> to vector<16x1xi32>
            %gather3A_882 = vector.shape_cast %broadcast_in_dim3A_881 : vector<16x1xi32> to vector<16xi32>
            %gather3A_883 = tpu.dynamic_gather %get3A_533[%gather3A_882] in [0] : vector<16xi32>, vector<16xi32> -> vector<16xi32>
            %broadcast_in_dim3A_884 = arith.constant 11 : i32
            %broadcast_in_dim3A_885 = vector.broadcast %broadcast_in_dim3A_884 : i32 to vector<16xi32>
            %lt3A_886 = arith.constant 0 : i32
            %lt3A_887 = vector.broadcast %lt3A_886 : i32 to vector<16xi32>
            %lt3A_888 = arith.cmpi slt, %broadcast_in_dim3A_885, %lt3A_887 : vector<16xi32>
            %add3A_889 = arith.constant 16 : i32
            %add3A_890 = vector.broadcast %add3A_889 : i32 to vector<16xi32>
            %add3A_891 = arith.addi %broadcast_in_dim3A_885, %add3A_890 : vector<16xi32>
            %select_n3A_892 = arith.select %lt3A_888, %add3A_891, %broadcast_in_dim3A_885 : vector<16xi1>, vector<16xi32>
            %broadcast_in_dim3A_893 = vector.shape_cast %select_n3A_892 : vector<16xi32> to vector<16x1xi32>
            %gather3A_894 = vector.shape_cast %broadcast_in_dim3A_893 : vector<16x1xi32> to vector<16xi32>
            %gather3A_895 = tpu.dynamic_gather %get3A_533[%gather3A_894] in [0] : vector<16xi32>, vector<16xi32> -> vector<16xi32>
            %mul3A_896 = arith.constant 16 : i32
            %mul3A_897 = arith.muli %scan3A_526, %mul3A_896 : i32
            %add3A_898 = arith.constant 8 : i32
            %add3A_899 = arith.addi %mul3A_897, %add3A_898 : i32
            %add3A_900 = arith.constant 0 : i32
            %add3A_901 = arith.addi %add3A_899, %add3A_900 : i32
            %broadcast_in_dim3A_902 = vector.broadcast %add3A_901 : i32 to vector<16xi32>
            %mul3A_903 = arith.constant 16 : i32
            %mul3A_904 = arith.muli %scan3A_526, %mul3A_903 : i32
            %add3A_905 = arith.constant 8 : i32
            %add3A_906 = arith.addi %mul3A_904, %add3A_905 : i32
            %add3A_907 = arith.constant 1 : i32
            %add3A_908 = arith.addi %add3A_906, %add3A_907 : i32
            %broadcast_in_dim3A_909 = vector.broadcast %add3A_908 : i32 to vector<16xi32>
            %mul3A_910 = arith.constant 16 : i32
            %mul3A_911 = arith.muli %scan3A_526, %mul3A_910 : i32
            %add3A_912 = arith.constant 8 : i32
            %add3A_913 = arith.addi %mul3A_911, %add3A_912 : i32
            %add3A_914 = arith.constant 2 : i32
            %add3A_915 = arith.addi %add3A_913, %add3A_914 : i32
            %broadcast_in_dim3A_916 = vector.broadcast %add3A_915 : i32 to vector<16xi32>
            %mul3A_917 = arith.constant 16 : i32
            %mul3A_918 = arith.muli %scan3A_526, %mul3A_917 : i32
            %add3A_919 = arith.constant 8 : i32
            %add3A_920 = arith.addi %mul3A_918, %add3A_919 : i32
            %add3A_921 = arith.constant 3 : i32
            %add3A_922 = arith.addi %add3A_920, %add3A_921 : i32
            %broadcast_in_dim3A_923 = vector.broadcast %add3A_922 : i32 to vector<16xi32>
            %gather3A_924 = tpu.vector_load_idx %arg15[%broadcast_in_dim3A_902, %iota3A] : memref<256x32xf32, #tpu.memory_space<vmem>>[vector<16xi32>, vector<16xi32>], vector<16xf32>,
            %gather3A_925 = tpu.vector_load_idx %arg16[%broadcast_in_dim3A_902, %iota3A] : memref<256x32xf32, #tpu.memory_space<vmem>>[vector<16xi32>, vector<16xi32>], vector<16xf32>,
            %add3A_926 = arith.addf %gather3A_924, %gather3A_925 : vector<16xf32>
            %gather3A_927 = tpu.vector_load_idx %arg15[%broadcast_in_dim3A_909, %iota3A] : memref<256x32xf32, #tpu.memory_space<vmem>>[vector<16xi32>, vector<16xi32>], vector<16xf32>,
            %gather3A_928 = tpu.vector_load_idx %arg16[%broadcast_in_dim3A_909, %iota3A] : memref<256x32xf32, #tpu.memory_space<vmem>>[vector<16xi32>, vector<16xi32>], vector<16xf32>,
            %add3A_929 = arith.addf %gather3A_927, %gather3A_928 : vector<16xf32>
            %gather3A_930 = tpu.vector_load_idx %arg15[%broadcast_in_dim3A_916, %iota3A] : memref<256x32xf32, #tpu.memory_space<vmem>>[vector<16xi32>, vector<16xi32>], vector<16xf32>,
            %gather3A_931 = tpu.vector_load_idx %arg16[%broadcast_in_dim3A_916, %iota3A] : memref<256x32xf32, #tpu.memory_space<vmem>>[vector<16xi32>, vector<16xi32>], vector<16xf32>,
            %add3A_932 = arith.addf %gather3A_930, %gather3A_931 : vector<16xf32>
            %gather3A_933 = tpu.vector_load_idx %arg15[%broadcast_in_dim3A_923, %iota3A] : memref<256x32xf32, #tpu.memory_space<vmem>>[vector<16xi32>, vector<16xi32>], vector<16xf32>,
            %gather3A_934 = tpu.vector_load_idx %arg16[%broadcast_in_dim3A_923, %iota3A] : memref<256x32xf32, #tpu.memory_space<vmem>>[vector<16xi32>, vector<16xi32>], vector<16xf32>,
            %add3A_935 = arith.addf %gather3A_933, %gather3A_934 : vector<16xf32>
            %gather3A_936 = tpu.vector_load_idx %arg15[%broadcast_in_dim3A_902, %add3A_35] : memref<256x32xf32, #tpu.memory_space<vmem>>[vector<16xi32>, vector<16xi32>], vector<16xf32>,
            %gather3A_937 = tpu.vector_load_idx %arg16[%broadcast_in_dim3A_902, %add3A_35] : memref<256x32xf32, #tpu.memory_space<vmem>>[vector<16xi32>, vector<16xi32>], vector<16xf32>,
            %add3A_938 = arith.addf %gather3A_936, %gather3A_937 : vector<16xf32>
            %gather3A_939 = tpu.vector_load_idx %arg15[%broadcast_in_dim3A_909, %add3A_35] : memref<256x32xf32, #tpu.memory_space<vmem>>[vector<16xi32>, vector<16xi32>], vector<16xf32>,
            %gather3A_940 = tpu.vector_load_idx %arg16[%broadcast_in_dim3A_909, %add3A_35] : memref<256x32xf32, #tpu.memory_space<vmem>>[vector<16xi32>, vector<16xi32>], vector<16xf32>,
            %add3A_941 = arith.addf %gather3A_939, %gather3A_940 : vector<16xf32>
            %gather3A_942 = tpu.vector_load_idx %arg15[%broadcast_in_dim3A_916, %add3A_35] : memref<256x32xf32, #tpu.memory_space<vmem>>[vector<16xi32>, vector<16xi32>], vector<16xf32>,
            %gather3A_943 = tpu.vector_load_idx %arg16[%broadcast_in_dim3A_916, %add3A_35] : memref<256x32xf32, #tpu.memory_space<vmem>>[vector<16xi32>, vector<16xi32>], vector<16xf32>,
            %add3A_944 = arith.addf %gather3A_942, %gather3A_943 : vector<16xf32>
            %gather3A_945 = tpu.vector_load_idx %arg15[%broadcast_in_dim3A_923, %add3A_35] : memref<256x32xf32, #tpu.memory_space<vmem>>[vector<16xi32>, vector<16xi32>], vector<16xf32>,
            %gather3A_946 = tpu.vector_load_idx %arg16[%broadcast_in_dim3A_923, %add3A_35] : memref<256x32xf32, #tpu.memory_space<vmem>>[vector<16xi32>, vector<16xi32>], vector<16xf32>,
            %add3A_947 = arith.addf %gather3A_945, %gather3A_946 : vector<16xf32>
            %eq3A_948 = arith.cmpi eq, %gather3A_859, %gather3A_871 : vector<16xi32>
            %max3A_949 = arith.maximumf %add3A_929, %add3A_926 : vector<16xf32>
            %select_n3A_950 = arith.select %eq3A_948, %max3A_949, %add3A_929 : vector<16xi1>, vector<16xf32>
            %max3A_951 = arith.maximumf %add3A_941, %add3A_938 : vector<16xf32>
            %select_n3A_952 = arith.select %eq3A_948, %max3A_951, %add3A_941 : vector<16xi1>, vector<16xf32>
            %eq3A_953 = arith.cmpi eq, %gather3A_859, %gather3A_883 : vector<16xi32>
            %max3A_954 = arith.maximumf %add3A_932, %add3A_926 : vector<16xf32>
            %select_n3A_955 = arith.select %eq3A_953, %max3A_954, %add3A_932 : vector<16xi1>, vector<16xf32>
            %max3A_956 = arith.maximumf %add3A_944, %add3A_938 : vector<16xf32>
            %select_n3A_957 = arith.select %eq3A_953, %max3A_956, %add3A_944 : vector<16xi1>, vector<16xf32>
            %or3A_958 = arith.ori %eq3A_948, %eq3A_953 : vector<16xi1>
            %eq3A_959 = arith.cmpi eq, %gather3A_859, %gather3A_895 : vector<16xi32>
            %max3A_960 = arith.maximumf %add3A_935, %add3A_926 : vector<16xf32>
            %select_n3A_961 = arith.select %eq3A_959, %max3A_960, %add3A_935 : vector<16xi1>, vector<16xf32>
            %max3A_962 = arith.maximumf %add3A_947, %add3A_938 : vector<16xf32>
            %select_n3A_963 = arith.select %eq3A_959, %max3A_962, %add3A_947 : vector<16xi1>, vector<16xf32>
            %or3A_964 = arith.ori %or3A_958, %eq3A_959 : vector<16xi1>
            %not3A_965 = arith.constant dense<true> : vector<16xi1>
            %not3A_966 = arith.xori %or3A_964, %not3A_965 : vector<16xi1>
            %eq3A_967 = arith.cmpi eq, %gather3A_871, %gather3A_883 : vector<16xi32>
            %max3A_968 = arith.maximumf %select_n3A_955, %select_n3A_950 : vector<16xf32>
            %select_n3A_969 = arith.select %eq3A_967, %max3A_968, %select_n3A_955 : vector<16xi1>, vector<16xf32>
            %max3A_970 = arith.maximumf %select_n3A_957, %select_n3A_952 : vector<16xf32>
            %select_n3A_971 = arith.select %eq3A_967, %max3A_970, %select_n3A_957 : vector<16xi1>, vector<16xf32>
            %eq3A_972 = arith.cmpi eq, %gather3A_871, %gather3A_895 : vector<16xi32>
            %max3A_973 = arith.maximumf %select_n3A_961, %select_n3A_950 : vector<16xf32>
            %select_n3A_974 = arith.select %eq3A_972, %max3A_973, %select_n3A_961 : vector<16xi1>, vector<16xf32>
            %max3A_975 = arith.maximumf %select_n3A_963, %select_n3A_952 : vector<16xf32>
            %select_n3A_976 = arith.select %eq3A_972, %max3A_975, %select_n3A_963 : vector<16xi1>, vector<16xf32>
            %or3A_977 = arith.ori %eq3A_967, %eq3A_972 : vector<16xi1>
            %not3A_978 = arith.constant dense<true> : vector<16xi1>
            %not3A_979 = arith.xori %or3A_977, %not3A_978 : vector<16xi1>
            %eq3A_980 = arith.cmpi eq, %gather3A_883, %gather3A_895 : vector<16xi32>
            %max3A_981 = arith.maximumf %select_n3A_974, %select_n3A_969 : vector<16xf32>
            %select_n3A_982 = arith.select %eq3A_980, %max3A_981, %select_n3A_974 : vector<16xi1>, vector<16xf32>
            %max3A_983 = arith.maximumf %select_n3A_976, %select_n3A_971 : vector<16xf32>
            %select_n3A_984 = arith.select %eq3A_980, %max3A_983, %select_n3A_976 : vector<16xi1>, vector<16xf32>
            %not3A_985 = arith.constant dense<true> : vector<16xi1>
            %not3A_986 = arith.xori %eq3A_980, %not3A_985 : vector<16xi1>
            %add3A_987 = arith.addi %gather3A_859, %iota3A : vector<16xi32>
            %add3A_988 = arith.addi %gather3A_871, %iota3A : vector<16xi32>
            %add3A_989 = arith.addi %gather3A_883, %iota3A : vector<16xi32>
            %add3A_990 = arith.addi %gather3A_895, %iota3A : vector<16xi32>
            %gather3A_991 = tpu.vector_load_idx %arg7[%add3A_987] : memref<20128xf32, #tpu.memory_space<vmem>>[vector<16xi32>], vector<16xf32>,
            %max3A_992 = arith.maximumf %gather3A_991, %add3A_926 : vector<16xf32>
            %gather3A_993 = tpu.vector_load_idx %arg7[%add3A_988] : memref<20128xf32, #tpu.memory_space<vmem>>[vector<16xi32>], vector<16xf32>,
            %max3A_994 = arith.maximumf %gather3A_993, %select_n3A_950 : vector<16xf32>
            %gather3A_995 = tpu.vector_load_idx %arg7[%add3A_989] : memref<20128xf32, #tpu.memory_space<vmem>>[vector<16xi32>], vector<16xf32>,
            %max3A_996 = arith.maximumf %gather3A_995, %select_n3A_969 : vector<16xf32>
            %gather3A_997 = tpu.vector_load_idx %arg7[%add3A_990] : memref<20128xf32, #tpu.memory_space<vmem>>[vector<16xi32>], vector<16xf32>,
            %max3A_998 = arith.maximumf %gather3A_997, %select_n3A_982 : vector<16xf32>
            %gather3A_999 = tpu.vector_load_idx %arg8[%add3A_987] : memref<20128xf32, #tpu.memory_space<vmem>>[vector<16xi32>], vector<16xf32>,
            %max3A_1000 = arith.maximumf %gather3A_999, %add3A_938 : vector<16xf32>
            %gather3A_1001 = tpu.vector_load_idx %arg8[%add3A_988] : memref<20128xf32, #tpu.memory_space<vmem>>[vector<16xi32>], vector<16xf32>,
            %max3A_1002 = arith.maximumf %gather3A_1001, %select_n3A_952 : vector<16xf32>
            %gather3A_1003 = tpu.vector_load_idx %arg8[%add3A_989] : memref<20128xf32, #tpu.memory_space<vmem>>[vector<16xi32>], vector<16xf32>,
            %max3A_1004 = arith.maximumf %gather3A_1003, %select_n3A_971 : vector<16xf32>
            %gather3A_1005 = tpu.vector_load_idx %arg8[%add3A_990] : memref<20128xf32, #tpu.memory_space<vmem>>[vector<16xi32>], vector<16xf32>,
            %max3A_1006 = arith.maximumf %gather3A_1005, %select_n3A_984 : vector<16xf32>
            tpu.vector_store_idx %arg7[%add3A_987], %max3A_992 masked %not3A_966 : memref<20128xf32, #tpu.memory_space<vmem>>[vector<16xi32>], vector<16xf32>, vector<16xi1>
            tpu.vector_store_idx %arg8[%add3A_987], %max3A_1000 masked %not3A_966 : memref<20128xf32, #tpu.memory_space<vmem>>[vector<16xi32>], vector<16xf32>, vector<16xi1>
            tpu.vector_store_idx %arg7[%add3A_988], %max3A_994 masked %not3A_979 : memref<20128xf32, #tpu.memory_space<vmem>>[vector<16xi32>], vector<16xf32>, vector<16xi1>
            tpu.vector_store_idx %arg8[%add3A_988], %max3A_1002 masked %not3A_979 : memref<20128xf32, #tpu.memory_space<vmem>>[vector<16xi32>], vector<16xf32>, vector<16xi1>
            tpu.vector_store_idx %arg7[%add3A_989], %max3A_996 masked %not3A_986 : memref<20128xf32, #tpu.memory_space<vmem>>[vector<16xi32>], vector<16xf32>, vector<16xi1>
            tpu.vector_store_idx %arg8[%add3A_989], %max3A_1004 masked %not3A_986 : memref<20128xf32, #tpu.memory_space<vmem>>[vector<16xi32>], vector<16xf32>, vector<16xi1>
            tpu.vector_store_idx %arg7[%add3A_990], %max3A_998 : memref<20128xf32, #tpu.memory_space<vmem>>[vector<16xi32>], vector<16xf32>,
            tpu.vector_store_idx %arg8[%add3A_990], %max3A_1006 : memref<20128xf32, #tpu.memory_space<vmem>>[vector<16xi32>], vector<16xf32>,
            %broadcast_in_dim3A_1007 = arith.constant 12 : i32
            %broadcast_in_dim3A_1008 = vector.broadcast %broadcast_in_dim3A_1007 : i32 to vector<16xi32>
            %lt3A_1009 = arith.constant 0 : i32
            %lt3A_1010 = vector.broadcast %lt3A_1009 : i32 to vector<16xi32>
            %lt3A_1011 = arith.cmpi slt, %broadcast_in_dim3A_1008, %lt3A_1010 : vector<16xi32>
            %add3A_1012 = arith.constant 16 : i32
            %add3A_1013 = vector.broadcast %add3A_1012 : i32 to vector<16xi32>
            %add3A_1014 = arith.addi %broadcast_in_dim3A_1008, %add3A_1013 : vector<16xi32>
            %select_n3A_1015 = arith.select %lt3A_1011, %add3A_1014, %broadcast_in_dim3A_1008 : vector<16xi1>, vector<16xi32>
            %broadcast_in_dim3A_1016 = vector.shape_cast %select_n3A_1015 : vector<16xi32> to vector<16x1xi32>
            %gather3A_1017 = vector.shape_cast %broadcast_in_dim3A_1016 : vector<16x1xi32> to vector<16xi32>
            %gather3A_1018 = tpu.dynamic_gather %get3A_533[%gather3A_1017] in [0] : vector<16xi32>, vector<16xi32> -> vector<16xi32>
            %broadcast_in_dim3A_1019 = arith.constant 13 : i32
            %broadcast_in_dim3A_1020 = vector.broadcast %broadcast_in_dim3A_1019 : i32 to vector<16xi32>
            %lt3A_1021 = arith.constant 0 : i32
            %lt3A_1022 = vector.broadcast %lt3A_1021 : i32 to vector<16xi32>
            %lt3A_1023 = arith.cmpi slt, %broadcast_in_dim3A_1020, %lt3A_1022 : vector<16xi32>
            %add3A_1024 = arith.constant 16 : i32
            %add3A_1025 = vector.broadcast %add3A_1024 : i32 to vector<16xi32>
            %add3A_1026 = arith.addi %broadcast_in_dim3A_1020, %add3A_1025 : vector<16xi32>
            %select_n3A_1027 = arith.select %lt3A_1023, %add3A_1026, %broadcast_in_dim3A_1020 : vector<16xi1>, vector<16xi32>
            %broadcast_in_dim3A_1028 = vector.shape_cast %select_n3A_1027 : vector<16xi32> to vector<16x1xi32>
            %gather3A_1029 = vector.shape_cast %broadcast_in_dim3A_1028 : vector<16x1xi32> to vector<16xi32>
            %gather3A_1030 = tpu.dynamic_gather %get3A_533[%gather3A_1029] in [0] : vector<16xi32>, vector<16xi32> -> vector<16xi32>
            %broadcast_in_dim3A_1031 = arith.constant 14 : i32
            %broadcast_in_dim3A_1032 = vector.broadcast %broadcast_in_dim3A_1031 : i32 to vector<16xi32>
            %lt3A_1033 = arith.constant 0 : i32
            %lt3A_1034 = vector.broadcast %lt3A_1033 : i32 to vector<16xi32>
            %lt3A_1035 = arith.cmpi slt, %broadcast_in_dim3A_1032, %lt3A_1034 : vector<16xi32>
            %add3A_1036 = arith.constant 16 : i32
            %add3A_1037 = vector.broadcast %add3A_1036 : i32 to vector<16xi32>
            %add3A_1038 = arith.addi %broadcast_in_dim3A_1032, %add3A_1037 : vector<16xi32>
            %select_n3A_1039 = arith.select %lt3A_1035, %add3A_1038, %broadcast_in_dim3A_1032 : vector<16xi1>, vector<16xi32>
            %broadcast_in_dim3A_1040 = vector.shape_cast %select_n3A_1039 : vector<16xi32> to vector<16x1xi32>
            %gather3A_1041 = vector.shape_cast %broadcast_in_dim3A_1040 : vector<16x1xi32> to vector<16xi32>
            %gather3A_1042 = tpu.dynamic_gather %get3A_533[%gather3A_1041] in [0] : vector<16xi32>, vector<16xi32> -> vector<16xi32>
            %broadcast_in_dim3A_1043 = arith.constant 15 : i32
            %broadcast_in_dim3A_1044 = vector.broadcast %broadcast_in_dim3A_1043 : i32 to vector<16xi32>
            %lt3A_1045 = arith.constant 0 : i32
            %lt3A_1046 = vector.broadcast %lt3A_1045 : i32 to vector<16xi32>
            %lt3A_1047 = arith.cmpi slt, %broadcast_in_dim3A_1044, %lt3A_1046 : vector<16xi32>
            %add3A_1048 = arith.constant 16 : i32
            %add3A_1049 = vector.broadcast %add3A_1048 : i32 to vector<16xi32>
            %add3A_1050 = arith.addi %broadcast_in_dim3A_1044, %add3A_1049 : vector<16xi32>
            %select_n3A_1051 = arith.select %lt3A_1047, %add3A_1050, %broadcast_in_dim3A_1044 : vector<16xi1>, vector<16xi32>
            %broadcast_in_dim3A_1052 = vector.shape_cast %select_n3A_1051 : vector<16xi32> to vector<16x1xi32>
            %gather3A_1053 = vector.shape_cast %broadcast_in_dim3A_1052 : vector<16x1xi32> to vector<16xi32>
            %gather3A_1054 = tpu.dynamic_gather %get3A_533[%gather3A_1053] in [0] : vector<16xi32>, vector<16xi32> -> vector<16xi32>
            %mul3A_1055 = arith.constant 16 : i32
            %mul3A_1056 = arith.muli %scan3A_526, %mul3A_1055 : i32
            %add3A_1057 = arith.constant 12 : i32
            %add3A_1058 = arith.addi %mul3A_1056, %add3A_1057 : i32
            %add3A_1059 = arith.constant 0 : i32
            %add3A_1060 = arith.addi %add3A_1058, %add3A_1059 : i32
            %broadcast_in_dim3A_1061 = vector.broadcast %add3A_1060 : i32 to vector<16xi32>
            %mul3A_1062 = arith.constant 16 : i32
            %mul3A_1063 = arith.muli %scan3A_526, %mul3A_1062 : i32
            %add3A_1064 = arith.constant 12 : i32
            %add3A_1065 = arith.addi %mul3A_1063, %add3A_1064 : i32
            %add3A_1066 = arith.constant 1 : i32
            %add3A_1067 = arith.addi %add3A_1065, %add3A_1066 : i32
            %broadcast_in_dim3A_1068 = vector.broadcast %add3A_1067 : i32 to vector<16xi32>
            %mul3A_1069 = arith.constant 16 : i32
            %mul3A_1070 = arith.muli %scan3A_526, %mul3A_1069 : i32
            %add3A_1071 = arith.constant 12 : i32
            %add3A_1072 = arith.addi %mul3A_1070, %add3A_1071 : i32
            %add3A_1073 = arith.constant 2 : i32
            %add3A_1074 = arith.addi %add3A_1072, %add3A_1073 : i32
            %broadcast_in_dim3A_1075 = vector.broadcast %add3A_1074 : i32 to vector<16xi32>
            %mul3A_1076 = arith.constant 16 : i32
            %mul3A_1077 = arith.muli %scan3A_526, %mul3A_1076 : i32
            %add3A_1078 = arith.constant 12 : i32
            %add3A_1079 = arith.addi %mul3A_1077, %add3A_1078 : i32
            %add3A_1080 = arith.constant 3 : i32
            %add3A_1081 = arith.addi %add3A_1079, %add3A_1080 : i32
            %broadcast_in_dim3A_1082 = vector.broadcast %add3A_1081 : i32 to vector<16xi32>
            %gather3A_1083 = tpu.vector_load_idx %arg15[%broadcast_in_dim3A_1061, %iota3A] : memref<256x32xf32, #tpu.memory_space<vmem>>[vector<16xi32>, vector<16xi32>], vector<16xf32>,
            %gather3A_1084 = tpu.vector_load_idx %arg16[%broadcast_in_dim3A_1061, %iota3A] : memref<256x32xf32, #tpu.memory_space<vmem>>[vector<16xi32>, vector<16xi32>], vector<16xf32>,
            %add3A_1085 = arith.addf %gather3A_1083, %gather3A_1084 : vector<16xf32>
            %gather3A_1086 = tpu.vector_load_idx %arg15[%broadcast_in_dim3A_1068, %iota3A] : memref<256x32xf32, #tpu.memory_space<vmem>>[vector<16xi32>, vector<16xi32>], vector<16xf32>,
            %gather3A_1087 = tpu.vector_load_idx %arg16[%broadcast_in_dim3A_1068, %iota3A] : memref<256x32xf32, #tpu.memory_space<vmem>>[vector<16xi32>, vector<16xi32>], vector<16xf32>,
            %add3A_1088 = arith.addf %gather3A_1086, %gather3A_1087 : vector<16xf32>
            %gather3A_1089 = tpu.vector_load_idx %arg15[%broadcast_in_dim3A_1075, %iota3A] : memref<256x32xf32, #tpu.memory_space<vmem>>[vector<16xi32>, vector<16xi32>], vector<16xf32>,
            %gather3A_1090 = tpu.vector_load_idx %arg16[%broadcast_in_dim3A_1075, %iota3A] : memref<256x32xf32, #tpu.memory_space<vmem>>[vector<16xi32>, vector<16xi32>], vector<16xf32>,
            %add3A_1091 = arith.addf %gather3A_1089, %gather3A_1090 : vector<16xf32>
            %gather3A_1092 = tpu.vector_load_idx %arg15[%broadcast_in_dim3A_1082, %iota3A] : memref<256x32xf32, #tpu.memory_space<vmem>>[vector<16xi32>, vector<16xi32>], vector<16xf32>,
            %gather3A_1093 = tpu.vector_load_idx %arg16[%broadcast_in_dim3A_1082, %iota3A] : memref<256x32xf32, #tpu.memory_space<vmem>>[vector<16xi32>, vector<16xi32>], vector<16xf32>,
            %add3A_1094 = arith.addf %gather3A_1092, %gather3A_1093 : vector<16xf32>
            %gather3A_1095 = tpu.vector_load_idx %arg15[%broadcast_in_dim3A_1061, %add3A_35] : memref<256x32xf32, #tpu.memory_space<vmem>>[vector<16xi32>, vector<16xi32>], vector<16xf32>,
            %gather3A_1096 = tpu.vector_load_idx %arg16[%broadcast_in_dim3A_1061, %add3A_35] : memref<256x32xf32, #tpu.memory_space<vmem>>[vector<16xi32>, vector<16xi32>], vector<16xf32>,
            %add3A_1097 = arith.addf %gather3A_1095, %gather3A_1096 : vector<16xf32>
            %gather3A_1098 = tpu.vector_load_idx %arg15[%broadcast_in_dim3A_1068, %add3A_35] : memref<256x32xf32, #tpu.memory_space<vmem>>[vector<16xi32>, vector<16xi32>], vector<16xf32>,
            %gather3A_1099 = tpu.vector_load_idx %arg16[%broadcast_in_dim3A_1068, %add3A_35] : memref<256x32xf32, #tpu.memory_space<vmem>>[vector<16xi32>, vector<16xi32>], vector<16xf32>,
            %add3A_1100 = arith.addf %gather3A_1098, %gather3A_1099 : vector<16xf32>
            %gather3A_1101 = tpu.vector_load_idx %arg15[%broadcast_in_dim3A_1075, %add3A_35] : memref<256x32xf32, #tpu.memory_space<vmem>>[vector<16xi32>, vector<16xi32>], vector<16xf32>,
            %gather3A_1102 = tpu.vector_load_idx %arg16[%broadcast_in_dim3A_1075, %add3A_35] : memref<256x32xf32, #tpu.memory_space<vmem>>[vector<16xi32>, vector<16xi32>], vector<16xf32>,
            %add3A_1103 = arith.addf %gather3A_1101, %gather3A_1102 : vector<16xf32>
            %gather3A_1104 = tpu.vector_load_idx %arg15[%broadcast_in_dim3A_1082, %add3A_35] : memref<256x32xf32, #tpu.memory_space<vmem>>[vector<16xi32>, vector<16xi32>], vector<16xf32>,
            %gather3A_1105 = tpu.vector_load_idx %arg16[%broadcast_in_dim3A_1082, %add3A_35] : memref<256x32xf32, #tpu.memory_space<vmem>>[vector<16xi32>, vector<16xi32>], vector<16xf32>,
            %add3A_1106 = arith.addf %gather3A_1104, %gather3A_1105 : vector<16xf32>
            %eq3A_1107 = arith.cmpi eq, %gather3A_1018, %gather3A_1030 : vector<16xi32>
            %max3A_1108 = arith.maximumf %add3A_1088, %add3A_1085 : vector<16xf32>
            %select_n3A_1109 = arith.select %eq3A_1107, %max3A_1108, %add3A_1088 : vector<16xi1>, vector<16xf32>
            %max3A_1110 = arith.maximumf %add3A_1100, %add3A_1097 : vector<16xf32>
            %select_n3A_1111 = arith.select %eq3A_1107, %max3A_1110, %add3A_1100 : vector<16xi1>, vector<16xf32>
            %eq3A_1112 = arith.cmpi eq, %gather3A_1018, %gather3A_1042 : vector<16xi32>
            %max3A_1113 = arith.maximumf %add3A_1091, %add3A_1085 : vector<16xf32>
            %select_n3A_1114 = arith.select %eq3A_1112, %max3A_1113, %add3A_1091 : vector<16xi1>, vector<16xf32>
            %max3A_1115 = arith.maximumf %add3A_1103, %add3A_1097 : vector<16xf32>
            %select_n3A_1116 = arith.select %eq3A_1112, %max3A_1115, %add3A_1103 : vector<16xi1>, vector<16xf32>
            %or3A_1117 = arith.ori %eq3A_1107, %eq3A_1112 : vector<16xi1>
            %eq3A_1118 = arith.cmpi eq, %gather3A_1018, %gather3A_1054 : vector<16xi32>
            %max3A_1119 = arith.maximumf %add3A_1094, %add3A_1085 : vector<16xf32>
            %select_n3A_1120 = arith.select %eq3A_1118, %max3A_1119, %add3A_1094 : vector<16xi1>, vector<16xf32>
            %max3A_1121 = arith.maximumf %add3A_1106, %add3A_1097 : vector<16xf32>
            %select_n3A_1122 = arith.select %eq3A_1118, %max3A_1121, %add3A_1106 : vector<16xi1>, vector<16xf32>
            %or3A_1123 = arith.ori %or3A_1117, %eq3A_1118 : vector<16xi1>
            %not3A_1124 = arith.constant dense<true> : vector<16xi1>
            %not3A_1125 = arith.xori %or3A_1123, %not3A_1124 : vector<16xi1>
            %eq3A_1126 = arith.cmpi eq, %gather3A_1030, %gather3A_1042 : vector<16xi32>
            %max3A_1127 = arith.maximumf %select_n3A_1114, %select_n3A_1109 : vector<16xf32>
            %select_n3A_1128 = arith.select %eq3A_1126, %max3A_1127, %select_n3A_1114 : vector<16xi1>, vector<16xf32>
            %max3A_1129 = arith.maximumf %select_n3A_1116, %select_n3A_1111 : vector<16xf32>
            %select_n3A_1130 = arith.select %eq3A_1126, %max3A_1129, %select_n3A_1116 : vector<16xi1>, vector<16xf32>
            %eq3A_1131 = arith.cmpi eq, %gather3A_1030, %gather3A_1054 : vector<16xi32>
            %max3A_1132 = arith.maximumf %select_n3A_1120, %select_n3A_1109 : vector<16xf32>
            %select_n3A_1133 = arith.select %eq3A_1131, %max3A_1132, %select_n3A_1120 : vector<16xi1>, vector<16xf32>
            %max3A_1134 = arith.maximumf %select_n3A_1122, %select_n3A_1111 : vector<16xf32>
            %select_n3A_1135 = arith.select %eq3A_1131, %max3A_1134, %select_n3A_1122 : vector<16xi1>, vector<16xf32>
            %or3A_1136 = arith.ori %eq3A_1126, %eq3A_1131 : vector<16xi1>
            %not3A_1137 = arith.constant dense<true> : vector<16xi1>
            %not3A_1138 = arith.xori %or3A_1136, %not3A_1137 : vector<16xi1>
            %eq3A_1139 = arith.cmpi eq, %gather3A_1042, %gather3A_1054 : vector<16xi32>
            %max3A_1140 = arith.maximumf %select_n3A_1133, %select_n3A_1128 : vector<16xf32>
            %select_n3A_1141 = arith.select %eq3A_1139, %max3A_1140, %select_n3A_1133 : vector<16xi1>, vector<16xf32>
            %max3A_1142 = arith.maximumf %select_n3A_1135, %select_n3A_1130 : vector<16xf32>
            %select_n3A_1143 = arith.select %eq3A_1139, %max3A_1142, %select_n3A_1135 : vector<16xi1>, vector<16xf32>
            %not3A_1144 = arith.constant dense<true> : vector<16xi1>
            %not3A_1145 = arith.xori %eq3A_1139, %not3A_1144 : vector<16xi1>
            %add3A_1146 = arith.addi %gather3A_1018, %iota3A : vector<16xi32>
            %add3A_1147 = arith.addi %gather3A_1030, %iota3A : vector<16xi32>
            %add3A_1148 = arith.addi %gather3A_1042, %iota3A : vector<16xi32>
            %add3A_1149 = arith.addi %gather3A_1054, %iota3A : vector<16xi32>
            %gather3A_1150 = tpu.vector_load_idx %arg7[%add3A_1146] : memref<20128xf32, #tpu.memory_space<vmem>>[vector<16xi32>], vector<16xf32>,
            %max3A_1151 = arith.maximumf %gather3A_1150, %add3A_1085 : vector<16xf32>
            %gather3A_1152 = tpu.vector_load_idx %arg7[%add3A_1147] : memref<20128xf32, #tpu.memory_space<vmem>>[vector<16xi32>], vector<16xf32>,
            %max3A_1153 = arith.maximumf %gather3A_1152, %select_n3A_1109 : vector<16xf32>
            %gather3A_1154 = tpu.vector_load_idx %arg7[%add3A_1148] : memref<20128xf32, #tpu.memory_space<vmem>>[vector<16xi32>], vector<16xf32>,
            %max3A_1155 = arith.maximumf %gather3A_1154, %select_n3A_1128 : vector<16xf32>
            %gather3A_1156 = tpu.vector_load_idx %arg7[%add3A_1149] : memref<20128xf32, #tpu.memory_space<vmem>>[vector<16xi32>], vector<16xf32>,
            %max3A_1157 = arith.maximumf %gather3A_1156, %select_n3A_1141 : vector<16xf32>
            %gather3A_1158 = tpu.vector_load_idx %arg8[%add3A_1146] : memref<20128xf32, #tpu.memory_space<vmem>>[vector<16xi32>], vector<16xf32>,
            %max3A_1159 = arith.maximumf %gather3A_1158, %add3A_1097 : vector<16xf32>
            %gather3A_1160 = tpu.vector_load_idx %arg8[%add3A_1147] : memref<20128xf32, #tpu.memory_space<vmem>>[vector<16xi32>], vector<16xf32>,
            %max3A_1161 = arith.maximumf %gather3A_1160, %select_n3A_1111 : vector<16xf32>
            %gather3A_1162 = tpu.vector_load_idx %arg8[%add3A_1148] : memref<20128xf32, #tpu.memory_space<vmem>>[vector<16xi32>], vector<16xf32>,
            %max3A_1163 = arith.maximumf %gather3A_1162, %select_n3A_1130 : vector<16xf32>
            %gather3A_1164 = tpu.vector_load_idx %arg8[%add3A_1149] : memref<20128xf32, #tpu.memory_space<vmem>>[vector<16xi32>], vector<16xf32>,
            %max3A_1165 = arith.maximumf %gather3A_1164, %select_n3A_1143 : vector<16xf32>
            tpu.vector_store_idx %arg7[%add3A_1146], %max3A_1151 masked %not3A_1125 : memref<20128xf32, #tpu.memory_space<vmem>>[vector<16xi32>], vector<16xf32>, vector<16xi1>
            tpu.vector_store_idx %arg8[%add3A_1146], %max3A_1159 masked %not3A_1125 : memref<20128xf32, #tpu.memory_space<vmem>>[vector<16xi32>], vector<16xf32>, vector<16xi1>
            tpu.vector_store_idx %arg7[%add3A_1147], %max3A_1153 masked %not3A_1138 : memref<20128xf32, #tpu.memory_space<vmem>>[vector<16xi32>], vector<16xf32>, vector<16xi1>
            tpu.vector_store_idx %arg8[%add3A_1147], %max3A_1161 masked %not3A_1138 : memref<20128xf32, #tpu.memory_space<vmem>>[vector<16xi32>], vector<16xf32>, vector<16xi1>
            tpu.vector_store_idx %arg7[%add3A_1148], %max3A_1155 masked %not3A_1145 : memref<20128xf32, #tpu.memory_space<vmem>>[vector<16xi32>], vector<16xf32>, vector<16xi1>
            tpu.vector_store_idx %arg8[%add3A_1148], %max3A_1163 masked %not3A_1145 : memref<20128xf32, #tpu.memory_space<vmem>>[vector<16xi32>], vector<16xf32>, vector<16xi1>
            tpu.vector_store_idx %arg7[%add3A_1149], %max3A_1157 : memref<20128xf32, #tpu.memory_space<vmem>>[vector<16xi32>], vector<16xf32>,
            tpu.vector_store_idx %arg8[%add3A_1149], %max3A_1165 : memref<20128xf32, #tpu.memory_space<vmem>>[vector<16xi32>], vector<16xf32>,
            %scan3A_1166 = arith.constant 0 : i32
            scf.yield %scan3A_1166 : i32
          }
          %scan3A_525 = arith.constant 16 : i32
        } else {
        }
        %add3A_474 = arith.constant 1 : i32
        %add3A_475 = arith.addi %mul3A_469, %add3A_474 : i32
        %lt3A_476 = arith.cmpi slt, %add3A_475, %select_n3A_423 : i32
        %convert_element_type3A_477 = arith.extui %lt3A_476 : i1 to i32
        %cond3A_478 = arith.constant 0 : i32
        %cond3A_479 = arith.cmpi ne, %convert_element_type3A_477, %cond3A_478 : i32
        scf.if %cond3A_479 {
          %add3A_481 = arith.constant 2 : i32
          %add3A_482 = arith.addi %mul3A_469, %add3A_481 : i32
          %lt3A_483 = arith.cmpi slt, %add3A_482, %select_n3A_423 : i32
          %convert_element_type3A_484 = arith.extui %lt3A_483 : i1 to i32
          %cond3A_485 = arith.constant 0 : i32
          %cond3A_486 = arith.cmpi ne, %convert_element_type3A_484, %cond3A_485 : i32
          scf.if %cond3A_486 {
            %add3A_528 = arith.constant 2 : i32
            %add3A_529 = arith.addi %mul3A_469, %add3A_528 : i32
            %mul3A_530 = arith.constant 256 : i32
            %mul3A_531 = arith.muli %add3A_529, %mul3A_530 : i32
            %add3A_532 = arith.constant 0 : i32
            %add3A_533 = arith.addi %mul3A_531, %add3A_532 : i32
            %dma_start3A_534 = arith.constant 0 : i32
            %dma_start3A_535 = arith.constant 0 : i32
            %dma_start3A_536 = tpu.memref_slice %arg15[%dma_start3A_534, %dma_start3A_535] : memref<256x32xf32, #tpu.memory_space<vmem>> -> memref<128x32xf32, #tpu.memory_space<vmem>>
            %dma_start3A_537 = tpu.memref_slice %arg13[%add3A_533] : memref<8512xi32, #tpu.memory_space<vmem>> -> memref<128xi32, #tpu.memory_space<vmem>>
            %dma_start3A_538 = arith.constant 0 : i32
            %dma_start3A_539 = arith.constant 0 : i32
            %dma_start3A_540 = tpu.memref_slice %arg5[%dma_start3A_538, %dma_start3A_539] : memref<320000x32xf32, #tpu.memory_space<hbm>> -> memref<320000x32xf32, #tpu.memory_space<hbm>>
            tpu.enqueue_indirect_dma source(%dma_start3A_540 : memref<320000x32xf32, #tpu.memory_space<hbm>>) target(%dma_start3A_536 : memref<128x32xf32, #tpu.memory_space<vmem>>) offsets(%dma_start3A_537 : memref<128xi32, #tpu.memory_space<vmem>>) semaphore(%arg19 : memref<!tpu.dma_semaphore, #tpu.memory_space<semaphore_mem>>)
            %dma_start3A_541 = arith.constant 0 : i32
            %dma_start3A_542 = arith.constant 0 : i32
            %dma_start3A_543 = tpu.memref_slice %arg16[%dma_start3A_541, %dma_start3A_542] : memref<256x32xf32, #tpu.memory_space<vmem>> -> memref<128x32xf32, #tpu.memory_space<vmem>>
            %dma_start3A_544 = tpu.memref_slice %arg14[%add3A_533] : memref<8512xi32, #tpu.memory_space<vmem>> -> memref<128xi32, #tpu.memory_space<vmem>>
            %dma_start3A_545 = arith.constant 0 : i32
            %dma_start3A_546 = arith.constant 0 : i32
            %dma_start3A_547 = tpu.memref_slice %arg5[%dma_start3A_545, %dma_start3A_546] : memref<320000x32xf32, #tpu.memory_space<hbm>> -> memref<320000x32xf32, #tpu.memory_space<hbm>>
            tpu.enqueue_indirect_dma source(%dma_start3A_547 : memref<320000x32xf32, #tpu.memory_space<hbm>>) target(%dma_start3A_543 : memref<128x32xf32, #tpu.memory_space<vmem>>) offsets(%dma_start3A_544 : memref<128xi32, #tpu.memory_space<vmem>>) semaphore(%arg19 : memref<!tpu.dma_semaphore, #tpu.memory_space<semaphore_mem>>)
            %mul3A_548 = arith.constant 256 : i32
            %mul3A_549 = arith.muli %add3A_529, %mul3A_548 : i32
            %add3A_550 = arith.constant 128 : i32
            %add3A_551 = arith.addi %mul3A_549, %add3A_550 : i32
            %dma_start3A_552 = arith.constant 128 : i32
            %dma_start3A_553 = arith.constant 0 : i32
            %dma_start3A_554 = tpu.memref_slice %arg15[%dma_start3A_552, %dma_start3A_553] : memref<256x32xf32, #tpu.memory_space<vmem>> -> memref<128x32xf32, #tpu.memory_space<vmem>>
            %dma_start3A_555 = tpu.memref_slice %arg13[%add3A_551] : memref<8512xi32, #tpu.memory_space<vmem>> -> memref<128xi32, #tpu.memory_space<vmem>>
            %dma_start3A_556 = arith.constant 0 : i32
            %dma_start3A_557 = arith.constant 0 : i32
            %dma_start3A_558 = tpu.memref_slice %arg5[%dma_start3A_556, %dma_start3A_557] : memref<320000x32xf32, #tpu.memory_space<hbm>> -> memref<320000x32xf32, #tpu.memory_space<hbm>>
            tpu.enqueue_indirect_dma source(%dma_start3A_558 : memref<320000x32xf32, #tpu.memory_space<hbm>>) target(%dma_start3A_554 : memref<128x32xf32, #tpu.memory_space<vmem>>) offsets(%dma_start3A_555 : memref<128xi32, #tpu.memory_space<vmem>>) semaphore(%arg19 : memref<!tpu.dma_semaphore, #tpu.memory_space<semaphore_mem>>)
            %dma_start3A_559 = arith.constant 128 : i32
            %dma_start3A_560 = arith.constant 0 : i32
            %dma_start3A_561 = tpu.memref_slice %arg16[%dma_start3A_559, %dma_start3A_560] : memref<256x32xf32, #tpu.memory_space<vmem>> -> memref<128x32xf32, #tpu.memory_space<vmem>>
            %dma_start3A_562 = tpu.memref_slice %arg14[%add3A_551] : memref<8512xi32, #tpu.memory_space<vmem>> -> memref<128xi32, #tpu.memory_space<vmem>>
            %dma_start3A_563 = arith.constant 0 : i32
            %dma_start3A_564 = arith.constant 0 : i32
            %dma_start3A_565 = tpu.memref_slice %arg5[%dma_start3A_563, %dma_start3A_564] : memref<320000x32xf32, #tpu.memory_space<hbm>> -> memref<320000x32xf32, #tpu.memory_space<hbm>>
            tpu.enqueue_indirect_dma source(%dma_start3A_565 : memref<320000x32xf32, #tpu.memory_space<hbm>>) target(%dma_start3A_561 : memref<128x32xf32, #tpu.memory_space<vmem>>) offsets(%dma_start3A_562 : memref<128xi32, #tpu.memory_space<vmem>>) semaphore(%arg19 : memref<!tpu.dma_semaphore, #tpu.memory_space<semaphore_mem>>)
          } else {
          }
          %dma_wait3A_487 = arith.constant 0 : i32
          %dma_wait3A_488 = arith.constant 0 : i32
          %dma_wait3A_489 = tpu.memref_slice %arg17[%dma_wait3A_487, %dma_wait3A_488] : memref<256x32xf32, #tpu.memory_space<vmem>> -> memref<128x32xf32, #tpu.memory_space<vmem>>
          %dma_wait3A_490 = arith.constant 0 : i32
          %dma_wait3A_491 = tpu.memref_slice %arg13[%dma_wait3A_490] : memref<8512xi32, #tpu.memory_space<vmem>> -> memref<128xi32, #tpu.memory_space<vmem>>
          %dma_wait3A_492 = arith.constant 0 : i32
          %dma_wait3A_493 = arith.constant 0 : i32
          %dma_wait3A_494 = tpu.memref_slice %arg5[%dma_wait3A_492, %dma_wait3A_493] : memref<320000x32xf32, #tpu.memory_space<hbm>> -> memref<320000x32xf32, #tpu.memory_space<hbm>>
          tpu.wait_indirect_dma semaphore(%arg20 : memref<!tpu.dma_semaphore, #tpu.memory_space<semaphore_mem>>) src(%dma_wait3A_494 : memref<320000x32xf32, #tpu.memory_space<hbm>>) dst(%dma_wait3A_489 : memref<128x32xf32, #tpu.memory_space<vmem>>)
          %dma_wait3A_495 = arith.constant 0 : i32
          %dma_wait3A_496 = arith.constant 0 : i32
          %dma_wait3A_497 = tpu.memref_slice %arg18[%dma_wait3A_495, %dma_wait3A_496] : memref<256x32xf32, #tpu.memory_space<vmem>> -> memref<128x32xf32, #tpu.memory_space<vmem>>
          %dma_wait3A_498 = arith.constant 0 : i32
          %dma_wait3A_499 = tpu.memref_slice %arg14[%dma_wait3A_498] : memref<8512xi32, #tpu.memory_space<vmem>> -> memref<128xi32, #tpu.memory_space<vmem>>
          %dma_wait3A_500 = arith.constant 0 : i32
          %dma_wait3A_501 = arith.constant 0 : i32
          %dma_wait3A_502 = tpu.memref_slice %arg5[%dma_wait3A_500, %dma_wait3A_501] : memref<320000x32xf32, #tpu.memory_space<hbm>> -> memref<320000x32xf32, #tpu.memory_space<hbm>>
          tpu.wait_indirect_dma semaphore(%arg20 : memref<!tpu.dma_semaphore, #tpu.memory_space<semaphore_mem>>) src(%dma_wait3A_502 : memref<320000x32xf32, #tpu.memory_space<hbm>>) dst(%dma_wait3A_497 : memref<128x32xf32, #tpu.memory_space<vmem>>)
          %dma_wait3A_503 = arith.constant 128 : i32
          %dma_wait3A_504 = arith.constant 0 : i32
          %dma_wait3A_505 = tpu.memref_slice %arg17[%dma_wait3A_503, %dma_wait3A_504] : memref<256x32xf32, #tpu.memory_space<vmem>> -> memref<128x32xf32, #tpu.memory_space<vmem>>
          %dma_wait3A_506 = arith.constant 0 : i32
          %dma_wait3A_507 = tpu.memref_slice %arg13[%dma_wait3A_506] : memref<8512xi32, #tpu.memory_space<vmem>> -> memref<128xi32, #tpu.memory_space<vmem>>
          %dma_wait3A_508 = arith.constant 0 : i32
          %dma_wait3A_509 = arith.constant 0 : i32
          %dma_wait3A_510 = tpu.memref_slice %arg5[%dma_wait3A_508, %dma_wait3A_509] : memref<320000x32xf32, #tpu.memory_space<hbm>> -> memref<320000x32xf32, #tpu.memory_space<hbm>>
          tpu.wait_indirect_dma semaphore(%arg20 : memref<!tpu.dma_semaphore, #tpu.memory_space<semaphore_mem>>) src(%dma_wait3A_510 : memref<320000x32xf32, #tpu.memory_space<hbm>>) dst(%dma_wait3A_505 : memref<128x32xf32, #tpu.memory_space<vmem>>)
          %dma_wait3A_511 = arith.constant 128 : i32
          %dma_wait3A_512 = arith.constant 0 : i32
          %dma_wait3A_513 = tpu.memref_slice %arg18[%dma_wait3A_511, %dma_wait3A_512] : memref<256x32xf32, #tpu.memory_space<vmem>> -> memref<128x32xf32, #tpu.memory_space<vmem>>
          %dma_wait3A_514 = arith.constant 0 : i32
          %dma_wait3A_515 = tpu.memref_slice %arg14[%dma_wait3A_514] : memref<8512xi32, #tpu.memory_space<vmem>> -> memref<128xi32, #tpu.memory_space<vmem>>
          %dma_wait3A_516 = arith.constant 0 : i32
          %dma_wait3A_517 = arith.constant 0 : i32
          %dma_wait3A_518 = tpu.memref_slice %arg5[%dma_wait3A_516, %dma_wait3A_517] : memref<320000x32xf32, #tpu.memory_space<hbm>> -> memref<320000x32xf32, #tpu.memory_space<hbm>>
          tpu.wait_indirect_dma semaphore(%arg20 : memref<!tpu.dma_semaphore, #tpu.memory_space<semaphore_mem>>) src(%dma_wait3A_518 : memref<320000x32xf32, #tpu.memory_space<hbm>>) dst(%dma_wait3A_513 : memref<128x32xf32, #tpu.memory_space<vmem>>)
          %add3A_519 = arith.constant 1 : i32
          %add3A_520 = arith.addi %mul3A_469, %add3A_519 : i32
          %scan3A_521 = arith.constant 0 : i32
          %scan3A_522 = arith.constant 0 : i32
          %scan3A_523 = arith.constant 16 : i32
          %scan3A_524 = arith.addi %scan3A_522, %scan3A_523 : i32
          %scan3A_525 = arith.constant 1 : i32
          %scan3A_526 = scf.for %scan3A_528 = %scan3A_522 to %scan3A_524 step %scan3A_525 iter_args(%scan3A_529 = %scan3A_521) -> (i32)  : i32 {
            %mul3A_530 = arith.constant 256 : i32
            %mul3A_531 = arith.muli %add3A_520, %mul3A_530 : i32
            %mul3A_532 = arith.constant 16 : i32
            %mul3A_533 = arith.muli %scan3A_528, %mul3A_532 : i32
            %add3A_534 = arith.addi %mul3A_531, %mul3A_533 : i32
            %get3A = arith.index_cast %add3A_534 : i32 to index
            %get3A_535 = tpu.vector_load %arg12[%get3A] {strides = array<i32>} : memref<8512xi32, #tpu.memory_space<vmem>>, vector<16xi32>,
            %broadcast_in_dim3A_536 = arith.constant 0 : i32
            %broadcast_in_dim3A_537 = vector.broadcast %broadcast_in_dim3A_536 : i32 to vector<16xi32>
            %lt3A_538 = arith.constant 0 : i32
            %lt3A_539 = vector.broadcast %lt3A_538 : i32 to vector<16xi32>
            %lt3A_540 = arith.cmpi slt, %broadcast_in_dim3A_537, %lt3A_539 : vector<16xi32>
            %add3A_541 = arith.constant 16 : i32
            %add3A_542 = vector.broadcast %add3A_541 : i32 to vector<16xi32>
            %add3A_543 = arith.addi %broadcast_in_dim3A_537, %add3A_542 : vector<16xi32>
            %select_n3A_544 = arith.select %lt3A_540, %add3A_543, %broadcast_in_dim3A_537 : vector<16xi1>, vector<16xi32>
            %broadcast_in_dim3A_545 = vector.shape_cast %select_n3A_544 : vector<16xi32> to vector<16x1xi32>
            %gather3A = vector.shape_cast %broadcast_in_dim3A_545 : vector<16x1xi32> to vector<16xi32>
            %gather3A_546 = tpu.dynamic_gather %get3A_535[%gather3A] in [0] : vector<16xi32>, vector<16xi32> -> vector<16xi32>
            %broadcast_in_dim3A_547 = arith.constant 1 : i32
            %broadcast_in_dim3A_548 = vector.broadcast %broadcast_in_dim3A_547 : i32 to vector<16xi32>
            %lt3A_549 = arith.constant 0 : i32
            %lt3A_550 = vector.broadcast %lt3A_549 : i32 to vector<16xi32>
            %lt3A_551 = arith.cmpi slt, %broadcast_in_dim3A_548, %lt3A_550 : vector<16xi32>
            %add3A_552 = arith.constant 16 : i32
            %add3A_553 = vector.broadcast %add3A_552 : i32 to vector<16xi32>
            %add3A_554 = arith.addi %broadcast_in_dim3A_548, %add3A_553 : vector<16xi32>
            %select_n3A_555 = arith.select %lt3A_551, %add3A_554, %broadcast_in_dim3A_548 : vector<16xi1>, vector<16xi32>
            %broadcast_in_dim3A_556 = vector.shape_cast %select_n3A_555 : vector<16xi32> to vector<16x1xi32>
            %gather3A_557 = vector.shape_cast %broadcast_in_dim3A_556 : vector<16x1xi32> to vector<16xi32>
            %gather3A_558 = tpu.dynamic_gather %get3A_535[%gather3A_557] in [0] : vector<16xi32>, vector<16xi32> -> vector<16xi32>
            %broadcast_in_dim3A_559 = arith.constant 2 : i32
            %broadcast_in_dim3A_560 = vector.broadcast %broadcast_in_dim3A_559 : i32 to vector<16xi32>
            %lt3A_561 = arith.constant 0 : i32
            %lt3A_562 = vector.broadcast %lt3A_561 : i32 to vector<16xi32>
            %lt3A_563 = arith.cmpi slt, %broadcast_in_dim3A_560, %lt3A_562 : vector<16xi32>
            %add3A_564 = arith.constant 16 : i32
            %add3A_565 = vector.broadcast %add3A_564 : i32 to vector<16xi32>
            %add3A_566 = arith.addi %broadcast_in_dim3A_560, %add3A_565 : vector<16xi32>
            %select_n3A_567 = arith.select %lt3A_563, %add3A_566, %broadcast_in_dim3A_560 : vector<16xi1>, vector<16xi32>
            %broadcast_in_dim3A_568 = vector.shape_cast %select_n3A_567 : vector<16xi32> to vector<16x1xi32>
            %gather3A_569 = vector.shape_cast %broadcast_in_dim3A_568 : vector<16x1xi32> to vector<16xi32>
            %gather3A_570 = tpu.dynamic_gather %get3A_535[%gather3A_569] in [0] : vector<16xi32>, vector<16xi32> -> vector<16xi32>
            %broadcast_in_dim3A_571 = arith.constant 3 : i32
            %broadcast_in_dim3A_572 = vector.broadcast %broadcast_in_dim3A_571 : i32 to vector<16xi32>
            %lt3A_573 = arith.constant 0 : i32
            %lt3A_574 = vector.broadcast %lt3A_573 : i32 to vector<16xi32>
            %lt3A_575 = arith.cmpi slt, %broadcast_in_dim3A_572, %lt3A_574 : vector<16xi32>
            %add3A_576 = arith.constant 16 : i32
            %add3A_577 = vector.broadcast %add3A_576 : i32 to vector<16xi32>
            %add3A_578 = arith.addi %broadcast_in_dim3A_572, %add3A_577 : vector<16xi32>
            %select_n3A_579 = arith.select %lt3A_575, %add3A_578, %broadcast_in_dim3A_572 : vector<16xi1>, vector<16xi32>
            %broadcast_in_dim3A_580 = vector.shape_cast %select_n3A_579 : vector<16xi32> to vector<16x1xi32>
            %gather3A_581 = vector.shape_cast %broadcast_in_dim3A_580 : vector<16x1xi32> to vector<16xi32>
            %gather3A_582 = tpu.dynamic_gather %get3A_535[%gather3A_581] in [0] : vector<16xi32>, vector<16xi32> -> vector<16xi32>
            %mul3A_583 = arith.constant 16 : i32
            %mul3A_584 = arith.muli %scan3A_528, %mul3A_583 : i32
            %add3A_585 = arith.constant 0 : i32
            %add3A_586 = arith.addi %mul3A_584, %add3A_585 : i32
            %add3A_587 = arith.constant 0 : i32
            %add3A_588 = arith.addi %add3A_586, %add3A_587 : i32
            %broadcast_in_dim3A_589 = vector.broadcast %add3A_588 : i32 to vector<16xi32>
            %mul3A_590 = arith.constant 16 : i32
            %mul3A_591 = arith.muli %scan3A_528, %mul3A_590 : i32
            %add3A_592 = arith.constant 0 : i32
            %add3A_593 = arith.addi %mul3A_591, %add3A_592 : i32
            %add3A_594 = arith.constant 1 : i32
            %add3A_595 = arith.addi %add3A_593, %add3A_594 : i32
            %broadcast_in_dim3A_596 = vector.broadcast %add3A_595 : i32 to vector<16xi32>
            %mul3A_597 = arith.constant 16 : i32
            %mul3A_598 = arith.muli %scan3A_528, %mul3A_597 : i32
            %add3A_599 = arith.constant 0 : i32
            %add3A_600 = arith.addi %mul3A_598, %add3A_599 : i32
            %add3A_601 = arith.constant 2 : i32
            %add3A_602 = arith.addi %add3A_600, %add3A_601 : i32
            %broadcast_in_dim3A_603 = vector.broadcast %add3A_602 : i32 to vector<16xi32>
            %mul3A_604 = arith.constant 16 : i32
            %mul3A_605 = arith.muli %scan3A_528, %mul3A_604 : i32
            %add3A_606 = arith.constant 0 : i32
            %add3A_607 = arith.addi %mul3A_605, %add3A_606 : i32
            %add3A_608 = arith.constant 3 : i32
            %add3A_609 = arith.addi %add3A_607, %add3A_608 : i32
            %broadcast_in_dim3A_610 = vector.broadcast %add3A_609 : i32 to vector<16xi32>
            %gather3A_611 = tpu.vector_load_idx %arg17[%broadcast_in_dim3A_589, %iota3A] : memref<256x32xf32, #tpu.memory_space<vmem>>[vector<16xi32>, vector<16xi32>], vector<16xf32>,
            %gather3A_612 = tpu.vector_load_idx %arg18[%broadcast_in_dim3A_589, %iota3A] : memref<256x32xf32, #tpu.memory_space<vmem>>[vector<16xi32>, vector<16xi32>], vector<16xf32>,
            %add3A_613 = arith.addf %gather3A_611, %gather3A_612 : vector<16xf32>
            %gather3A_614 = tpu.vector_load_idx %arg17[%broadcast_in_dim3A_596, %iota3A] : memref<256x32xf32, #tpu.memory_space<vmem>>[vector<16xi32>, vector<16xi32>], vector<16xf32>,
            %gather3A_615 = tpu.vector_load_idx %arg18[%broadcast_in_dim3A_596, %iota3A] : memref<256x32xf32, #tpu.memory_space<vmem>>[vector<16xi32>, vector<16xi32>], vector<16xf32>,
            %add3A_616 = arith.addf %gather3A_614, %gather3A_615 : vector<16xf32>
            %gather3A_617 = tpu.vector_load_idx %arg17[%broadcast_in_dim3A_603, %iota3A] : memref<256x32xf32, #tpu.memory_space<vmem>>[vector<16xi32>, vector<16xi32>], vector<16xf32>,
            %gather3A_618 = tpu.vector_load_idx %arg18[%broadcast_in_dim3A_603, %iota3A] : memref<256x32xf32, #tpu.memory_space<vmem>>[vector<16xi32>, vector<16xi32>], vector<16xf32>,
            %add3A_619 = arith.addf %gather3A_617, %gather3A_618 : vector<16xf32>
            %gather3A_620 = tpu.vector_load_idx %arg17[%broadcast_in_dim3A_610, %iota3A] : memref<256x32xf32, #tpu.memory_space<vmem>>[vector<16xi32>, vector<16xi32>], vector<16xf32>,
            %gather3A_621 = tpu.vector_load_idx %arg18[%broadcast_in_dim3A_610, %iota3A] : memref<256x32xf32, #tpu.memory_space<vmem>>[vector<16xi32>, vector<16xi32>], vector<16xf32>,
            %add3A_622 = arith.addf %gather3A_620, %gather3A_621 : vector<16xf32>
            %gather3A_623 = tpu.vector_load_idx %arg17[%broadcast_in_dim3A_589, %add3A_35] : memref<256x32xf32, #tpu.memory_space<vmem>>[vector<16xi32>, vector<16xi32>], vector<16xf32>,
            %gather3A_624 = tpu.vector_load_idx %arg18[%broadcast_in_dim3A_589, %add3A_35] : memref<256x32xf32, #tpu.memory_space<vmem>>[vector<16xi32>, vector<16xi32>], vector<16xf32>,
            %add3A_625 = arith.addf %gather3A_623, %gather3A_624 : vector<16xf32>
            %gather3A_626 = tpu.vector_load_idx %arg17[%broadcast_in_dim3A_596, %add3A_35] : memref<256x32xf32, #tpu.memory_space<vmem>>[vector<16xi32>, vector<16xi32>], vector<16xf32>,
            %gather3A_627 = tpu.vector_load_idx %arg18[%broadcast_in_dim3A_596, %add3A_35] : memref<256x32xf32, #tpu.memory_space<vmem>>[vector<16xi32>, vector<16xi32>], vector<16xf32>,
            %add3A_628 = arith.addf %gather3A_626, %gather3A_627 : vector<16xf32>
            %gather3A_629 = tpu.vector_load_idx %arg17[%broadcast_in_dim3A_603, %add3A_35] : memref<256x32xf32, #tpu.memory_space<vmem>>[vector<16xi32>, vector<16xi32>], vector<16xf32>,
            %gather3A_630 = tpu.vector_load_idx %arg18[%broadcast_in_dim3A_603, %add3A_35] : memref<256x32xf32, #tpu.memory_space<vmem>>[vector<16xi32>, vector<16xi32>], vector<16xf32>,
            %add3A_631 = arith.addf %gather3A_629, %gather3A_630 : vector<16xf32>
            %gather3A_632 = tpu.vector_load_idx %arg17[%broadcast_in_dim3A_610, %add3A_35] : memref<256x32xf32, #tpu.memory_space<vmem>>[vector<16xi32>, vector<16xi32>], vector<16xf32>,
            %gather3A_633 = tpu.vector_load_idx %arg18[%broadcast_in_dim3A_610, %add3A_35] : memref<256x32xf32, #tpu.memory_space<vmem>>[vector<16xi32>, vector<16xi32>], vector<16xf32>,
            %add3A_634 = arith.addf %gather3A_632, %gather3A_633 : vector<16xf32>
            %eq3A_635 = arith.cmpi eq, %gather3A_546, %gather3A_558 : vector<16xi32>
            %max3A = arith.maximumf %add3A_616, %add3A_613 : vector<16xf32>
            %select_n3A_636 = arith.select %eq3A_635, %max3A, %add3A_616 : vector<16xi1>, vector<16xf32>
            %max3A_637 = arith.maximumf %add3A_628, %add3A_625 : vector<16xf32>
            %select_n3A_638 = arith.select %eq3A_635, %max3A_637, %add3A_628 : vector<16xi1>, vector<16xf32>
            %eq3A_639 = arith.cmpi eq, %gather3A_546, %gather3A_570 : vector<16xi32>
            %max3A_640 = arith.maximumf %add3A_619, %add3A_613 : vector<16xf32>
            %select_n3A_641 = arith.select %eq3A_639, %max3A_640, %add3A_619 : vector<16xi1>, vector<16xf32>
            %max3A_642 = arith.maximumf %add3A_631, %add3A_625 : vector<16xf32>
            %select_n3A_643 = arith.select %eq3A_639, %max3A_642, %add3A_631 : vector<16xi1>, vector<16xf32>
            %or3A = arith.ori %eq3A_635, %eq3A_639 : vector<16xi1>
            %eq3A_644 = arith.cmpi eq, %gather3A_546, %gather3A_582 : vector<16xi32>
            %max3A_645 = arith.maximumf %add3A_622, %add3A_613 : vector<16xf32>
            %select_n3A_646 = arith.select %eq3A_644, %max3A_645, %add3A_622 : vector<16xi1>, vector<16xf32>
            %max3A_647 = arith.maximumf %add3A_634, %add3A_625 : vector<16xf32>
            %select_n3A_648 = arith.select %eq3A_644, %max3A_647, %add3A_634 : vector<16xi1>, vector<16xf32>
            %or3A_649 = arith.ori %or3A, %eq3A_644 : vector<16xi1>
            %not3A = arith.constant dense<true> : vector<16xi1>
            %not3A_650 = arith.xori %or3A_649, %not3A : vector<16xi1>
            %eq3A_651 = arith.cmpi eq, %gather3A_558, %gather3A_570 : vector<16xi32>
            %max3A_652 = arith.maximumf %select_n3A_641, %select_n3A_636 : vector<16xf32>
            %select_n3A_653 = arith.select %eq3A_651, %max3A_652, %select_n3A_641 : vector<16xi1>, vector<16xf32>
            %max3A_654 = arith.maximumf %select_n3A_643, %select_n3A_638 : vector<16xf32>
            %select_n3A_655 = arith.select %eq3A_651, %max3A_654, %select_n3A_643 : vector<16xi1>, vector<16xf32>
            %eq3A_656 = arith.cmpi eq, %gather3A_558, %gather3A_582 : vector<16xi32>
            %max3A_657 = arith.maximumf %select_n3A_646, %select_n3A_636 : vector<16xf32>
            %select_n3A_658 = arith.select %eq3A_656, %max3A_657, %select_n3A_646 : vector<16xi1>, vector<16xf32>
            %max3A_659 = arith.maximumf %select_n3A_648, %select_n3A_638 : vector<16xf32>
            %select_n3A_660 = arith.select %eq3A_656, %max3A_659, %select_n3A_648 : vector<16xi1>, vector<16xf32>
            %or3A_661 = arith.ori %eq3A_651, %eq3A_656 : vector<16xi1>
            %not3A_662 = arith.constant dense<true> : vector<16xi1>
            %not3A_663 = arith.xori %or3A_661, %not3A_662 : vector<16xi1>
            %eq3A_664 = arith.cmpi eq, %gather3A_570, %gather3A_582 : vector<16xi32>
            %max3A_665 = arith.maximumf %select_n3A_658, %select_n3A_653 : vector<16xf32>
            %select_n3A_666 = arith.select %eq3A_664, %max3A_665, %select_n3A_658 : vector<16xi1>, vector<16xf32>
            %max3A_667 = arith.maximumf %select_n3A_660, %select_n3A_655 : vector<16xf32>
            %select_n3A_668 = arith.select %eq3A_664, %max3A_667, %select_n3A_660 : vector<16xi1>, vector<16xf32>
            %not3A_669 = arith.constant dense<true> : vector<16xi1>
            %not3A_670 = arith.xori %eq3A_664, %not3A_669 : vector<16xi1>
            %add3A_671 = arith.addi %gather3A_546, %iota3A : vector<16xi32>
            %add3A_672 = arith.addi %gather3A_558, %iota3A : vector<16xi32>
            %add3A_673 = arith.addi %gather3A_570, %iota3A : vector<16xi32>
            %add3A_674 = arith.addi %gather3A_582, %iota3A : vector<16xi32>
            %gather3A_675 = tpu.vector_load_idx %arg7[%add3A_671] : memref<20128xf32, #tpu.memory_space<vmem>>[vector<16xi32>], vector<16xf32>,
            %max3A_676 = arith.maximumf %gather3A_675, %add3A_613 : vector<16xf32>
            %gather3A_677 = tpu.vector_load_idx %arg7[%add3A_672] : memref<20128xf32, #tpu.memory_space<vmem>>[vector<16xi32>], vector<16xf32>,
            %max3A_678 = arith.maximumf %gather3A_677, %select_n3A_636 : vector<16xf32>
            %gather3A_679 = tpu.vector_load_idx %arg7[%add3A_673] : memref<20128xf32, #tpu.memory_space<vmem>>[vector<16xi32>], vector<16xf32>,
            %max3A_680 = arith.maximumf %gather3A_679, %select_n3A_653 : vector<16xf32>
            %gather3A_681 = tpu.vector_load_idx %arg7[%add3A_674] : memref<20128xf32, #tpu.memory_space<vmem>>[vector<16xi32>], vector<16xf32>,
            %max3A_682 = arith.maximumf %gather3A_681, %select_n3A_666 : vector<16xf32>
            %gather3A_683 = tpu.vector_load_idx %arg8[%add3A_671] : memref<20128xf32, #tpu.memory_space<vmem>>[vector<16xi32>], vector<16xf32>,
            %max3A_684 = arith.maximumf %gather3A_683, %add3A_625 : vector<16xf32>
            %gather3A_685 = tpu.vector_load_idx %arg8[%add3A_672] : memref<20128xf32, #tpu.memory_space<vmem>>[vector<16xi32>], vector<16xf32>,
            %max3A_686 = arith.maximumf %gather3A_685, %select_n3A_638 : vector<16xf32>
            %gather3A_687 = tpu.vector_load_idx %arg8[%add3A_673] : memref<20128xf32, #tpu.memory_space<vmem>>[vector<16xi32>], vector<16xf32>,
            %max3A_688 = arith.maximumf %gather3A_687, %select_n3A_655 : vector<16xf32>
            %gather3A_689 = tpu.vector_load_idx %arg8[%add3A_674] : memref<20128xf32, #tpu.memory_space<vmem>>[vector<16xi32>], vector<16xf32>,
            %max3A_690 = arith.maximumf %gather3A_689, %select_n3A_668 : vector<16xf32>
            tpu.vector_store_idx %arg7[%add3A_671], %max3A_676 masked %not3A_650 : memref<20128xf32, #tpu.memory_space<vmem>>[vector<16xi32>], vector<16xf32>, vector<16xi1>
            tpu.vector_store_idx %arg8[%add3A_671], %max3A_684 masked %not3A_650 : memref<20128xf32, #tpu.memory_space<vmem>>[vector<16xi32>], vector<16xf32>, vector<16xi1>
            tpu.vector_store_idx %arg7[%add3A_672], %max3A_678 masked %not3A_663 : memref<20128xf32, #tpu.memory_space<vmem>>[vector<16xi32>], vector<16xf32>, vector<16xi1>
            tpu.vector_store_idx %arg8[%add3A_672], %max3A_686 masked %not3A_663 : memref<20128xf32, #tpu.memory_space<vmem>>[vector<16xi32>], vector<16xf32>, vector<16xi1>
            tpu.vector_store_idx %arg7[%add3A_673], %max3A_680 masked %not3A_670 : memref<20128xf32, #tpu.memory_space<vmem>>[vector<16xi32>], vector<16xf32>, vector<16xi1>
            tpu.vector_store_idx %arg8[%add3A_673], %max3A_688 masked %not3A_670 : memref<20128xf32, #tpu.memory_space<vmem>>[vector<16xi32>], vector<16xf32>, vector<16xi1>
            tpu.vector_store_idx %arg7[%add3A_674], %max3A_682 : memref<20128xf32, #tpu.memory_space<vmem>>[vector<16xi32>], vector<16xf32>,
            tpu.vector_store_idx %arg8[%add3A_674], %max3A_690 : memref<20128xf32, #tpu.memory_space<vmem>>[vector<16xi32>], vector<16xf32>,
            %broadcast_in_dim3A_691 = arith.constant 4 : i32
            %broadcast_in_dim3A_692 = vector.broadcast %broadcast_in_dim3A_691 : i32 to vector<16xi32>
            %lt3A_693 = arith.constant 0 : i32
            %lt3A_694 = vector.broadcast %lt3A_693 : i32 to vector<16xi32>
            %lt3A_695 = arith.cmpi slt, %broadcast_in_dim3A_692, %lt3A_694 : vector<16xi32>
            %add3A_696 = arith.constant 16 : i32
            %add3A_697 = vector.broadcast %add3A_696 : i32 to vector<16xi32>
            %add3A_698 = arith.addi %broadcast_in_dim3A_692, %add3A_697 : vector<16xi32>
            %select_n3A_699 = arith.select %lt3A_695, %add3A_698, %broadcast_in_dim3A_692 : vector<16xi1>, vector<16xi32>
            %broadcast_in_dim3A_700 = vector.shape_cast %select_n3A_699 : vector<16xi32> to vector<16x1xi32>
            %gather3A_701 = vector.shape_cast %broadcast_in_dim3A_700 : vector<16x1xi32> to vector<16xi32>
            %gather3A_702 = tpu.dynamic_gather %get3A_535[%gather3A_701] in [0] : vector<16xi32>, vector<16xi32> -> vector<16xi32>
            %broadcast_in_dim3A_703 = arith.constant 5 : i32
            %broadcast_in_dim3A_704 = vector.broadcast %broadcast_in_dim3A_703 : i32 to vector<16xi32>
            %lt3A_705 = arith.constant 0 : i32
            %lt3A_706 = vector.broadcast %lt3A_705 : i32 to vector<16xi32>
            %lt3A_707 = arith.cmpi slt, %broadcast_in_dim3A_704, %lt3A_706 : vector<16xi32>
            %add3A_708 = arith.constant 16 : i32
            %add3A_709 = vector.broadcast %add3A_708 : i32 to vector<16xi32>
            %add3A_710 = arith.addi %broadcast_in_dim3A_704, %add3A_709 : vector<16xi32>
            %select_n3A_711 = arith.select %lt3A_707, %add3A_710, %broadcast_in_dim3A_704 : vector<16xi1>, vector<16xi32>
            %broadcast_in_dim3A_712 = vector.shape_cast %select_n3A_711 : vector<16xi32> to vector<16x1xi32>
            %gather3A_713 = vector.shape_cast %broadcast_in_dim3A_712 : vector<16x1xi32> to vector<16xi32>
            %gather3A_714 = tpu.dynamic_gather %get3A_535[%gather3A_713] in [0] : vector<16xi32>, vector<16xi32> -> vector<16xi32>
            %broadcast_in_dim3A_715 = arith.constant 6 : i32
            %broadcast_in_dim3A_716 = vector.broadcast %broadcast_in_dim3A_715 : i32 to vector<16xi32>
            %lt3A_717 = arith.constant 0 : i32
            %lt3A_718 = vector.broadcast %lt3A_717 : i32 to vector<16xi32>
            %lt3A_719 = arith.cmpi slt, %broadcast_in_dim3A_716, %lt3A_718 : vector<16xi32>
            %add3A_720 = arith.constant 16 : i32
            %add3A_721 = vector.broadcast %add3A_720 : i32 to vector<16xi32>
            %add3A_722 = arith.addi %broadcast_in_dim3A_716, %add3A_721 : vector<16xi32>
            %select_n3A_723 = arith.select %lt3A_719, %add3A_722, %broadcast_in_dim3A_716 : vector<16xi1>, vector<16xi32>
            %broadcast_in_dim3A_724 = vector.shape_cast %select_n3A_723 : vector<16xi32> to vector<16x1xi32>
            %gather3A_725 = vector.shape_cast %broadcast_in_dim3A_724 : vector<16x1xi32> to vector<16xi32>
            %gather3A_726 = tpu.dynamic_gather %get3A_535[%gather3A_725] in [0] : vector<16xi32>, vector<16xi32> -> vector<16xi32>
            %broadcast_in_dim3A_727 = arith.constant 7 : i32
            %broadcast_in_dim3A_728 = vector.broadcast %broadcast_in_dim3A_727 : i32 to vector<16xi32>
            %lt3A_729 = arith.constant 0 : i32
            %lt3A_730 = vector.broadcast %lt3A_729 : i32 to vector<16xi32>
            %lt3A_731 = arith.cmpi slt, %broadcast_in_dim3A_728, %lt3A_730 : vector<16xi32>
            %add3A_732 = arith.constant 16 : i32
            %add3A_733 = vector.broadcast %add3A_732 : i32 to vector<16xi32>
            %add3A_734 = arith.addi %broadcast_in_dim3A_728, %add3A_733 : vector<16xi32>
            %select_n3A_735 = arith.select %lt3A_731, %add3A_734, %broadcast_in_dim3A_728 : vector<16xi1>, vector<16xi32>
            %broadcast_in_dim3A_736 = vector.shape_cast %select_n3A_735 : vector<16xi32> to vector<16x1xi32>
            %gather3A_737 = vector.shape_cast %broadcast_in_dim3A_736 : vector<16x1xi32> to vector<16xi32>
            %gather3A_738 = tpu.dynamic_gather %get3A_535[%gather3A_737] in [0] : vector<16xi32>, vector<16xi32> -> vector<16xi32>
            %mul3A_739 = arith.constant 16 : i32
            %mul3A_740 = arith.muli %scan3A_528, %mul3A_739 : i32
            %add3A_741 = arith.constant 4 : i32
            %add3A_742 = arith.addi %mul3A_740, %add3A_741 : i32
            %add3A_743 = arith.constant 0 : i32
            %add3A_744 = arith.addi %add3A_742, %add3A_743 : i32
            %broadcast_in_dim3A_745 = vector.broadcast %add3A_744 : i32 to vector<16xi32>
            %mul3A_746 = arith.constant 16 : i32
            %mul3A_747 = arith.muli %scan3A_528, %mul3A_746 : i32
            %add3A_748 = arith.constant 4 : i32
            %add3A_749 = arith.addi %mul3A_747, %add3A_748 : i32
            %add3A_750 = arith.constant 1 : i32
            %add3A_751 = arith.addi %add3A_749, %add3A_750 : i32
            %broadcast_in_dim3A_752 = vector.broadcast %add3A_751 : i32 to vector<16xi32>
            %mul3A_753 = arith.constant 16 : i32
            %mul3A_754 = arith.muli %scan3A_528, %mul3A_753 : i32
            %add3A_755 = arith.constant 4 : i32
            %add3A_756 = arith.addi %mul3A_754, %add3A_755 : i32
            %add3A_757 = arith.constant 2 : i32
            %add3A_758 = arith.addi %add3A_756, %add3A_757 : i32
            %broadcast_in_dim3A_759 = vector.broadcast %add3A_758 : i32 to vector<16xi32>
            %mul3A_760 = arith.constant 16 : i32
            %mul3A_761 = arith.muli %scan3A_528, %mul3A_760 : i32
            %add3A_762 = arith.constant 4 : i32
            %add3A_763 = arith.addi %mul3A_761, %add3A_762 : i32
            %add3A_764 = arith.constant 3 : i32
            %add3A_765 = arith.addi %add3A_763, %add3A_764 : i32
            %broadcast_in_dim3A_766 = vector.broadcast %add3A_765 : i32 to vector<16xi32>
            %gather3A_767 = tpu.vector_load_idx %arg17[%broadcast_in_dim3A_745, %iota3A] : memref<256x32xf32, #tpu.memory_space<vmem>>[vector<16xi32>, vector<16xi32>], vector<16xf32>,
            %gather3A_768 = tpu.vector_load_idx %arg18[%broadcast_in_dim3A_745, %iota3A] : memref<256x32xf32, #tpu.memory_space<vmem>>[vector<16xi32>, vector<16xi32>], vector<16xf32>,
            %add3A_769 = arith.addf %gather3A_767, %gather3A_768 : vector<16xf32>
            %gather3A_770 = tpu.vector_load_idx %arg17[%broadcast_in_dim3A_752, %iota3A] : memref<256x32xf32, #tpu.memory_space<vmem>>[vector<16xi32>, vector<16xi32>], vector<16xf32>,
            %gather3A_771 = tpu.vector_load_idx %arg18[%broadcast_in_dim3A_752, %iota3A] : memref<256x32xf32, #tpu.memory_space<vmem>>[vector<16xi32>, vector<16xi32>], vector<16xf32>,
            %add3A_772 = arith.addf %gather3A_770, %gather3A_771 : vector<16xf32>
            %gather3A_773 = tpu.vector_load_idx %arg17[%broadcast_in_dim3A_759, %iota3A] : memref<256x32xf32, #tpu.memory_space<vmem>>[vector<16xi32>, vector<16xi32>], vector<16xf32>,
            %gather3A_774 = tpu.vector_load_idx %arg18[%broadcast_in_dim3A_759, %iota3A] : memref<256x32xf32, #tpu.memory_space<vmem>>[vector<16xi32>, vector<16xi32>], vector<16xf32>,
            %add3A_775 = arith.addf %gather3A_773, %gather3A_774 : vector<16xf32>
            %gather3A_776 = tpu.vector_load_idx %arg17[%broadcast_in_dim3A_766, %iota3A] : memref<256x32xf32, #tpu.memory_space<vmem>>[vector<16xi32>, vector<16xi32>], vector<16xf32>,
            %gather3A_777 = tpu.vector_load_idx %arg18[%broadcast_in_dim3A_766, %iota3A] : memref<256x32xf32, #tpu.memory_space<vmem>>[vector<16xi32>, vector<16xi32>], vector<16xf32>,
            %add3A_778 = arith.addf %gather3A_776, %gather3A_777 : vector<16xf32>
            %gather3A_779 = tpu.vector_load_idx %arg17[%broadcast_in_dim3A_745, %add3A_35] : memref<256x32xf32, #tpu.memory_space<vmem>>[vector<16xi32>, vector<16xi32>], vector<16xf32>,
            %gather3A_780 = tpu.vector_load_idx %arg18[%broadcast_in_dim3A_745, %add3A_35] : memref<256x32xf32, #tpu.memory_space<vmem>>[vector<16xi32>, vector<16xi32>], vector<16xf32>,
            %add3A_781 = arith.addf %gather3A_779, %gather3A_780 : vector<16xf32>
            %gather3A_782 = tpu.vector_load_idx %arg17[%broadcast_in_dim3A_752, %add3A_35] : memref<256x32xf32, #tpu.memory_space<vmem>>[vector<16xi32>, vector<16xi32>], vector<16xf32>,
            %gather3A_783 = tpu.vector_load_idx %arg18[%broadcast_in_dim3A_752, %add3A_35] : memref<256x32xf32, #tpu.memory_space<vmem>>[vector<16xi32>, vector<16xi32>], vector<16xf32>,
            %add3A_784 = arith.addf %gather3A_782, %gather3A_783 : vector<16xf32>
            %gather3A_785 = tpu.vector_load_idx %arg17[%broadcast_in_dim3A_759, %add3A_35] : memref<256x32xf32, #tpu.memory_space<vmem>>[vector<16xi32>, vector<16xi32>], vector<16xf32>,
            %gather3A_786 = tpu.vector_load_idx %arg18[%broadcast_in_dim3A_759, %add3A_35] : memref<256x32xf32, #tpu.memory_space<vmem>>[vector<16xi32>, vector<16xi32>], vector<16xf32>,
            %add3A_787 = arith.addf %gather3A_785, %gather3A_786 : vector<16xf32>
            %gather3A_788 = tpu.vector_load_idx %arg17[%broadcast_in_dim3A_766, %add3A_35] : memref<256x32xf32, #tpu.memory_space<vmem>>[vector<16xi32>, vector<16xi32>], vector<16xf32>,
            %gather3A_789 = tpu.vector_load_idx %arg18[%broadcast_in_dim3A_766, %add3A_35] : memref<256x32xf32, #tpu.memory_space<vmem>>[vector<16xi32>, vector<16xi32>], vector<16xf32>,
            %add3A_790 = arith.addf %gather3A_788, %gather3A_789 : vector<16xf32>
            %eq3A_791 = arith.cmpi eq, %gather3A_702, %gather3A_714 : vector<16xi32>
            %max3A_792 = arith.maximumf %add3A_772, %add3A_769 : vector<16xf32>
            %select_n3A_793 = arith.select %eq3A_791, %max3A_792, %add3A_772 : vector<16xi1>, vector<16xf32>
            %max3A_794 = arith.maximumf %add3A_784, %add3A_781 : vector<16xf32>
            %select_n3A_795 = arith.select %eq3A_791, %max3A_794, %add3A_784 : vector<16xi1>, vector<16xf32>
            %eq3A_796 = arith.cmpi eq, %gather3A_702, %gather3A_726 : vector<16xi32>
            %max3A_797 = arith.maximumf %add3A_775, %add3A_769 : vector<16xf32>
            %select_n3A_798 = arith.select %eq3A_796, %max3A_797, %add3A_775 : vector<16xi1>, vector<16xf32>
            %max3A_799 = arith.maximumf %add3A_787, %add3A_781 : vector<16xf32>
            %select_n3A_800 = arith.select %eq3A_796, %max3A_799, %add3A_787 : vector<16xi1>, vector<16xf32>
            %or3A_801 = arith.ori %eq3A_791, %eq3A_796 : vector<16xi1>
            %eq3A_802 = arith.cmpi eq, %gather3A_702, %gather3A_738 : vector<16xi32>
            %max3A_803 = arith.maximumf %add3A_778, %add3A_769 : vector<16xf32>
            %select_n3A_804 = arith.select %eq3A_802, %max3A_803, %add3A_778 : vector<16xi1>, vector<16xf32>
            %max3A_805 = arith.maximumf %add3A_790, %add3A_781 : vector<16xf32>
            %select_n3A_806 = arith.select %eq3A_802, %max3A_805, %add3A_790 : vector<16xi1>, vector<16xf32>
            %or3A_807 = arith.ori %or3A_801, %eq3A_802 : vector<16xi1>
            %not3A_808 = arith.constant dense<true> : vector<16xi1>
            %not3A_809 = arith.xori %or3A_807, %not3A_808 : vector<16xi1>
            %eq3A_810 = arith.cmpi eq, %gather3A_714, %gather3A_726 : vector<16xi32>
            %max3A_811 = arith.maximumf %select_n3A_798, %select_n3A_793 : vector<16xf32>
            %select_n3A_812 = arith.select %eq3A_810, %max3A_811, %select_n3A_798 : vector<16xi1>, vector<16xf32>
            %max3A_813 = arith.maximumf %select_n3A_800, %select_n3A_795 : vector<16xf32>
            %select_n3A_814 = arith.select %eq3A_810, %max3A_813, %select_n3A_800 : vector<16xi1>, vector<16xf32>
            %eq3A_815 = arith.cmpi eq, %gather3A_714, %gather3A_738 : vector<16xi32>
            %max3A_816 = arith.maximumf %select_n3A_804, %select_n3A_793 : vector<16xf32>
            %select_n3A_817 = arith.select %eq3A_815, %max3A_816, %select_n3A_804 : vector<16xi1>, vector<16xf32>
            %max3A_818 = arith.maximumf %select_n3A_806, %select_n3A_795 : vector<16xf32>
            %select_n3A_819 = arith.select %eq3A_815, %max3A_818, %select_n3A_806 : vector<16xi1>, vector<16xf32>
            %or3A_820 = arith.ori %eq3A_810, %eq3A_815 : vector<16xi1>
            %not3A_821 = arith.constant dense<true> : vector<16xi1>
            %not3A_822 = arith.xori %or3A_820, %not3A_821 : vector<16xi1>
            %eq3A_823 = arith.cmpi eq, %gather3A_726, %gather3A_738 : vector<16xi32>
            %max3A_824 = arith.maximumf %select_n3A_817, %select_n3A_812 : vector<16xf32>
            %select_n3A_825 = arith.select %eq3A_823, %max3A_824, %select_n3A_817 : vector<16xi1>, vector<16xf32>
            %max3A_826 = arith.maximumf %select_n3A_819, %select_n3A_814 : vector<16xf32>
            %select_n3A_827 = arith.select %eq3A_823, %max3A_826, %select_n3A_819 : vector<16xi1>, vector<16xf32>
            %not3A_828 = arith.constant dense<true> : vector<16xi1>
            %not3A_829 = arith.xori %eq3A_823, %not3A_828 : vector<16xi1>
            %add3A_830 = arith.addi %gather3A_702, %iota3A : vector<16xi32>
            %add3A_831 = arith.addi %gather3A_714, %iota3A : vector<16xi32>
            %add3A_832 = arith.addi %gather3A_726, %iota3A : vector<16xi32>
            %add3A_833 = arith.addi %gather3A_738, %iota3A : vector<16xi32>
            %gather3A_834 = tpu.vector_load_idx %arg7[%add3A_830] : memref<20128xf32, #tpu.memory_space<vmem>>[vector<16xi32>], vector<16xf32>,
            %max3A_835 = arith.maximumf %gather3A_834, %add3A_769 : vector<16xf32>
            %gather3A_836 = tpu.vector_load_idx %arg7[%add3A_831] : memref<20128xf32, #tpu.memory_space<vmem>>[vector<16xi32>], vector<16xf32>,
            %max3A_837 = arith.maximumf %gather3A_836, %select_n3A_793 : vector<16xf32>
            %gather3A_838 = tpu.vector_load_idx %arg7[%add3A_832] : memref<20128xf32, #tpu.memory_space<vmem>>[vector<16xi32>], vector<16xf32>,
            %max3A_839 = arith.maximumf %gather3A_838, %select_n3A_812 : vector<16xf32>
            %gather3A_840 = tpu.vector_load_idx %arg7[%add3A_833] : memref<20128xf32, #tpu.memory_space<vmem>>[vector<16xi32>], vector<16xf32>,
            %max3A_841 = arith.maximumf %gather3A_840, %select_n3A_825 : vector<16xf32>
            %gather3A_842 = tpu.vector_load_idx %arg8[%add3A_830] : memref<20128xf32, #tpu.memory_space<vmem>>[vector<16xi32>], vector<16xf32>,
            %max3A_843 = arith.maximumf %gather3A_842, %add3A_781 : vector<16xf32>
            %gather3A_844 = tpu.vector_load_idx %arg8[%add3A_831] : memref<20128xf32, #tpu.memory_space<vmem>>[vector<16xi32>], vector<16xf32>,
            %max3A_845 = arith.maximumf %gather3A_844, %select_n3A_795 : vector<16xf32>
            %gather3A_846 = tpu.vector_load_idx %arg8[%add3A_832] : memref<20128xf32, #tpu.memory_space<vmem>>[vector<16xi32>], vector<16xf32>,
            %max3A_847 = arith.maximumf %gather3A_846, %select_n3A_814 : vector<16xf32>
            %gather3A_848 = tpu.vector_load_idx %arg8[%add3A_833] : memref<20128xf32, #tpu.memory_space<vmem>>[vector<16xi32>], vector<16xf32>,
            %max3A_849 = arith.maximumf %gather3A_848, %select_n3A_827 : vector<16xf32>
            tpu.vector_store_idx %arg7[%add3A_830], %max3A_835 masked %not3A_809 : memref<20128xf32, #tpu.memory_space<vmem>>[vector<16xi32>], vector<16xf32>, vector<16xi1>
            tpu.vector_store_idx %arg8[%add3A_830], %max3A_843 masked %not3A_809 : memref<20128xf32, #tpu.memory_space<vmem>>[vector<16xi32>], vector<16xf32>, vector<16xi1>
            tpu.vector_store_idx %arg7[%add3A_831], %max3A_837 masked %not3A_822 : memref<20128xf32, #tpu.memory_space<vmem>>[vector<16xi32>], vector<16xf32>, vector<16xi1>
            tpu.vector_store_idx %arg8[%add3A_831], %max3A_845 masked %not3A_822 : memref<20128xf32, #tpu.memory_space<vmem>>[vector<16xi32>], vector<16xf32>, vector<16xi1>
            tpu.vector_store_idx %arg7[%add3A_832], %max3A_839 masked %not3A_829 : memref<20128xf32, #tpu.memory_space<vmem>>[vector<16xi32>], vector<16xf32>, vector<16xi1>
            tpu.vector_store_idx %arg8[%add3A_832], %max3A_847 masked %not3A_829 : memref<20128xf32, #tpu.memory_space<vmem>>[vector<16xi32>], vector<16xf32>, vector<16xi1>
            tpu.vector_store_idx %arg7[%add3A_833], %max3A_841 : memref<20128xf32, #tpu.memory_space<vmem>>[vector<16xi32>], vector<16xf32>,
            tpu.vector_store_idx %arg8[%add3A_833], %max3A_849 : memref<20128xf32, #tpu.memory_space<vmem>>[vector<16xi32>], vector<16xf32>,
            %broadcast_in_dim3A_850 = arith.constant 8 : i32
            %broadcast_in_dim3A_851 = vector.broadcast %broadcast_in_dim3A_850 : i32 to vector<16xi32>
            %lt3A_852 = arith.constant 0 : i32
            %lt3A_853 = vector.broadcast %lt3A_852 : i32 to vector<16xi32>
            %lt3A_854 = arith.cmpi slt, %broadcast_in_dim3A_851, %lt3A_853 : vector<16xi32>
            %add3A_855 = arith.constant 16 : i32
            %add3A_856 = vector.broadcast %add3A_855 : i32 to vector<16xi32>
            %add3A_857 = arith.addi %broadcast_in_dim3A_851, %add3A_856 : vector<16xi32>
            %select_n3A_858 = arith.select %lt3A_854, %add3A_857, %broadcast_in_dim3A_851 : vector<16xi1>, vector<16xi32>
            %broadcast_in_dim3A_859 = vector.shape_cast %select_n3A_858 : vector<16xi32> to vector<16x1xi32>
            %gather3A_860 = vector.shape_cast %broadcast_in_dim3A_859 : vector<16x1xi32> to vector<16xi32>
            %gather3A_861 = tpu.dynamic_gather %get3A_535[%gather3A_860] in [0] : vector<16xi32>, vector<16xi32> -> vector<16xi32>
            %broadcast_in_dim3A_862 = arith.constant 9 : i32
            %broadcast_in_dim3A_863 = vector.broadcast %broadcast_in_dim3A_862 : i32 to vector<16xi32>
            %lt3A_864 = arith.constant 0 : i32
            %lt3A_865 = vector.broadcast %lt3A_864 : i32 to vector<16xi32>
            %lt3A_866 = arith.cmpi slt, %broadcast_in_dim3A_863, %lt3A_865 : vector<16xi32>
            %add3A_867 = arith.constant 16 : i32
            %add3A_868 = vector.broadcast %add3A_867 : i32 to vector<16xi32>
            %add3A_869 = arith.addi %broadcast_in_dim3A_863, %add3A_868 : vector<16xi32>
            %select_n3A_870 = arith.select %lt3A_866, %add3A_869, %broadcast_in_dim3A_863 : vector<16xi1>, vector<16xi32>
            %broadcast_in_dim3A_871 = vector.shape_cast %select_n3A_870 : vector<16xi32> to vector<16x1xi32>
            %gather3A_872 = vector.shape_cast %broadcast_in_dim3A_871 : vector<16x1xi32> to vector<16xi32>
            %gather3A_873 = tpu.dynamic_gather %get3A_535[%gather3A_872] in [0] : vector<16xi32>, vector<16xi32> -> vector<16xi32>
            %broadcast_in_dim3A_874 = arith.constant 10 : i32
            %broadcast_in_dim3A_875 = vector.broadcast %broadcast_in_dim3A_874 : i32 to vector<16xi32>
            %lt3A_876 = arith.constant 0 : i32
            %lt3A_877 = vector.broadcast %lt3A_876 : i32 to vector<16xi32>
            %lt3A_878 = arith.cmpi slt, %broadcast_in_dim3A_875, %lt3A_877 : vector<16xi32>
            %add3A_879 = arith.constant 16 : i32
            %add3A_880 = vector.broadcast %add3A_879 : i32 to vector<16xi32>
            %add3A_881 = arith.addi %broadcast_in_dim3A_875, %add3A_880 : vector<16xi32>
            %select_n3A_882 = arith.select %lt3A_878, %add3A_881, %broadcast_in_dim3A_875 : vector<16xi1>, vector<16xi32>
            %broadcast_in_dim3A_883 = vector.shape_cast %select_n3A_882 : vector<16xi32> to vector<16x1xi32>
            %gather3A_884 = vector.shape_cast %broadcast_in_dim3A_883 : vector<16x1xi32> to vector<16xi32>
            %gather3A_885 = tpu.dynamic_gather %get3A_535[%gather3A_884] in [0] : vector<16xi32>, vector<16xi32> -> vector<16xi32>
            %broadcast_in_dim3A_886 = arith.constant 11 : i32
            %broadcast_in_dim3A_887 = vector.broadcast %broadcast_in_dim3A_886 : i32 to vector<16xi32>
            %lt3A_888 = arith.constant 0 : i32
            %lt3A_889 = vector.broadcast %lt3A_888 : i32 to vector<16xi32>
            %lt3A_890 = arith.cmpi slt, %broadcast_in_dim3A_887, %lt3A_889 : vector<16xi32>
            %add3A_891 = arith.constant 16 : i32
            %add3A_892 = vector.broadcast %add3A_891 : i32 to vector<16xi32>
            %add3A_893 = arith.addi %broadcast_in_dim3A_887, %add3A_892 : vector<16xi32>
            %select_n3A_894 = arith.select %lt3A_890, %add3A_893, %broadcast_in_dim3A_887 : vector<16xi1>, vector<16xi32>
            %broadcast_in_dim3A_895 = vector.shape_cast %select_n3A_894 : vector<16xi32> to vector<16x1xi32>
            %gather3A_896 = vector.shape_cast %broadcast_in_dim3A_895 : vector<16x1xi32> to vector<16xi32>
            %gather3A_897 = tpu.dynamic_gather %get3A_535[%gather3A_896] in [0] : vector<16xi32>, vector<16xi32> -> vector<16xi32>
            %mul3A_898 = arith.constant 16 : i32
            %mul3A_899 = arith.muli %scan3A_528, %mul3A_898 : i32
            %add3A_900 = arith.constant 8 : i32
            %add3A_901 = arith.addi %mul3A_899, %add3A_900 : i32
            %add3A_902 = arith.constant 0 : i32
            %add3A_903 = arith.addi %add3A_901, %add3A_902 : i32
            %broadcast_in_dim3A_904 = vector.broadcast %add3A_903 : i32 to vector<16xi32>
            %mul3A_905 = arith.constant 16 : i32
            %mul3A_906 = arith.muli %scan3A_528, %mul3A_905 : i32
            %add3A_907 = arith.constant 8 : i32
            %add3A_908 = arith.addi %mul3A_906, %add3A_907 : i32
            %add3A_909 = arith.constant 1 : i32
            %add3A_910 = arith.addi %add3A_908, %add3A_909 : i32
            %broadcast_in_dim3A_911 = vector.broadcast %add3A_910 : i32 to vector<16xi32>
            %mul3A_912 = arith.constant 16 : i32
            %mul3A_913 = arith.muli %scan3A_528, %mul3A_912 : i32
            %add3A_914 = arith.constant 8 : i32
            %add3A_915 = arith.addi %mul3A_913, %add3A_914 : i32
            %add3A_916 = arith.constant 2 : i32
            %add3A_917 = arith.addi %add3A_915, %add3A_916 : i32
            %broadcast_in_dim3A_918 = vector.broadcast %add3A_917 : i32 to vector<16xi32>
            %mul3A_919 = arith.constant 16 : i32
            %mul3A_920 = arith.muli %scan3A_528, %mul3A_919 : i32
            %add3A_921 = arith.constant 8 : i32
            %add3A_922 = arith.addi %mul3A_920, %add3A_921 : i32
            %add3A_923 = arith.constant 3 : i32
            %add3A_924 = arith.addi %add3A_922, %add3A_923 : i32
            %broadcast_in_dim3A_925 = vector.broadcast %add3A_924 : i32 to vector<16xi32>
            %gather3A_926 = tpu.vector_load_idx %arg17[%broadcast_in_dim3A_904, %iota3A] : memref<256x32xf32, #tpu.memory_space<vmem>>[vector<16xi32>, vector<16xi32>], vector<16xf32>,
            %gather3A_927 = tpu.vector_load_idx %arg18[%broadcast_in_dim3A_904, %iota3A] : memref<256x32xf32, #tpu.memory_space<vmem>>[vector<16xi32>, vector<16xi32>], vector<16xf32>,
            %add3A_928 = arith.addf %gather3A_926, %gather3A_927 : vector<16xf32>
            %gather3A_929 = tpu.vector_load_idx %arg17[%broadcast_in_dim3A_911, %iota3A] : memref<256x32xf32, #tpu.memory_space<vmem>>[vector<16xi32>, vector<16xi32>], vector<16xf32>,
            %gather3A_930 = tpu.vector_load_idx %arg18[%broadcast_in_dim3A_911, %iota3A] : memref<256x32xf32, #tpu.memory_space<vmem>>[vector<16xi32>, vector<16xi32>], vector<16xf32>,
            %add3A_931 = arith.addf %gather3A_929, %gather3A_930 : vector<16xf32>
            %gather3A_932 = tpu.vector_load_idx %arg17[%broadcast_in_dim3A_918, %iota3A] : memref<256x32xf32, #tpu.memory_space<vmem>>[vector<16xi32>, vector<16xi32>], vector<16xf32>,
            %gather3A_933 = tpu.vector_load_idx %arg18[%broadcast_in_dim3A_918, %iota3A] : memref<256x32xf32, #tpu.memory_space<vmem>>[vector<16xi32>, vector<16xi32>], vector<16xf32>,
            %add3A_934 = arith.addf %gather3A_932, %gather3A_933 : vector<16xf32>
            %gather3A_935 = tpu.vector_load_idx %arg17[%broadcast_in_dim3A_925, %iota3A] : memref<256x32xf32, #tpu.memory_space<vmem>>[vector<16xi32>, vector<16xi32>], vector<16xf32>,
            %gather3A_936 = tpu.vector_load_idx %arg18[%broadcast_in_dim3A_925, %iota3A] : memref<256x32xf32, #tpu.memory_space<vmem>>[vector<16xi32>, vector<16xi32>], vector<16xf32>,
            %add3A_937 = arith.addf %gather3A_935, %gather3A_936 : vector<16xf32>
            %gather3A_938 = tpu.vector_load_idx %arg17[%broadcast_in_dim3A_904, %add3A_35] : memref<256x32xf32, #tpu.memory_space<vmem>>[vector<16xi32>, vector<16xi32>], vector<16xf32>,
            %gather3A_939 = tpu.vector_load_idx %arg18[%broadcast_in_dim3A_904, %add3A_35] : memref<256x32xf32, #tpu.memory_space<vmem>>[vector<16xi32>, vector<16xi32>], vector<16xf32>,
            %add3A_940 = arith.addf %gather3A_938, %gather3A_939 : vector<16xf32>
            %gather3A_941 = tpu.vector_load_idx %arg17[%broadcast_in_dim3A_911, %add3A_35] : memref<256x32xf32, #tpu.memory_space<vmem>>[vector<16xi32>, vector<16xi32>], vector<16xf32>,
            %gather3A_942 = tpu.vector_load_idx %arg18[%broadcast_in_dim3A_911, %add3A_35] : memref<256x32xf32, #tpu.memory_space<vmem>>[vector<16xi32>, vector<16xi32>], vector<16xf32>,
            %add3A_943 = arith.addf %gather3A_941, %gather3A_942 : vector<16xf32>
            %gather3A_944 = tpu.vector_load_idx %arg17[%broadcast_in_dim3A_918, %add3A_35] : memref<256x32xf32, #tpu.memory_space<vmem>>[vector<16xi32>, vector<16xi32>], vector<16xf32>,
            %gather3A_945 = tpu.vector_load_idx %arg18[%broadcast_in_dim3A_918, %add3A_35] : memref<256x32xf32, #tpu.memory_space<vmem>>[vector<16xi32>, vector<16xi32>], vector<16xf32>,
            %add3A_946 = arith.addf %gather3A_944, %gather3A_945 : vector<16xf32>
            %gather3A_947 = tpu.vector_load_idx %arg17[%broadcast_in_dim3A_925, %add3A_35] : memref<256x32xf32, #tpu.memory_space<vmem>>[vector<16xi32>, vector<16xi32>], vector<16xf32>,
            %gather3A_948 = tpu.vector_load_idx %arg18[%broadcast_in_dim3A_925, %add3A_35] : memref<256x32xf32, #tpu.memory_space<vmem>>[vector<16xi32>, vector<16xi32>], vector<16xf32>,
            %add3A_949 = arith.addf %gather3A_947, %gather3A_948 : vector<16xf32>
            %eq3A_950 = arith.cmpi eq, %gather3A_861, %gather3A_873 : vector<16xi32>
            %max3A_951 = arith.maximumf %add3A_931, %add3A_928 : vector<16xf32>
            %select_n3A_952 = arith.select %eq3A_950, %max3A_951, %add3A_931 : vector<16xi1>, vector<16xf32>
            %max3A_953 = arith.maximumf %add3A_943, %add3A_940 : vector<16xf32>
            %select_n3A_954 = arith.select %eq3A_950, %max3A_953, %add3A_943 : vector<16xi1>, vector<16xf32>
            %eq3A_955 = arith.cmpi eq, %gather3A_861, %gather3A_885 : vector<16xi32>
            %max3A_956 = arith.maximumf %add3A_934, %add3A_928 : vector<16xf32>
            %select_n3A_957 = arith.select %eq3A_955, %max3A_956, %add3A_934 : vector<16xi1>, vector<16xf32>
            %max3A_958 = arith.maximumf %add3A_946, %add3A_940 : vector<16xf32>
            %select_n3A_959 = arith.select %eq3A_955, %max3A_958, %add3A_946 : vector<16xi1>, vector<16xf32>
            %or3A_960 = arith.ori %eq3A_950, %eq3A_955 : vector<16xi1>
            %eq3A_961 = arith.cmpi eq, %gather3A_861, %gather3A_897 : vector<16xi32>
            %max3A_962 = arith.maximumf %add3A_937, %add3A_928 : vector<16xf32>
            %select_n3A_963 = arith.select %eq3A_961, %max3A_962, %add3A_937 : vector<16xi1>, vector<16xf32>
            %max3A_964 = arith.maximumf %add3A_949, %add3A_940 : vector<16xf32>
            %select_n3A_965 = arith.select %eq3A_961, %max3A_964, %add3A_949 : vector<16xi1>, vector<16xf32>
            %or3A_966 = arith.ori %or3A_960, %eq3A_961 : vector<16xi1>
            %not3A_967 = arith.constant dense<true> : vector<16xi1>
            %not3A_968 = arith.xori %or3A_966, %not3A_967 : vector<16xi1>
            %eq3A_969 = arith.cmpi eq, %gather3A_873, %gather3A_885 : vector<16xi32>
            %max3A_970 = arith.maximumf %select_n3A_957, %select_n3A_952 : vector<16xf32>
            %select_n3A_971 = arith.select %eq3A_969, %max3A_970, %select_n3A_957 : vector<16xi1>, vector<16xf32>
            %max3A_972 = arith.maximumf %select_n3A_959, %select_n3A_954 : vector<16xf32>
            %select_n3A_973 = arith.select %eq3A_969, %max3A_972, %select_n3A_959 : vector<16xi1>, vector<16xf32>
            %eq3A_974 = arith.cmpi eq, %gather3A_873, %gather3A_897 : vector<16xi32>
            %max3A_975 = arith.maximumf %select_n3A_963, %select_n3A_952 : vector<16xf32>
            %select_n3A_976 = arith.select %eq3A_974, %max3A_975, %select_n3A_963 : vector<16xi1>, vector<16xf32>
            %max3A_977 = arith.maximumf %select_n3A_965, %select_n3A_954 : vector<16xf32>
            %select_n3A_978 = arith.select %eq3A_974, %max3A_977, %select_n3A_965 : vector<16xi1>, vector<16xf32>
            %or3A_979 = arith.ori %eq3A_969, %eq3A_974 : vector<16xi1>
            %not3A_980 = arith.constant dense<true> : vector<16xi1>
            %not3A_981 = arith.xori %or3A_979, %not3A_980 : vector<16xi1>
            %eq3A_982 = arith.cmpi eq, %gather3A_885, %gather3A_897 : vector<16xi32>
            %max3A_983 = arith.maximumf %select_n3A_976, %select_n3A_971 : vector<16xf32>
            %select_n3A_984 = arith.select %eq3A_982, %max3A_983, %select_n3A_976 : vector<16xi1>, vector<16xf32>
            %max3A_985 = arith.maximumf %select_n3A_978, %select_n3A_973 : vector<16xf32>
            %select_n3A_986 = arith.select %eq3A_982, %max3A_985, %select_n3A_978 : vector<16xi1>, vector<16xf32>
            %not3A_987 = arith.constant dense<true> : vector<16xi1>
            %not3A_988 = arith.xori %eq3A_982, %not3A_987 : vector<16xi1>
            %add3A_989 = arith.addi %gather3A_861, %iota3A : vector<16xi32>
            %add3A_990 = arith.addi %gather3A_873, %iota3A : vector<16xi32>
            %add3A_991 = arith.addi %gather3A_885, %iota3A : vector<16xi32>
            %add3A_992 = arith.addi %gather3A_897, %iota3A : vector<16xi32>
            %gather3A_993 = tpu.vector_load_idx %arg7[%add3A_989] : memref<20128xf32, #tpu.memory_space<vmem>>[vector<16xi32>], vector<16xf32>,
            %max3A_994 = arith.maximumf %gather3A_993, %add3A_928 : vector<16xf32>
            %gather3A_995 = tpu.vector_load_idx %arg7[%add3A_990] : memref<20128xf32, #tpu.memory_space<vmem>>[vector<16xi32>], vector<16xf32>,
            %max3A_996 = arith.maximumf %gather3A_995, %select_n3A_952 : vector<16xf32>
            %gather3A_997 = tpu.vector_load_idx %arg7[%add3A_991] : memref<20128xf32, #tpu.memory_space<vmem>>[vector<16xi32>], vector<16xf32>,
            %max3A_998 = arith.maximumf %gather3A_997, %select_n3A_971 : vector<16xf32>
            %gather3A_999 = tpu.vector_load_idx %arg7[%add3A_992] : memref<20128xf32, #tpu.memory_space<vmem>>[vector<16xi32>], vector<16xf32>,
            %max3A_1000 = arith.maximumf %gather3A_999, %select_n3A_984 : vector<16xf32>
            %gather3A_1001 = tpu.vector_load_idx %arg8[%add3A_989] : memref<20128xf32, #tpu.memory_space<vmem>>[vector<16xi32>], vector<16xf32>,
            %max3A_1002 = arith.maximumf %gather3A_1001, %add3A_940 : vector<16xf32>
            %gather3A_1003 = tpu.vector_load_idx %arg8[%add3A_990] : memref<20128xf32, #tpu.memory_space<vmem>>[vector<16xi32>], vector<16xf32>,
            %max3A_1004 = arith.maximumf %gather3A_1003, %select_n3A_954 : vector<16xf32>
            %gather3A_1005 = tpu.vector_load_idx %arg8[%add3A_991] : memref<20128xf32, #tpu.memory_space<vmem>>[vector<16xi32>], vector<16xf32>,
            %max3A_1006 = arith.maximumf %gather3A_1005, %select_n3A_973 : vector<16xf32>
            %gather3A_1007 = tpu.vector_load_idx %arg8[%add3A_992] : memref<20128xf32, #tpu.memory_space<vmem>>[vector<16xi32>], vector<16xf32>,
            %max3A_1008 = arith.maximumf %gather3A_1007, %select_n3A_986 : vector<16xf32>
            tpu.vector_store_idx %arg7[%add3A_989], %max3A_994 masked %not3A_968 : memref<20128xf32, #tpu.memory_space<vmem>>[vector<16xi32>], vector<16xf32>, vector<16xi1>
            tpu.vector_store_idx %arg8[%add3A_989], %max3A_1002 masked %not3A_968 : memref<20128xf32, #tpu.memory_space<vmem>>[vector<16xi32>], vector<16xf32>, vector<16xi1>
            tpu.vector_store_idx %arg7[%add3A_990], %max3A_996 masked %not3A_981 : memref<20128xf32, #tpu.memory_space<vmem>>[vector<16xi32>], vector<16xf32>, vector<16xi1>
            tpu.vector_store_idx %arg8[%add3A_990], %max3A_1004 masked %not3A_981 : memref<20128xf32, #tpu.memory_space<vmem>>[vector<16xi32>], vector<16xf32>, vector<16xi1>
            tpu.vector_store_idx %arg7[%add3A_991], %max3A_998 masked %not3A_988 : memref<20128xf32, #tpu.memory_space<vmem>>[vector<16xi32>], vector<16xf32>, vector<16xi1>
            tpu.vector_store_idx %arg8[%add3A_991], %max3A_1006 masked %not3A_988 : memref<20128xf32, #tpu.memory_space<vmem>>[vector<16xi32>], vector<16xf32>, vector<16xi1>
            tpu.vector_store_idx %arg7[%add3A_992], %max3A_1000 : memref<20128xf32, #tpu.memory_space<vmem>>[vector<16xi32>], vector<16xf32>,
            tpu.vector_store_idx %arg8[%add3A_992], %max3A_1008 : memref<20128xf32, #tpu.memory_space<vmem>>[vector<16xi32>], vector<16xf32>,
            %broadcast_in_dim3A_1009 = arith.constant 12 : i32
            %broadcast_in_dim3A_1010 = vector.broadcast %broadcast_in_dim3A_1009 : i32 to vector<16xi32>
            %lt3A_1011 = arith.constant 0 : i32
            %lt3A_1012 = vector.broadcast %lt3A_1011 : i32 to vector<16xi32>
            %lt3A_1013 = arith.cmpi slt, %broadcast_in_dim3A_1010, %lt3A_1012 : vector<16xi32>
            %add3A_1014 = arith.constant 16 : i32
            %add3A_1015 = vector.broadcast %add3A_1014 : i32 to vector<16xi32>
            %add3A_1016 = arith.addi %broadcast_in_dim3A_1010, %add3A_1015 : vector<16xi32>
            %select_n3A_1017 = arith.select %lt3A_1013, %add3A_1016, %broadcast_in_dim3A_1010 : vector<16xi1>, vector<16xi32>
            %broadcast_in_dim3A_1018 = vector.shape_cast %select_n3A_1017 : vector<16xi32> to vector<16x1xi32>
            %gather3A_1019 = vector.shape_cast %broadcast_in_dim3A_1018 : vector<16x1xi32> to vector<16xi32>
            %gather3A_1020 = tpu.dynamic_gather %get3A_535[%gather3A_1019] in [0] : vector<16xi32>, vector<16xi32> -> vector<16xi32>
            %broadcast_in_dim3A_1021 = arith.constant 13 : i32
            %broadcast_in_dim3A_1022 = vector.broadcast %broadcast_in_dim3A_1021 : i32 to vector<16xi32>
            %lt3A_1023 = arith.constant 0 : i32
            %lt3A_1024 = vector.broadcast %lt3A_1023 : i32 to vector<16xi32>
            %lt3A_1025 = arith.cmpi slt, %broadcast_in_dim3A_1022, %lt3A_1024 : vector<16xi32>
            %add3A_1026 = arith.constant 16 : i32
            %add3A_1027 = vector.broadcast %add3A_1026 : i32 to vector<16xi32>
            %add3A_1028 = arith.addi %broadcast_in_dim3A_1022, %add3A_1027 : vector<16xi32>
            %select_n3A_1029 = arith.select %lt3A_1025, %add3A_1028, %broadcast_in_dim3A_1022 : vector<16xi1>, vector<16xi32>
            %broadcast_in_dim3A_1030 = vector.shape_cast %select_n3A_1029 : vector<16xi32> to vector<16x1xi32>
            %gather3A_1031 = vector.shape_cast %broadcast_in_dim3A_1030 : vector<16x1xi32> to vector<16xi32>
            %gather3A_1032 = tpu.dynamic_gather %get3A_535[%gather3A_1031] in [0] : vector<16xi32>, vector<16xi32> -> vector<16xi32>
            %broadcast_in_dim3A_1033 = arith.constant 14 : i32
            %broadcast_in_dim3A_1034 = vector.broadcast %broadcast_in_dim3A_1033 : i32 to vector<16xi32>
            %lt3A_1035 = arith.constant 0 : i32
            %lt3A_1036 = vector.broadcast %lt3A_1035 : i32 to vector<16xi32>
            %lt3A_1037 = arith.cmpi slt, %broadcast_in_dim3A_1034, %lt3A_1036 : vector<16xi32>
            %add3A_1038 = arith.constant 16 : i32
            %add3A_1039 = vector.broadcast %add3A_1038 : i32 to vector<16xi32>
            %add3A_1040 = arith.addi %broadcast_in_dim3A_1034, %add3A_1039 : vector<16xi32>
            %select_n3A_1041 = arith.select %lt3A_1037, %add3A_1040, %broadcast_in_dim3A_1034 : vector<16xi1>, vector<16xi32>
            %broadcast_in_dim3A_1042 = vector.shape_cast %select_n3A_1041 : vector<16xi32> to vector<16x1xi32>
            %gather3A_1043 = vector.shape_cast %broadcast_in_dim3A_1042 : vector<16x1xi32> to vector<16xi32>
            %gather3A_1044 = tpu.dynamic_gather %get3A_535[%gather3A_1043] in [0] : vector<16xi32>, vector<16xi32> -> vector<16xi32>
            %broadcast_in_dim3A_1045 = arith.constant 15 : i32
            %broadcast_in_dim3A_1046 = vector.broadcast %broadcast_in_dim3A_1045 : i32 to vector<16xi32>
            %lt3A_1047 = arith.constant 0 : i32
            %lt3A_1048 = vector.broadcast %lt3A_1047 : i32 to vector<16xi32>
            %lt3A_1049 = arith.cmpi slt, %broadcast_in_dim3A_1046, %lt3A_1048 : vector<16xi32>
            %add3A_1050 = arith.constant 16 : i32
            %add3A_1051 = vector.broadcast %add3A_1050 : i32 to vector<16xi32>
            %add3A_1052 = arith.addi %broadcast_in_dim3A_1046, %add3A_1051 : vector<16xi32>
            %select_n3A_1053 = arith.select %lt3A_1049, %add3A_1052, %broadcast_in_dim3A_1046 : vector<16xi1>, vector<16xi32>
            %broadcast_in_dim3A_1054 = vector.shape_cast %select_n3A_1053 : vector<16xi32> to vector<16x1xi32>
            %gather3A_1055 = vector.shape_cast %broadcast_in_dim3A_1054 : vector<16x1xi32> to vector<16xi32>
            %gather3A_1056 = tpu.dynamic_gather %get3A_535[%gather3A_1055] in [0] : vector<16xi32>, vector<16xi32> -> vector<16xi32>
            %mul3A_1057 = arith.constant 16 : i32
            %mul3A_1058 = arith.muli %scan3A_528, %mul3A_1057 : i32
            %add3A_1059 = arith.constant 12 : i32
            %add3A_1060 = arith.addi %mul3A_1058, %add3A_1059 : i32
            %add3A_1061 = arith.constant 0 : i32
            %add3A_1062 = arith.addi %add3A_1060, %add3A_1061 : i32
            %broadcast_in_dim3A_1063 = vector.broadcast %add3A_1062 : i32 to vector<16xi32>
            %mul3A_1064 = arith.constant 16 : i32
            %mul3A_1065 = arith.muli %scan3A_528, %mul3A_1064 : i32
            %add3A_1066 = arith.constant 12 : i32
            %add3A_1067 = arith.addi %mul3A_1065, %add3A_1066 : i32
            %add3A_1068 = arith.constant 1 : i32
            %add3A_1069 = arith.addi %add3A_1067, %add3A_1068 : i32
            %broadcast_in_dim3A_1070 = vector.broadcast %add3A_1069 : i32 to vector<16xi32>
            %mul3A_1071 = arith.constant 16 : i32
            %mul3A_1072 = arith.muli %scan3A_528, %mul3A_1071 : i32
            %add3A_1073 = arith.constant 12 : i32
            %add3A_1074 = arith.addi %mul3A_1072, %add3A_1073 : i32
            %add3A_1075 = arith.constant 2 : i32
            %add3A_1076 = arith.addi %add3A_1074, %add3A_1075 : i32
            %broadcast_in_dim3A_1077 = vector.broadcast %add3A_1076 : i32 to vector<16xi32>
            %mul3A_1078 = arith.constant 16 : i32
            %mul3A_1079 = arith.muli %scan3A_528, %mul3A_1078 : i32
            %add3A_1080 = arith.constant 12 : i32
            %add3A_1081 = arith.addi %mul3A_1079, %add3A_1080 : i32
            %add3A_1082 = arith.constant 3 : i32
            %add3A_1083 = arith.addi %add3A_1081, %add3A_1082 : i32
            %broadcast_in_dim3A_1084 = vector.broadcast %add3A_1083 : i32 to vector<16xi32>
            %gather3A_1085 = tpu.vector_load_idx %arg17[%broadcast_in_dim3A_1063, %iota3A] : memref<256x32xf32, #tpu.memory_space<vmem>>[vector<16xi32>, vector<16xi32>], vector<16xf32>,
            %gather3A_1086 = tpu.vector_load_idx %arg18[%broadcast_in_dim3A_1063, %iota3A] : memref<256x32xf32, #tpu.memory_space<vmem>>[vector<16xi32>, vector<16xi32>], vector<16xf32>,
            %add3A_1087 = arith.addf %gather3A_1085, %gather3A_1086 : vector<16xf32>
            %gather3A_1088 = tpu.vector_load_idx %arg17[%broadcast_in_dim3A_1070, %iota3A] : memref<256x32xf32, #tpu.memory_space<vmem>>[vector<16xi32>, vector<16xi32>], vector<16xf32>,
            %gather3A_1089 = tpu.vector_load_idx %arg18[%broadcast_in_dim3A_1070, %iota3A] : memref<256x32xf32, #tpu.memory_space<vmem>>[vector<16xi32>, vector<16xi32>], vector<16xf32>,
            %add3A_1090 = arith.addf %gather3A_1088, %gather3A_1089 : vector<16xf32>
            %gather3A_1091 = tpu.vector_load_idx %arg17[%broadcast_in_dim3A_1077, %iota3A] : memref<256x32xf32, #tpu.memory_space<vmem>>[vector<16xi32>, vector<16xi32>], vector<16xf32>,
            %gather3A_1092 = tpu.vector_load_idx %arg18[%broadcast_in_dim3A_1077, %iota3A] : memref<256x32xf32, #tpu.memory_space<vmem>>[vector<16xi32>, vector<16xi32>], vector<16xf32>,
            %add3A_1093 = arith.addf %gather3A_1091, %gather3A_1092 : vector<16xf32>
            %gather3A_1094 = tpu.vector_load_idx %arg17[%broadcast_in_dim3A_1084, %iota3A] : memref<256x32xf32, #tpu.memory_space<vmem>>[vector<16xi32>, vector<16xi32>], vector<16xf32>,
            %gather3A_1095 = tpu.vector_load_idx %arg18[%broadcast_in_dim3A_1084, %iota3A] : memref<256x32xf32, #tpu.memory_space<vmem>>[vector<16xi32>, vector<16xi32>], vector<16xf32>,
            %add3A_1096 = arith.addf %gather3A_1094, %gather3A_1095 : vector<16xf32>
            %gather3A_1097 = tpu.vector_load_idx %arg17[%broadcast_in_dim3A_1063, %add3A_35] : memref<256x32xf32, #tpu.memory_space<vmem>>[vector<16xi32>, vector<16xi32>], vector<16xf32>,
            %gather3A_1098 = tpu.vector_load_idx %arg18[%broadcast_in_dim3A_1063, %add3A_35] : memref<256x32xf32, #tpu.memory_space<vmem>>[vector<16xi32>, vector<16xi32>], vector<16xf32>,
            %add3A_1099 = arith.addf %gather3A_1097, %gather3A_1098 : vector<16xf32>
            %gather3A_1100 = tpu.vector_load_idx %arg17[%broadcast_in_dim3A_1070, %add3A_35] : memref<256x32xf32, #tpu.memory_space<vmem>>[vector<16xi32>, vector<16xi32>], vector<16xf32>,
            %gather3A_1101 = tpu.vector_load_idx %arg18[%broadcast_in_dim3A_1070, %add3A_35] : memref<256x32xf32, #tpu.memory_space<vmem>>[vector<16xi32>, vector<16xi32>], vector<16xf32>,
            %add3A_1102 = arith.addf %gather3A_1100, %gather3A_1101 : vector<16xf32>
            %gather3A_1103 = tpu.vector_load_idx %arg17[%broadcast_in_dim3A_1077, %add3A_35] : memref<256x32xf32, #tpu.memory_space<vmem>>[vector<16xi32>, vector<16xi32>], vector<16xf32>,
            %gather3A_1104 = tpu.vector_load_idx %arg18[%broadcast_in_dim3A_1077, %add3A_35] : memref<256x32xf32, #tpu.memory_space<vmem>>[vector<16xi32>, vector<16xi32>], vector<16xf32>,
            %add3A_1105 = arith.addf %gather3A_1103, %gather3A_1104 : vector<16xf32>
            %gather3A_1106 = tpu.vector_load_idx %arg17[%broadcast_in_dim3A_1084, %add3A_35] : memref<256x32xf32, #tpu.memory_space<vmem>>[vector<16xi32>, vector<16xi32>], vector<16xf32>,
            %gather3A_1107 = tpu.vector_load_idx %arg18[%broadcast_in_dim3A_1084, %add3A_35] : memref<256x32xf32, #tpu.memory_space<vmem>>[vector<16xi32>, vector<16xi32>], vector<16xf32>,
            %add3A_1108 = arith.addf %gather3A_1106, %gather3A_1107 : vector<16xf32>
            %eq3A_1109 = arith.cmpi eq, %gather3A_1020, %gather3A_1032 : vector<16xi32>
            %max3A_1110 = arith.maximumf %add3A_1090, %add3A_1087 : vector<16xf32>
            %select_n3A_1111 = arith.select %eq3A_1109, %max3A_1110, %add3A_1090 : vector<16xi1>, vector<16xf32>
            %max3A_1112 = arith.maximumf %add3A_1102, %add3A_1099 : vector<16xf32>
            %select_n3A_1113 = arith.select %eq3A_1109, %max3A_1112, %add3A_1102 : vector<16xi1>, vector<16xf32>
            %eq3A_1114 = arith.cmpi eq, %gather3A_1020, %gather3A_1044 : vector<16xi32>
            %max3A_1115 = arith.maximumf %add3A_1093, %add3A_1087 : vector<16xf32>
            %select_n3A_1116 = arith.select %eq3A_1114, %max3A_1115, %add3A_1093 : vector<16xi1>, vector<16xf32>
            %max3A_1117 = arith.maximumf %add3A_1105, %add3A_1099 : vector<16xf32>
            %select_n3A_1118 = arith.select %eq3A_1114, %max3A_1117, %add3A_1105 : vector<16xi1>, vector<16xf32>
            %or3A_1119 = arith.ori %eq3A_1109, %eq3A_1114 : vector<16xi1>
            %eq3A_1120 = arith.cmpi eq, %gather3A_1020, %gather3A_1056 : vector<16xi32>
            %max3A_1121 = arith.maximumf %add3A_1096, %add3A_1087 : vector<16xf32>
            %select_n3A_1122 = arith.select %eq3A_1120, %max3A_1121, %add3A_1096 : vector<16xi1>, vector<16xf32>
            %max3A_1123 = arith.maximumf %add3A_1108, %add3A_1099 : vector<16xf32>
            %select_n3A_1124 = arith.select %eq3A_1120, %max3A_1123, %add3A_1108 : vector<16xi1>, vector<16xf32>
            %or3A_1125 = arith.ori %or3A_1119, %eq3A_1120 : vector<16xi1>
            %not3A_1126 = arith.constant dense<true> : vector<16xi1>
            %not3A_1127 = arith.xori %or3A_1125, %not3A_1126 : vector<16xi1>
            %eq3A_1128 = arith.cmpi eq, %gather3A_1032, %gather3A_1044 : vector<16xi32>
            %max3A_1129 = arith.maximumf %select_n3A_1116, %select_n3A_1111 : vector<16xf32>
            %select_n3A_1130 = arith.select %eq3A_1128, %max3A_1129, %select_n3A_1116 : vector<16xi1>, vector<16xf32>
            %max3A_1131 = arith.maximumf %select_n3A_1118, %select_n3A_1113 : vector<16xf32>
            %select_n3A_1132 = arith.select %eq3A_1128, %max3A_1131, %select_n3A_1118 : vector<16xi1>, vector<16xf32>
            %eq3A_1133 = arith.cmpi eq, %gather3A_1032, %gather3A_1056 : vector<16xi32>
            %max3A_1134 = arith.maximumf %select_n3A_1122, %select_n3A_1111 : vector<16xf32>
            %select_n3A_1135 = arith.select %eq3A_1133, %max3A_1134, %select_n3A_1122 : vector<16xi1>, vector<16xf32>
            %max3A_1136 = arith.maximumf %select_n3A_1124, %select_n3A_1113 : vector<16xf32>
            %select_n3A_1137 = arith.select %eq3A_1133, %max3A_1136, %select_n3A_1124 : vector<16xi1>, vector<16xf32>
            %or3A_1138 = arith.ori %eq3A_1128, %eq3A_1133 : vector<16xi1>
            %not3A_1139 = arith.constant dense<true> : vector<16xi1>
            %not3A_1140 = arith.xori %or3A_1138, %not3A_1139 : vector<16xi1>
            %eq3A_1141 = arith.cmpi eq, %gather3A_1044, %gather3A_1056 : vector<16xi32>
            %max3A_1142 = arith.maximumf %select_n3A_1135, %select_n3A_1130 : vector<16xf32>
            %select_n3A_1143 = arith.select %eq3A_1141, %max3A_1142, %select_n3A_1135 : vector<16xi1>, vector<16xf32>
            %max3A_1144 = arith.maximumf %select_n3A_1137, %select_n3A_1132 : vector<16xf32>
            %select_n3A_1145 = arith.select %eq3A_1141, %max3A_1144, %select_n3A_1137 : vector<16xi1>, vector<16xf32>
            %not3A_1146 = arith.constant dense<true> : vector<16xi1>
            %not3A_1147 = arith.xori %eq3A_1141, %not3A_1146 : vector<16xi1>
            %add3A_1148 = arith.addi %gather3A_1020, %iota3A : vector<16xi32>
            %add3A_1149 = arith.addi %gather3A_1032, %iota3A : vector<16xi32>
            %add3A_1150 = arith.addi %gather3A_1044, %iota3A : vector<16xi32>
            %add3A_1151 = arith.addi %gather3A_1056, %iota3A : vector<16xi32>
            %gather3A_1152 = tpu.vector_load_idx %arg7[%add3A_1148] : memref<20128xf32, #tpu.memory_space<vmem>>[vector<16xi32>], vector<16xf32>,
            %max3A_1153 = arith.maximumf %gather3A_1152, %add3A_1087 : vector<16xf32>
            %gather3A_1154 = tpu.vector_load_idx %arg7[%add3A_1149] : memref<20128xf32, #tpu.memory_space<vmem>>[vector<16xi32>], vector<16xf32>,
            %max3A_1155 = arith.maximumf %gather3A_1154, %select_n3A_1111 : vector<16xf32>
            %gather3A_1156 = tpu.vector_load_idx %arg7[%add3A_1150] : memref<20128xf32, #tpu.memory_space<vmem>>[vector<16xi32>], vector<16xf32>,
            %max3A_1157 = arith.maximumf %gather3A_1156, %select_n3A_1130 : vector<16xf32>
            %gather3A_1158 = tpu.vector_load_idx %arg7[%add3A_1151] : memref<20128xf32, #tpu.memory_space<vmem>>[vector<16xi32>], vector<16xf32>,
            %max3A_1159 = arith.maximumf %gather3A_1158, %select_n3A_1143 : vector<16xf32>
            %gather3A_1160 = tpu.vector_load_idx %arg8[%add3A_1148] : memref<20128xf32, #tpu.memory_space<vmem>>[vector<16xi32>], vector<16xf32>,
            %max3A_1161 = arith.maximumf %gather3A_1160, %add3A_1099 : vector<16xf32>
            %gather3A_1162 = tpu.vector_load_idx %arg8[%add3A_1149] : memref<20128xf32, #tpu.memory_space<vmem>>[vector<16xi32>], vector<16xf32>,
            %max3A_1163 = arith.maximumf %gather3A_1162, %select_n3A_1113 : vector<16xf32>
            %gather3A_1164 = tpu.vector_load_idx %arg8[%add3A_1150] : memref<20128xf32, #tpu.memory_space<vmem>>[vector<16xi32>], vector<16xf32>,
            %max3A_1165 = arith.maximumf %gather3A_1164, %select_n3A_1132 : vector<16xf32>
            %gather3A_1166 = tpu.vector_load_idx %arg8[%add3A_1151] : memref<20128xf32, #tpu.memory_space<vmem>>[vector<16xi32>], vector<16xf32>,
            %max3A_1167 = arith.maximumf %gather3A_1166, %select_n3A_1145 : vector<16xf32>
            tpu.vector_store_idx %arg7[%add3A_1148], %max3A_1153 masked %not3A_1127 : memref<20128xf32, #tpu.memory_space<vmem>>[vector<16xi32>], vector<16xf32>, vector<16xi1>
            tpu.vector_store_idx %arg8[%add3A_1148], %max3A_1161 masked %not3A_1127 : memref<20128xf32, #tpu.memory_space<vmem>>[vector<16xi32>], vector<16xf32>, vector<16xi1>
            tpu.vector_store_idx %arg7[%add3A_1149], %max3A_1155 masked %not3A_1140 : memref<20128xf32, #tpu.memory_space<vmem>>[vector<16xi32>], vector<16xf32>, vector<16xi1>
            tpu.vector_store_idx %arg8[%add3A_1149], %max3A_1163 masked %not3A_1140 : memref<20128xf32, #tpu.memory_space<vmem>>[vector<16xi32>], vector<16xf32>, vector<16xi1>
            tpu.vector_store_idx %arg7[%add3A_1150], %max3A_1157 masked %not3A_1147 : memref<20128xf32, #tpu.memory_space<vmem>>[vector<16xi32>], vector<16xf32>, vector<16xi1>
            tpu.vector_store_idx %arg8[%add3A_1150], %max3A_1165 masked %not3A_1147 : memref<20128xf32, #tpu.memory_space<vmem>>[vector<16xi32>], vector<16xf32>, vector<16xi1>
            tpu.vector_store_idx %arg7[%add3A_1151], %max3A_1159 : memref<20128xf32, #tpu.memory_space<vmem>>[vector<16xi32>], vector<16xf32>,
            tpu.vector_store_idx %arg8[%add3A_1151], %max3A_1167 : memref<20128xf32, #tpu.memory_space<vmem>>[vector<16xi32>], vector<16xf32>,
            %scan3A_1168 = arith.constant 0 : i32
            scf.yield %scan3A_1168 : i32
          }
          %scan3A_527 = arith.constant 16 : i32
        } else {
        }
        %while3A_480 = arith.constant 0 : i32
        scf.yield %while3A_480 : i32
      }
      %scan3A_465 = arith.constant 0 : i32
      scf.yield %scan3A_465 : i32
    }
    %scan3A_67 = arith.constant 40 : i32
    %mul3A_68 = arith.constant 2 : i32
    %mul3A_69 = arith.muli %select_n3A_30, %mul3A_68 : i32
    %mul3A_70 = arith.constant 10000 : i32
    %mul3A_71 = arith.muli %mul3A_69, %mul3A_70 : i32
    %add3A_72 = arith.addi %mul3A_71, %mul3A_32 : i32
    %mul3A_73 = arith.constant 16 : i32
    %mul3A_74 = arith.muli %add3A_72, %mul3A_73 : i32
    "tpu.region"() ({
      %run_scoped3A = tpu.sem_alloc : memref<!tpu.dma_semaphore, #tpu.memory_space<semaphore_mem>>
      %dma_start3A_84 = arith.constant 0 : i32
      %dma_start3A_85 = tpu.memref_slice %arg7[%dma_start3A_84] : memref<20128xf32, #tpu.memory_space<vmem>> -> memref<20000xf32, #tpu.memory_space<vmem>>
      %dma_start3A_86 = tpu.memref_slice %arg6[%mul3A_74] : memref<1280000xf32, #tpu.memory_space<hbm>> -> memref<20000xf32, #tpu.memory_space<hbm>>
      %dma_start3A_87 = tpu.memref_slice %arg6[%mul3A_74] : memref<1280000xf32, #tpu.memory_space<hbm>> -> memref<20000xf32, #tpu.memory_space<hbm>>
      %dma_start3A_88 = arith.constant 0 : i32
      %dma_start3A_89 = tpu.memref_slice %arg7[%dma_start3A_88] : memref<20128xf32, #tpu.memory_space<vmem>> -> memref<20000xf32, #tpu.memory_space<vmem>>
      tpu.enqueue_dma source(%dma_start3A_89 : memref<20000xf32, #tpu.memory_space<vmem>>) target(%dma_start3A_87 : memref<20000xf32, #tpu.memory_space<hbm>>) target_semaphore(%run_scoped3A : memref<!tpu.dma_semaphore, #tpu.memory_space<semaphore_mem>>)
      %dma_wait3A = arith.constant 0 : i32
      %dma_wait3A_90 = tpu.memref_slice %arg7[%dma_wait3A] : memref<20128xf32, #tpu.memory_space<vmem>> -> memref<20000xf32, #tpu.memory_space<vmem>>
      %dma_wait3A_91 = tpu.memref_slice %arg6[%mul3A_74] : memref<1280000xf32, #tpu.memory_space<hbm>> -> memref<20000xf32, #tpu.memory_space<hbm>>
      %dma_wait3A_92 = tpu.memref_slice %arg6[%mul3A_74] : memref<1280000xf32, #tpu.memory_space<hbm>> -> memref<20000xf32, #tpu.memory_space<hbm>>
      %dma_wait3A_93 = arith.constant 0 : i32
      %dma_wait3A_94 = tpu.memref_slice %arg7[%dma_wait3A_93] : memref<20128xf32, #tpu.memory_space<vmem>> -> memref<20000xf32, #tpu.memory_space<vmem>>
      tpu.wait_dma2 semaphore(%run_scoped3A : memref<!tpu.dma_semaphore, #tpu.memory_space<semaphore_mem>>) src(%dma_wait3A_94 : memref<20000xf32, #tpu.memory_space<vmem>>) dst(%dma_wait3A_92 : memref<20000xf32, #tpu.memory_space<hbm>>)
      tpu.yield
    }) : () -> ()
    %mul3A_75 = arith.constant 2 : i32
    %mul3A_76 = arith.muli %select_n3A_30, %mul3A_75 : i32
    %add3A_77 = arith.constant 1 : i32
    %add3A_78 = arith.addi %mul3A_76, %add3A_77 : i32
    %mul3A_79 = arith.constant 10000 : i32
    %mul3A_80 = arith.muli %add3A_78, %mul3A_79 : i32
    %add3A_81 = arith.addi %mul3A_80, %mul3A_32 : i32
    %mul3A_82 = arith.constant 16 : i32
    %mul3A_83 = arith.muli %add3A_81, %mul3A_82 : i32
    "tpu.region"() ({
      %run_scoped3A = tpu.sem_alloc : memref<!tpu.dma_semaphore, #tpu.memory_space<semaphore_mem>>
      %dma_start3A_84 = arith.constant 0 : i32
      %dma_start3A_85 = tpu.memref_slice %arg8[%dma_start3A_84] : memref<20128xf32, #tpu.memory_space<vmem>> -> memref<20000xf32, #tpu.memory_space<vmem>>
      %dma_start3A_86 = tpu.memref_slice %arg6[%mul3A_83] : memref<1280000xf32, #tpu.memory_space<hbm>> -> memref<20000xf32, #tpu.memory_space<hbm>>
      %dma_start3A_87 = tpu.memref_slice %arg6[%mul3A_83] : memref<1280000xf32, #tpu.memory_space<hbm>> -> memref<20000xf32, #tpu.memory_space<hbm>>
      %dma_start3A_88 = arith.constant 0 : i32
      %dma_start3A_89 = tpu.memref_slice %arg8[%dma_start3A_88] : memref<20128xf32, #tpu.memory_space<vmem>> -> memref<20000xf32, #tpu.memory_space<vmem>>
      tpu.enqueue_dma source(%dma_start3A_89 : memref<20000xf32, #tpu.memory_space<vmem>>) target(%dma_start3A_87 : memref<20000xf32, #tpu.memory_space<hbm>>) target_semaphore(%run_scoped3A : memref<!tpu.dma_semaphore, #tpu.memory_space<semaphore_mem>>)
      %dma_wait3A = arith.constant 0 : i32
      %dma_wait3A_90 = tpu.memref_slice %arg8[%dma_wait3A] : memref<20128xf32, #tpu.memory_space<vmem>> -> memref<20000xf32, #tpu.memory_space<vmem>>
      %dma_wait3A_91 = tpu.memref_slice %arg6[%mul3A_83] : memref<1280000xf32, #tpu.memory_space<hbm>> -> memref<20000xf32, #tpu.memory_space<hbm>>
      %dma_wait3A_92 = tpu.memref_slice %arg6[%mul3A_83] : memref<1280000xf32, #tpu.memory_space<hbm>> -> memref<20000xf32, #tpu.memory_space<hbm>>
      %dma_wait3A_93 = arith.constant 0 : i32
      %dma_wait3A_94 = tpu.memref_slice %arg8[%dma_wait3A_93] : memref<20128xf32, #tpu.memory_space<vmem>> -> memref<20000xf32, #tpu.memory_space<vmem>>
      tpu.wait_dma2 semaphore(%run_scoped3A : memref<!tpu.dma_semaphore, #tpu.memory_space<semaphore_mem>>) src(%dma_wait3A_94 : memref<20000xf32, #tpu.memory_space<vmem>>) dst(%dma_wait3A_92 : memref<20000xf32, #tpu.memory_space<hbm>>)
      tpu.yield
    }) : () -> ()
    return
  }
}

module attributes {stable_mosaic.version = 14 : i64} {
  func.func @_mm_kernel(%arg0: i32, %arg1: memref<1000x128xf32, #tpu.memory_space<vmem>>, %arg2: memref<128x1024xf32, #tpu.memory_space<vmem>>, %arg3: memref<1000x1024xf32, #tpu.memory_space<vmem>>) attributes {dimension_semantics = [#tpu.dimension_semantics<arbitrary>], iteration_bounds = array<i64: 10>, scalar_prefetch = 0 : i64, scratch_operands = 0 : i64, tpu.core_type = #tpu.core_type<tc>, window_params = [{transform_indices = @transform_0, window_bounds = array<i64: 1000, 128>}, {pipeline_mode = #tpu.pipeline_mode<synchronous>, transform_indices = @transform_1, window_bounds = array<i64: 128, 1024>}, {transform_indices = @transform_2, window_bounds = array<i64: 1000, 1024>}]} {
    %get3A = arith.constant 0 : index
    %get3A_0 = arith.constant 0 : index
    %get3A_1 = vector.load %arg1[%get3A, %get3A_0] : memref<1000x128xf32, #tpu.memory_space<vmem>>, vector<1000x128xf32>
    %get3A_2 = arith.constant 0 : index
    %get3A_3 = arith.constant 0 : index
    %get3A_4 = vector.load %arg2[%get3A_2, %get3A_3] : memref<128x1024xf32, #tpu.memory_space<vmem>>, vector<128x1024xf32>
    %dot_general3A = arith.constant dense<0.000000e+00> : vector<1000x1024xf32>
    %dot_general3A_5 = tpu.matmul %get3A_1, %get3A_4, %dot_general3A {dimension_numbers = #tpu.dot_dimension_numbers<[1], [0], [0], [1], [0, 0, 1, 1], [], []>, transpose_lhs_hint = false} : vector<1000x128xf32>, vector<128x1024xf32>, vector<1000x1024xf32> -> vector<1000x1024xf32>
    %swap3A = arith.constant 0 : index
    %swap3A_6 = arith.constant 0 : index
    %swap3A_7 = vector.load %arg3[%swap3A, %swap3A_6] : memref<1000x1024xf32, #tpu.memory_space<vmem>>, vector<1000x1024xf32>
    tpu.vector_store %arg3[%swap3A, %swap3A_6], %dot_general3A_5 {strides = array<i32>} : memref<1000x1024xf32, #tpu.memory_space<vmem>>, vector<1000x1024xf32>,
    return
  }
  func.func @transform_0(%arg0: i32) -> (i32, i32) {
    %c0_i32 = arith.constant 0 : i32
    %c0_i32_0 = arith.constant 0 : i32
    return %arg0, %c0_i32 : i32, i32
  }
  func.func @transform_1(%arg0: i32) -> (i32, i32) {
    %c0_i32 = arith.constant 0 : i32
    %c0_i32_0 = arith.constant 0 : i32
    %c0_i32_1 = arith.constant 0 : i32
    return %c0_i32, %c0_i32_0 : i32, i32
  }
  func.func @transform_2(%arg0: i32) -> (i32, i32) {
    %c0_i32 = arith.constant 0 : i32
    %c0_i32_0 = arith.constant 0 : i32
    return %arg0, %c0_i32 : i32, i32
  }
}

module attributes {stable_mosaic.version = 14 : i64} {
  func.func @_mlp_kernel(%arg0: i32, %arg1: memref<1000x128xf32, #tpu.memory_space<vmem>>, %arg2: memref<128x256xf32, #tpu.memory_space<vmem>>, %arg3: memref<256x128xf32, #tpu.memory_space<vmem>>, %arg4: memref<1000x128xf32, #tpu.memory_space<vmem>>) attributes {dimension_semantics = [#tpu.dimension_semantics<arbitrary>], iteration_bounds = array<i64: 10>, scalar_prefetch = 0 : i64, scratch_operands = 0 : i64, tpu.core_type = #tpu.core_type<tc>, window_params = [{transform_indices = @transform_0, window_bounds = array<i64: 1000, 128>}, {pipeline_mode = #tpu.pipeline_mode<synchronous>, transform_indices = @transform_1, window_bounds = array<i64: 128, 256>}, {pipeline_mode = #tpu.pipeline_mode<synchronous>, transform_indices = @transform_2, window_bounds = array<i64: 256, 128>}, {transform_indices = @transform_3, window_bounds = array<i64: 1000, 128>}]} {
    %get3A = arith.constant 0 : index
    %get3A_0 = arith.constant 0 : index
    %get3A_1 = vector.load %arg1[%get3A, %get3A_0] : memref<1000x128xf32, #tpu.memory_space<vmem>>, vector<1000x128xf32>
    %get3A_2 = arith.constant 0 : index
    %get3A_3 = arith.constant 0 : index
    %get3A_4 = vector.load %arg2[%get3A_2, %get3A_3] : memref<128x256xf32, #tpu.memory_space<vmem>>, vector<128x256xf32>
    %dot_general3A = arith.constant dense<0.000000e+00> : vector<1000x256xf32>
    %dot_general3A_5 = tpu.matmul %get3A_1, %get3A_4, %dot_general3A {dimension_numbers = #tpu.dot_dimension_numbers<[1], [0], [0], [1], [0, 0, 1, 1], [], []>, transpose_lhs_hint = false} : vector<1000x128xf32>, vector<128x256xf32>, vector<1000x256xf32> -> vector<1000x256xf32>
    %max3A = arith.constant 0.000000e+00 : f32
    %max3A_6 = vector.broadcast %max3A : f32 to vector<1000x256xf32>
    %max3A_7 = arith.maximumf %dot_general3A_5, %max3A_6 : vector<1000x256xf32>
    %get3A_8 = arith.constant 0 : index
    %get3A_9 = arith.constant 0 : index
    %get3A_10 = vector.load %arg3[%get3A_8, %get3A_9] : memref<256x128xf32, #tpu.memory_space<vmem>>, vector<256x128xf32>
    %dot_general3A_11 = arith.constant dense<0.000000e+00> : vector<1000x128xf32>
    %dot_general3A_12 = tpu.matmul %max3A_7, %get3A_10, %dot_general3A_11 {dimension_numbers = #tpu.dot_dimension_numbers<[1], [0], [0], [1], [0, 0, 1, 1], [], []>, transpose_lhs_hint = false} : vector<1000x256xf32>, vector<256x128xf32>, vector<1000x128xf32> -> vector<1000x128xf32>
    %add3A = arith.addf %dot_general3A_12, %get3A_1 : vector<1000x128xf32>
    %swap3A = arith.constant 0 : index
    %swap3A_13 = arith.constant 0 : index
    %swap3A_14 = vector.load %arg4[%swap3A, %swap3A_13] : memref<1000x128xf32, #tpu.memory_space<vmem>>, vector<1000x128xf32>
    tpu.vector_store %arg4[%swap3A, %swap3A_13], %add3A {strides = array<i32>} : memref<1000x128xf32, #tpu.memory_space<vmem>>, vector<1000x128xf32>,
    return
  }
  func.func @transform_0(%arg0: i32) -> (i32, i32) {
    %c0_i32 = arith.constant 0 : i32
    %c0_i32_0 = arith.constant 0 : i32
    return %arg0, %c0_i32 : i32, i32
  }
  func.func @transform_1(%arg0: i32) -> (i32, i32) {
    %c0_i32 = arith.constant 0 : i32
    %c0_i32_0 = arith.constant 0 : i32
    %c0_i32_1 = arith.constant 0 : i32
    return %c0_i32, %c0_i32_0 : i32, i32
  }
  func.func @transform_2(%arg0: i32) -> (i32, i32) {
    %c0_i32 = arith.constant 0 : i32
    %c0_i32_0 = arith.constant 0 : i32
    %c0_i32_1 = arith.constant 0 : i32
    return %c0_i32, %c0_i32_0 : i32, i32
  }
  func.func @transform_3(%arg0: i32) -> (i32, i32) {
    %c0_i32 = arith.constant 0 : i32
    %c0_i32_0 = arith.constant 0 : i32
    return %arg0, %c0_i32 : i32, i32
  }
}

</mosaic_0001>

<sc_bundles>
// kernel: kernel.6.cloned.1.call-start
scs
__scs_entry_jumppad:
0x0: {  	(pc) =	sbr.rel $0x88, $3  }
0x1: {  	(tag) =	ssettag $0x0;
	lr =	simm.s32 $0x1  }
0x2: {  	[smem:$0x3F99] =	sst lr;
	_ =	strace $0xD0000000  }
0x3: {  	_ = 	snop  }
0x4: {  	_ = 	snop  }
0x5: {  	_ = 	snop  }
0x6: {  	_ = 	snop  }
0x7: {  	_ = 	snop  }
__scs_overlays_trampoline_lowered:
0x8: {  	[smem:$0x3FA8] =	sst s0  }
0x9: {  	[smem:$0x3FA9] =	sst s1  }
0xa: {  	[smem:$0x3FAA] =	sst s2  }
0xb: {  	[smem:$0x3FAB] =	sst s3  }
0xc: {  	[smem:$0x3FAC] =	sst s4  }
0xd: {  	[smem:$0x3FAD] =	sst s5  }
0xe: {  	[smem:$0x3FAE] =	sst s6  }
0xf: {  	[smem:$0x3FAF] =	sst s7  }
0x10: {  	[smem:$0x3FB0] =	sst s8  }
0x11: {  	[smem:$0x3FB1] =	sst s9;
	s0 =	simm.s32 @!p0 $0x0  }
0x12: {  	s1 =	sld [smem:$0x3F97];
	s0 =	simm.s32 @p0 $0x1  }
0x13: {  	[smem:$0x3FB2] =	sst s0;
	s0 =	simm.s32 @!p1 $0x0  }
0x14: {  	s2 =	sld [smem:$0x3F96];
	s0 =	simm.s32 @p1 $0x1  }
0x15: {  	[smem:$0x3FB3] =	sst s0;
	s0 =	simm.s32 @!p2 $0x0  }
0x16: {  	s3 =	sld [smem:$0x3FDB];
	s0 =	simm.s32 @p2 $0x1  }
0x17: {  	s4 =	simm.s32 $0x1BF5;
	[smem:$0x3FB5] =	sst s0  }
0x18: {  	s0 =	sld [smem:$0x3F98];
	_ =	swait.ge [sflag:s4], $0x0  }
0x19: {  	s7 =	sld [smem:$0x3F99]  }
0x1a: {  	s8 =	sadd.s32 $0xFFFFE003, lr  }
0x1b: {  	s9 =	sadd.s32 $0xFFFFFEF7, lr;
	s5 =	simm.s32 $0xFFFFFFFF;
	p2 =	slt.u32 s8, $0xFFFFF086  }
0x1c: {  	p1 =	slt.u32 s9, $0xF7A;
	s5 =	simm.s32 @!p2 $0x0  }
0x1d: {  	s5 =	simm.s32 @p1 $0x1;
	p0 =	seq.s32 s7, s2  }
0x1e: {  	s7 =	smul.u32 @!p0 $0xF7A, s2;
	p2 =	seq.s32 @!p0 s5, $0x0  }
0x1f: {  	s9 =	smul.u32 $0xF7A, s1;
	s8 =	simm.s32 @!p0 $0x1BF5;
	p2 =	por !p2, p0  }
0x20: {  	[sflag:s8] =	ssyncset.s32 @!p0 $0xFFFFF086;
	s6 =	sadd.s32 @!p0 s3, s7;
	s7 =	simm.s32 @!p0 $0x108  }
0x21: {  	s3 =	sadd.s32 s3, s9;
	s6 =	sadd.s32 @!p0 $0x88, s6;
	s7 =	simm.s32 @p2 $0x1082  }
0x22: {  	[simem:s7], [sflag:s8] =	dma.local @!p0 [hbm:s6], $0xF7A  }
0x23: {  	s9 =	sor.u32 $0xD0000000, s2;
	s6 =	simm.s32 $0x108;
	_ =	swait.ge @!p0 [sflag:s8], $0x0  }
0x24: {  	s3 =	sadd.s32 $0x88, s3;
	s6 =	simm.s32 @!p1 $0x1082;
	[sflag:s4] =	ssyncset.s32 $0xFFFFF086  }
0x25: {  	[simem:s6], [sflag:s4] =	dma.local [hbm:s3], $0xF7A  }
0x26: {  	[smem:$0x3F99] =	sst s1;
	(tag) =	ssettag s2;
	_ =	strace s9  }
0x27: {  	s1 =	sld [smem:$0x3FA9]  }
0x28: {  	s2 =	sld [smem:$0x3FAA]  }
0x29: {  	s4 =	sld [smem:$0x3FAC]  }
0x2a: {  	p0 =	seq.s32 s5, $0x0;
	s5 =	sld [smem:$0x3FAD]  }
0x2b: {  	s6 =	sld [smem:$0x3FAE]  }
0x2c: {  	s7 =	sld [smem:$0x3FAF]  }
0x2d: {  	s3 =	simm.s32 $0x108;
	s8 =	sld [smem:$0x3FB0]  }
0x2e: {  	s3 =	simm.s32 @!p0 $0x1082;
	s9 =	sld [smem:$0x3FB1]  }
0x2f: {  	lr =	sadd.s32 s0, s3;
	s0 =	sld [smem:$0x3FA8]  }
0x30: {  	s3 =	sld [smem:$0x3FAB]  }
0x31: {  	[smem:$0x3FB4] =	sst s10  }
0x32: {  	s10 =	sld [smem:$0x3FB2];
	_ =	sdelay $0x3  }
0x33: {  	p0 =	seq.s32 s10, $0x1;
	s10 =	sld [smem:$0x3FB4];
	_ =	sdelay $0x3  }
0x34: {  	[smem:$0x3FB4] =	sst s10  }
0x35: {  	s10 =	sld [smem:$0x3FB3];
	_ =	sdelay $0x3  }
0x36: {  	p1 =	seq.s32 s10, $0x1;
	s10 =	sld [smem:$0x3FB4];
	_ =	sdelay $0x3  }
0x37: {  	[smem:$0x3FB4] =	sst s10  }
0x38: {  	s10 =	sld [smem:$0x3FB5]  }
0x39: {  	_ = 	snop;
	(pc) =	sbr.ind lr, $3  }
0x3a: {  	_ = 	snop  }
0x3b: {  	_ = 	snop  }
0x3c: {  	p2 =	seq.s32 s10, $0x1;
	s10 =	sld [smem:$0x3FB4]  }
0x3d: {  	_ =	shalt  }
0x3e: {  	_ =	shalt  }
0x3f: {  	_ =	shalt  }
0x40: {  	_ =	shalt  }
0x41: {  	_ =	shalt  }
0x42: {  	_ =	shalt  }
0x43: {  	_ =	shalt  }
0x44: {  	_ =	shalt  }
0x45: {  	_ =	shalt  }
0x46: {  	_ =	shalt  }
0x47: {  	_ =	shalt  }
0x48: {  	_ =	shalt  }
0x49: {  	_ =	shalt  }
0x4a: {  	_ =	shalt  }
0x4b: {  	_ =	shalt  }
0x4c: {  	_ =	shalt  }
0x4d: {  	_ =	shalt  }
0x4e: {  	_ =	shalt  }
0x4f: {  	_ =	shalt  }
0x50: {  	_ =	shalt  }
0x51: {  	_ =	shalt  }
0x52: {  	_ =	shalt  }
0x53: {  	_ =	shalt  }
0x54: {  	_ =	shalt  }
0x55: {  	_ =	shalt  }
0x56: {  	_ =	shalt  }
0x57: {  	_ =	shalt  }
0x58: {  	_ =	shalt  }
0x59: {  	_ =	shalt  }
0x5a: {  	_ =	shalt  }
0x5b: {  	_ =	shalt  }
0x5c: {  	_ =	shalt  }
0x5d: {  	_ =	shalt  }
0x5e: {  	_ =	shalt  }
0x5f: {  	_ =	shalt  }
0x60: {  	_ =	shalt  }
0x61: {  	_ =	shalt  }
0x62: {  	_ =	shalt  }
0x63: {  	_ =	shalt  }
0x64: {  	_ =	shalt  }
0x65: {  	_ =	shalt  }
0x66: {  	_ =	shalt  }
0x67: {  	_ =	shalt  }
0x68: {  	_ =	shalt  }
0x69: {  	_ =	shalt  }
0x6a: {  	_ =	shalt  }
0x6b: {  	_ =	shalt  }
0x6c: {  	_ =	shalt  }
0x6d: {  	_ =	shalt  }
0x6e: {  	_ =	shalt  }
0x6f: {  	_ =	shalt  }
0x70: {  	_ =	shalt  }
0x71: {  	_ =	shalt  }
0x72: {  	_ =	shalt  }
0x73: {  	_ =	shalt  }
0x74: {  	_ =	shalt  }
0x75: {  	_ =	shalt  }
0x76: {  	_ =	shalt  }
0x77: {  	_ =	shalt  }
0x78: {  	_ =	shalt  }
0x79: {  	_ =	shalt  }
0x7a: {  	_ =	shalt  }
0x7b: {  	_ =	shalt  }
0x7c: {  	_ =	shalt  }
0x7d: {  	_ =	shalt  }
0x7e: {  	_ =	shalt  }
0x7f: {  	_ =	shalt  }
0x80: {  	_ =	shalt  }
0x81: {  	_ =	shalt  }
0x82: {  	_ =	shalt  }
0x83: {  	_ =	shalt  }
0x84: {  	_ =	shalt  }
0x85: {  	_ =	shalt  }
0x86: {  	_ =	shalt  }
0x87: {  	_ =	shalt  }
.Lfunc_end0:
.L_simem_size_0:
called_computation.1_lowered:
.L_overlay_start_0:
0x88: {  	s2 =	sld [smem:$0x3FD9]  }
0x89: {  	s3 =	sld [smem:$0x3FFE];
	_ =	sdelay $0x1  }
0x8a: {  	s1 =	srdreg.scid  }
0x8b: {  	s0 =	sand.u32 $0x1, s1  }
0x8c: {  	s17 =	sshll.u32 s0, $0xA;
	s2 =	sadd.s32 s3, s2  }
0x8d: {  	s2 =	sadd.s32 s2, s17  }
0x8e: {  	[smem:$0x3FC0] =	sst s2  }
0x8f: {  	_ = 	snop  }
0x90: {  	s18 =	sld [smem:$0x3FD0];
	(tm) =	ssettm $0x1  }
0x91: {  	s19 =	sld [smem:$0x3FFB];
	_ =	sdelay $0x3  }
0x92: {  	_ =	strace s19  }
0x93: {  	s2 =	sld [smem:$0x3FFC];
	_ =	sdelay $0x3  }
0x94: {  	_ =	strace s2  }
0x95: {  	s2 =	sld [smem:$0x3FFD];
	_ =	sdelay $0x3  }
0x96: {  	_ =	strace s2  }
0x97: {  	_ =	strace $0x8FFFFFFF  }
0x98: {  	s20 =	sld [smem:$0x3FDB];
	_ =	sdelay $0x1  }
0x99: {  	s4 =	simm.s32 $_scs_section_size  }
0x9a: {  	s5 =	simm.s32 $_size__tile_overlayer_lowered;
	s6 =	simm.s32 $_tile_overlayer_lowered  }
0x9b: {  	s7 =	simm.s32 $0x1BFF;
	s21 =	sshll.u32 s6, $0x1;
	s4 =	sadd.s32 s4, s20  }
0x9c: {  	s22 =	simm.s32 $0x0;
	s5 =	sshll.u32 s5, $0x1;
	s6 =	sadd.s32 s21, s4  }
0x9d: {  	[timem:s22], [sflag:s7] =	dma.local [hbm:s6], s5  }
0x9e: {  	_ =	swait.ge [sflag:s7], s5  }
0x9f: {  	s5 =	ssub.s32 $0x0, s5;
	[sflag:s7] =	ssyncset.done $0x0  }
0xa0: {  	[sflag:s7] =	ssyncadd.s32 s5;
	_ =	sdelay $0x1  }
0xa1: {  	s23 =	simm.s32 $0x1B8B  }
0xa2: {  	_ =	swait.ge [sflag:s23], $0x1  }
0xa3: {  	[sflag:s23] =	ssyncset.done $0x0  }
0xa4: {  	[sflag:s23] =	ssyncadd.s32 $0xFFFFFFFF  }
0xa5: {  	s5 =	sld [smem:$0x0]  }
0xa6: {  	s6 =	sand.u32 $0xFFFFFFFE, s1  }
0xa7: {  	p0 =	sne.s32 s1, s6  }
0xa8: {  	s6 =	sshll.u32 @p0 s6, $0xE  }
0xa9: {  	s6 =	sadd.s32 @p0 $0x11B8D, s6;
	s7 =	sshll.u32 @p0 s5, $0x11  }
0xaa: {  	s6 =	sor.u32 @p0 s7, s6  }
0xab: {  	[sflag:s6] =	ssyncadd.remote.s32 @p0 $0x1;
	_ =	sdelay $0x1  }
0xac: {  	s6 =	simm.s32 @p0 $0x1B8D  }
0xad: {  	_ =	swait.eq @p0 [sflag:s6], $0x1  }
0xae: {  	[sflag:s6] =	ssyncadd.s32 @p0 $0xFFFFFFFF  }
0xaf: {  	s7 =	sshll.u32 @!p0 s1, $0xE  }
0xb0: {  	s7 =	sor.u32 @!p0 $0x4000, s7;
	s6 =	simm.s32 @!p0 $0x1B8D  }
0xb1: {  	s5 =	sshll.u32 @!p0 s5, $0x11;
	s7 =	sadd.s32 @!p0 $0x11B8D, s7;
	_ =	swait.eq @!p0 [sflag:s6], $0x1  }
0xb2: {  	s5 =	sor.u32 @!p0 s5, s7;
	[sflag:s6] =	ssyncadd.s32 @!p0 $0xFFFFFFFF  }
0xb3: {  	s25 =	simm.s32 $0x1B8E;
	s24 =	sld [smem:$0x3FFE];
	[sflag:s5] =	ssyncadd.remote.s32 @!p0 $0x1  }
0xb4: {  	s26 =	simm.s32 $execute0_lowered;
	[smem:$0x3FD2] =	sst s25  }
0xb5: {  	s6 =	sshll.u32 s26, $0x1;
	_ =	strace $0x80000049;
	[dreg:$0x1] =	wrdreg $0xFFFFFFFF  }
0xb6: {  	s28 =	simm.s32 $_size_execute0_lowered;
	s4 =	sadd.s32 s4, s6;
	[dreg:$0x0] =	wrdreg $0x0  }
0xb7: {  	s6 =	sshll.u32 s28, $0x1;
	[dreg:$0x2] =	wrdreg s4  }
0xb8: {  	[dreg:$0x3] =	wrdreg s6  }
0xb9: {  	[dreg:$0x4] =	wrdreg $0xC0  }
0xba: {  	_ =	task [dreg:s22], $0x5FFFF  }
0xbb: {  	[dreg:$0x1] =	wrdreg $0xFFFFFFFF  }
0xbc: {  	[dreg:$0x0] =	wrdreg $0x60  }
0xbd: {  	[dreg:$0x2] =	wrdreg s24  }
0xbe: {  	[dreg:$0x3] =	wrdreg s18  }
0xbf: {  	[dreg:$0x4] =	wrdreg $0xA  }
0xc0: {  	_ =	task.clear_ibuf [dreg:s22], $0x5FFFF;
	_ =	strace $0x90000049  }
0xc1: {  	s29 =	simm.s32 $0xA;
	_ =	strace $0x8000004B  }
0xc2: {  	_ =	swait.ge [sflag:s29], $0x1  }
0xc3: {  	[sflag:s29] =	ssyncadd.s32 $0xFFFFFFFF  }
0xc4: {  	_ =	strace $0x9000004B  }
0xc5: {  	_ =	sfence  }
0xc6: {  	s30 =	sld [smem:$0x0];
	_ =	sdelay $0x2  }
0xc7: {  	s31 =	sshll.u32 s1, $0xD;
	s1 =	sshrl.u32 s1, $0x2  }
0xc8: {  	s4 =	sand.u32 $0x4000, s31;
	s1 =	sadd.s32 s1, s30  }
0xc9: {  	s0 =	sor.u32 s4, s0;
	s1 =	sshll.u32 s1, $0x11  }
0xca: {  	s0 =	sor.u32 s1, s0  }
0xcb: {  	s0 =	sadd.s32 $0x8F2B, s0  }
0xcc: {  	[sflag:s0] =	ssyncadd.remote.s32 $0x1  }
0xcd: {  	_ =	sfence.sel $0xFFFF  }
0xce: {  	[dreg:$0x0] =	wrdreg $0xFFFFFFFF;
	(pc) =	sbr.abs _section_cstart, $3  }
0xcf: {  	[dreg:$0x1] =	wrdreg $0xFFFFFFFF  }
0xd0: {  	_ =	task.clear_ibuf [dreg:s22], $0x2FFFF;
	_ =	strace $0x9FFFFFFF  }
0xd1: {  	(tm) =	ssettm $0x7FFFFFFF  }
tec
execute0_lowered:
.L_overlay_start_1:
0x0: {  	(tag) =	ssettag $0x1  }
0x1: {  	s8 =	rddreg [dreg:$0x0]  }
0x2: {  	s1 =	rddreg [dreg:$0x1]  }
0x3: {  	s0 =	rddreg [dreg:$0x2];
	s2 =	simm.s32 $0x0  }
0x4: {  	s5 =	srdreg.scid;
	s13 =	simm.s32 $0x4F00;
	s14 =	simm.s32 $0x5F00  }
0x5: {  	v0 =	vimm.s32 $0x0;
	v1 =	vimm.s32 $0x2;
	s15 =	simm.s32 $0x6700;
	s16 =	simm.s32 $0x6F00;
	[smem:$0x7FF] =	sst s2  }
0x6: {  	v2 =	vimm.s32 $0x4;
	v3 =	vimm.s32 $0x6;
	v4 =	vimm.s32 $0x8;
	s17 =	simm.s32 $0x0;
	s3 =	sadd.s32 $0x273200, s8;
	s4 =	sadd.s32 $0x273C00, s8  }
0x7: {  	v5 =	vimm.s32 $0xA;
	v6 =	vimm.s32 $0xC;
	v7 =	vimm.s32 $0xE;
	s9 =	sand.u32 $0x1, s5;
	s6 =	sadd.s32 $0x273E00, s8;
	s5 =	stileid.u32  }
0x8: {  	v8 =	vimm.s32 $0x1;
	v9 =	vimm.s32 $0x3;
	v12 =	vlaneseq.u32;
	s7 =	sadd.s32 $0x27DC00, s8;
	s8 =	sadd.s32 $0x287A00, s8;
	s10 =	ssub.s32 $0x2, s9  }
0x9: {  	v10 =	vimm.s32 $0x5;
	v11 =	vimm.s32 $0x7;
	v12 =	vmul.u32 $0x2, v12;
	_ =	strace $0x8000004A;
	s12 =	sshll.u32 s5, $0x1;
	s11 =	sshrl.u32 s10, $0x1  }
0xa: {  	v13 =	vimm.s32 $0x9;
	v14 =	vimm.s32 $0xB;
	v15 =	vimm.s32 $0xD;
	s9 =	sor.u32 s9, s12;
	s12 =	simm.s32 $0x4E80;
	s10 =	ssub.s32 s10, s11  }
0xb: {  	v16 =	vimm.s32 $0xF;
	v18 =	vimm.s32 $0x20;
	v17 =	vor.u32 $0x1, v12;
	s9 =	smul.u32 $0x2710, s9;
	s11 =	simm.s32 $0x1;
	s10 =	smax.u32 s10, $0x1  }
.LBB2_1:
0xc: {  	[tilespmem:s2], [sflag:$0x1] =	stream.linear.gather [hbm4b:s3+s2], $0x4E80, $0x38;
	[tilespmem:$0x7700] =	vst v63  }
0xd: {  	_ =	swait.ge [sflag:s11], $0x4E80  }
0xe: {  	[sflag:s11] =	ssyncset.done $0x0  }
0xf: {  	[sflag:s11] =	ssyncadd.s32 $0xFFFFB180  }
0x10: {  	[tilespmem:s12], [sflag:$0x1] =	stream.linear.gather [hbm4b:s4+s2], $0x80, $0x38;
	[tilespmem:$0x7700] =	vst v63  }
0x11: {  	_ =	swait.ge [sflag:s11], $0x80  }
0x12: {  	[sflag:s11] =	ssyncset.done $0x0  }
0x13: {  	[sflag:s11] =	ssyncadd.s32 $0xFFFFFF80  }
0x14: {  	v34 =	vld [tilespmem:$0x4E80];
	_ =	sdelay $0x4  }
0x15: {  	v19 =	vperm.xlane v34, v0;
	v20 =	vperm.xlane v34, v1  }
0x16: {  	v21 =	vperm.xlane v34, v2;
	v22 =	vperm.xlane v34, v3  }
0x17: {  	v23 =	vperm.xlane v34, v4;
	v24 =	vperm.xlane v34, v5  }
0x18: {  	v42 =	vld [tilespmem:$0x4E90];
	v25 =	vperm.xlane v34, v6;
	v26 =	vperm.xlane v34, v7  }
0x19: {  	v27 =	vperm.xlane v34, v8;
	v28 =	vperm.xlane v34, v9  }
0x1a: {  	v29 =	vperm.xlane v34, v10;
	v30 =	vperm.xlane v34, v11  }
0x1b: {  	v31 =	vperm.xlane v34, v13;
	v32 =	vperm.xlane v34, v14  }
0x1c: {  	v33 =	vperm.xlane v34, v15;
	v34 =	vperm.xlane v34, v16  }
0x1d: {  	v35 =	vperm.xlane v42, v0;
	v36 =	vperm.xlane v42, v8  }
0x1e: {  	v37 =	vperm.xlane v42, v1;
	v38 =	vperm.xlane v42, v9  }
0x1f: {  	v39 =	vperm.xlane v42, v2;
	v40 =	vperm.xlane v42, v10  }
0x20: {  	s18 =	simm.s32 $0x0;
	v41 =	vperm.xlane v42, v3;
	v42 =	vperm.xlane v42, v11  }
.LBB2_2:
0x21: {  	s19 =	smul.u32 $0x7D0, s18;
	_ =	sdelay $0x1  }
0x22: {  	s19 =	sadd.s32 s9, s19  }
0x23: {  	s21 =	simm.s32 $0x0;
	s20 =	sshrl.u32 s19, $0x2  }
0x24: {  	v43 =	vor.u32 s21, v17;
	s20 =	sadd.s32 s1, s20  }
0x25: {  	v44 =	vor.u32 s21, v12;
	[tilespmem:s13], [sflag:$0x1] =	stream.linear.gather [hbm4b:s20+s21], $0xFA0, $0x38;
	[tilespmem:$0x7700] =	vst v63  }
0x26: {  	_ =	swait.ge [sflag:s11], $0xFA0  }
0x27: {  	[sflag:s11] =	ssyncset.done $0x0  }
0x28: {  	[sflag:s11] =	ssyncadd.s32 $0xFFFFF060  }
0x29: {  	v43 =	vld.idx.msk [tilespmem:v43+s13+$0x0], $0xffff  }
0x2a: {  	v47 =	vld.idx.msk [tilespmem:v44+s13+$0x0], $0xffff;
	_ =	sdelay $0x3  }
0x2b: {  	v54 =	vshll.u32 v43, $0x1  }
0x2c: {  	v45 =	vshll.u32 v47, $0x1  }
0x2d: {  	v46 =	vor.u32 $0x1, v45  }
0x2e: {  	v48 =	vor.u32 $0x1, v54;
	_ =	sdelay $0x1  }
0x2f: {  	v44 =	vld.idx.msk [tilespmem:v54+s2+$0x0], $0xffff  }
0x30: {  	v45 =	vld.idx.msk [tilespmem:v45+s2+$0x0], $0xffff  }
0x31: {  	v46 =	vld.idx.msk [tilespmem:v46+s2+$0x0], $0xffff  }
0x32: {  	v48 =	vld.idx.msk [tilespmem:v48+s2+$0x0], $0xffff;
	_ =	sdelay $0x2  }
0x33: {  	v44 =	vsub.f32 v44, v45;
	_ =	sdelay $0x1  }
0x34: {  	v46 =	vsub.f32 v48, v46;
	v45 =	vshrl.u32 v44, $0x10  }
0x35: {  	v45 =	vand.u32 $0x1, v45  }
0x36: {  	v55 =	vshrl.u32 v46, $0x10;
	v44 =	vadd.s32 v45, v44  }
0x37: {  	v45 =	vand.u32 $0x1, v55;
	v44 =	vadd.s32 $0x7FFF, v44  }
0x38: {  	v56 =	vadd.s32 v45, v46;
	v48 =	vand.u32 $0xFFFF0000, v44  }
0x39: {  	v44 =	vadd.s32 $0x7FFF, v56;
	v51 =	vmul.f32 v48, v23;
	v54 =	vmul.f32 v48, v24  }
0x3a: {  	v49 =	vand.u32 $0xFFFF0000, v44;
	v57 =	vmul.f32 v48, v19;
	v58 =	vmul.f32 v48, v20  }
0x3b: {  	v59 =	vmul.f32 v49, v27;
	v50 =	vmul.f32 v49, v28  }
0x3c: {  	v52 =	vmul.f32 v48, v21;
	v53 =	vmul.f32 v49, v29  }
0x3d: {  	v62 =	vmul.f32 v48, v22;
	v44 =	vadd.f32 v59, v57;
	v45 =	vadd.f32 v50, v58  }
0x3e: {  	v60 =	vmul.f32 v49, v30;
	v63 =	vmul.f32 v49, v31;
	v61 =	vadd.f32 v53, v52  }
0x3f: {  	s23 =	simm.s32 $0x6F00;
	v55 =	vmul.f32 v49, v32;
	v44 =	vadd.f32 v44, v35;
	v45 =	vadd.f32 v45, v36  }
0x40: {  	s24 =	simm.s32 $0x20;
	s29 =	simm.s32 $0x40;
	s20 =	simm.s32 $0x5F00;
	v52 =	vadd.f32 v60, v62;
	v50 =	vmul.f32 v49, v33;
	v53 =	vadd.f32 v63, v51  }
0x41: {  	s22 =	simm.s32 $0x6F10;
	s25 =	simm.s32 $0x6700;
	s21 =	simm.s32 $0x6700;
	[tilespmem:s20+$0x0] =	vst v47;
	v51 =	vadd.f32 v55, v54;
	v46 =	vadd.f32 v61, v37;
	v54 =	vmax.f32 v44, v45  }
.LBB2_3:
0x42: {  	s20 =	sadd.s32 $0x10, s20  }
0x43: {  	v47 =	vor.u32 s24, v17;
	v55 =	vmul.f32 v48, v25;
	v49 =	vmul.f32 v49, v34;
	s21 =	sadd.s32 $0x10, s21;
	s28 =	smov.u32 s29;
	s26 =	sadd.s32 $0x20, s29  }
0x44: {  	p0 =	sne.s32 s29, $0xF80;
	v52 =	vadd.f32 v52, v38;
	v48 =	vmul.f32 v48, v26  }
0x45: {  	v54 =	vmax.f32 v54, v46;
	v53 =	vadd.f32 v53, v39;
	v50 =	vadd.f32 v50, v55  }
0x46: {  	v51 =	vadd.f32 v51, v40;
	v48 =	vadd.f32 v49, v48;
	v49 =	vmax.f32 v54, v52  }
0x47: {  	v49 =	vmax.f32 v49, v53;
	v50 =	vadd.f32 v50, v41  }
0x48: {  	v48 =	vadd.f32 v48, v42;
	v49 =	vmax.f32 v49, v51  }
0x49: {  	v49 =	vmax.f32 v49, v50  }
0x4a: {  	v49 =	vmax.f32 v49, v48  }
0x4b: {  	vm0 =	vne.f32 v44, v49;
	vm1 =	veq.f32 v52, v49;
	vm2 =	veq.f32 v48, v49  }
0x4c: {  	vm3 =	veq.f32 v45, v49;
	vm4 =	veq.f32 v50, v49;
	v54 =	vsel vm2, $0x7, v4  }
0x4d: {  	vm2 =	veq.f32 v51, v49;
	v54 =	vsel vm4, $0x6, v54;
	vm4 =	vmand vm0, vm3  }
0x4e: {  	vm5 =	veq.f32 v53, v49;
	v54 =	vsel vm2, $0x5, v54;
	v55 =	vsel vm4, $0xFF7FFFFF, v45  }
0x4f: {  	vm2 =	veq.f32 v46, v49;
	v49 =	vsel vm5, $0x4, v54  }
0x50: {  	v49 =	vsel vm1, $0x3, v49  }
0x51: {  	v54 =	vmax.f32 v44, $-3.402823470e+38;
	v49 =	vsel vm2, $0x2, v49  }
0x52: {  	v54 =	vnsel vm0, $0xFF7FFFFF, v54;
	v49 =	vsel vm3, $0x1, v49  }
0x53: {  	v43 =	vshll.u32 v43, $0x5;
	v54 =	vmax.f32 v54, v55;
	v49 =	vnsel vm0, $0x0, v49  }
0x54: {  	vm1 =	veq.s32 v49, $0x2;
	vm2 =	veq.s32 v49, $0x3;
	vm3 =	veq.s32 v49, $0x4  }
0x55: {  	vm4 =	veq.s32 v49, $0x5;
	vm5 =	veq.s32 v49, $0x6;
	v55 =	vsel vm1, $0xFF7FFFFF, v46  }
0x56: {  	vm6 =	veq.s32 v49, $0x7;
	v54 =	vmax.f32 v54, v55;
	v55 =	vsel vm2, $0xFF7FFFFF, v52  }
0x57: {  	vm1 =	vne.s32 v49, $0x2;
	v54 =	vmax.f32 v54, v55;
	v55 =	vsel vm3, $0xFF7FFFFF, v53  }
0x58: {  	vm2 =	vne.s32 v49, $0x3;
	v54 =	vmax.f32 v54, v55;
	v55 =	vsel vm4, $0xFF7FFFFF, v51  }
0x59: {  	vm3 =	vne.s32 v49, $0x4;
	v54 =	vmax.f32 v54, v55;
	v55 =	vsel vm5, $0xFF7FFFFF, v50  }
0x5a: {  	vm4 =	vne.s32 v49, $0x5;
	v54 =	vmax.f32 v54, v55;
	v55 =	vsel vm6, $0xFF7FFFFF, v48  }
0x5b: {  	vm5 =	vne.s32 v49, $0x6;
	vm6 =	vne.s32 v49, $0x7;
	v54 =	vmax.f32 v54, v55  }
0x5c: {  	vm7 =	veq.f32 v51, v54;
	vm8 =	veq.f32 v50, v54;
	vm9 =	veq.f32 v48, v54  }
0x5d: {  	vm10 =	veq.f32 v52, v54;
	vm11 =	veq.f32 v53, v54;
	vm6 =	vmand vm6, vm9  }
0x5e: {  	vm9 =	veq.f32 v46, v54;
	vm5 =	vmand vm5, vm8;
	v46 =	vsel vm6, $0x1C, v18  }
0x5f: {  	vm4 =	vmand vm4, vm7;
	vm6 =	veq.f32 v45, v54;
	v45 =	vsel vm5, $0x18, v46  }
0x60: {  	vm3 =	vmand vm3, vm11;
	vm5 =	veq.f32 v44, v54;
	v44 =	vsel vm4, $0x14, v45  }
0x61: {  	vm2 =	vmand vm2, vm10;
	vm0 =	vmand vm0, vm5;
	v44 =	vsel vm3, $0x10, v44  }
0x62: {  	vm1 =	vmand vm1, vm9;
	vm3 =	vne.s32 v49, $0x1;
	v44 =	vsel vm2, $0xC, v44  }
0x63: {  	v45 =	vshll.u32 v49, $0x2;
	vm2 =	vmand vm3, vm6;
	v44 =	vsel vm1, $0x8, v44  }
0x64: {  	v46 =	vor.u32 s24, v12;
	s24 =	smov.u32 s28;
	v45 =	vadd.s32 v43, v45;
	v44 =	vsel vm2, $0x4, v44  }
0x65: {  	v44 =	vsel vm0, $0x0, v44;
	[tilespmem:s25+$0x0] =	vst v45;
	s25 =	smov.u32 s21  }
0x66: {  	v43 =	vadd.s32 v43, v44  }
0x67: {  	[tilespmem:s23+$0x0] =	vst v43;
	s23 =	smov.u32 s22  }
0x68: {  	v43 =	vld.idx.msk [tilespmem:v47+s13+$0x0], $0xffff  }
0x69: {  	v44 =	vld.idx.msk [tilespmem:v46+s13+$0x0], $0xffff;
	_ =	sdelay $0x4  }
0x6a: {  	v45 =	vshll.u32 v43, $0x1  }
0x6b: {  	v46 =	vshll.u32 v44, $0x1;
	v47 =	vor.u32 $0x1, v45  }
0x6c: {  	v48 =	vor.u32 $0x1, v46;
	_ =	sdelay $0x2  }
0x6d: {  	v45 =	vld.idx.msk [tilespmem:v45+s2+$0x0], $0xffff  }
0x6e: {  	v46 =	vld.idx.msk [tilespmem:v46+s2+$0x0], $0xffff  }
0x6f: {  	v48 =	vld.idx.msk [tilespmem:v48+s2+$0x0], $0xffff  }
0x70: {  	v47 =	vld.idx.msk [tilespmem:v47+s2+$0x0], $0xffff  }
0x71: {  	[tilespmem:s20+$0x0] =	vst v44;
	_ =	sdelay $0x2  }
0x72: {  	v44 =	vsub.f32 v45, v46;
	_ =	sdelay $0x1  }
0x73: {  	v45 =	vshrl.u32 v44, $0x10;
	v46 =	vsub.f32 v47, v48  }
0x74: {  	v45 =	vand.u32 $0x1, v45  }
0x75: {  	v44 =	vadd.s32 v45, v44;
	v45 =	vshrl.u32 v46, $0x10  }
0x76: {  	v44 =	vadd.s32 $0x7FFF, v44;
	v45 =	vand.u32 $0x1, v45  }
0x77: {  	v48 =	vand.u32 $0xFFFF0000, v44;
	v44 =	vadd.s32 v45, v46  }
0x78: {  	v44 =	vadd.s32 $0x7FFF, v44;
	v47 =	vmul.f32 v48, v23;
	v51 =	vmul.f32 v48, v24  }
0x79: {  	v45 =	vmul.f32 v48, v20;
	v49 =	vand.u32 $0xFFFF0000, v44;
	v44 =	vmul.f32 v48, v19  }
0x7a: {  	v46 =	vmul.f32 v49, v27;
	v50 =	vmul.f32 v49, v28  }
0x7b: {  	v52 =	vmul.f32 v48, v21;
	v53 =	vmul.f32 v49, v29  }
.Ltmp0:
0x7c: {  	v44 =	vadd.f32 v46, v44;
	v45 =	vadd.f32 v50, v45;
	v50 =	vmul.f32 v49, v30;
	(pc) =	sbr.rel @p0 .LBB2_3-.Ltmp0, $4  }
0x7d: {  	v46 =	vadd.f32 v53, v52;
	v52 =	vmul.f32 v48, v22;
	v53 =	vmul.f32 v49, v31  }
0x7e: {  	v54 =	vmul.f32 v49, v32;
	v44 =	vadd.f32 v44, v35;
	v45 =	vadd.f32 v45, v36  }
0x7f: {  	v46 =	vadd.f32 v46, v37;
	v52 =	vadd.f32 v50, v52;
	v50 =	vmul.f32 v49, v33  }
0x80: {  	s29 =	smov.u32 s26;
	s22 =	sadd.s32 $0x10, s22;
	v51 =	vadd.f32 v54, v51;
	v53 =	vadd.f32 v53, v47;
	v54 =	vmax.f32 v44, v45  }
0x81: {  	v47 =	vmul.f32 v48, v25  }
0x82: {  	v49 =	vmul.f32 v49, v34;
	v52 =	vadd.f32 v52, v38;
	v57 =	vmul.f32 v48, v26  }
0x83: {  	v58 =	vmax.f32 v54, v46;
	v53 =	vadd.f32 v53, v39;
	v47 =	vadd.f32 v50, v47  }
0x84: {  	v51 =	vadd.f32 v51, v40;
	v48 =	vadd.f32 v49, v57;
	v59 =	vmax.f32 v58, v52  }
0x85: {  	v49 =	vmax.f32 v59, v53;
	v47 =	vadd.f32 v47, v41  }
0x86: {  	v48 =	vadd.f32 v48, v42;
	v49 =	vmax.f32 v49, v51  }
0x87: {  	v49 =	vmax.f32 v49, v47  }
0x88: {  	v49 =	vmax.f32 v49, v48  }
0x89: {  	vm0 =	veq.f32 v48, v49  }
0x8a: {  	vm1 =	veq.f32 v47, v49;
	v60 =	vsel vm0, $0x7, v4  }
0x8b: {  	vm6 =	veq.f32 v51, v49;
	v50 =	vsel vm1, $0x6, v60  }
0x8c: {  	vm7 =	veq.f32 v53, v49;
	v50 =	vsel vm6, $0x5, v50  }
0x8d: {  	v62 =	vmax.f32 v44, $-3.402823470e+38;
	vm2 =	veq.f32 v52, v49;
	v50 =	vsel vm7, $0x4, v50  }
0x8e: {  	v55 =	vor.u32 s24, v17;
	vm3 =	veq.f32 v46, v49;
	v61 =	vsel vm2, $0x3, v50  }
0x8f: {  	vm8 =	veq.f32 v45, v49;
	vm0 =	vne.f32 v44, v49;
	v49 =	vsel vm3, $0x2, v61  }
0x90: {  	v43 =	vshll.u32 v43, $0x5;
	vm9 =	vmand vm0, vm8;
	v49 =	vsel vm8, $0x1, v49  }
0x91: {  	v63 =	vsel vm9, $0xFF7FFFFF, v45;
	v50 =	vnsel vm0, $0xFF7FFFFF, v62;
	v49 =	vnsel vm0, $0x0, v49  }
0x92: {  	v50 =	vmax.f32 v50, v63;
	vm10 =	veq.s32 v49, $0x2;
	vm11 =	veq.s32 v49, $0x3  }
0x93: {  	vm12 =	veq.s32 v49, $0x4;
	vm13 =	veq.s32 v49, $0x5;
	v57 =	vsel vm10, $0xFF7FFFFF, v46  }
0x94: {  	vm4 =	veq.s32 v49, $0x6;
	v58 =	vsel vm11, $0xFF7FFFFF, v52;
	v50 =	vmax.f32 v50, v57  }
0x95: {  	vm14 =	veq.s32 v49, $0x7;
	v59 =	vsel vm12, $0xFF7FFFFF, v53;
	v50 =	vmax.f32 v50, v58  }
0x96: {  	vm3 =	vne.s32 v49, $0x2;
	v60 =	vsel vm13, $0xFF7FFFFF, v51;
	v50 =	vmax.f32 v50, v59  }
0x97: {  	vm1 =	vne.s32 v49, $0x3;
	v61 =	vsel vm4, $0xFF7FFFFF, v47;
	v50 =	vmax.f32 v50, v60  }
0x98: {  	vm15 =	vne.s32 v49, $0x5;
	v62 =	vsel vm14, $0xFF7FFFFF, v48;
	v50 =	vmax.f32 v50, v61  }
0x99: {  	vm5 =	vne.s32 v49, $0x6;
	vm6 =	vne.s32 v49, $0x7;
	v50 =	vmax.f32 v50, v62  }
0x9a: {  	vm4 =	vne.s32 v49, $0x4;
	vm7 =	veq.f32 v51, v50;
	vm8 =	veq.f32 v48, v50  }
0x9b: {  	vm9 =	veq.f32 v47, v50;
	vm10 =	veq.f32 v52, v50;
	vm6 =	vmand vm6, vm8  }
0x9c: {  	vm12 =	veq.f32 v53, v50;
	vm5 =	vmand vm5, vm9;
	v63 =	vsel vm6, $0x1C, v18  }
0x9d: {  	vm13 =	veq.f32 v46, v50;
	vm2 =	vmand vm15, vm7;
	v48 =	vsel vm5, $0x18, v63  }
0x9e: {  	vm14 =	veq.f32 v45, v50;
	vm4 =	vmand vm4, vm12;
	v51 =	vsel vm2, $0x14, v48  }
0x9f: {  	vm15 =	veq.f32 v44, v50;
	vm1 =	vmand vm1, vm10;
	v52 =	vsel vm4, $0x10, v51  }
0xa0: {  	vm8 =	vne.s32 v49, $0x1;
	vm3 =	vmand vm3, vm13;
	v44 =	vsel vm1, $0xC, v52  }
0xa1: {  	v54 =	vor.u32 s24, v12;
	vm9 =	vmand vm8, vm14;
	v44 =	vsel vm3, $0x8, v44  }
0xa2: {  	v53 =	vshll.u32 v49, $0x2;
	vm0 =	vmand vm0, vm15;
	v44 =	vsel vm9, $0x4, v44  }
0xa3: {  	v45 =	vadd.s32 v43, v53;
	v44 =	vsel vm0, $0x0, v44  }
0xa4: {  	[tilespmem:s25+$0x0] =	vst v45;
	v43 =	vadd.s32 v43, v44  }
0xa5: {  	[tilespmem:s23+$0x0] =	vst v43  }
0xa6: {  	v44 =	vld.idx.msk [tilespmem:v55+s13+$0x0], $0xffff  }
0xa7: {  	v43 =	vld.idx.msk [tilespmem:v54+s13+$0x0], $0xffff;
	_ =	sdelay $0x3  }
0xa8: {  	v56 =	vshll.u32 v44, $0x1  }
0xa9: {  	v46 =	vshll.u32 v43, $0x1  }
0xaa: {  	v57 =	vor.u32 $0x1, v46  }
0xab: {  	v58 =	vor.u32 $0x1, v56;
	_ =	sdelay $0x1  }
0xac: {  	v45 =	vld.idx.msk [tilespmem:v56+s2+$0x0], $0xffff  }
0xad: {  	v46 =	vld.idx.msk [tilespmem:v46+s2+$0x0], $0xffff  }
0xae: {  	v47 =	vld.idx.msk [tilespmem:v57+s2+$0x0], $0xffff  }
0xaf: {  	v48 =	vld.idx.msk [tilespmem:v58+s2+$0x0], $0xffff;
	_ =	sdelay $0x3  }
0xb0: {  	v45 =	vsub.f32 v45, v46  }
0xb1: {  	v59 =	vsub.f32 v48, v47  }
0xb2: {  	v60 =	vshrl.u32 v45, $0x10  }
0xb3: {  	v47 =	vand.u32 $0x1, v60;
	v48 =	vshrl.u32 v59, $0x10  }
0xb4: {  	v45 =	vadd.s32 v47, v45;
	v61 =	vand.u32 $0x1, v48  }
0xb5: {  	v45 =	vadd.s32 $0x7FFF, v45;
	v46 =	vadd.s32 v61, v59  }
0xb6: {  	v45 =	vand.u32 $0xFFFF0000, v45;
	v46 =	vadd.s32 $0x7FFF, v46  }
0xb7: {  	v46 =	vand.u32 $0xFFFF0000, v46;
	v62 =	vmul.f32 v45, v19;
	v63 =	vmul.f32 v45, v20  }
0xb8: {  	v59 =	vmul.f32 v45, v21;
	v57 =	vmul.f32 v46, v27  }
0xb9: {  	v53 =	vmul.f32 v45, v23;
	v58 =	vmul.f32 v46, v28  }
0xba: {  	v61 =	vmul.f32 v45, v24;
	v60 =	vmul.f32 v46, v29;
	v47 =	vadd.f32 v57, v62  }
0xbb: {  	v48 =	vadd.f32 v58, v63;
	v62 =	vmul.f32 v46, v30;
	v57 =	vmul.f32 v45, v22  }
0xbc: {  	v63 =	vadd.f32 v60, v59;
	v58 =	vmul.f32 v46, v31;
	v59 =	vmul.f32 v46, v32  }
0xbd: {  	v60 =	vmul.f32 v46, v33;
	v47 =	vadd.f32 v47, v35;
	v48 =	vadd.f32 v48, v36  }
0xbe: {  	v46 =	vmul.f32 v46, v34;
	v50 =	vadd.f32 v63, v37;
	v49 =	vadd.f32 v62, v57  }
0xbf: {  	v52 =	vadd.f32 v58, v53;
	v61 =	vadd.f32 v59, v61;
	v63 =	vmul.f32 v45, v25  }
0xc0: {  	v45 =	vmul.f32 v45, v26;
	v62 =	vmax.f32 v47, v48;
	v49 =	vadd.f32 v49, v38  }
0xc1: {  	v52 =	vadd.f32 v52, v39;
	v51 =	vadd.f32 v60, v63;
	v54 =	vmax.f32 v62, v50  }
0xc2: {  	v53 =	vadd.f32 v61, v40;
	v45 =	vadd.f32 v46, v45;
	v57 =	vmax.f32 v54, v49  }
0xc3: {  	v51 =	vadd.f32 v51, v41;
	v46 =	vmax.f32 v57, v52  }
0xc4: {  	v45 =	vadd.f32 v45, v42;
	v46 =	vmax.f32 v46, v53  }
0xc5: {  	v46 =	vmax.f32 v46, v51  }
0xc6: {  	v46 =	vmax.f32 v46, v45  }
0xc7: {  	vm10 =	veq.f32 v45, v46  }
0xc8: {  	vm11 =	veq.f32 v51, v46;
	v58 =	vsel vm10, $0x7, v4  }
0xc9: {  	vm12 =	veq.f32 v53, v46;
	v54 =	vsel vm11, $0x6, v58  }
0xca: {  	vm13 =	veq.f32 v52, v46;
	v54 =	vsel vm12, $0x5, v54  }
0xcb: {  	vm14 =	veq.f32 v49, v46;
	v54 =	vsel vm13, $0x4, v54  }
0xcc: {  	vm15 =	veq.f32 v50, v46;
	v54 =	vsel vm14, $0x3, v54  }
0xcd: {  	vm0 =	vne.f32 v47, v46;
	vm4 =	veq.f32 v48, v46;
	v59 =	vsel vm15, $0x2, v54  }
0xce: {  	v60 =	vmax.f32 v47, $-3.402823470e+38;
	vm5 =	vmand vm0, vm4;
	v46 =	vsel vm4, $0x1, v59  }
0xcf: {  	v61 =	vsel vm5, $0xFF7FFFFF, v48;
	v54 =	vnsel vm0, $0xFF7FFFFF, v60;
	v46 =	vnsel vm0, $0x0, v46  }
0xd0: {  	v44 =	vshll.u32 v44, $0x5;
	v54 =	vmax.f32 v54, v61;
	vm6 =	veq.s32 v46, $0x2  }
0xd1: {  	vm7 =	veq.s32 v46, $0x3;
	vm8 =	veq.s32 v46, $0x4;
	v62 =	vsel vm6, $0xFF7FFFFF, v50  }
0xd2: {  	vm9 =	veq.s32 v46, $0x5;
	v63 =	vsel vm7, $0xFF7FFFFF, v49;
	v54 =	vmax.f32 v54, v62  }
0xd3: {  	vm10 =	veq.s32 v46, $0x6;
	v57 =	vsel vm8, $0xFF7FFFFF, v52;
	v54 =	vmax.f32 v54, v63  }
0xd4: {  	vm11 =	veq.s32 v46, $0x7;
	v58 =	vsel vm9, $0xFF7FFFFF, v53;
	v54 =	vmax.f32 v54, v57  }
0xd5: {  	vm1 =	vne.s32 v46, $0x2;
	v59 =	vsel vm10, $0xFF7FFFFF, v51;
	v54 =	vmax.f32 v54, v58  }
0xd6: {  	vm2 =	vne.s32 v46, $0x3;
	v60 =	vsel vm11, $0xFF7FFFFF, v45;
	v54 =	vmax.f32 v54, v59  }
0xd7: {  	vm3 =	vne.s32 v46, $0x4;
	vm4 =	vne.s32 v46, $0x5;
	v54 =	vmax.f32 v54, v60  }
0xd8: {  	vm5 =	vne.s32 v46, $0x6;
	vm12 =	vne.s32 v46, $0x7;
	vm13 =	veq.f32 v45, v54  }
0xd9: {  	vm14 =	veq.f32 v53, v54;
	vm15 =	veq.f32 v51, v54;
	vm6 =	vmand vm12, vm13  }
0xda: {  	vm10 =	veq.f32 v49, v54;
	vm5 =	vmand vm5, vm15;
	v61 =	vsel vm6, $0x1C, v18  }
0xdb: {  	vm11 =	veq.f32 v52, v54;
	vm4 =	vmand vm4, vm14;
	v45 =	vsel vm5, $0x18, v61  }
0xdc: {  	vm12 =	veq.f32 v50, v54;
	vm3 =	vmand vm3, vm11;
	v45 =	vsel vm4, $0x14, v45  }
0xdd: {  	vm13 =	veq.f32 v48, v54;
	vm2 =	vmand vm2, vm10;
	v45 =	vsel vm3, $0x10, v45  }
0xde: {  	vm14 =	vne.s32 v46, $0x1;
	vm1 =	vmand vm1, vm12;
	v45 =	vsel vm2, $0xC, v45  }
0xdf: {  	vm15 =	veq.f32 v47, v54;
	vm3 =	vmand vm14, vm13;
	v45 =	vsel vm1, $0x8, v45  }
0xe0: {  	s20 =	sadd.s32 $0x10, s20;
	v46 =	vshll.u32 v46, $0x2;
	vm0 =	vmand vm0, vm15;
	v45 =	vsel vm3, $0x4, v45  }
0xe1: {  	s21 =	sadd.s32 $0x10, s21;
	[tilespmem:s20+$0x0] =	vst v43;
	v62 =	vadd.s32 v44, v46;
	v45 =	vsel vm0, $0x0, v45  }
0xe2: {  	s19 =	sshrl.u32 s19, $0x3;
	[tilespmem:s21+$0x0] =	vst v62;
	v63 =	vadd.s32 v44, v45  }
0xe3: {  	s30 =	sadd.s32 s6, s19;
	[tilespmem:s22+$0x0] =	vst v63  }
0xe4: {  	[hbm4b:s30+s2] =	stream.linear.scatter [tilespmem:s14], [sflag:$0x1], $0x7D0, $0x38;
	[tilespmem:$0x7700] =	vst v63  }
0xe5: {  	_ =	swait.ge [sflag:s11], $0x7D0  }
0xe6: {  	[sflag:s11] =	ssyncset.done $0x0  }
0xe7: {  	s31 =	sadd.s32 s7, s19;
	[sflag:s11] =	ssyncadd.s32 $0xFFFFF830  }
0xe8: {  	[hbm4b:s31+s2] =	stream.linear.scatter [tilespmem:s15], [sflag:$0x1], $0x7D0, $0x38;
	[tilespmem:$0x7700] =	vst v63  }
0xe9: {  	s18 =	sadd.s32 $0x1, s18;
	_ =	swait.ge [sflag:s11], $0x7D0  }
0xea: {  	p0 =	sne.s32 s18, $0x5;
	[sflag:s11] =	ssyncset.done $0x0  }
.Ltmp1:
0xeb: {  	s19 =	sadd.s32 s8, s19;
	[sflag:s11] =	ssyncadd.s32 $0xFFFFF830;
	(pc) =	sbr.rel @p0 .LBB2_2-.Ltmp1, $4  }
0xec: {  	[hbm4b:s19+s2] =	stream.linear.scatter [tilespmem:s16], [sflag:$0x1], $0x7D0, $0x38;
	[tilespmem:$0x7700] =	vst v63  }
0xed: {  	_ =	swait.ge [sflag:s11], $0x7D0  }
0xee: {  	[sflag:s11] =	ssyncset.done $0x0  }
0xef: {  	[sflag:s11] =	ssyncadd.s32 $0xFFFFF830  }
0xf0: {  	s17 =	sadd.s32 $0x1, s17  }
0xf1: {  	p0 =	sne.s32 s17, s10  }
.Ltmp2:
0xf2: {  	_ = 	snop;
	(pc) =	sbr.rel @p0 .LBB2_1-.Ltmp2, $1  }
0xf3: {  	_ =	sdelay $0x3  }
0xf4: {  	_ =	sfence.sel $0x180000  }
0xf5: {  	[bflag:$0x0] =	sbarrier.arrive $0xFFFF  }
0xf6: {  	p0 =	sne.s32 s5, $0x0;
	_ =	strace $0x9000004A  }
0xf7: {  	s0 =	sadd.s32 @!p0 $0x100000, s0;
	[bflag:$0x2] =	sbarrier.arrive $0xFFFF  }
0xf8: {  	[sflag:s0] =	ssyncadd.tile.s32 @!p0 $0x1;
	_ =	shalt  }
.Lfunc_end2:
_tile_overlayer_lowered:
.L_overlay_start_2:
0xf9: {  	(tag) =	ssettag $0x2  }
0xfa: {  	s0 =	rddreg [dreg:$0x0];
	s2 =	stileid.u32  }
0xfb: {  	s1 =	rddreg [dreg:$0x1];
	p0 =	sne.s32 s2, $0x0  }
0xfc: {  	s3 =	rddreg [dreg:$0x2];
	[bflag:$0x3] =	sbarrier.arrive $0xFFFF;
	s2 =	simm.s32 @!p0 $0x1C01  }
0xfd: {  	[timem:s3], [sflag:s2] =	dma.local @!p0 [hbm:s0], s1  }
0xfe: {  	s0 =	simm.s32 @!p0 $0x1  }
0xff: {  	_ =	swait.ge @!p0 [sflag:s0], s1  }
0x100: {  	s1 =	ssub.s32 @!p0 $0x0, s1;
	[sflag:s0] =	ssyncset.done @!p0 $0x0  }
0x101: {  	[sflag:s0] =	ssyncadd.s32 @!p0 s1  }
0x102: {  	[bflag:$0x3] =	sbarrier.arrive $0xFFFF  }
0x103: {  	_ =	shalt  }

// kernel: kernel.9.cloned.1.call-start
scs
__scs_entry_jumppad:
0x0: {  	(pc) =	sbr.rel $0x88, $3  }
0x1: {  	(tag) =	ssettag $0x0;
	lr =	simm.s32 $0x1  }
0x2: {  	[smem:$0x3F99] =	sst lr;
	_ =	strace $0xD0000000  }
0x3: {  	_ = 	snop  }
0x4: {  	_ = 	snop  }
0x5: {  	_ = 	snop  }
0x6: {  	_ = 	snop  }
0x7: {  	_ = 	snop  }
__scs_overlays_trampoline_lowered:
0x8: {  	[smem:$0x3FA8] =	sst s0  }
0x9: {  	[smem:$0x3FA9] =	sst s1  }
0xa: {  	[smem:$0x3FAA] =	sst s2  }
0xb: {  	[smem:$0x3FAB] =	sst s3  }
0xc: {  	[smem:$0x3FAC] =	sst s4  }
0xd: {  	[smem:$0x3FAD] =	sst s5  }
0xe: {  	[smem:$0x3FAE] =	sst s6  }
0xf: {  	[smem:$0x3FAF] =	sst s7  }
0x10: {  	[smem:$0x3FB0] =	sst s8  }
0x11: {  	[smem:$0x3FB1] =	sst s9;
	s0 =	simm.s32 @!p0 $0x0  }
0x12: {  	s1 =	sld [smem:$0x3F97];
	s0 =	simm.s32 @p0 $0x1  }
0x13: {  	[smem:$0x3FB2] =	sst s0;
	s0 =	simm.s32 @!p1 $0x0  }
0x14: {  	s2 =	sld [smem:$0x3F96];
	s0 =	simm.s32 @p1 $0x1  }
0x15: {  	[smem:$0x3FB3] =	sst s0;
	s0 =	simm.s32 @!p2 $0x0  }
0x16: {  	s3 =	sld [smem:$0x3FDB];
	s0 =	simm.s32 @p2 $0x1  }
0x17: {  	s4 =	simm.s32 $0x1BF5;
	[smem:$0x3FB5] =	sst s0  }
0x18: {  	s0 =	sld [smem:$0x3F98];
	_ =	swait.ge [sflag:s4], $0x0  }
0x19: {  	s7 =	sld [smem:$0x3F99]  }
0x1a: {  	s8 =	sadd.s32 $0xFFFFE003, lr  }
0x1b: {  	s9 =	sadd.s32 $0xFFFFFEF7, lr;
	s5 =	simm.s32 $0xFFFFFFFF;
	p2 =	slt.u32 s8, $0xFFFFF086  }
0x1c: {  	p1 =	slt.u32 s9, $0xF7A;
	s5 =	simm.s32 @!p2 $0x0  }
0x1d: {  	s5 =	simm.s32 @p1 $0x1;
	p0 =	seq.s32 s7, s2  }
0x1e: {  	s7 =	smul.u32 @!p0 $0xF7A, s2;
	p2 =	seq.s32 @!p0 s5, $0x0  }
0x1f: {  	s9 =	smul.u32 $0xF7A, s1;
	s8 =	simm.s32 @!p0 $0x1BF5;
	p2 =	por !p2, p0  }
0x20: {  	[sflag:s8] =	ssyncset.s32 @!p0 $0xFFFFF086;
	s6 =	sadd.s32 @!p0 s3, s7;
	s7 =	simm.s32 @!p0 $0x108  }
0x21: {  	s3 =	sadd.s32 s3, s9;
	s6 =	sadd.s32 @!p0 $0x88, s6;
	s7 =	simm.s32 @p2 $0x1082  }
0x22: {  	[simem:s7], [sflag:s8] =	dma.local @!p0 [hbm:s6], $0xF7A  }
0x23: {  	s9 =	sor.u32 $0xD0000000, s2;
	s6 =	simm.s32 $0x108;
	_ =	swait.ge @!p0 [sflag:s8], $0x0  }
0x24: {  	s3 =	sadd.s32 $0x88, s3;
	s6 =	simm.s32 @!p1 $0x1082;
	[sflag:s4] =	ssyncset.s32 $0xFFFFF086  }
0x25: {  	[simem:s6], [sflag:s4] =	dma.local [hbm:s3], $0xF7A  }
0x26: {  	[smem:$0x3F99] =	sst s1;
	(tag) =	ssettag s2;
	_ =	strace s9  }
0x27: {  	s1 =	sld [smem:$0x3FA9]  }
0x28: {  	s2 =	sld [smem:$0x3FAA]  }
0x29: {  	s4 =	sld [smem:$0x3FAC]  }
0x2a: {  	p0 =	seq.s32 s5, $0x0;
	s5 =	sld [smem:$0x3FAD]  }
0x2b: {  	s6 =	sld [smem:$0x3FAE]  }
0x2c: {  	s7 =	sld [smem:$0x3FAF]  }
0x2d: {  	s3 =	simm.s32 $0x108;
	s8 =	sld [smem:$0x3FB0]  }
0x2e: {  	s3 =	simm.s32 @!p0 $0x1082;
	s9 =	sld [smem:$0x3FB1]  }
0x2f: {  	lr =	sadd.s32 s0, s3;
	s0 =	sld [smem:$0x3FA8]  }
0x30: {  	s3 =	sld [smem:$0x3FAB]  }
0x31: {  	[smem:$0x3FB4] =	sst s10  }
0x32: {  	s10 =	sld [smem:$0x3FB2];
	_ =	sdelay $0x3  }
0x33: {  	p0 =	seq.s32 s10, $0x1;
	s10 =	sld [smem:$0x3FB4];
	_ =	sdelay $0x3  }
0x34: {  	[smem:$0x3FB4] =	sst s10  }
0x35: {  	s10 =	sld [smem:$0x3FB3];
	_ =	sdelay $0x3  }
0x36: {  	p1 =	seq.s32 s10, $0x1;
	s10 =	sld [smem:$0x3FB4];
	_ =	sdelay $0x3  }
0x37: {  	[smem:$0x3FB4] =	sst s10  }
0x38: {  	s10 =	sld [smem:$0x3FB5]  }
0x39: {  	_ = 	snop;
	(pc) =	sbr.ind lr, $3  }
0x3a: {  	_ = 	snop  }
0x3b: {  	_ = 	snop  }
0x3c: {  	p2 =	seq.s32 s10, $0x1;
	s10 =	sld [smem:$0x3FB4]  }
0x3d: {  	_ =	shalt  }
0x3e: {  	_ =	shalt  }
0x3f: {  	_ =	shalt  }
0x40: {  	_ =	shalt  }
0x41: {  	_ =	shalt  }
0x42: {  	_ =	shalt  }
0x43: {  	_ =	shalt  }
0x44: {  	_ =	shalt  }
0x45: {  	_ =	shalt  }
0x46: {  	_ =	shalt  }
0x47: {  	_ =	shalt  }
0x48: {  	_ =	shalt  }
0x49: {  	_ =	shalt  }
0x4a: {  	_ =	shalt  }
0x4b: {  	_ =	shalt  }
0x4c: {  	_ =	shalt  }
0x4d: {  	_ =	shalt  }
0x4e: {  	_ =	shalt  }
0x4f: {  	_ =	shalt  }
0x50: {  	_ =	shalt  }
0x51: {  	_ =	shalt  }
0x52: {  	_ =	shalt  }
0x53: {  	_ =	shalt  }
0x54: {  	_ =	shalt  }
0x55: {  	_ =	shalt  }
0x56: {  	_ =	shalt  }
0x57: {  	_ =	shalt  }
0x58: {  	_ =	shalt  }
0x59: {  	_ =	shalt  }
0x5a: {  	_ =	shalt  }
0x5b: {  	_ =	shalt  }
0x5c: {  	_ =	shalt  }
0x5d: {  	_ =	shalt  }
0x5e: {  	_ =	shalt  }
0x5f: {  	_ =	shalt  }
0x60: {  	_ =	shalt  }
0x61: {  	_ =	shalt  }
0x62: {  	_ =	shalt  }
0x63: {  	_ =	shalt  }
0x64: {  	_ =	shalt  }
0x65: {  	_ =	shalt  }
0x66: {  	_ =	shalt  }
0x67: {  	_ =	shalt  }
0x68: {  	_ =	shalt  }
0x69: {  	_ =	shalt  }
0x6a: {  	_ =	shalt  }
0x6b: {  	_ =	shalt  }
0x6c: {  	_ =	shalt  }
0x6d: {  	_ =	shalt  }
0x6e: {  	_ =	shalt  }
0x6f: {  	_ =	shalt  }
0x70: {  	_ =	shalt  }
0x71: {  	_ =	shalt  }
0x72: {  	_ =	shalt  }
0x73: {  	_ =	shalt  }
0x74: {  	_ =	shalt  }
0x75: {  	_ =	shalt  }
0x76: {  	_ =	shalt  }
0x77: {  	_ =	shalt  }
0x78: {  	_ =	shalt  }
0x79: {  	_ =	shalt  }
0x7a: {  	_ =	shalt  }
0x7b: {  	_ =	shalt  }
0x7c: {  	_ =	shalt  }
0x7d: {  	_ =	shalt  }
0x7e: {  	_ =	shalt  }
0x7f: {  	_ =	shalt  }
0x80: {  	_ =	shalt  }
0x81: {  	_ =	shalt  }
0x82: {  	_ =	shalt  }
0x83: {  	_ =	shalt  }
0x84: {  	_ =	shalt  }
0x85: {  	_ =	shalt  }
0x86: {  	_ =	shalt  }
0x87: {  	_ =	shalt  }
.Lfunc_end0:
.L_simem_size_0:
called_computation.2_lowered:
.L_overlay_start_0:
0x88: {  	s2 =	sld [smem:$0x3FD9]  }
0x89: {  	s3 =	sld [smem:$0x3FFE];
	_ =	sdelay $0x1  }
0x8a: {  	s1 =	srdreg.scid  }
0x8b: {  	s0 =	sand.u32 $0x1, s1  }
0x8c: {  	s17 =	sshll.u32 s0, $0xA;
	s2 =	sadd.s32 s3, s2  }
0x8d: {  	s2 =	sadd.s32 s2, s17  }
0x8e: {  	[smem:$0x3FC0] =	sst s2  }
0x8f: {  	_ = 	snop  }
0x90: {  	s2 =	sld [smem:$0x3FD0];
	(tm) =	ssettm $0x1  }
0x91: {  	s18 =	sld [smem:$0x3FFB];
	_ =	sdelay $0x3  }
0x92: {  	_ =	strace s18  }
0x93: {  	s3 =	sld [smem:$0x3FFC];
	_ =	sdelay $0x3  }
0x94: {  	_ =	strace s3  }
0x95: {  	s3 =	sld [smem:$0x3FFD];
	_ =	sdelay $0x3  }
0x96: {  	_ =	strace s3  }
0x97: {  	_ =	strace $0x8FFFFFFF  }
0x98: {  	s19 =	sld [smem:$0x3FDB];
	_ =	sdelay $0x1  }
0x99: {  	s4 =	simm.s32 $_scs_section_size  }
0x9a: {  	s5 =	simm.s32 $_size__tile_overlayer_lowered;
	s6 =	simm.s32 $_tile_overlayer_lowered  }
0x9b: {  	s22 =	simm.s32 $0x1BFF;
	s21 =	sshll.u32 s6, $0x1;
	s3 =	sadd.s32 s4, s19  }
0x9c: {  	s7 =	simm.s32 $0x0;
	s20 =	sshll.u32 s5, $0x1;
	s5 =	sadd.s32 s21, s3  }
0x9d: {  	[timem:s7], [sflag:s22] =	dma.local [hbm:s5], s20  }
0x9e: {  	_ =	swait.ge [sflag:s22], s20  }
0x9f: {  	s4 =	ssub.s32 $0x0, s20;
	[sflag:s22] =	ssyncset.done $0x0  }
0xa0: {  	[sflag:s22] =	ssyncadd.s32 s4;
	_ =	sdelay $0x1  }
0xa1: {  	s23 =	simm.s32 $0x1B8B  }
0xa2: {  	_ =	swait.ge [sflag:s23], $0x1  }
0xa3: {  	[sflag:s23] =	ssyncset.done $0x0  }
0xa4: {  	s25 =	simm.s32 $0x1B8E;
	s24 =	sld [smem:$0x3FFE];
	[sflag:s23] =	ssyncadd.s32 $0xFFFFFFFF  }
0xa5: {  	s26 =	simm.s32 $execute0_lowered;
	[smem:$0x3FD2] =	sst s25  }
0xa6: {  	s5 =	sshll.u32 s26, $0x1;
	_ =	strace $0x8000004C;
	[dreg:$0x1] =	wrdreg $0xFFFFFFFF  }
0xa7: {  	s28 =	simm.s32 $_size_execute0_lowered;
	s3 =	sadd.s32 s3, s5;
	[dreg:$0x0] =	wrdreg $0x0  }
0xa8: {  	s5 =	sshll.u32 s28, $0x1;
	[dreg:$0x2] =	wrdreg s3  }
0xa9: {  	[dreg:$0x3] =	wrdreg s5  }
0xaa: {  	[dreg:$0x4] =	wrdreg $0xC0  }
0xab: {  	_ =	task [dreg:s7], $0x5FFFF  }
0xac: {  	[dreg:$0x1] =	wrdreg $0xFFFFFFFF  }
0xad: {  	[dreg:$0x0] =	wrdreg $0x60  }
0xae: {  	[dreg:$0x2] =	wrdreg s24  }
0xaf: {  	[dreg:$0x3] =	wrdreg s2  }
0xb0: {  	[dreg:$0x4] =	wrdreg $0x9  }
0xb1: {  	_ =	task.clear_ibuf [dreg:s7], $0x5FFFF;
	_ =	strace $0x9000004C  }
0xb2: {  	s29 =	simm.s32 $0x9;
	_ =	strace $0x8000004E  }
0xb3: {  	_ =	swait.ge [sflag:s29], $0x1  }
0xb4: {  	[sflag:s29] =	ssyncadd.s32 $0xFFFFFFFF  }
0xb5: {  	_ =	strace $0x9000004E  }
0xb6: {  	_ =	sfence  }
0xb7: {  	s30 =	sld [smem:$0x0];
	_ =	sdelay $0x2  }
0xb8: {  	s31 =	sshll.u32 s1, $0xD;
	s1 =	sshrl.u32 s1, $0x2  }
0xb9: {  	s3 =	sand.u32 $0x4000, s31;
	s1 =	sadd.s32 s1, s30  }
0xba: {  	s0 =	sor.u32 s3, s0;
	s1 =	sshll.u32 s1, $0x11  }
0xbb: {  	s0 =	sor.u32 s1, s0  }
0xbc: {  	s0 =	sadd.s32 $0x8F2B, s0  }
0xbd: {  	[sflag:s0] =	ssyncadd.remote.s32 $0x1  }
0xbe: {  	_ =	sfence.sel $0xFFFF  }
0xbf: {  	[dreg:$0x0] =	wrdreg $0xFFFFFFFF;
	(pc) =	sbr.abs _section_cstart, $3  }
0xc0: {  	[dreg:$0x1] =	wrdreg $0xFFFFFFFF  }
0xc1: {  	_ =	task.clear_ibuf [dreg:s7], $0x2FFFF;
	_ =	strace $0x9FFFFFFF  }
0xc2: {  	(tm) =	ssettm $0x7FFFFFFF  }
0xc3: {  	_ =	shalt  }
tec
execute0_lowered:
.L_overlay_start_1:
0x0: {  	(tag) =	ssettag $0x1  }
0x1: {  	s0 =	rddreg [dreg:$0x0]  }
0x2: {  	s1 =	rddreg [dreg:$0x1]  }
0x3: {  	s5 =	stileid.u32;
	s2 =	srdreg.scid  }
0x4: {  	s13 =	simm.s32 $0x3;
	s14 =	simm.s32 $0x4;
	s15 =	simm.s32 $0x5  }
0x5: {  	s16 =	simm.s32 $0x1;
	s17 =	simm.s32 $0x15EC0;
	s18 =	simm.s32 $0x17EC0  }
0x6: {  	s19 =	simm.s32 $0x4EA0;
	s20 =	simm.s32 $0x2;
	s21 =	simm.s32 $0x19EC0  }
0x7: {  	s22 =	simm.s32 $0x1BEC0;
	s24 =	simm.s32 $0x0;
	s3 =	sshll.u32 s5, $0x1  }
0x8: {  	s4 =	sand.u32 $0x1, s2;
	s5 =	sshrl.u32 s5, $0x1;
	s3 =	sand.u32 $0x2, s3  }
0x9: {  	v3 =	vimm.f32 $-3.402823470e+38;
	v4 =	vimm.s32 $0x0;
	s2 =	simm.s32 $0x0;
	s5 =	smul.u32 $0x4E2, s5;
	s6 =	sor.u32 s4, s3  }
0xa: {  	v5 =	vimm.s32 $0x4E20;
	v6 =	vimm.s32 $0x1;
	v7 =	vlaneseq.u32;
	[smem:$0x7FF] =	sst s2;
	s8 =	ssub.s32 $0x2, s4;
	s7 =	smul.u32 $0x4E20, s6  }
0xb: {  	v8 =	vimm.s32 $0x2;
	v9 =	vimm.s32 $0x3;
	v11 =	vimm.s32 $0x4;
	s25 =	simm.s32 $0x0;
	_ =	strace $0x8000004D;
	s10 =	sshrl.u32 s8, $0x1  }
.Ltmp0:
0xc: {  	v12 =	vimm.s32 $0x5;
	v13 =	vimm.s32 $0x6;
	v14 =	vimm.s32 $0x7;
	s29 =	ssub.s32 s8, s10;
	s7 =	sadd.s32 s5, s7;
	(pc) =	sbr.rel .LBB2_1-.Ltmp0, $4  }
0xd: {  	v15 =	vimm.s32 $0x8;
	v16 =	vimm.s32 $0x9;
	v17 =	vimm.s32 $0xA;
	s3 =	sadd.s32 $0x273E00, s0;
	s31 =	smax.u32 s29, $0x1;
	s7 =	sshll.u32 s7, $0x1  }
0xe: {  	v18 =	vimm.s32 $0xB;
	v19 =	vimm.s32 $0xC;
	v20 =	vimm.s32 $0xD;
	s4 =	sadd.s32 $0x27DC00, s0;
	[dreg:$0x5] =	wrdreg s31;
	s1 =	sadd.s32 s1, s7  }
0xf: {  	v21 =	vimm.s32 $0xE;
	v22 =	vimm.s32 $0xF;
	v10 =	vor.u32 $0x10, v7;
	s9 =	sadd.s32 $0x4E2, s5;
	[dreg:$0x3] =	wrdreg s1;
	s30 =	sadd.s32 $0x4E20, s1  }
0x10: {  	v0 =	vmov s5;
	v2 =	vmov s6;
	v1 =	vmov s9;
	s5 =	sadd.s32 $0x287A00, s0;
	s7 =	sadd.s32 $0x13AA00, s0;
	[dreg:$0x4] =	wrdreg s30  }
.LBB2_18:
0x11: {  	s0 =	rddreg [dreg:$0x3];
	s1 =	simm.s32 $0x6  }
0x12: {  	[hbm4b:s0+s2] =	stream.linear.scatter [tilespmem:s2], [sflag:$0x6], $0x4E20, $0x38;
	[tilespmem:$0x1DEC0] =	vst v63  }
0x13: {  	_ =	swait.ge [sflag:s1], $0x4E20  }
0x14: {  	[sflag:s1] =	ssyncset.done $0x0  }
0x15: {  	s30 =	rddreg [dreg:$0x4];
	[sflag:s1] =	ssyncadd.s32 $0xFFFFB1E0  }
0x16: {  	[hbm4b:s30+s2] =	stream.linear.scatter [tilespmem:s19], [sflag:$0x6], $0x4E20, $0x38;
	[tilespmem:$0x1DEC0] =	vst v63  }
0x17: {  	_ =	swait.ge [sflag:s1], $0x4E20  }
0x18: {  	s24 =	sadd.s32 $0x1, s24;
	s31 =	rddreg [dreg:$0x5]  }
0x19: {  	p0 =	sne.s32 s24, s31  }
.Ltmp1:
0x1a: {  	_ = 	snop;
	(pc) =	sbr.rel @!p0 .LBB2_19-.Ltmp1, $3  }
0x1b: {  	_ =	sdelay $0x1  }
0x1c: {  	[sflag:s1] =	ssyncset.done $0x0  }
0x1d: {  	[sflag:s1] =	ssyncadd.s32 $0xFFFFB1E0  }
.LBB2_1:
0x1e: {  	s0 =	simm.s32 $0x0  }
.LBB2_2:
0x1f: {  	p0 =	sne.s32 s0, $0x13A40  }
.Ltmp2:
0x20: {  	_ = 	snop;
	(pc) =	sbr.rel @p0 .LBB2_2-.Ltmp2, $4  }
0x21: {  	_ = 	snop  }
0x22: {  	s1 =	sshra.s32 s0, $0x2  }
0x23: {  	[tilespmem:s1+$0x0] =	vst v3  }
0x24: {  	s0 =	sadd.s32 $0x40, s0;
	[tilespmem:s1+$0x4EA0] =	vst v3  }
0x25: {  	s0 =	simm.s32 $0x40;
	s1 =	simm.s32 $0x0  }
.LBB2_4:
0x26: {  	p0 =	sne.s32 s0, $0x84C0;
	[tilespmem:s1+$0x11C40] =	vst v4;
	s10 =	smov.u32 s0;
	s0 =	sadd.s32 $0x40, s0  }
.Ltmp3:
0x27: {  	[tilespmem:s1+$0x13D80] =	vst v4;
	(pc) =	sbr.rel @p0 .LBB2_4-.Ltmp3, $2  }
0x28: {  	_ =	sdelay $0x2  }
0x29: {  	s1 =	sshra.s32 s10, $0x2  }
0x2a: {  	[tilespmem:s1+$0x11C40] =	vst v4  }
0x2b: {  	[tilespmem:s1+$0x13D80] =	vst v4;
	s0 =	simm.s32 $0x9D40  }
0x2c: {  	[tilespmem:s0], [sflag:$0x3] =	stream.linear.gather [hbm4b:s3+s25], $0x1F40, $0x38;
	[tilespmem:$0x1DEC0] =	vst v63  }
.Ltmp4:
0x2d: {  	_ = 	snop;
	(pc) =	sbr.rel .LBB2_7-.Ltmp4, $4  }
0x2e: {  	s30 =	simm.s32 $0xBC80  }
0x2f: {  	[tilespmem:s30], [sflag:$0x4] =	stream.linear.gather [hbm4b:s4+s25], $0x1F40, $0x38;
	[tilespmem:$0x1DEC0] =	vst v63  }
0x30: {  	s31 =	simm.s32 $0xDBC0;
	s26 =	simm.s32 $0x0  }
0x31: {  	[tilespmem:s31], [sflag:$0x5] =	stream.linear.gather [hbm4b:s5+s25], $0x1F40, $0x38;
	[tilespmem:$0x1DEC0] =	vst v63  }
.LBB2_6:
0x32: {  	p0 =	seq.s32 s26, $0x28  }
.Ltmp5:
0x33: {  	_ = 	snop;
	(pc) =	sbr.rel @p0 .LBB2_18-.Ltmp5, $1  }
0x34: {  	_ =	sdelay $0x3  }
.LBB2_7:
0x35: {  	_ =	swait.ge [sflag:s13], $0x1F40  }
0x36: {  	[sflag:s13] =	ssyncset.done $0x0  }
0x37: {  	[sflag:s13] =	ssyncadd.s32 $0xFFFFE0C0  }
0x38: {  	_ =	swait.ge [sflag:s14], $0x1F40  }
0x39: {  	[sflag:s14] =	ssyncset.done $0x0  }
0x3a: {  	[sflag:s14] =	ssyncadd.s32 $0xFFFFE0C0  }
0x3b: {  	_ =	swait.ge [sflag:s15], $0x1F40  }
0x3c: {  	[sflag:s15] =	ssyncset.done $0x0  }
0x3d: {  	s0 =	simm.s32 $0x0;
	[sflag:s15] =	ssyncadd.s32 $0xFFFFE0C0  }
0x3e: {  	v23 =	vld [tilespmem:s0+$0x9D40];
	_ =	sdelay $0x4  }
0x3f: {  	vm0 =	vge.s32 v23, v0;
	vm1 =	vlt.s32 v23, v1  }
0x40: {  	vm0 =	vmand vm0, vm1  }
0x41: {  	v25 =	vsel vm0, $0x1, v4  }
0x42: {  	(xrf0) =	vadd.scan.msk.s32 $0xffff, v25  }
0x43: {  	v24 =	vld [tilespmem:s0+$0xBC80]  }
0x44: {  	v26 =	vld [tilespmem:s0+$0xDBC0];
	_ =	sdelay $0x1  }
0x45: {  	v23 =	vsub.s32 v23, v0  }
0x46: {  	v23 =	vshll.u32 v23, $0x4  }
0x47: {  	v24 =	vadd.s32 v2, v24;
	[tilespmem:s25+$0xFB00] =	vst.msk vm0, v23;
	v63, _, _ =	vpop (xrf0)  }
0x48: {  	v23 =	vadd.s32 v2, v26;
	[tilespmem:s25+$0x11C40] =	vst.msk vm0, v24;
	(v2sf) =	vpush v63, $0xF  }
0x49: {  	s11 =	simm.s32 $0x10;
	[tilespmem:s25+$0x13D80] =	vst.msk vm0, v23  }
0x4a: {  	s10 =	simm.s32 $0x80;
	s1 =	simm.s32 $0x0;
	s0 =	smov.u32 s26;
	v23 =	vld [tilespmem:s11+$0xBC80]  }
.LBB2_8:
0x4b: {  	p0 =	sne.s32 s10, $0x7CC0;
	v24 =	vld [tilespmem:s11+$0x9D40]  }
0x4c: {  	v25 =	vld [tilespmem:s11+$0xDBC0];
	_ =	sdelay $0x3  }
0x4d: {  	vm0 =	vge.s32 v24, v0;
	vm1 =	vlt.s32 v24, v1;
	v24 =	vsub.s32 v24, v0  }
0x4e: {  	vm0 =	vmand vm0, vm1  }
0x4f: {  	v26 =	vsel vm0, $0x1, v4  }
0x50: {  	(xrf0) =	vadd.scan.msk.s32 $0xffff, v26;
	_ =	sdelay $0x3  }
0x51: {  	s11 =	spop (v2sf)  }
.Ltmp6:
0x52: {  	v26 =	vshll.u32 v24, $0x4;
	s1 =	sadd.s32 s1, s11;
	(pc) =	sbr.rel @p0 .LBB2_8-.Ltmp6, $4  }
0x53: {  	v23 =	vadd.s32 v2, v23;
	[tilespmem:s1+$0xFB00] =	vst.msk vm0, v26;
	v24, _, _ =	vpop (xrf0)  }
0x54: {  	v25 =	vadd.s32 v2, v25;
	[tilespmem:s1+$0x11C40] =	vst.msk vm0, v23;
	(v2sf) =	vpush v24, $0xF  }
0x55: {  	s11 =	sshra.s32 s10, $0x2;
	[tilespmem:s1+$0x13D80] =	vst.msk vm0, v25  }
0x56: {  	s10 =	sadd.s32 $0x40, s10;
	v23 =	vld [tilespmem:s11+$0xBC80]  }
0x57: {  	v24 =	vld [tilespmem:s11+$0x9D40];
	_ =	sdelay $0x4  }
0x58: {  	vm0 =	vge.s32 v24, v0;
	vm1 =	vlt.s32 v24, v1  }
0x59: {  	vm0 =	vmand vm0, vm1  }
0x5a: {  	v25 =	vsel vm0, $0x1, v4  }
0x5b: {  	(xrf0) =	vadd.scan.msk.s32 $0xffff, v25;
	_ =	sdelay $0x5  }
0x5c: {  	v25, _, _ =	vpop (xrf0)  }
0x5d: {  	(v2sf) =	vpush v25, $0xF;
	_ =	sdelay $0x4  }
0x5e: {  	v62 =	vld [tilespmem:s11+$0xDBC0];
	_ =	sdelay $0x1  }
0x5f: {  	v24 =	vsub.s32 v24, v0;
	s10 =	spop (v2sf)  }
0x60: {  	s26 =	sadd.s32 $0x1, s0;
	p0 =	seq.s32 s0, $0x27;
	v24 =	vshll.u32 v24, $0x4;
	s1 =	sadd.s32 s1, s10  }
0x61: {  	v23 =	vadd.s32 v2, v23;
	s10 =	smul.u32 @!p0 $0x3E8, s26;
	[tilespmem:s1+$0xFB00] =	vst.msk vm0, v24  }
0x62: {  	v63 =	vadd.s32 v2, v62;
	[tilespmem:s1+$0x11C40] =	vst.msk vm0, v23  }
0x63: {  	s11 =	simm.s32 @!p0 $0x0;
	s12 =	simm.s32 @!p0 $0x9D40;
	s0 =	sadd.s32 @!p0 s3, s10;
	[tilespmem:s1+$0x13D80] =	vst.msk vm0, v63  }
0x64: {  	[tilespmem:s12], [sflag:$0x3] =	stream.linear.gather @!p0 [hbm4b:s0+s11], $0x1F40, $0x38;
	[tilespmem:$0x1DEC0] =	vst v63  }
0x65: {  	s0 =	sadd.s32 @!p0 s4, s10;
	s12 =	simm.s32 @!p0 $0xBC80  }
0x66: {  	[tilespmem:s12], [sflag:$0x4] =	stream.linear.gather @!p0 [hbm4b:s0+s11], $0x1F40, $0x38;
	[tilespmem:$0x1DEC0] =	vst v63  }
0x67: {  	s31 =	spop (v2sf)  }
0x68: {  	s0 =	sadd.s32 s1, s31;
	s1 =	sadd.s32 @!p0 s5, s10;
	s10 =	simm.s32 @!p0 $0xDBC0  }
0x69: {  	[tilespmem:s10], [sflag:$0x5] =	stream.linear.gather @!p0 [hbm4b:s1+s11], $0x1F40, $0x38;
	[tilespmem:$0x1DEC0] =	vst v63  }
0x6a: {  	[tilespmem:s0+$0xFB00] =	vst v5  }
0x6b: {  	[tilespmem:s0+$0x11C40] =	vst v4  }
0x6c: {  	[tilespmem:s0+$0x13D80] =	vst v4  }
0x6d: {  	[tilespmem:s0+$0xFB10] =	vst v5  }
0x6e: {  	[tilespmem:s0+$0x11C50] =	vst v4  }
0x6f: {  	[tilespmem:s0+$0x13D90] =	vst v4  }
0x70: {  	[tilespmem:s0+$0xFB20] =	vst v5  }
0x71: {  	[tilespmem:s0+$0x11C60] =	vst v4  }
0x72: {  	[tilespmem:s0+$0x13DA0] =	vst v4  }
0x73: {  	[tilespmem:s0+$0xFB30] =	vst v5  }
0x74: {  	[tilespmem:s0+$0x11C70] =	vst v4  }
0x75: {  	[tilespmem:s0+$0x13DB0] =	vst v4  }
0x76: {  	[tilespmem:s0+$0xFB40] =	vst v5  }
0x77: {  	[tilespmem:s0+$0x11C80] =	vst v4  }
0x78: {  	[tilespmem:s0+$0x13DC0] =	vst v4  }
0x79: {  	[tilespmem:s0+$0xFB50] =	vst v5  }
0x7a: {  	[tilespmem:s0+$0x11C90] =	vst v4  }
0x7b: {  	[tilespmem:s0+$0x13DD0] =	vst v4  }
0x7c: {  	[tilespmem:s0+$0xFB60] =	vst v5  }
0x7d: {  	[tilespmem:s0+$0x11CA0] =	vst v4  }
0x7e: {  	[tilespmem:s0+$0x13DE0] =	vst v4  }
0x7f: {  	[tilespmem:s0+$0xFB70] =	vst v5  }
0x80: {  	[tilespmem:s0+$0x11CB0] =	vst v4  }
0x81: {  	[tilespmem:s0+$0x13DF0] =	vst v4  }
0x82: {  	[tilespmem:s0+$0xFB80] =	vst v5  }
0x83: {  	[tilespmem:s0+$0x11CC0] =	vst v4  }
0x84: {  	[tilespmem:s0+$0x13E00] =	vst v4  }
0x85: {  	[tilespmem:s0+$0xFB90] =	vst v5  }
0x86: {  	[tilespmem:s0+$0x11CD0] =	vst v4  }
0x87: {  	[tilespmem:s0+$0x13E10] =	vst v4  }
0x88: {  	[tilespmem:s0+$0xFBA0] =	vst v5  }
0x89: {  	[tilespmem:s0+$0x11CE0] =	vst v4  }
0x8a: {  	[tilespmem:s0+$0x13E20] =	vst v4  }
0x8b: {  	[tilespmem:s0+$0xFBB0] =	vst v5  }
0x8c: {  	[tilespmem:s0+$0x11CF0] =	vst v4  }
0x8d: {  	[tilespmem:s0+$0x13E30] =	vst v4  }
0x8e: {  	[tilespmem:s0+$0xFBC0] =	vst v5  }
0x8f: {  	[tilespmem:s0+$0x11D00] =	vst v4  }
0x90: {  	[tilespmem:s0+$0x13E40] =	vst v4  }
0x91: {  	s6 =	sadd.s32 $0xFF, s0;
	[tilespmem:s0+$0xFBD0] =	vst v5  }
0x92: {  	[tilespmem:s0+$0x11D10] =	vst v4;
	s8 =	sand.u32 $0xFF, s6  }
0x93: {  	[tilespmem:s0+$0x13E50] =	vst v4;
	s9 =	sshra.s32 s6, $0x1F;
	p4 =	slt.s32 s6, $0x1;
	p1 =	sne.s32 s8, $0x0  }
0x94: {  	[tilespmem:s0+$0xFBE0] =	vst v5;
	s12 =	sshrl.u32 s9, $0x18;
	p0 =	por !p4, !p1  }
0x95: {  	s10 =	simm.s32 $0x1;
	[tilespmem:s0+$0x11D20] =	vst v4;
	s1 =	sadd.s32 s12, s6;
	p0 =	por !p0, !p0  }
0x96: {  	[tilespmem:s0+$0x13E60] =	vst v4;
	s1 =	sshra.s32 s1, $0x8;
	s10 =	simm.s32 @!p0 $0x0  }
0x97: {  	[tilespmem:s0+$0xFBF0] =	vst v5;
	s28 =	ssub.s32 s1, s10  }
0x98: {  	[tilespmem:s0+$0x11D30] =	vst v4;
	p0 =	slt.s32 s28, $0x1;
	s23 =	sadd.s32 $0x1, s28  }
0x99: {  	[tilespmem:s0+$0x13E70] =	vst v4;
	s0 =	simm.s32 @!p0 $0x80;
	s1 =	simm.s32 @!p0 $0x11C40;
	s10 =	simm.s32 @!p0 $0x15EC0  }
0x9a: {  	[tilespmem:s10], [sflag:$0x1] =	stream.indirect.gather @!p0 [hbm4b:s7+s0], $0x20, s1, s0, $0xb8;
	[tilespmem:$0x1DEC0] =	vst v63  }
0x9b: {  	p5 =	slt.s32 s28, $0x0;
	s1 =	simm.s32 @!p0 $0x13D80;
	s10 =	simm.s32 @!p0 $0x17EC0  }
0x9c: {  	[tilespmem:s10], [sflag:$0x1] =	stream.indirect.gather @!p0 [hbm4b:s7+s0], $0x20, s1, s0, $0xb8;
	[tilespmem:$0x1DEC0] =	vst v63  }
0x9d: {  	s30 =	sand.u32 $0x1, s23;
	s1 =	simm.s32 @!p0 $0x11CC0;
	s10 =	simm.s32 @!p0 $0x16EC0  }
0x9e: {  	[tilespmem:s10], [sflag:$0x1] =	stream.indirect.gather @!p0 [hbm4b:s7+s0], $0x20, s1, s0, $0xb8;
	[tilespmem:$0x1DEC0] =	vst v63  }
0x9f: {  	p6 =	seq.s32 s30, $0x1;
	s1 =	simm.s32 @!p0 $0x13E00;
	s10 =	simm.s32 @!p0 $0x18EC0  }
0xa0: {  	[tilespmem:s10], [sflag:$0x1] =	stream.indirect.gather @!p0 [hbm4b:s7+s0], $0x20, s1, s0, $0xb8;
	[tilespmem:$0x1DEC0] =	vst v63  }
0xa1: {  	s31 =	sshrl.u32 s23, $0x1F;
	p0 =	por !p5, !p6  }
0xa2: {  	s0 =	sadd.s32 s31, s23;
	s1 =	simm.s32 $0x1;
	p0 =	por !p0, !p0  }
0xa3: {  	s0 =	sshra.s32 s0, $0x1;
	s1 =	simm.s32 @!p0 $0x0  }
0xa4: {  	s29 =	ssub.s32 s0, s1  }
0xa5: {  	p0 =	slt.s32 s29, $0x1  }
.Ltmp7:
0xa6: {  	_ = 	snop;
	(pc) =	sbr.rel @p0 .LBB2_6-.Ltmp7, $1  }
0xa7: {  	_ =	sdelay $0x3  }
.Ltmp8:
0xa8: {  	(pc) =	sbr.rel .LBB2_11-.Ltmp8, $2  }
0xa9: {  	_ =	sdelay $0x2  }
0xaa: {  	s30 =	simm.s32 $0x0;
	s11 =	simm.s32 $0xFB00;
	s0 =	simm.s32 $0xFC00  }
.LBB2_17:
0xab: {  	s30 =	sadd.s32 $0x1, s30  }
0xac: {  	p0 =	seq.s32 s30, s29  }
.Ltmp9:
0xad: {  	_ = 	snop;
	(pc) =	sbr.rel @p0 .LBB2_6-.Ltmp9, $2  }
0xae: {  	_ =	sdelay $0x2  }
0xaf: {  	s11 =	sadd.s32 $0x200, s11;
	s0 =	sadd.s32 $0x200, s0  }
.LBB2_11:
0xb0: {  	s1 =	sshll.u32 s30, $0x1  }
0xb1: {  	p1 =	sge.s32 s1, s28  }
.Ltmp10:
0xb2: {  	_ = 	snop;
	(pc) =	sbr.rel @p1 .LBB2_14-.Ltmp10, $3  }
0xb3: {  	_ =	sdelay $0x1  }
0xb4: {  	s10 =	sshllo.u32 s30, $0x1  }
0xb5: {  	p0 =	sge.s32 s10, s28  }
0xb6: {  	s10 =	sshll.u32 @!p0 s10, $0x8  }
0xb7: {  	s31 =	simm.s32 @!p0 $0x80;
	s8 =	simm.s32 @!p0 $0x19EC0;
	s12 =	sadd.s32 @!p0 $0x11C40, s10  }
0xb8: {  	[tilespmem:s8], [sflag:$0x2] =	stream.indirect.gather @!p0 [hbm4b:s7+s31], $0x20, s12, s31, $0xb8;
	[tilespmem:$0x1DEC0] =	vst v63  }
0xb9: {  	s8 =	sadd.s32 @!p0 $0x13D80, s10;
	s12 =	simm.s32 @!p0 $0x1BEC0  }
0xba: {  	[tilespmem:s12], [sflag:$0x2] =	stream.indirect.gather @!p0 [hbm4b:s7+s31], $0x20, s8, s31, $0xb8;
	[tilespmem:$0x1DEC0] =	vst v63  }
0xbb: {  	s8 =	sadd.s32 @!p0 $0x11CC0, s10;
	s12 =	simm.s32 @!p0 $0x1AEC0  }
0xbc: {  	[tilespmem:s12], [sflag:$0x2] =	stream.indirect.gather @!p0 [hbm4b:s7+s31], $0x20, s8, s31, $0xb8;
	[tilespmem:$0x1DEC0] =	vst v63  }
0xbd: {  	s8 =	sadd.s32 @!p0 $0x13E00, s10;
	s10 =	simm.s32 @!p0 $0x1CEC0  }
0xbe: {  	[tilespmem:s10], [sflag:$0x2] =	stream.indirect.gather @!p0 [hbm4b:s7+s31], $0x20, s8, s31, $0xb8;
	[tilespmem:$0x1DEC0] =	vst v63  }
0xbf: {  	_ =	swait.ge [sflag:s16], $0x1000  }
0xc0: {  	[sflag:s16] =	ssyncset.done $0x0  }
0xc1: {  	[sflag:s16] =	ssyncadd.s32 $0xFFFFF000  }
0xc2: {  	_ =	swait.ge [sflag:s16], $0x1000  }
0xc3: {  	[sflag:s16] =	ssyncset.done $0x0  }
0xc4: {  	[sflag:s16] =	ssyncadd.s32 $0xFFFFF000  }
0xc5: {  	_ =	swait.ge [sflag:s16], $0x1000  }
0xc6: {  	[sflag:s16] =	ssyncset.done $0x0  }
0xc7: {  	[sflag:s16] =	ssyncadd.s32 $0xFFFFF000  }
0xc8: {  	_ =	swait.ge [sflag:s16], $0x1000  }
0xc9: {  	[sflag:s16] =	ssyncset.done $0x0  }
0xca: {  	s10 =	simm.s32 $0xF;
	s31 =	smov.u32 s11;
	[sflag:s16] =	ssyncadd.s32 $0xFFFFF000  }
.LBB2_13:
0xcb: {  	s12 =	sshll.u32 s10, $0x5  }
0xcc: {  	s8 =	sadd.s32 $0xFFFFFE20, s12  }
0xcd: {  	v24 =	vor.u32 s8, v7  }
0xce: {  	s9 =	sadd.s32 $0xFFFFFE40, s12  }
0xcf: {  	v25 =	vor.u32 s9, v7  }
0xd0: {  	s6 =	sadd.s32 $0xFFFFFE60, s12  }
0xd1: {  	v23 =	vld [tilespmem:s31+$0x0];
	s23 =	sadd.s32 $0xFFFFFE80, s12;
	v26 =	vor.u32 s6, v7  }
0xd2: {  	v28 =	vor.u32 s23, v7;
	v27 =	vld.idx.msk [tilespmem:v24+s17+$0x0], $0xffff  }
0xd3: {  	v24 =	vld.idx.msk [tilespmem:v24+s18+$0x0], $0xffff  }
0xd4: {  	v30 =	vor.u32 s8, v10;
	v29 =	vld.idx.msk [tilespmem:v25+s17+$0x0], $0xffff  }
0xd5: {  	v25 =	vld.idx.msk [tilespmem:v25+s18+$0x0], $0xffff  }
0xd6: {  	v32 =	vor.u32 s9, v10;
	v31 =	vld.idx.msk [tilespmem:v26+s17+$0x0], $0xffff  }
0xd7: {  	v33 =	vld.idx.msk [tilespmem:v28+s17+$0x0], $0xffff  }
0xd8: {  	v28 =	vld.idx.msk [tilespmem:v28+s18+$0x0], $0xffff  }
0xd9: {  	v34 =	vor.u32 s6, v10;
	v35 =	vld.idx.msk [tilespmem:v30+s17+$0x0], $0xffff  }
0xda: {  	v30 =	vld.idx.msk [tilespmem:v30+s18+$0x0], $0xffff  }
0xdb: {  	v36 =	vor.u32 s23, v10;
	v39 =	vperm.xlane v23, v4;
	v37 =	vld.idx.msk [tilespmem:v32+s17+$0x0], $0xffff  }
0xdc: {  	v41 =	vperm.xlane v23, v6;
	v42 =	vperm.xlane v23, v8;
	v32 =	vld.idx.msk [tilespmem:v32+s18+$0x0], $0xffff  }
0xdd: {  	v43 =	vperm.xlane v23, v9;
	v26 =	vld.idx.msk [tilespmem:v26+s18+$0x0], $0xffff  }
0xde: {  	v38 =	vld.idx.msk [tilespmem:v34+s17+$0x0], $0xffff;
	vm0 =	veq.s32 v39, v41;
	vm1 =	veq.s32 v39, v42  }
0xdf: {  	v34 =	vld.idx.msk [tilespmem:v34+s18+$0x0], $0xffff;
	v50 =	vadd.s32 v7, v43;
	vm2 =	veq.s32 v39, v43;
	v24 =	vadd.f32 v24, v27  }
0xe0: {  	v40 =	vld.idx.msk [tilespmem:v36+s17+$0x0], $0xffff;
	vm9 =	vne.s32 v41, v42;
	v25 =	vadd.f32 v25, v29;
	v63 =	vadd.f32 v28, v33  }
0xe1: {  	v36 =	vld.idx.msk [tilespmem:v36+s18+$0x0], $0xffff;
	v28 =	vadd.s32 v7, v39;
	v29 =	vadd.f32 v30, v35;
	v46 =	vadd.f32 v32, v37  }
0xe2: {  	vm3 =	vne.s32 v41, v43;
	vm10 =	vne.s32 v42, v43;
	v26 =	vadd.f32 v26, v31  }
0xe3: {  	v31 =	vadd.s32 v7, v41;
	v47 =	vmax.f32 v25, v24;
	v49 =	vmax.f32 v46, v29  }
0xe4: {  	v25 =	vsel vm0, v47, v25;
	v30 =	vsel vm0, v49, v46;
	vm0 =	vmor vm0, vm1  }
0xe5: {  	v33 =	vadd.s32 v7, v42;
	v34 =	vadd.f32 v34, v38;
	v45 =	vld.idx.msk [tilespmem:v50+s2+$0x0], $0xffff;
	vm0 =	vmor vm0, vm2  }
0xe6: {  	vm4 =	vmand vm9, vm3;
	v48 =	vadd.f32 v36, v40;
	v51 =	vld.idx.msk [tilespmem:v28+s2+$0x0], $0xffff;
	vm0 =	vmneg vm0  }
0xe7: {  	v52 =	vmax.f32 v26, v24;
	v38 =	vmax.f32 v34, v29;
	v55 =	vmax.f32 v63, v24;
	v56 =	vld.idx.msk [tilespmem:v28+s19+$0x0], $0xffff  }
0xe8: {  	v57 =	vmax.f32 v48, v29;
	v26 =	vsel vm1, v52, v26;
	v34 =	vsel vm1, v38, v34;
	v53 =	vld.idx.msk [tilespmem:v31+s2+$0x0], $0xffff  }
0xe9: {  	v27 =	vsel vm2, v55, v63;
	v35 =	vsel vm2, v57, v48;
	v44 =	vmax.f32 v26, v25;
	v58 =	vld.idx.msk [tilespmem:v31+s19+$0x0], $0xffff  }
0xea: {  	v59 =	vmax.f32 v34, v30;
	v60 =	vmax.f32 v27, v25;
	v63 =	vmax.f32 v35, v30;
	v54 =	vld.idx.msk [tilespmem:v33+s2+$0x0], $0xffff  }
0xeb: {  	v26 =	vsel vm9, v26, v44;
	v61 =	vld.idx.msk [tilespmem:v33+s19+$0x0], $0xffff;
	v34 =	vsel vm9, v34, v59;
	v24 =	vmax.f32 v51, v24  }
0xec: {  	v62 =	vld.idx.msk [tilespmem:v50+s19+$0x0], $0xffff;
	v27 =	vsel vm3, v27, v60;
	v29 =	vmax.f32 v56, v29;
	[tilespmem:v28+s2+$0x0] =	vst.idx.msk vm0, v24  }
0xed: {  	v35 =	vsel vm3, v35, v63;
	v25 =	vmax.f32 v53, v25;
	[tilespmem:v28+s19+$0x0] =	vst.idx.msk vm0, v29  }
0xee: {  	s6 =	sadd.s32 $0xFFFFFEA0, s12;
	v39 =	vmax.f32 v27, v26;
	v40 =	vmax.f32 v58, v30;
	[tilespmem:v31+s2+$0x0] =	vst.idx.msk vm4, v25  }
0xef: {  	v43 =	vor.u32 s6, v7;
	v44 =	vmax.f32 v35, v34;
	v26 =	vmax.f32 v54, v26;
	[tilespmem:v31+s19+$0x0] =	vst.idx.msk vm4, v40  }
0xf0: {  	s8 =	sadd.s32 $0xFFFFFEC0, s12;
	v41 =	vsel vm10, v27, v39;
	v46 =	vmax.f32 v61, v34;
	[tilespmem:v33+s2+$0x0] =	vst.idx.msk vm10, v26  }
0xf1: {  	v47 =	vor.u32 s8, v7;
	v24 =	vsel vm10, v35, v44;
	v25 =	vmax.f32 v45, v41;
	[tilespmem:v33+s19+$0x0] =	vst.idx.msk vm10, v46  }
0xf2: {  	s9 =	sadd.s32 $0xFFFFFEE0, s12;
	v24 =	vmax.f32 v62, v24;
	[tilespmem:v50+s2+$0x0] =	vst.idx.msk $0xffff, v25  }
0xf3: {  	v48 =	vor.u32 s9, v7;
	[tilespmem:v50+s19+$0x0] =	vst.idx.msk $0xffff, v24  }
0xf4: {  	s23 =	sadd.s32 $0xFFFFFF00, s12;
	v25 =	vld.idx.msk [tilespmem:v43+s17+$0x0], $0xffff  }
0xf5: {  	v49 =	vor.u32 s23, v7;
	v27 =	vld.idx.msk [tilespmem:v43+s18+$0x0], $0xffff  }
0xf6: {  	v29 =	vld.idx.msk [tilespmem:v47+s17+$0x0], $0xffff  }
0xf7: {  	v51 =	vor.u32 s8, v10;
	v26 =	vld.idx.msk [tilespmem:v47+s18+$0x0], $0xffff  }
0xf8: {  	v31 =	vld.idx.msk [tilespmem:v48+s17+$0x0], $0xffff  }
0xf9: {  	v52 =	vor.u32 s9, v10;
	v24 =	vld.idx.msk [tilespmem:v48+s18+$0x0], $0xffff  }
0xfa: {  	v33 =	vld.idx.msk [tilespmem:v49+s17+$0x0], $0xffff  }
0xfb: {  	v54 =	vor.u32 s23, v10;
	v28 =	vld.idx.msk [tilespmem:v49+s18+$0x0], $0xffff  }
0xfc: {  	v55 =	vld.idx.msk [tilespmem:v51+s17+$0x0], $0xffff  }
0xfd: {  	v42 =	vperm.xlane v23, v13;
	v32 =	vld.idx.msk [tilespmem:v51+s18+$0x0], $0xffff  }
0xfe: {  	v57 =	vperm.xlane v23, v11;
	v59 =	vperm.xlane v23, v12;
	v50 =	vor.u32 s6, v10;
	v56 =	vld.idx.msk [tilespmem:v52+s17+$0x0], $0xffff  }
0xff: {  	v34 =	vld.idx.msk [tilespmem:v52+s18+$0x0], $0xffff;
	v43 =	vperm.xlane v23, v14  }
0x100: {  	vm12 =	veq.s32 v57, v42;
	vm11 =	veq.s32 v57, v59;
	v58 =	vld.idx.msk [tilespmem:v54+s17+$0x0], $0xffff  }
0x101: {  	vm14 =	vne.s32 v59, v42;
	vm0 =	vmor vm11, vm12;
	v36 =	vld.idx.msk [tilespmem:v54+s18+$0x0], $0xffff;
	vm13 =	veq.s32 v57, v43  }
0x102: {  	vm15 =	vne.s32 v59, v43;
	v60 =	vadd.f32 v28, v33;
	v28 =	vadd.s32 v7, v57  }
0x103: {  	vm0 =	vmor vm0, vm13;
	v53 =	vld.idx.msk [tilespmem:v50+s17+$0x0], $0xffff;
	v24 =	vadd.f32 v24, v31;
	v31 =	vadd.s32 v7, v59  }
0x104: {  	vm9 =	vne.s32 v42, v43;
	v30 =	vld.idx.msk [tilespmem:v50+s18+$0x0], $0xffff;
	vm0 =	vmneg vm0;
	v25 =	vadd.f32 v27, v25  }
0x105: {  	v26 =	vadd.f32 v26, v29;
	v61 =	vadd.f32 v32, v55;
	v33 =	vadd.s32 v7, v42  }
0x106: {  	v34 =	vadd.f32 v34, v56;
	v63 =	vadd.f32 v36, v58;
	v36 =	vadd.s32 v7, v43  }
0x107: {  	v62 =	vmax.f32 v26, v25;
	v49 =	vmax.f32 v24, v25;
	v52 =	vmax.f32 v60, v25;
	v48 =	vld.idx.msk [tilespmem:v28+s2+$0x0], $0xffff  }
0x108: {  	v26 =	vsel vm11, v62, v26;
	v24 =	vsel vm12, v49, v24;
	v27 =	vsel vm13, v52, v60;
	v50 =	vld.idx.msk [tilespmem:v31+s2+$0x0], $0xffff  }
0x109: {  	v29 =	vadd.f32 v30, v53;
	v55 =	vmax.f32 v24, v26;
	v59 =	vmax.f32 v27, v26;
	v53 =	vld.idx.msk [tilespmem:v28+s19+$0x0], $0xffff  }
0x10a: {  	vm8 =	vmand vm14, vm15;
	v51 =	vld.idx.msk [tilespmem:v33+s2+$0x0], $0xffff;
	v24 =	vsel vm14, v24, v55;
	v27 =	vsel vm15, v27, v59  }
0x10b: {  	v57 =	vld.idx.msk [tilespmem:v31+s19+$0x0], $0xffff;
	v47 =	vmax.f32 v61, v29;
	v38 =	vmax.f32 v34, v29;
	v54 =	vmax.f32 v63, v29  }
0x10c: {  	v56 =	vld.idx.msk [tilespmem:v36+s2+$0x0], $0xffff;
	v30 =	vsel vm11, v47, v61;
	v34 =	vsel vm12, v38, v34;
	v35 =	vsel vm13, v54, v63  }
0x10d: {  	v60 =	vld.idx.msk [tilespmem:v33+s19+$0x0], $0xffff;
	v58 =	vmax.f32 v34, v30;
	v62 =	vmax.f32 v35, v30;
	v25 =	vmax.f32 v48, v25  }
0x10e: {  	v61 =	vld.idx.msk [tilespmem:v36+s19+$0x0], $0xffff;
	v34 =	vsel vm14, v34, v58;
	v29 =	vmax.f32 v53, v29;
	[tilespmem:v28+s2+$0x0] =	vst.idx.msk vm0, v25  }
0x10f: {  	v63 =	vsel vm15, v35, v62;
	v26 =	vmax.f32 v50, v26;
	[tilespmem:v28+s19+$0x0] =	vst.idx.msk vm0, v29  }
0x110: {  	s6 =	sadd.s32 $0xFFFFFF20, s12;
	v35 =	vmax.f32 v27, v24;
	v38 =	vmax.f32 v57, v30;
	[tilespmem:v31+s2+$0x0] =	vst.idx.msk vm8, v26  }
0x111: {  	v40 =	vor.u32 s6, v7;
	v39 =	vsel vm9, v27, v35;
	v24 =	vmax.f32 v51, v24;
	[tilespmem:v31+s19+$0x0] =	vst.idx.msk vm8, v38  }
0x112: {  	s8 =	sadd.s32 $0xFFFFFF40, s12;
	v41 =	vmax.f32 v63, v34;
	v43 =	vmax.f32 v60, v34;
	[tilespmem:v33+s2+$0x0] =	vst.idx.msk vm9, v24  }
0x113: {  	v46 =	vor.u32 s8, v7;
	v44 =	vsel vm9, v63, v41;
	v45 =	vmax.f32 v56, v39;
	[tilespmem:v33+s19+$0x0] =	vst.idx.msk vm9, v43  }
0x114: {  	s9 =	sadd.s32 $0xFFFFFF60, s12;
	v24 =	vmax.f32 v61, v44;
	[tilespmem:v36+s2+$0x0] =	vst.idx.msk $0xffff, v45  }
0x115: {  	v47 =	vor.u32 s9, v7;
	[tilespmem:v36+s19+$0x0] =	vst.idx.msk $0xffff, v24  }
0x116: {  	s23 =	sadd.s32 $0xFFFFFF80, s12;
	v25 =	vld.idx.msk [tilespmem:v40+s17+$0x0], $0xffff  }
0x117: {  	v48 =	vor.u32 s23, v7;
	v27 =	vld.idx.msk [tilespmem:v40+s18+$0x0], $0xffff  }
0x118: {  	v29 =	vld.idx.msk [tilespmem:v46+s17+$0x0], $0xffff  }
0x119: {  	v49 =	vor.u32 s6, v10;
	v26 =	vld.idx.msk [tilespmem:v46+s18+$0x0], $0xffff  }
0x11a: {  	v31 =	vld.idx.msk [tilespmem:v47+s17+$0x0], $0xffff  }
0x11b: {  	v50 =	vor.u32 s8, v10;
	v24 =	vld.idx.msk [tilespmem:v47+s18+$0x0], $0xffff  }
0x11c: {  	v33 =	vld.idx.msk [tilespmem:v48+s17+$0x0], $0xffff  }
0x11d: {  	v51 =	vor.u32 s9, v10;
	v28 =	vld.idx.msk [tilespmem:v48+s18+$0x0], $0xffff  }
0x11e: {  	v52 =	vld.idx.msk [tilespmem:v49+s17+$0x0], $0xffff  }
0x11f: {  	v53 =	vor.u32 s23, v10;
	v30 =	vld.idx.msk [tilespmem:v49+s18+$0x0], $0xffff  }
0x120: {  	v42 =	vperm.xlane v23, v17;
	v54 =	vld.idx.msk [tilespmem:v50+s17+$0x0], $0xffff  }
0x121: {  	v59 =	vperm.xlane v23, v18;
	v58 =	vperm.xlane v23, v16;
	v32 =	vld.idx.msk [tilespmem:v50+s18+$0x0], $0xffff  }
0x122: {  	v56 =	vperm.xlane v23, v15;
	v55 =	vld.idx.msk [tilespmem:v51+s17+$0x0], $0xffff  }
0x123: {  	vm7 =	vne.s32 v42, v59;
	vm13 =	vne.s32 v58, v42;
	v34 =	vld.idx.msk [tilespmem:v51+s18+$0x0], $0xffff  }
0x124: {  	vm14 =	vne.s32 v58, v59;
	vm10 =	veq.s32 v56, v58;
	vm11 =	veq.s32 v56, v42;
	v57 =	vld.idx.msk [tilespmem:v53+s17+$0x0], $0xffff  }
0x125: {  	vm12 =	veq.s32 v56, v59;
	v36 =	vld.idx.msk [tilespmem:v53+s18+$0x0], $0xffff;
	v60 =	vadd.f32 v28, v33;
	v28 =	vadd.s32 v7, v56  }
0x126: {  	vm0 =	vmor vm10, vm11;
	v24 =	vadd.f32 v24, v31;
	v31 =	vadd.s32 v7, v58  }
0x127: {  	vm15 =	vmand vm13, vm14;
	vm0 =	vmor vm0, vm12;
	v25 =	vadd.f32 v27, v25  }
0x128: {  	v26 =	vadd.f32 v26, v29;
	v29 =	vadd.f32 v30, v52;
	v33 =	vadd.s32 v7, v42  }
0x129: {  	vm0 =	vmneg vm0;
	v61 =	vadd.f32 v32, v54;
	v34 =	vadd.f32 v34, v55  }
0x12a: {  	v63 =	vadd.f32 v36, v57;
	v36 =	vadd.s32 v7, v59;
	v62 =	vmax.f32 v26, v25;
	v48 =	vld.idx.msk [tilespmem:v28+s2+$0x0], $0xffff  }
0x12b: {  	v47 =	vmax.f32 v61, v29;
	v49 =	vmax.f32 v24, v25;
	v38 =	vmax.f32 v34, v29;
	v50 =	vld.idx.msk [tilespmem:v31+s2+$0x0], $0xffff  }
0x12c: {  	v52 =	vmax.f32 v60, v25;
	v54 =	vmax.f32 v63, v29;
	v26 =	vsel vm10, v62, v26;
	v53 =	vld.idx.msk [tilespmem:v28+s19+$0x0], $0xffff  }
0x12d: {  	v30 =	vsel vm10, v47, v61;
	v24 =	vsel vm11, v49, v24;
	v34 =	vsel vm11, v38, v34;
	v51 =	vld.idx.msk [tilespmem:v33+s2+$0x0], $0xffff  }
0x12e: {  	v27 =	vsel vm12, v52, v60;
	v35 =	vsel vm12, v54, v63;
	v55 =	vmax.f32 v24, v26;
	v57 =	vld.idx.msk [tilespmem:v31+s19+$0x0], $0xffff  }
0x12f: {  	v58 =	vmax.f32 v34, v30;
	v59 =	vmax.f32 v27, v26;
	v62 =	vmax.f32 v35, v30;
	v56 =	vld.idx.msk [tilespmem:v36+s2+$0x0], $0xffff  }
0x130: {  	v24 =	vsel vm13, v24, v55;
	v60 =	vld.idx.msk [tilespmem:v33+s19+$0x0], $0xffff;
	v34 =	vsel vm13, v34, v58;
	v25 =	vmax.f32 v48, v25  }
0x131: {  	v27 =	vsel vm14, v27, v59;
	v61 =	vld.idx.msk [tilespmem:v36+s19+$0x0], $0xffff;
	v29 =	vmax.f32 v53, v29;
	[tilespmem:v28+s2+$0x0] =	vst.idx.msk vm0, v25  }
0x132: {  	v63 =	vsel vm14, v35, v62;
	v26 =	vmax.f32 v50, v26;
	[tilespmem:v28+s19+$0x0] =	vst.idx.msk vm0, v29  }
0x133: {  	s8 =	sadd.s32 $0xFFFFFFA0, s12;
	v35 =	vmax.f32 v27, v24;
	v39 =	vmax.f32 v57, v30;
	[tilespmem:v31+s2+$0x0] =	vst.idx.msk vm15, v26  }
0x134: {  	v41 =	vor.u32 s8, v7;
	v42 =	vmax.f32 v63, v34;
	v24 =	vmax.f32 v51, v24;
	[tilespmem:v31+s19+$0x0] =	vst.idx.msk vm15, v39  }
0x135: {  	s9 =	sadd.s32 $0xFFFFFFC0, s12;
	v40 =	vsel vm7, v27, v35;
	v43 =	vmax.f32 v60, v34;
	[tilespmem:v33+s2+$0x0] =	vst.idx.msk vm7, v24  }
0x136: {  	v46 =	vor.u32 s9, v7;
	v44 =	vsel vm7, v63, v42;
	v45 =	vmax.f32 v56, v40;
	[tilespmem:v33+s19+$0x0] =	vst.idx.msk vm7, v43  }
0x137: {  	s23 =	sadd.s32 $0xFFFFFFE0, s12;
	v24 =	vmax.f32 v61, v44;
	[tilespmem:v36+s2+$0x0] =	vst.idx.msk $0xffff, v45  }
0x138: {  	v47 =	vor.u32 s23, v7;
	[tilespmem:v36+s19+$0x0] =	vst.idx.msk $0xffff, v24  }
0x139: {  	v25 =	vld.idx.msk [tilespmem:v41+s17+$0x0], $0xffff  }
0x13a: {  	v48 =	vor.u32 s12, v7;
	v27 =	vld.idx.msk [tilespmem:v41+s18+$0x0], $0xffff  }
0x13b: {  	v29 =	vld.idx.msk [tilespmem:v46+s17+$0x0], $0xffff  }
0x13c: {  	v49 =	vor.u32 s8, v10;
	v26 =	vld.idx.msk [tilespmem:v46+s18+$0x0], $0xffff  }
0x13d: {  	v31 =	vld.idx.msk [tilespmem:v47+s17+$0x0], $0xffff  }
0x13e: {  	v50 =	vor.u32 s9, v10;
	v24 =	vld.idx.msk [tilespmem:v47+s18+$0x0], $0xffff  }
0x13f: {  	v33 =	vld.idx.msk [tilespmem:v48+s17+$0x0], $0xffff  }
0x140: {  	v51 =	vor.u32 s23, v10;
	v28 =	vld.idx.msk [tilespmem:v48+s18+$0x0], $0xffff  }
0x141: {  	v52 =	vld.idx.msk [tilespmem:v49+s17+$0x0], $0xffff  }
0x142: {  	v53 =	vor.u32 s12, v10;
	v30 =	vld.idx.msk [tilespmem:v49+s18+$0x0], $0xffff  }
0x143: {  	v57 =	vperm.xlane v23, v19;
	v54 =	vld.idx.msk [tilespmem:v50+s17+$0x0], $0xffff  }
0x144: {  	v58 =	vperm.xlane v23, v20;
	v59 =	vperm.xlane v23, v21;
	v32 =	vld.idx.msk [tilespmem:v50+s18+$0x0], $0xffff  }
0x145: {  	v23 =	vperm.xlane v23, v22;
	v60 =	vadd.s32 v7, v57;
	v55 =	vld.idx.msk [tilespmem:v51+s17+$0x0], $0xffff  }
0x146: {  	vm12 =	vne.s32 v58, v59;
	v34 =	vld.idx.msk [tilespmem:v51+s18+$0x0], $0xffff  }
0x147: {  	vm8 =	veq.s32 v57, v58;
	vm9 =	veq.s32 v57, v59;
	v35 =	vadd.s32 v7, v23;
	v56 =	vld.idx.msk [tilespmem:v53+s17+$0x0], $0xffff  }
0x148: {  	vm11 =	veq.s32 v57, v23;
	vm13 =	vne.s32 v58, v23;
	vm10 =	vmor vm8, vm9;
	v36 =	vld.idx.msk [tilespmem:v53+s18+$0x0], $0xffff  }
0x149: {  	vm14 =	vmand vm12, vm13;
	vm2 =	vmor vm10, vm11;
	v25 =	vadd.f32 v27, v25  }
0x14a: {  	vm15 =	vne.s32 v59, v23;
	v45 =	vld.idx.msk [tilespmem:v60+s2+$0x0], $0xffff;
	v26 =	vadd.f32 v26, v29;
	v24 =	vadd.f32 v24, v31  }
0x14b: {  	v51 =	vld.idx.msk [tilespmem:v60+s19+$0x0], $0xffff;
	v28 =	vadd.f32 v28, v33;
	v29 =	vadd.s32 v7, v58;
	v30 =	vadd.f32 v30, v52  }
0x14c: {  	vm2 =	vmneg vm2;
	v61 =	vadd.f32 v32, v54;
	v62 =	vadd.f32 v34, v55  }
0x14d: {  	v32 =	vadd.s32 v7, v59;
	v63 =	vadd.f32 v36, v56;
	v44 =	vmax.f32 v26, v25  }
0x14e: {  	v53 =	vld.idx.msk [tilespmem:v35+s2+$0x0], $0xffff;
	v46 =	vmax.f32 v61, v30;
	v48 =	vmax.f32 v24, v25;
	v49 =	vmax.f32 v62, v30  }
0x14f: {  	v58 =	vld.idx.msk [tilespmem:v35+s19+$0x0], $0xffff;
	v52 =	vmax.f32 v28, v25;
	v54 =	vmax.f32 v63, v30;
	v25 =	vmax.f32 v45, v25  }
0x150: {  	v30 =	vmax.f32 v51, v30;
	v26 =	vsel vm8, v44, v26;
	v31 =	vsel vm8, v46, v61;
	v47 =	vld.idx.msk [tilespmem:v29+s2+$0x0], $0xffff  }
0x151: {  	v24 =	vsel vm9, v48, v24;
	v33 =	vsel vm9, v49, v62;
	v28 =	vsel vm11, v52, v28;
	v55 =	vld.idx.msk [tilespmem:v29+s19+$0x0], $0xffff  }
0x152: {  	v34 =	vsel vm11, v54, v63;
	v23 =	vmax.f32 v24, v26;
	v57 =	vmax.f32 v33, v31;
	v50 =	vld.idx.msk [tilespmem:v32+s2+$0x0], $0xffff  }
0x153: {  	v59 =	vmax.f32 v28, v26;
	v56 =	vld.idx.msk [tilespmem:v32+s19+$0x0], $0xffff;
	v23 =	vsel vm12, v24, v23;
	[tilespmem:v60+s2+$0x0] =	vst.idx.msk vm2, v25  }
0x154: {  	v24 =	vsel vm12, v33, v57;
	v25 =	vsel vm13, v28, v59;
	[tilespmem:v60+s19+$0x0] =	vst.idx.msk vm2, v30  }
0x155: {  	v60 =	vmax.f32 v34, v31;
	v62 =	vmax.f32 v25, v23;
	v26 =	vmax.f32 v47, v26  }
0x156: {  	p1 =	sne.s32 s10, $0xFF;
	v27 =	vsel vm13, v34, v60;
	v61 =	vmax.f32 v55, v31;
	[tilespmem:v29+s2+$0x0] =	vst.idx.msk vm14, v26  }
.Ltmp11:
0x157: {  	v25 =	vsel vm15, v25, v62;
	v23 =	vmax.f32 v50, v23;
	[tilespmem:v29+s19+$0x0] =	vst.idx.msk vm14, v61;
	(pc) =	sbr.rel @p1 .LBB2_13-.Ltmp11, $4  }
0x158: {  	v63 =	vmax.f32 v27, v24;
	v24 =	vmax.f32 v56, v24;
	[tilespmem:v32+s2+$0x0] =	vst.idx.msk vm15, v23  }
0x159: {  	v25 =	vmax.f32 v53, v25;
	v23 =	vsel vm15, v27, v63;
	[tilespmem:v32+s19+$0x0] =	vst.idx.msk vm15, v24  }
0x15a: {  	v23 =	vmax.f32 v58, v23;
	[tilespmem:v35+s2+$0x0] =	vst.idx.msk $0xffff, v25  }
0x15b: {  	s31 =	sadd.s32 $0x10, s31;
	s10 =	sadd.s32 $0x10, s10;
	[tilespmem:v35+s19+$0x0] =	vst.idx.msk $0xffff, v23  }
.LBB2_14:
.Ltmp12:
0x15c: {  	(pc) =	sbr.rel @p0 .LBB2_17-.Ltmp12, $1  }
0x15d: {  	_ =	sdelay $0x3  }
0x15e: {  	s1 =	sadd.s32 $0x2, s1  }
0x15f: {  	p0 =	sge.s32 s1, s28  }
0x160: {  	s1 =	sshll.u32 @!p0 s1, $0x8  }
0x161: {  	s8 =	simm.s32 @!p0 $0x80;
	s9 =	simm.s32 @!p0 $0x15EC0;
	s6 =	sadd.s32 @!p0 $0x11C40, s1  }
0x162: {  	[tilespmem:s9], [sflag:$0x1] =	stream.indirect.gather @!p0 [hbm4b:s7+s8], $0x20, s6, s8, $0xb8;
	[tilespmem:$0x1DEC0] =	vst v63  }
0x163: {  	s6 =	sadd.s32 @!p0 $0x13D80, s1;
	s9 =	simm.s32 @!p0 $0x17EC0  }
0x164: {  	[tilespmem:s9], [sflag:$0x1] =	stream.indirect.gather @!p0 [hbm4b:s7+s8], $0x20, s6, s8, $0xb8;
	[tilespmem:$0x1DEC0] =	vst v63  }
0x165: {  	s6 =	sadd.s32 @!p0 $0x11CC0, s1;
	s9 =	simm.s32 @!p0 $0x16EC0  }
0x166: {  	[tilespmem:s9], [sflag:$0x1] =	stream.indirect.gather @!p0 [hbm4b:s7+s8], $0x20, s6, s8, $0xb8;
	[tilespmem:$0x1DEC0] =	vst v63  }
0x167: {  	s1 =	sadd.s32 @!p0 $0x13E00, s1;
	s6 =	simm.s32 @!p0 $0x18EC0  }
0x168: {  	[tilespmem:s6], [sflag:$0x1] =	stream.indirect.gather @!p0 [hbm4b:s7+s8], $0x20, s1, s8, $0xb8;
	[tilespmem:$0x1DEC0] =	vst v63  }
0x169: {  	_ =	swait.ge [sflag:s20], $0x1000  }
0x16a: {  	[sflag:s20] =	ssyncset.done $0x0  }
0x16b: {  	[sflag:s20] =	ssyncadd.s32 $0xFFFFF000  }
0x16c: {  	_ =	swait.ge [sflag:s20], $0x1000  }
0x16d: {  	[sflag:s20] =	ssyncset.done $0x0  }
0x16e: {  	[sflag:s20] =	ssyncadd.s32 $0xFFFFF000  }
0x16f: {  	_ =	swait.ge [sflag:s20], $0x1000  }
0x170: {  	[sflag:s20] =	ssyncset.done $0x0  }
0x171: {  	[sflag:s20] =	ssyncadd.s32 $0xFFFFF000  }
0x172: {  	_ =	swait.ge [sflag:s20], $0x1000  }
0x173: {  	[sflag:s20] =	ssyncset.done $0x0  }
0x174: {  	s10 =	smov.u32 s0;
	s1 =	simm.s32 $0xF;
	[sflag:s20] =	ssyncadd.s32 $0xFFFFF000  }
.LBB2_16:
0x175: {  	s12 =	sshll.u32 s1, $0x5  }
0x176: {  	s6 =	sadd.s32 $0xFFFFFE20, s12  }
0x177: {  	v24 =	vor.u32 s6, v7  }
0x178: {  	s8 =	sadd.s32 $0xFFFFFE40, s12  }
0x179: {  	v25 =	vor.u32 s8, v7  }
0x17a: {  	s9 =	sadd.s32 $0xFFFFFE60, s12  }
0x17b: {  	v23 =	vld [tilespmem:s10+$0x0];
	s23 =	sadd.s32 $0xFFFFFE80, s12;
	v26 =	vor.u32 s9, v7  }
0x17c: {  	v28 =	vor.u32 s23, v7;
	v27 =	vld.idx.msk [tilespmem:v24+s21+$0x0], $0xffff  }
0x17d: {  	v24 =	vld.idx.msk [tilespmem:v24+s22+$0x0], $0xffff  }
0x17e: {  	v30 =	vor.u32 s6, v10;
	v29 =	vld.idx.msk [tilespmem:v25+s21+$0x0], $0xffff  }
0x17f: {  	v25 =	vld.idx.msk [tilespmem:v25+s22+$0x0], $0xffff  }
0x180: {  	v32 =	vor.u32 s8, v10;
	v31 =	vld.idx.msk [tilespmem:v26+s21+$0x0], $0xffff  }
0x181: {  	v33 =	vld.idx.msk [tilespmem:v28+s21+$0x0], $0xffff  }
0x182: {  	v28 =	vld.idx.msk [tilespmem:v28+s22+$0x0], $0xffff  }
0x183: {  	v34 =	vor.u32 s9, v10;
	v35 =	vld.idx.msk [tilespmem:v30+s21+$0x0], $0xffff  }
0x184: {  	v30 =	vld.idx.msk [tilespmem:v30+s22+$0x0], $0xffff  }
0x185: {  	v36 =	vor.u32 s23, v10;
	v39 =	vperm.xlane v23, v4;
	v37 =	vld.idx.msk [tilespmem:v32+s21+$0x0], $0xffff  }
0x186: {  	v41 =	vperm.xlane v23, v6;
	v42 =	vperm.xlane v23, v8;
	v32 =	vld.idx.msk [tilespmem:v32+s22+$0x0], $0xffff  }
0x187: {  	v43 =	vperm.xlane v23, v9;
	v26 =	vld.idx.msk [tilespmem:v26+s22+$0x0], $0xffff  }
0x188: {  	v38 =	vld.idx.msk [tilespmem:v34+s21+$0x0], $0xffff;
	vm0 =	veq.s32 v39, v41;
	vm1 =	veq.s32 v39, v42  }
0x189: {  	v34 =	vld.idx.msk [tilespmem:v34+s22+$0x0], $0xffff;
	v50 =	vadd.s32 v7, v43;
	vm2 =	veq.s32 v39, v43;
	v24 =	vadd.f32 v24, v27  }
0x18a: {  	v40 =	vld.idx.msk [tilespmem:v36+s21+$0x0], $0xffff;
	vm9 =	vne.s32 v41, v42;
	v25 =	vadd.f32 v25, v29;
	v63 =	vadd.f32 v28, v33  }
0x18b: {  	v36 =	vld.idx.msk [tilespmem:v36+s22+$0x0], $0xffff;
	v28 =	vadd.s32 v7, v39;
	v29 =	vadd.f32 v30, v35;
	v46 =	vadd.f32 v32, v37  }
0x18c: {  	vm3 =	vne.s32 v41, v43;
	vm10 =	vne.s32 v42, v43;
	v26 =	vadd.f32 v26, v31  }
0x18d: {  	v31 =	vadd.s32 v7, v41;
	v47 =	vmax.f32 v25, v24;
	v49 =	vmax.f32 v46, v29  }
0x18e: {  	v25 =	vsel vm0, v47, v25;
	v30 =	vsel vm0, v49, v46;
	vm0 =	vmor vm0, vm1  }
0x18f: {  	v33 =	vadd.s32 v7, v42;
	v34 =	vadd.f32 v34, v38;
	v45 =	vld.idx.msk [tilespmem:v50+s2+$0x0], $0xffff;
	vm0 =	vmor vm0, vm2  }
0x190: {  	vm4 =	vmand vm9, vm3;
	v48 =	vadd.f32 v36, v40;
	v51 =	vld.idx.msk [tilespmem:v28+s2+$0x0], $0xffff;
	vm0 =	vmneg vm0  }
0x191: {  	v52 =	vmax.f32 v26, v24;
	v38 =	vmax.f32 v34, v29;
	v55 =	vmax.f32 v63, v24;
	v56 =	vld.idx.msk [tilespmem:v28+s19+$0x0], $0xffff  }
0x192: {  	v57 =	vmax.f32 v48, v29;
	v26 =	vsel vm1, v52, v26;
	v34 =	vsel vm1, v38, v34;
	v53 =	vld.idx.msk [tilespmem:v31+s2+$0x0], $0xffff  }
0x193: {  	v27 =	vsel vm2, v55, v63;
	v35 =	vsel vm2, v57, v48;
	v44 =	vmax.f32 v26, v25;
	v58 =	vld.idx.msk [tilespmem:v31+s19+$0x0], $0xffff  }
0x194: {  	v59 =	vmax.f32 v34, v30;
	v60 =	vmax.f32 v27, v25;
	v63 =	vmax.f32 v35, v30;
	v54 =	vld.idx.msk [tilespmem:v33+s2+$0x0], $0xffff  }
0x195: {  	v26 =	vsel vm9, v26, v44;
	v61 =	vld.idx.msk [tilespmem:v33+s19+$0x0], $0xffff;
	v34 =	vsel vm9, v34, v59;
	v24 =	vmax.f32 v51, v24  }
0x196: {  	v62 =	vld.idx.msk [tilespmem:v50+s19+$0x0], $0xffff;
	v27 =	vsel vm3, v27, v60;
	v29 =	vmax.f32 v56, v29;
	[tilespmem:v28+s2+$0x0] =	vst.idx.msk vm0, v24  }
0x197: {  	v35 =	vsel vm3, v35, v63;
	v25 =	vmax.f32 v53, v25;
	[tilespmem:v28+s19+$0x0] =	vst.idx.msk vm0, v29  }
0x198: {  	s8 =	sadd.s32 $0xFFFFFEA0, s12;
	v39 =	vmax.f32 v27, v26;
	v40 =	vmax.f32 v58, v30;
	[tilespmem:v31+s2+$0x0] =	vst.idx.msk vm4, v25  }
0x199: {  	v43 =	vor.u32 s8, v7;
	v44 =	vmax.f32 v35, v34;
	v26 =	vmax.f32 v54, v26;
	[tilespmem:v31+s19+$0x0] =	vst.idx.msk vm4, v40  }
0x19a: {  	s9 =	sadd.s32 $0xFFFFFEC0, s12;
	v41 =	vsel vm10, v27, v39;
	v46 =	vmax.f32 v61, v34;
	[tilespmem:v33+s2+$0x0] =	vst.idx.msk vm10, v26  }
0x19b: {  	v47 =	vor.u32 s9, v7;
	v24 =	vsel vm10, v35, v44;
	v25 =	vmax.f32 v45, v41;
	[tilespmem:v33+s19+$0x0] =	vst.idx.msk vm10, v46  }
0x19c: {  	s23 =	sadd.s32 $0xFFFFFEE0, s12;
	v24 =	vmax.f32 v62, v24;
	[tilespmem:v50+s2+$0x0] =	vst.idx.msk $0xffff, v25  }
0x19d: {  	v48 =	vor.u32 s23, v7;
	[tilespmem:v50+s19+$0x0] =	vst.idx.msk $0xffff, v24  }
0x19e: {  	s31 =	sadd.s32 $0xFFFFFF00, s12;
	v25 =	vld.idx.msk [tilespmem:v43+s21+$0x0], $0xffff  }
0x19f: {  	v49 =	vor.u32 s31, v7;
	v27 =	vld.idx.msk [tilespmem:v43+s22+$0x0], $0xffff  }
0x1a0: {  	v29 =	vld.idx.msk [tilespmem:v47+s21+$0x0], $0xffff  }
0x1a1: {  	v51 =	vor.u32 s9, v10;
	v26 =	vld.idx.msk [tilespmem:v47+s22+$0x0], $0xffff  }
0x1a2: {  	v31 =	vld.idx.msk [tilespmem:v48+s21+$0x0], $0xffff  }
0x1a3: {  	v52 =	vor.u32 s23, v10;
	v24 =	vld.idx.msk [tilespmem:v48+s22+$0x0], $0xffff  }
0x1a4: {  	v33 =	vld.idx.msk [tilespmem:v49+s21+$0x0], $0xffff  }
0x1a5: {  	v54 =	vor.u32 s31, v10;
	v28 =	vld.idx.msk [tilespmem:v49+s22+$0x0], $0xffff  }
0x1a6: {  	v55 =	vld.idx.msk [tilespmem:v51+s21+$0x0], $0xffff  }
0x1a7: {  	v42 =	vperm.xlane v23, v13;
	v32 =	vld.idx.msk [tilespmem:v51+s22+$0x0], $0xffff  }
0x1a8: {  	v57 =	vperm.xlane v23, v11;
	v59 =	vperm.xlane v23, v12;
	v50 =	vor.u32 s8, v10;
	v56 =	vld.idx.msk [tilespmem:v52+s21+$0x0], $0xffff  }
0x1a9: {  	v34 =	vld.idx.msk [tilespmem:v52+s22+$0x0], $0xffff;
	v43 =	vperm.xlane v23, v14  }
0x1aa: {  	vm12 =	veq.s32 v57, v42;
	vm11 =	veq.s32 v57, v59;
	v58 =	vld.idx.msk [tilespmem:v54+s21+$0x0], $0xffff  }
0x1ab: {  	vm14 =	vne.s32 v59, v42;
	vm0 =	vmor vm11, vm12;
	v36 =	vld.idx.msk [tilespmem:v54+s22+$0x0], $0xffff;
	vm13 =	veq.s32 v57, v43  }
0x1ac: {  	vm15 =	vne.s32 v59, v43;
	v60 =	vadd.f32 v28, v33;
	v28 =	vadd.s32 v7, v57  }
0x1ad: {  	vm0 =	vmor vm0, vm13;
	v53 =	vld.idx.msk [tilespmem:v50+s21+$0x0], $0xffff;
	v24 =	vadd.f32 v24, v31;
	v31 =	vadd.s32 v7, v59  }
0x1ae: {  	vm9 =	vne.s32 v42, v43;
	v30 =	vld.idx.msk [tilespmem:v50+s22+$0x0], $0xffff;
	vm0 =	vmneg vm0;
	v25 =	vadd.f32 v27, v25  }
0x1af: {  	v26 =	vadd.f32 v26, v29;
	v61 =	vadd.f32 v32, v55;
	v33 =	vadd.s32 v7, v42  }
0x1b0: {  	v34 =	vadd.f32 v34, v56;
	v63 =	vadd.f32 v36, v58;
	v36 =	vadd.s32 v7, v43  }
0x1b1: {  	v62 =	vmax.f32 v26, v25;
	v49 =	vmax.f32 v24, v25;
	v52 =	vmax.f32 v60, v25;
	v48 =	vld.idx.msk [tilespmem:v28+s2+$0x0], $0xffff  }
0x1b2: {  	v26 =	vsel vm11, v62, v26;
	v24 =	vsel vm12, v49, v24;
	v27 =	vsel vm13, v52, v60;
	v50 =	vld.idx.msk [tilespmem:v31+s2+$0x0], $0xffff  }
0x1b3: {  	v29 =	vadd.f32 v30, v53;
	v55 =	vmax.f32 v24, v26;
	v59 =	vmax.f32 v27, v26;
	v53 =	vld.idx.msk [tilespmem:v28+s19+$0x0], $0xffff  }
0x1b4: {  	vm8 =	vmand vm14, vm15;
	v51 =	vld.idx.msk [tilespmem:v33+s2+$0x0], $0xffff;
	v24 =	vsel vm14, v24, v55;
	v27 =	vsel vm15, v27, v59  }
0x1b5: {  	v57 =	vld.idx.msk [tilespmem:v31+s19+$0x0], $0xffff;
	v47 =	vmax.f32 v61, v29;
	v38 =	vmax.f32 v34, v29;
	v54 =	vmax.f32 v63, v29  }
0x1b6: {  	v56 =	vld.idx.msk [tilespmem:v36+s2+$0x0], $0xffff;
	v30 =	vsel vm11, v47, v61;
	v34 =	vsel vm12, v38, v34;
	v35 =	vsel vm13, v54, v63  }
0x1b7: {  	v60 =	vld.idx.msk [tilespmem:v33+s19+$0x0], $0xffff;
	v58 =	vmax.f32 v34, v30;
	v62 =	vmax.f32 v35, v30;
	v25 =	vmax.f32 v48, v25  }
0x1b8: {  	v61 =	vld.idx.msk [tilespmem:v36+s19+$0x0], $0xffff;
	v34 =	vsel vm14, v34, v58;
	v29 =	vmax.f32 v53, v29;
	[tilespmem:v28+s2+$0x0] =	vst.idx.msk vm0, v25  }
0x1b9: {  	v63 =	vsel vm15, v35, v62;
	v26 =	vmax.f32 v50, v26;
	[tilespmem:v28+s19+$0x0] =	vst.idx.msk vm0, v29  }
0x1ba: {  	s8 =	sadd.s32 $0xFFFFFF20, s12;
	v35 =	vmax.f32 v27, v24;
	v38 =	vmax.f32 v57, v30;
	[tilespmem:v31+s2+$0x0] =	vst.idx.msk vm8, v26  }
0x1bb: {  	v40 =	vor.u32 s8, v7;
	v39 =	vsel vm9, v27, v35;
	v24 =	vmax.f32 v51, v24;
	[tilespmem:v31+s19+$0x0] =	vst.idx.msk vm8, v38  }
0x1bc: {  	s9 =	sadd.s32 $0xFFFFFF40, s12;
	v41 =	vmax.f32 v63, v34;
	v43 =	vmax.f32 v60, v34;
	[tilespmem:v33+s2+$0x0] =	vst.idx.msk vm9, v24  }
0x1bd: {  	v46 =	vor.u32 s9, v7;
	v44 =	vsel vm9, v63, v41;
	v45 =	vmax.f32 v56, v39;
	[tilespmem:v33+s19+$0x0] =	vst.idx.msk vm9, v43  }
0x1be: {  	s23 =	sadd.s32 $0xFFFFFF60, s12;
	v24 =	vmax.f32 v61, v44;
	[tilespmem:v36+s2+$0x0] =	vst.idx.msk $0xffff, v45  }
0x1bf: {  	v47 =	vor.u32 s23, v7;
	[tilespmem:v36+s19+$0x0] =	vst.idx.msk $0xffff, v24  }
0x1c0: {  	s31 =	sadd.s32 $0xFFFFFF80, s12;
	v25 =	vld.idx.msk [tilespmem:v40+s21+$0x0], $0xffff  }
0x1c1: {  	v48 =	vor.u32 s31, v7;
	v27 =	vld.idx.msk [tilespmem:v40+s22+$0x0], $0xffff  }
0x1c2: {  	v29 =	vld.idx.msk [tilespmem:v46+s21+$0x0], $0xffff  }
0x1c3: {  	v49 =	vor.u32 s8, v10;
	v26 =	vld.idx.msk [tilespmem:v46+s22+$0x0], $0xffff  }
0x1c4: {  	v31 =	vld.idx.msk [tilespmem:v47+s21+$0x0], $0xffff  }
0x1c5: {  	v50 =	vor.u32 s9, v10;
	v24 =	vld.idx.msk [tilespmem:v47+s22+$0x0], $0xffff  }
0x1c6: {  	v33 =	vld.idx.msk [tilespmem:v48+s21+$0x0], $0xffff  }
0x1c7: {  	v51 =	vor.u32 s23, v10;
	v28 =	vld.idx.msk [tilespmem:v48+s22+$0x0], $0xffff  }
0x1c8: {  	v52 =	vld.idx.msk [tilespmem:v49+s21+$0x0], $0xffff  }
0x1c9: {  	v53 =	vor.u32 s31, v10;
	v30 =	vld.idx.msk [tilespmem:v49+s22+$0x0], $0xffff  }
0x1ca: {  	v42 =	vperm.xlane v23, v17;
	v54 =	vld.idx.msk [tilespmem:v50+s21+$0x0], $0xffff  }
0x1cb: {  	v59 =	vperm.xlane v23, v18;
	v58 =	vperm.xlane v23, v16;
	v32 =	vld.idx.msk [tilespmem:v50+s22+$0x0], $0xffff  }
0x1cc: {  	v56 =	vperm.xlane v23, v15;
	v55 =	vld.idx.msk [tilespmem:v51+s21+$0x0], $0xffff  }
0x1cd: {  	vm7 =	vne.s32 v42, v59;
	vm13 =	vne.s32 v58, v42;
	v34 =	vld.idx.msk [tilespmem:v51+s22+$0x0], $0xffff  }
0x1ce: {  	vm14 =	vne.s32 v58, v59;
	vm10 =	veq.s32 v56, v58;
	vm11 =	veq.s32 v56, v42;
	v57 =	vld.idx.msk [tilespmem:v53+s21+$0x0], $0xffff  }
0x1cf: {  	vm12 =	veq.s32 v56, v59;
	v36 =	vld.idx.msk [tilespmem:v53+s22+$0x0], $0xffff;
	v60 =	vadd.f32 v28, v33;
	v28 =	vadd.s32 v7, v56  }
0x1d0: {  	vm0 =	vmor vm10, vm11;
	v24 =	vadd.f32 v24, v31;
	v31 =	vadd.s32 v7, v58  }
0x1d1: {  	vm15 =	vmand vm13, vm14;
	vm0 =	vmor vm0, vm12;
	v25 =	vadd.f32 v27, v25  }
0x1d2: {  	v26 =	vadd.f32 v26, v29;
	v29 =	vadd.f32 v30, v52;
	v33 =	vadd.s32 v7, v42  }
0x1d3: {  	vm0 =	vmneg vm0;
	v61 =	vadd.f32 v32, v54;
	v34 =	vadd.f32 v34, v55  }
0x1d4: {  	v63 =	vadd.f32 v36, v57;
	v36 =	vadd.s32 v7, v59;
	v62 =	vmax.f32 v26, v25;
	v48 =	vld.idx.msk [tilespmem:v28+s2+$0x0], $0xffff  }
0x1d5: {  	v47 =	vmax.f32 v61, v29;
	v49 =	vmax.f32 v24, v25;
	v38 =	vmax.f32 v34, v29;
	v50 =	vld.idx.msk [tilespmem:v31+s2+$0x0], $0xffff  }
0x1d6: {  	v52 =	vmax.f32 v60, v25;
	v54 =	vmax.f32 v63, v29;
	v26 =	vsel vm10, v62, v26;
	v53 =	vld.idx.msk [tilespmem:v28+s19+$0x0], $0xffff  }
0x1d7: {  	v30 =	vsel vm10, v47, v61;
	v24 =	vsel vm11, v49, v24;
	v34 =	vsel vm11, v38, v34;
	v51 =	vld.idx.msk [tilespmem:v33+s2+$0x0], $0xffff  }
0x1d8: {  	v27 =	vsel vm12, v52, v60;
	v35 =	vsel vm12, v54, v63;
	v55 =	vmax.f32 v24, v26;
	v57 =	vld.idx.msk [tilespmem:v31+s19+$0x0], $0xffff  }
0x1d9: {  	v58 =	vmax.f32 v34, v30;
	v59 =	vmax.f32 v27, v26;
	v62 =	vmax.f32 v35, v30;
	v56 =	vld.idx.msk [tilespmem:v36+s2+$0x0], $0xffff  }
0x1da: {  	v24 =	vsel vm13, v24, v55;
	v60 =	vld.idx.msk [tilespmem:v33+s19+$0x0], $0xffff;
	v34 =	vsel vm13, v34, v58;
	v25 =	vmax.f32 v48, v25  }
0x1db: {  	v27 =	vsel vm14, v27, v59;
	v61 =	vld.idx.msk [tilespmem:v36+s19+$0x0], $0xffff;
	v29 =	vmax.f32 v53, v29;
	[tilespmem:v28+s2+$0x0] =	vst.idx.msk vm0, v25  }
0x1dc: {  	v63 =	vsel vm14, v35, v62;
	v26 =	vmax.f32 v50, v26;
	[tilespmem:v28+s19+$0x0] =	vst.idx.msk vm0, v29  }
0x1dd: {  	s9 =	sadd.s32 $0xFFFFFFA0, s12;
	v35 =	vmax.f32 v27, v24;
	v39 =	vmax.f32 v57, v30;
	[tilespmem:v31+s2+$0x0] =	vst.idx.msk vm15, v26  }
0x1de: {  	v41 =	vor.u32 s9, v7;
	v42 =	vmax.f32 v63, v34;
	v24 =	vmax.f32 v51, v24;
	[tilespmem:v31+s19+$0x0] =	vst.idx.msk vm15, v39  }
0x1df: {  	s23 =	sadd.s32 $0xFFFFFFC0, s12;
	v40 =	vsel vm7, v27, v35;
	v43 =	vmax.f32 v60, v34;
	[tilespmem:v33+s2+$0x0] =	vst.idx.msk vm7, v24  }
0x1e0: {  	v46 =	vor.u32 s23, v7;
	v44 =	vsel vm7, v63, v42;
	v45 =	vmax.f32 v56, v40;
	[tilespmem:v33+s19+$0x0] =	vst.idx.msk vm7, v43  }
0x1e1: {  	s31 =	sadd.s32 $0xFFFFFFE0, s12;
	v24 =	vmax.f32 v61, v44;
	[tilespmem:v36+s2+$0x0] =	vst.idx.msk $0xffff, v45  }
0x1e2: {  	v47 =	vor.u32 s31, v7;
	[tilespmem:v36+s19+$0x0] =	vst.idx.msk $0xffff, v24  }
0x1e3: {  	v25 =	vld.idx.msk [tilespmem:v41+s21+$0x0], $0xffff  }
0x1e4: {  	v48 =	vor.u32 s12, v7;
	v27 =	vld.idx.msk [tilespmem:v41+s22+$0x0], $0xffff  }
0x1e5: {  	v29 =	vld.idx.msk [tilespmem:v46+s21+$0x0], $0xffff  }
0x1e6: {  	v49 =	vor.u32 s9, v10;
	v26 =	vld.idx.msk [tilespmem:v46+s22+$0x0], $0xffff  }
0x1e7: {  	v31 =	vld.idx.msk [tilespmem:v47+s21+$0x0], $0xffff  }
0x1e8: {  	v50 =	vor.u32 s23, v10;
	v24 =	vld.idx.msk [tilespmem:v47+s22+$0x0], $0xffff  }
0x1e9: {  	v33 =	vld.idx.msk [tilespmem:v48+s21+$0x0], $0xffff  }
0x1ea: {  	v51 =	vor.u32 s31, v10;
	v28 =	vld.idx.msk [tilespmem:v48+s22+$0x0], $0xffff  }
0x1eb: {  	v52 =	vld.idx.msk [tilespmem:v49+s21+$0x0], $0xffff  }
0x1ec: {  	v53 =	vor.u32 s12, v10;
	v30 =	vld.idx.msk [tilespmem:v49+s22+$0x0], $0xffff  }
0x1ed: {  	v57 =	vperm.xlane v23, v19;
	v54 =	vld.idx.msk [tilespmem:v50+s21+$0x0], $0xffff  }
0x1ee: {  	v58 =	vperm.xlane v23, v20;
	v59 =	vperm.xlane v23, v21;
	v32 =	vld.idx.msk [tilespmem:v50+s22+$0x0], $0xffff  }
0x1ef: {  	v23 =	vperm.xlane v23, v22;
	v60 =	vadd.s32 v7, v57;
	v55 =	vld.idx.msk [tilespmem:v51+s21+$0x0], $0xffff  }
0x1f0: {  	vm12 =	vne.s32 v58, v59;
	v34 =	vld.idx.msk [tilespmem:v51+s22+$0x0], $0xffff  }
0x1f1: {  	vm8 =	veq.s32 v57, v58;
	vm9 =	veq.s32 v57, v59;
	v35 =	vadd.s32 v7, v23;
	v56 =	vld.idx.msk [tilespmem:v53+s21+$0x0], $0xffff  }
0x1f2: {  	vm11 =	veq.s32 v57, v23;
	vm13 =	vne.s32 v58, v23;
	vm10 =	vmor vm8, vm9;
	v36 =	vld.idx.msk [tilespmem:v53+s22+$0x0], $0xffff  }
0x1f3: {  	vm14 =	vmand vm12, vm13;
	vm2 =	vmor vm10, vm11;
	v25 =	vadd.f32 v27, v25  }
0x1f4: {  	vm15 =	vne.s32 v59, v23;
	v45 =	vld.idx.msk [tilespmem:v60+s2+$0x0], $0xffff;
	v26 =	vadd.f32 v26, v29;
	v24 =	vadd.f32 v24, v31  }
0x1f5: {  	v51 =	vld.idx.msk [tilespmem:v60+s19+$0x0], $0xffff;
	v28 =	vadd.f32 v28, v33;
	v29 =	vadd.s32 v7, v58;
	v30 =	vadd.f32 v30, v52  }
0x1f6: {  	vm2 =	vmneg vm2;
	v61 =	vadd.f32 v32, v54;
	v62 =	vadd.f32 v34, v55  }
0x1f7: {  	v32 =	vadd.s32 v7, v59;
	v63 =	vadd.f32 v36, v56;
	v44 =	vmax.f32 v26, v25  }
0x1f8: {  	v53 =	vld.idx.msk [tilespmem:v35+s2+$0x0], $0xffff;
	v46 =	vmax.f32 v61, v30;
	v48 =	vmax.f32 v24, v25;
	v49 =	vmax.f32 v62, v30  }
0x1f9: {  	v58 =	vld.idx.msk [tilespmem:v35+s19+$0x0], $0xffff;
	v52 =	vmax.f32 v28, v25;
	v54 =	vmax.f32 v63, v30;
	v25 =	vmax.f32 v45, v25  }
0x1fa: {  	v30 =	vmax.f32 v51, v30;
	v26 =	vsel vm8, v44, v26;
	v31 =	vsel vm8, v46, v61;
	v47 =	vld.idx.msk [tilespmem:v29+s2+$0x0], $0xffff  }
0x1fb: {  	v24 =	vsel vm9, v48, v24;
	v33 =	vsel vm9, v49, v62;
	v28 =	vsel vm11, v52, v28;
	v55 =	vld.idx.msk [tilespmem:v29+s19+$0x0], $0xffff  }
0x1fc: {  	v34 =	vsel vm11, v54, v63;
	v23 =	vmax.f32 v24, v26;
	v57 =	vmax.f32 v33, v31;
	v50 =	vld.idx.msk [tilespmem:v32+s2+$0x0], $0xffff  }
0x1fd: {  	v59 =	vmax.f32 v28, v26;
	v56 =	vld.idx.msk [tilespmem:v32+s19+$0x0], $0xffff;
	v23 =	vsel vm12, v24, v23;
	[tilespmem:v60+s2+$0x0] =	vst.idx.msk vm2, v25  }
0x1fe: {  	v24 =	vsel vm12, v33, v57;
	v25 =	vsel vm13, v28, v59;
	[tilespmem:v60+s19+$0x0] =	vst.idx.msk vm2, v30  }
0x1ff: {  	v60 =	vmax.f32 v34, v31;
	v62 =	vmax.f32 v25, v23;
	v26 =	vmax.f32 v47, v26  }
0x200: {  	p0 =	sne.s32 s1, $0xFF;
	v27 =	vsel vm13, v34, v60;
	v61 =	vmax.f32 v55, v31;
	[tilespmem:v29+s2+$0x0] =	vst.idx.msk vm14, v26  }
.Ltmp13:
0x201: {  	v25 =	vsel vm15, v25, v62;
	v23 =	vmax.f32 v50, v23;
	[tilespmem:v29+s19+$0x0] =	vst.idx.msk vm14, v61;
	(pc) =	sbr.rel @p0 .LBB2_16-.Ltmp13, $4  }
0x202: {  	v63 =	vmax.f32 v27, v24;
	v24 =	vmax.f32 v56, v24;
	[tilespmem:v32+s2+$0x0] =	vst.idx.msk vm15, v23  }
0x203: {  	v25 =	vmax.f32 v53, v25;
	v23 =	vsel vm15, v27, v63;
	[tilespmem:v32+s19+$0x0] =	vst.idx.msk vm15, v24  }
0x204: {  	v23 =	vmax.f32 v58, v23;
	[tilespmem:v35+s2+$0x0] =	vst.idx.msk $0xffff, v25  }
0x205: {  	s10 =	sadd.s32 $0x10, s10;
	s1 =	sadd.s32 $0x10, s1;
	[tilespmem:v35+s19+$0x0] =	vst.idx.msk $0xffff, v23  }
.Ltmp14:
0x206: {  	_ = 	snop;
	(pc) =	sbr.rel .LBB2_17-.Ltmp14, $1  }
0x207: {  	_ =	sdelay $0x3  }
.LBB2_19:
0x208: {  	_ =	sfence.sel $0x180000  }
0x209: {  	[bflag:$0x0] =	sbarrier.arrive $0xFFFF  }
0x20a: {  	_ =	strace $0x9000004D  }
0x20b: {  	s0 =	stileid.u32;
	[bflag:$0x2] =	sbarrier.arrive $0xFFFF  }
0x20c: {  	p0 =	sne.s32 s0, $0x0;
	s0 =	rddreg [dreg:$0x2]  }
0x20d: {  	s0 =	sadd.s32 @!p0 $0x100000, s0  }
0x20e: {  	[sflag:s0] =	ssyncadd.tile.s32 @!p0 $0x1;
	_ =	shalt  }
.Lfunc_end2:
_tile_overlayer_lowered:
.L_overlay_start_2:
0x20f: {  	(tag) =	ssettag $0x2  }
0x210: {  	s0 =	rddreg [dreg:$0x0];
	s2 =	stileid.u32  }
0x211: {  	s1 =	rddreg [dreg:$0x1];
	p0 =	sne.s32 s2, $0x0  }
0x212: {  	s3 =	rddreg [dreg:$0x2];
	[bflag:$0x3] =	sbarrier.arrive $0xFFFF;
	s2 =	simm.s32 @!p0 $0x1C06  }
0x213: {  	[timem:s3], [sflag:s2] =	dma.local @!p0 [hbm:s0], s1  }
0x214: {  	s0 =	simm.s32 @!p0 $0x6  }
0x215: {  	_ =	swait.ge @!p0 [sflag:s0], s1  }
0x216: {  	s1 =	ssub.s32 @!p0 $0x0, s1;
	[sflag:s0] =	ssyncset.done @!p0 $0x0  }
0x217: {  	[sflag:s0] =	ssyncadd.s32 @!p0 s1  }
0x218: {  	[bflag:$0x3] =	sbarrier.arrive $0xFFFF  }
0x219: {  	_ =	shalt  }

// kernel: sparse-core-data-format-call.cloned.1.call-start
scs
called_computation_lowered:
.L_overlay_start_0:
0x0: {  	s1 =	sld [smem:$0x3FD9]  }
0x1: {  	s2 =	sld [smem:$0x3FFE];
	_ =	sdelay $0x1  }
0x2: {  	s3 =	srdreg.scid  }
0x3: {  	s0 =	sand.u32 $0x1, s3  }
0x4: {  	s17 =	sshll.u32 s0, $0xA;
	s1 =	sadd.s32 s2, s1  }
0x5: {  	s1 =	sadd.s32 s1, s17  }
0x6: {  	[smem:$0x3FC0] =	sst s1  }
0x7: {  	_ = 	snop  }
0x8: {  	(tm) =	ssettm $0x1  }
0x9: {  	s18 =	sld [smem:$0x3FFB];
	_ =	sdelay $0x3  }
0xa: {  	_ =	strace s18  }
0xb: {  	s1 =	sld [smem:$0x3FFC];
	_ =	sdelay $0x3  }
0xc: {  	_ =	strace s1  }
0xd: {  	s1 =	sld [smem:$0x3FFD];
	_ =	sdelay $0x3  }
0xe: {  	_ =	strace s1  }
0xf: {  	_ =	strace $0x8FFFFFFF  }
0x10: {  	s19 =	sld [smem:$0x3FDB];
	_ =	sdelay $0x1  }
0x11: {  	s20 =	simm.s32 $_scs_section_size  }
0x12: {  	s4 =	simm.s32 $_size__tile_overlayer_lowered;
	s5 =	simm.s32 $_tile_overlayer_lowered  }
0x13: {  	s23 =	simm.s32 $0x1BFF;
	s22 =	sshll.u32 s5, $0x1;
	s1 =	sadd.s32 s20, s19  }
0x14: {  	s6 =	simm.s32 $0x0;
	s21 =	sshll.u32 s4, $0x1;
	s4 =	sadd.s32 s22, s1  }
0x15: {  	[timem:s6], [sflag:s23] =	dma.local [hbm:s4], s21  }
0x16: {  	_ =	swait.ge [sflag:s23], s21  }
0x17: {  	s2 =	ssub.s32 $0x0, s21;
	[sflag:s23] =	ssyncset.done $0x0  }
0x18: {  	[sflag:s23] =	ssyncadd.s32 s2;
	_ =	sdelay $0x1  }
0x19: {  	s24 =	simm.s32 $0x1B8B  }
0x1a: {  	_ =	swait.ge [sflag:s24], $0x1  }
0x1b: {  	[sflag:s24] =	ssyncset.done $0x0  }
0x1c: {  	s26 =	simm.s32 $0x1B8E;
	s25 =	sld [smem:$0x3FFE];
	[sflag:s24] =	ssyncadd.s32 $0xFFFFFFFF  }
0x1d: {  	s27 =	simm.s32 $execute0_lowered;
	[smem:$0x3FD2] =	sst s26  }
0x1e: {  	s4 =	sshll.u32 s27, $0x1;
	_ =	strace $0x80000046;
	[dreg:$0x1] =	wrdreg $0xFFFFFFFF  }
0x1f: {  	s28 =	simm.s32 $_size_execute0_lowered;
	s1 =	sadd.s32 s1, s4;
	[dreg:$0x0] =	wrdreg $0x0  }
0x20: {  	s4 =	sshll.u32 s28, $0x1;
	[dreg:$0x2] =	wrdreg s1  }
0x21: {  	[dreg:$0x3] =	wrdreg s4  }
0x22: {  	[dreg:$0x4] =	wrdreg $0xC0  }
0x23: {  	_ =	task [dreg:s6], $0x5FFFF  }
0x24: {  	[dreg:$0x1] =	wrdreg $0xFFFFFFFF  }
0x25: {  	[dreg:$0x0] =	wrdreg $0x60  }
0x26: {  	[dreg:$0x2] =	wrdreg s25  }
0x27: {  	[dreg:$0x3] =	wrdreg $0x9  }
0x28: {  	_ =	task.clear_ibuf [dreg:s6], $0x4FFFF;
	_ =	strace $0x90000046  }
0x29: {  	s29 =	simm.s32 $0x9;
	_ =	strace $0x80000048  }
0x2a: {  	_ =	swait.ge [sflag:s29], $0x1  }
0x2b: {  	[sflag:s29] =	ssyncadd.s32 $0xFFFFFFFF  }
0x2c: {  	_ =	strace $0x90000048  }
0x2d: {  	_ =	sfence  }
0x2e: {  	s30 =	sld [smem:$0x0];
	_ =	sdelay $0x2  }
0x2f: {  	s31 =	sshll.u32 s3, $0xD;
	s3 =	sshrl.u32 s3, $0x2  }
0x30: {  	s2 =	sand.u32 $0x4000, s31;
	s1 =	sadd.s32 s3, s30  }
0x31: {  	s0 =	sor.u32 s2, s0;
	s1 =	sshll.u32 s1, $0x11  }
0x32: {  	s0 =	sor.u32 s1, s0  }
0x33: {  	s0 =	sadd.s32 $0x8F2B, s0  }
0x34: {  	[sflag:s0] =	ssyncadd.remote.s32 $0x1  }
0x35: {  	_ =	sfence.sel $0xFFFF  }
0x36: {  	[dreg:$0x0] =	wrdreg $0xFFFFFFFF;
	(pc) =	sbr.abs _section_cstart, $3  }
0x37: {  	[dreg:$0x1] =	wrdreg $0xFFFFFFFF  }
0x38: {  	_ =	task.clear_ibuf [dreg:s6], $0x2FFFF;
	_ =	strace $0x9FFFFFFF  }
0x39: {  	(tm) =	ssettm $0x7FFFFFFF  }
tec
execute0_lowered:
.L_overlay_start_1:
0x0: {  	(tag) =	ssettag $0x1  }
0x1: {  	s0 =	srdreg.scid  }
0x2: {  	s1 =	sshll.u32 s0, $0x4  }
0x3: {  	s4 =	rddreg [dreg:$0x0];
	s0 =	stileid.u32;
	s1 =	sand.u32 $0x10, s1  }
0x4: {  	s7 =	simm.s32 $0x1;
	s8 =	simm.s32 $0x2;
	s1 =	sor.u32 s0, s1  }
0x5: {  	s9 =	simm.s32 $0x0;
	s12 =	simm.s32 $0x0;
	s2 =	sshll.u32 s1, $0x1  }
0x6: {  	s11 =	simm.s32 $0x0;
	s3 =	sadd.s32 $0x2200, s4;
	s6 =	ssub.s32 $0x4E2, s2  }
.Ltmp0:
0x7: {  	s4 =	sadd.s32 $0x13AA00, s4;
	s5 =	sand.u32 $0x3E, s6;
	(pc) =	sbr.rel .LBB1_1-.Ltmp0, $4  }
0x8: {  	s1 =	rddreg [dreg:$0x1];
	_ =	strace $0x80000047;
	p0 =	sne.s32 s5, $0x0  }
0x9: {  	s6 =	sshrl.u32 s6, $0x6;
	s5 =	simm.s32 $0x1;
	s7 =	simm.s32 @!p0 $0x0  }
0xa: {  	s10 =	smov.u32 s2;
	[sflag:s5] =	ssyncpa.u1 $0x0;
	s6 =	sadd.s32 s7, s6  }
0xb: {  	[sflag:s8] =	ssyncpa.u1 $0x0;
	s8 =	simm.s32 $0x0;
	s7 =	sadd.s32 $0x1, s6  }
.LBB1_9:
0xc: {  	s14 =	sadd.s32 $0x40, s10  }
0xd: {  	p1 =	sgt.s32 s14, $0x4E1  }
0xe: {  	s14 =	smov.u32 @p1 s2;
	p1 =	sne.s32 s11, s7  }
.Ltmp1:
0xf: {  	p0 =	slt.u32 s11, $0x2;
	(pc) =	sbr.rel @!p1 .LBB1_10-.Ltmp1, $4  }
0x10: {  	s13 =	simm.s32 @!p0 $0x2  }
0x11: {  	s15 =	sadd.s32 $0x1, s11;
	_ =	swait.ge @!p0 [sflag:s13], $0x4000  }
0x12: {  	s12 =	smov.u32 s10;
	s9 =	sadd.s32 $0x4000, s9;
	[sflag:s13] =	ssyncset.done @!p0 $0x0  }
0x13: {  	s11 =	smov.u32 s15;
	s10 =	smov.u32 s14;
	[sflag:s13] =	ssyncadd.s32 @!p0 $0xFFFFC000  }
.LBB1_1:
0x14: {  	p0 =	sge.u32 s11, s6  }
0x15: {  	s13 =	sxor.u32 @!p0 $0xFFFFFFFF, s11  }
0x16: {  	s31 =	sadd.s32 $0xFFFFFFFF, s11;
	s14 =	sshll.u32 @!p0 s10, $0xA;
	s13 =	sshll.u32 @!p0 s13, $0xE  }
0x17: {  	s15 =	simm.s32 @!p0 $0x0;
	s14 =	sadd.s32 @!p0 s3, s14;
	s13 =	sand.u32 @!p0 $0x4000, s13  }
0x18: {  	[tilespmem:s13], [sflag:$0x1] =	stream.linear.gather @!p0 [hbm4b:s14+s15], $0x4000, $0x38;
	[tilespmem:$0x10000] =	vst v63  }
0x19: {  	p0 =	sge.u32 s31, s6  }
.Ltmp2:
0x1a: {  	_ = 	snop;
	(pc) =	sbr.rel @p0 .LBB1_9-.Ltmp2, $1  }
0x1b: {  	_ =	sdelay $0x3  }
0x1c: {  	s13 =	sshll.u32 s9, $0x2  }
0x1d: {  	_ =	swait.ge [sflag:s5], $0x4000;
	s14 =	sshll.u32 s11, $0xE;
	s16 =	simm.s32 $0x0  }
0x1e: {  	p1 =	por $0x1, $0x1;
	s13 =	sand.u32 $0x10000, s13;
	[sflag:s5] =	ssyncset.done $0x0  }
0x1f: {  	s14 =	sand.u32 $0x4000, s14;
	s15 =	sshrl.u32 s13, $0x2;
	[sflag:s5] =	ssyncadd.s32 $0xFFFFC000  }
0x20: {  	s13 =	sor.u32 $0x8000, s14;
	s14 =	sadd.s32 $0x8040, s15;
	s15 =	sadd.s32 $0x40, s15  }
.LBB1_3:
0x21: {  	s16 =	sshll.u32 s16, $0x2  }
0x22: {  	p0 =	por p1, p1;
	s17 =	sshra.s32 s16, $0x2  }
0x23: {  	s18 =	simm.s32 $0x0;
	s16 =	sadd.s32 s17, s14;
	s17 =	sadd.s32 s17, s15  }
.LBB1_4:
0x24: {  	v0 =	vmov s17;
	_ =	sdelay $0x3  }
0x25: {  	s20 =	simm.s32 $0x0  }
0x26: {  	v6 =	vld.idx.msk [tilespmem:v0+s20+$0x30 ss:$0x1], $0xffff  }
0x27: {  	v7 =	vld.idx.msk [tilespmem:v0+s20+$0xFFFFFFC0 ss:$0x1], $0xffff  }
0x28: {  	v5 =	vld.idx.msk [tilespmem:v0+s20+$0xFFFFFFD0 ss:$0x1], $0xffff  }
0x29: {  	v4 =	vld.idx.msk [tilespmem:v0+s20+$0xFFFFFFE0 ss:$0x1], $0xffff  }
0x2a: {  	v3 =	vld.idx.msk [tilespmem:v0+s20+$0xFFFFFFF0 ss:$0x1], $0xffff  }
0x2b: {  	v1 =	vld.idx.msk [tilespmem:v0+s20+$0x0 ss:$0x1], $0xffff  }
0x2c: {  	v2 =	vld.idx.msk [tilespmem:v0+s20+$0x10 ss:$0x1], $0xffff;
	[tilespmem:s16+$0x30] =	vst v6  }
0x2d: {  	s19 =	simm.s32 $0x80;
	s21 =	simm.s32 $0x400;
	[tilespmem:s16+$0xFFFFFFC0] =	vst v7;
	v6 =	vld.idx.msk [tilespmem:v0+s20+$0x20 ss:$0x1], $0xffff;
	s20 =	smov.u32 s16  }
.LBB1_5:
0x2e: {  	p1 =	sne.s32 s21, $0xE00;
	v7 =	vld.idx.msk [tilespmem:v0+s19+$0x30 ss:$0x1], $0xffff;
	[tilespmem:s20+$0xFFFFFFD0] =	vst v5  }
0x2f: {  	v8 =	vld.idx.msk [tilespmem:v0+s19+$0xFFFFFFC0 ss:$0x1], $0xffff;
	[tilespmem:s20+$0xFFFFFFE0] =	vst v4  }
0x30: {  	v5 =	vld.idx.msk [tilespmem:v0+s19+$0xFFFFFFD0 ss:$0x1], $0xffff;
	[tilespmem:s20+$0xFFFFFFF0] =	vst v3  }
.Ltmp3:
0x31: {  	v4 =	vld.idx.msk [tilespmem:v0+s19+$0xFFFFFFE0 ss:$0x1], $0xffff;
	[tilespmem:s20+$0x0] =	vst v1;
	(pc) =	sbr.rel @p1 .LBB1_5-.Ltmp3, $4  }
0x32: {  	v3 =	vld.idx.msk [tilespmem:v0+s19+$0xFFFFFFF0 ss:$0x1], $0xffff;
	[tilespmem:s20+$0x10] =	vst v2  }
0x33: {  	v1 =	vld.idx.msk [tilespmem:v0+s19+$0x0 ss:$0x1], $0xffff;
	[tilespmem:s20+$0x20] =	vst v6;
	s20 =	sadd.s32 $0x400, s20  }
0x34: {  	v2 =	vld.idx.msk [tilespmem:v0+s19+$0x10 ss:$0x1], $0xffff;
	[tilespmem:s20+$0x30] =	vst v7  }
0x35: {  	[tilespmem:s20+$0xFFFFFFC0] =	vst v8;
	v6 =	vld.idx.msk [tilespmem:v0+s19+$0x20 ss:$0x1], $0xffff;
	s19 =	sshra.s32 s21, $0x2;
	s21 =	sadd.s32 $0x200, s21  }
0x36: {  	_ =	sdelay $0x2  }
0x37: {  	[tilespmem:s20+$0xFFFFFFD0] =	vst v5  }
0x38: {  	v56 =	vld.idx.msk [tilespmem:v0+s19+$0x30 ss:$0x1], $0xffff;
	[tilespmem:s20+$0xFFFFFFE0] =	vst v4  }
0x39: {  	v57 =	vld.idx.msk [tilespmem:v0+s19+$0xFFFFFFC0 ss:$0x1], $0xffff;
	[tilespmem:s20+$0xFFFFFFF0] =	vst v3  }
0x3a: {  	v58 =	vld.idx.msk [tilespmem:v0+s19+$0xFFFFFFD0 ss:$0x1], $0xffff;
	[tilespmem:s20+$0x0] =	vst v1  }
0x3b: {  	v59 =	vld.idx.msk [tilespmem:v0+s19+$0xFFFFFFE0 ss:$0x1], $0xffff;
	[tilespmem:s20+$0x10] =	vst v2  }
0x3c: {  	v60 =	vld.idx.msk [tilespmem:v0+s19+$0xFFFFFFF0 ss:$0x1], $0xffff;
	s31 =	sadd.s32 $0x400, s20;
	[tilespmem:s20+$0x20] =	vst v6  }
0x3d: {  	v61 =	vld.idx.msk [tilespmem:v0+s19+$0x0 ss:$0x1], $0xffff;
	[tilespmem:s31+$0x30] =	vst v56  }
0x3e: {  	v62 =	vld.idx.msk [tilespmem:v0+s19+$0x10 ss:$0x1], $0xffff;
	s18 =	sadd.s32 $0x1, s18;
	[tilespmem:s31+$0xFFFFFFC0] =	vst v57  }
0x3f: {  	v63 =	vld.idx.msk [tilespmem:v0+s19+$0x20 ss:$0x1], $0xffff;
	p1 =	sne.s32 s18, $0x8;
	[tilespmem:s31+$0xFFFFFFD0] =	vst v58  }
.Ltmp4:
0x40: {  	[tilespmem:s31+$0xFFFFFFE0] =	vst v59;
	(pc) =	sbr.rel @p1 .LBB1_4-.Ltmp4, $4  }
0x41: {  	[tilespmem:s31+$0xFFFFFFF0] =	vst v60  }
0x42: {  	[tilespmem:s31+$0x0] =	vst v61  }
0x43: {  	[tilespmem:s31+$0x10] =	vst v62  }
0x44: {  	s16 =	sadd.s32 $0x80, s16;
	s17 =	sadd.s32 $0x400, s17;
	[tilespmem:s31+$0x20] =	vst v63  }
.Ltmp5:
0x45: {  	(pc) =	sbr.rel @p0 .LBB1_3-.Ltmp5, $2  }
0x46: {  	_ =	sdelay $0x2  }
0x47: {  	s16 =	simm.s32 $0x2000;
	p1 =	por $0x0, $0x0  }
.Ltmp6:
0x48: {  	(pc) =	sbr.rel .LBB1_9-.Ltmp6, $4  }
0x49: {  	_ = 	snop  }
0x4a: {  	s12 =	sshll.u32 s12, $0xA  }
0x4b: {  	s12 =	sadd.s32 s4, s12  }
0x4c: {  	[hbm4b:s12+s8] =	stream.linear.scatter [tilespmem:s13], [sflag:$0x2], $0x4000, $0x38;
	[tilespmem:$0x10000] =	vst v63  }
.LBB1_10:
0x4d: {  	_ =	sfence.sel $0x180000  }
0x4e: {  	s2 =	simm.s32 $0x1;
	[bflag:$0x0] =	sbarrier.arrive $0xFFFF  }
0x4f: {  	s31 =	simm.s32 $0x2;
	[sflag:s2] =	ssyncpa.u1 $0x1  }
0x50: {  	[sflag:s31] =	ssyncpa.u1 $0x1  }
0x51: {  	p0 =	sne.s32 s0, $0x0;
	_ =	strace $0x90000047  }
0x52: {  	s0 =	sadd.s32 @!p0 $0x100000, s1;
	[bflag:$0x2] =	sbarrier.arrive $0xFFFF  }
0x53: {  	[sflag:s0] =	ssyncadd.tile.s32 @!p0 $0x1;
	_ =	shalt  }
.Lfunc_end1:
_tile_overlayer_lowered:
.L_overlay_start_2:
0x54: {  	(tag) =	ssettag $0x2  }
0x55: {  	s0 =	rddreg [dreg:$0x0];
	s2 =	stileid.u32  }
0x56: {  	s1 =	rddreg [dreg:$0x1];
	p0 =	sne.s32 s2, $0x0  }
0x57: {  	s3 =	rddreg [dreg:$0x2];
	[bflag:$0x3] =	sbarrier.arrive $0xFFFF;
	s2 =	simm.s32 @!p0 $0x1C01  }
0x58: {  	[timem:s3], [sflag:s2] =	dma.local @!p0 [hbm:s0], s1  }
0x59: {  	s0 =	simm.s32 @!p0 $0x1  }
0x5a: {  	_ =	swait.ge @!p0 [sflag:s0], s1  }
0x5b: {  	s1 =	ssub.s32 @!p0 $0x0, s1;
	[sflag:s0] =	ssyncset.done @!p0 $0x0  }
0x5c: {  	[sflag:s0] =	ssyncadd.s32 @!p0 s1  }
0x5d: {  	[bflag:$0x3] =	sbarrier.arrive $0xFFFF  }
0x5e: {  	_ =	shalt  }

</sc_bundles>
